<compile_context>
chip_gen: v7x
topology: tpu7x:2x2x1
jax: 0.10.2.dev20260603
libtpu: 0.0.44.dev20260713+nightly
codegen_flags: <defaults>
</compile_context>

<pallas_src>
import functools

import jax
import jax.numpy as jnp
from jax import lax
from jax.experimental import pallas as pl
from jax.experimental.pallas import tpu as pltpu
from jax.experimental.pallas import tpu_sc as plsc

IN_DIM = 256
HIDDEN = 512
NVN = 64
TOPK = 5
NG = 8
N0 = 10000
BLK = 1000
ROWS = NG * NVN
CHUNK = 1000
NW = 32
TPW = ROWS // NW


def _fused_kernel(x_ref, we_ref, be_ref, amat_ref, batch_ref, sb_ref,
                  s_ref, denom_ref, base_ref, csum_ref, coef_ref, idxo_ref,
                  aff_ref):
    i = pl.program_id(0)
    h = jnp.dot(x_ref[...], we_ref[...],
                preferred_element_type=jnp.float32) + be_ref[...]
    aff_ref[pl.ds(i * BLK, BLK), :] = jnp.dot(
        h, amat_ref[...], preferred_element_type=jnp.float32)
    g8 = jax.lax.broadcasted_iota(jnp.int32, (BLK, NG), 1)
    onehot = (batch_ref[...] == g8).astype(jnp.float32)
    part = jax.lax.dot_general(
        onehot, h, (((0,), (0,)), ((), ())),
        preferred_element_type=jnp.float32,
        precision=jax.lax.Precision.HIGHEST)

    @pl.when(i == 0)
    def _():
        s_ref[...] = jnp.zeros_like(s_ref)

    s_ref[...] = s_ref[...] + part

    @pl.when(i == N0 // BLK - 1)
    def _():
        _topk_body(aff_ref, sb_ref, denom_ref, base_ref, csum_ref,
                   coef_ref, idxo_ref)


def _topk_body(aff_ref, sb_ref, denom_ref, base_ref, csum_ref,
               coef_ref, idxo_ref):
    neg_inf = jnp.float32(-jnp.inf)
    iota_c = jax.lax.broadcasted_iota(jnp.int32, (CHUNK, NVN), 0)

    bounds = [(sb_ref[g], sb_ref[g + 1]) for g in range(NG)]
    fin = []
    for g in range(NG):
        s, e = bounds[g]

        def body(c, carry, _s=s, _e=e):
            m_run, i_run = carry
            a = aff_ref[pl.ds(c * CHUNK, CHUNK), :]
            gidx = iota_c + c * CHUNK
            am = jnp.where((gidx >= _s) & (gidx < _e), a, neg_inf)
            lm, li = [], []
            for r in range(TOPK):
                cm = jnp.max(am, axis=0, keepdims=True)
                ci = jnp.min(
                    jnp.where((am == cm) & (cm > neg_inf), gidx, N0),
                    axis=0, keepdims=True)
                lm.append(cm)
                li.append(ci)
                if r < TOPK - 1:
                    am = jnp.where(gidx == ci, neg_inf, am)
            cv = jnp.concatenate(lm + [m_run], 0)
            civ = jnp.concatenate(li + [i_run], 0)
            nm, ni = [], []
            for r in range(TOPK):
                mm = jnp.max(cv, axis=0, keepdims=True)
                nn = jnp.min(
                    jnp.where((cv == mm) & (mm > neg_inf), civ, N0),
                    axis=0, keepdims=True)
                nm.append(mm)
                ni.append(nn)
                if r < TOPK - 1:
                    cv = jnp.where(civ == nn, neg_inf, cv)
            return (jnp.concatenate(nm, 0), jnp.concatenate(ni, 0))

        c0 = s // CHUNK
        ce = jnp.maximum((e + CHUNK - 1) // CHUNK, c0)
        init = (jnp.full((TOPK, NVN), neg_inf, jnp.float32),
                jnp.full((TOPK, NVN), N0, jnp.int32))
        fin.append(jax.lax.fori_loop(c0, ce, body, init))

    vals = [jnp.concatenate([fin[g][0][r:r + 1] for g in range(NG)], 0)
            for r in range(TOPK)]
    idxs = [jnp.concatenate([fin[g][1][r:r + 1] for g in range(NG)], 0)
            for r in range(TOPK)]

    M = jnp.maximum(vals[0], 0.0)
    base = jnp.exp(-M)
    cnt = jnp.concatenate(
        [jnp.full((1, NVN), 1.0, jnp.float32) * (e - s).astype(jnp.float32)
         for (s, e) in bounds], 0)
    denom = cnt * base
    csum = jnp.zeros((NG, NVN), jnp.float32)
    for r in range(TOPK):
        valid = vals[r] > neg_inf
        wv = jnp.where(valid, jnp.exp(vals[r] - M), 0.0)
        coef = jnp.where(valid, wv - base, 0.0)
        denom = denom + coef
        csum = csum + coef
        coef_ref[r * NG:(r + 1) * NG, :] = coef
        idxo_ref[r * NG:(r + 1) * NG, :] = idxs[r]
    denom_ref[...] = denom
    base_ref[...] = base
    csum_ref[...] = csum


def _sc_corr_kernel(idx_hbm, coef_hbm, x_hbm, out_hbm,
                    idx_v, coef_v, rows_v, acc_v, sem):
    w = lax.axis_index("s") * 2 + lax.axis_index("c")
    nidx = TPW * TOPK
    pltpu.sync_copy(idx_hbm.at[pl.ds(w * nidx, nidx)], idx_v)
    pltpu.sync_copy(coef_hbm.at[pl.ds(w * nidx * 16, nidx * 16)], coef_v)
    pltpu.async_copy(x_hbm.at[idx_v], rows_v, sem).wait()

    def task(t, carry):
        for c in range(IN_DIM // 16):
            acc = jnp.zeros((16,), jnp.float32)
            for j in range(TOPK):
                k = t * TOPK + j
                cf = coef_v[pl.ds(k * 16, 16)]
                row = rows_v[k, pl.ds(c * 16, 16)]
                acc = acc + cf * row
            acc_v[pl.ds(t * IN_DIM + c * 16, 16)] = acc
        return carry

    lax.fori_loop(0, TPW, task, 0)
    pltpu.sync_copy(acc_v, out_hbm.at[pl.ds(w * TPW * IN_DIM, TPW * IN_DIM)])


def _head_kernel(s_ref, xc_ref, base_ref, den_ref, csum_ref,
                 we_ref, be_ref,
                 wv1_ref, bv1_ref, wv2_ref, bv2_ref,
                 wm1_ref, bm1_ref, wm2_ref, bm2_ref, out_ref):
    seg = s_ref[...]
    base = base_ref[...]
    den = den_ref[...]
    csum = csum_ref[...]
    corr = jnp.dot(xc_ref[...], we_ref[...],
                   preferred_element_type=jnp.float32)
    corr3 = corr.reshape(NG, NVN, HIDDEN) \
        + csum[:, :, None] * be_ref[...][None, :, :]
    num = base[:, :, None] * seg[:, None, :] + corr3
    vn3 = num * (1.0 / den)[:, :, None]
    vn = vn3.reshape(ROWS, HIDDEN)
    z = jnp.maximum(jnp.dot(vn, wv1_ref[...],
                            preferred_element_type=jnp.float32)
                    + bv1_ref[...], 0.0)
    z = jnp.dot(z, wv2_ref[...],
                preferred_element_type=jnp.float32) + bv2_ref[...]
    row = jax.lax.broadcasted_iota(jnp.int32, (NG, ROWS), 0)
    col = jax.lax.broadcasted_iota(jnp.int32, (NG, ROWS), 1)
    pool = jnp.where(col // NVN == row, jnp.float32(1.0 / NVN), 0.0)
    gf = jnp.dot(pool, z, preferred_element_type=jnp.float32)
    y = jnp.maximum(jnp.dot(gf, wm1_ref[...],
                            preferred_element_type=jnp.float32)
                    + bm1_ref[...], 0.0)
    out_ref[...] = jnp.dot(y, wm2_ref[...],
                           preferred_element_type=jnp.float32) + bm2_ref[...]


def kernel(x, edge_index, batch, W_emb, b_emb, affinity_scores,
           Wv1, bv1, Wv2, bv2, Wm1, bm1, Wm2, bm2):
    bi = batch.astype(jnp.int32)
    bp = bi[:, None]
    amat = affinity_scores[0]

    sb = jnp.searchsorted(bi, jnp.arange(NG + 1, dtype=jnp.int32)
                          ).astype(jnp.int32)
    sb = jnp.pad(sb, (0, 16 - (NG + 1)))

    nblk = N0 // BLK
    seg_sum, denom, base, csum, coef, idxo = pl.pallas_call(
        _fused_kernel,
        grid=(nblk,),
        in_specs=[
            pl.BlockSpec((BLK, IN_DIM), lambda i: (i, 0)),
            pl.BlockSpec((IN_DIM, HIDDEN), lambda i: (0, 0)),
            pl.BlockSpec((1, HIDDEN), lambda i: (0, 0)),
            pl.BlockSpec((HIDDEN, NVN), lambda i: (0, 0)),
            pl.BlockSpec((BLK, 1), lambda i: (i, 0)),
            pl.BlockSpec(memory_space=pltpu.SMEM),
        ],
        out_specs=[
            pl.BlockSpec((NG, HIDDEN), lambda i: (0, 0)),
            pl.BlockSpec((NG, NVN), lambda i: (0, 0)),
            pl.BlockSpec((NG, NVN), lambda i: (0, 0)),
            pl.BlockSpec((NG, NVN), lambda i: (0, 0)),
            pl.BlockSpec((TOPK * NG, NVN), lambda i: (0, 0)),
            pl.BlockSpec((TOPK * NG, NVN), lambda i: (0, 0)),
        ],
        out_shape=[
            jax.ShapeDtypeStruct((NG, HIDDEN), jnp.float32),
            jax.ShapeDtypeStruct((NG, NVN), jnp.float32),
            jax.ShapeDtypeStruct((NG, NVN), jnp.float32),
            jax.ShapeDtypeStruct((NG, NVN), jnp.float32),
            jax.ShapeDtypeStruct((TOPK * NG, NVN), jnp.float32),
            jax.ShapeDtypeStruct((TOPK * NG, NVN), jnp.int32),
        ],
        scratch_shapes=[pltpu.VMEM((N0, NVN), jnp.float32)],
    )(x, W_emb, b_emb[None, :], amat, bp, sb)

    idx_t = jnp.minimum(idxo.reshape(TOPK, NG, NVN), N0 - 1)
    idx_flat = jnp.transpose(idx_t, (1, 2, 0)).reshape(ROWS * TOPK)
    coef_t = jnp.transpose(coef.reshape(TOPK, NG, NVN), (1, 2, 0))
    coef_rep = jnp.repeat(coef_t.reshape(ROWS * TOPK), 16)

    sc_corr = functools.partial(
        pl.kernel,
        out_type=jax.ShapeDtypeStruct((ROWS * IN_DIM,), jnp.float32),
        mesh=plsc.VectorSubcoreMesh(core_axis_name="c", subcore_axis_name="s"),
        scratch_types=[
            pltpu.VMEM((TPW * TOPK,), jnp.int32),
            pltpu.VMEM((TPW * TOPK * 16,), jnp.float32),
            pltpu.VMEM((TPW * TOPK, IN_DIM), jnp.float32),
            pltpu.VMEM((TPW * IN_DIM,), jnp.float32),
            pltpu.SemaphoreType.DMA,
        ],
    )(_sc_corr_kernel)
    xc = sc_corr(idx_flat, coef_rep, x).reshape(ROWS, IN_DIM)

    out = pl.pallas_call(
        _head_kernel,
        in_specs=[
            pl.BlockSpec((NG, HIDDEN), lambda: (0, 0)),
            pl.BlockSpec((ROWS, IN_DIM), lambda: (0, 0)),
            pl.BlockSpec((NG, NVN), lambda: (0, 0)),
            pl.BlockSpec((NG, NVN), lambda: (0, 0)),
            pl.BlockSpec((NG, NVN), lambda: (0, 0)),
            pl.BlockSpec((IN_DIM, HIDDEN), lambda: (0, 0)),
            pl.BlockSpec((1, HIDDEN), lambda: (0, 0)),
            pl.BlockSpec((HIDDEN, HIDDEN), lambda: (0, 0)),
            pl.BlockSpec((1, HIDDEN), lambda: (0, 0)),
            pl.BlockSpec((HIDDEN, HIDDEN), lambda: (0, 0)),
            pl.BlockSpec((1, HIDDEN), lambda: (0, 0)),
            pl.BlockSpec((HIDDEN, HIDDEN), lambda: (0, 0)),
            pl.BlockSpec((1, HIDDEN), lambda: (0, 0)),
            pl.BlockSpec((HIDDEN, 128), lambda: (0, 0)),
            pl.BlockSpec((1, 128), lambda: (0, 0)),
        ],
        out_specs=pl.BlockSpec((NG, 128), lambda: (0, 0)),
        out_shape=jax.ShapeDtypeStruct((NG, 128), jnp.float32),
    )(seg_sum, xc, base, denom, csum, W_emb, b_emb[None, :],
      Wv1, bv1[None, :], Wv2, bv2[None, :],
      Wm1, bm1[None, :], Wm2, bm2[None, :])
    return out

# --- scband reference (transcript-rebuilt; emitter-appended) ---
"""Pipeline reference for scband-learnable-iprmpnn-89876485636290 (READ-ONLY COPY).

The authoritative reference and input builder live on the scoring server;
editing this copy changes nothing except your own understanding.
"""

import jax, jax.numpy as jnp
import numpy as np

INPUT_DIM = 256
HIDDEN = 512
OUT_DIM = 128
NVN = 64
TOPK = 5
N_NODES = 10000
N_EDGES = 160000
N_GRAPHS = 8


def setup_inputs(seed: int = 0) -> dict:
    key = jax.random.key(seed)
    ks = jax.random.split(key, 16)
    x = jax.random.normal(ks[0], (N_NODES, INPUT_DIM), dtype=jnp.float32)
    edge_index = jax.random.randint(ks[1], (2, N_EDGES), 0, N_NODES)
    batch = jnp.sort(jax.random.randint(ks[2], (N_NODES,), 0, N_GRAPHS))
    W_emb = jax.random.normal(ks[3], (INPUT_DIM, HIDDEN), dtype=jnp.float32) * 0.05
    b_emb = jnp.zeros((HIDDEN,), dtype=jnp.float32)
    affinity_scores = jax.random.normal(ks[4], (1, HIDDEN, NVN), dtype=jnp.float32)
    Wv1 = jax.random.normal(ks[5], (HIDDEN, HIDDEN), dtype=jnp.float32) * 0.05
    bv1 = jnp.zeros((HIDDEN,), dtype=jnp.float32)
    Wv2 = jax.random.normal(ks[6], (HIDDEN, HIDDEN), dtype=jnp.float32) * 0.05
    bv2 = jnp.zeros((HIDDEN,), dtype=jnp.float32)
    Wm1 = jax.random.normal(ks[7], (HIDDEN, HIDDEN), dtype=jnp.float32) * 0.05
    bm1 = jnp.zeros((HIDDEN,), dtype=jnp.float32)
    Wm2 = jax.random.normal(ks[8], (HIDDEN, OUT_DIM), dtype=jnp.float32) * 0.05
    bm2 = jnp.zeros((OUT_DIM,), dtype=jnp.float32)
    return {
        "x": x, "edge_index": edge_index, "batch": batch,
        "W_emb": W_emb, "b_emb": b_emb, "affinity_scores": affinity_scores,
        "Wv1": Wv1, "bv1": bv1, "Wv2": Wv2, "bv2": bv2,
        "Wm1": Wm1, "bm1": bm1, "Wm2": Wm2, "bm2": bm2,
    }


def reference(x, edge_index, batch, W_emb, b_emb, affinity_scores,
              Wv1, bv1, Wv2, bv2, Wm1, bm1, Wm2, bm2):
    # node embedding
    h = x @ W_emb + b_emb  # [N, HIDDEN]
    num_graphs = N_GRAPHS
    A = affinity_scores[0]  # [HIDDEN, NVN]
    V = A.shape[1]
    aff_all = h @ A  # [N, V] per-node affinity to each virtual node
    neg_inf = jnp.float32(-jnp.inf)
    graph_features = []
    for g in range(num_graphs):
        in_g = (batch == g)  # [N]
        # restrict top-k selection to nodes of graph g
        aff_sel = jnp.where(in_g[:, None], aff_all, neg_inf)  # [N, V]
        k = TOPK
        # top-k nodes per virtual node (over node dim, within graph g)
        _, inds = jax.lax.top_k(aff_sel.T, k)  # [V, k]
        mask = jnp.zeros_like(aff_all).at[inds, jnp.arange(V)[:, None]].set(1.0)
        masked_aff = jnp.where(in_g[:, None], aff_all * mask, neg_inf)
        norm_w = jax.nn.softmax(masked_aff, axis=0)  # [N, V]; zero outside graph g
        # weighted aggregation into virtual nodes
        vn = norm_w.T @ h  # [V, HIDDEN]
        vn = jnp.maximum(vn @ Wv1 + bv1, 0.0) @ Wv2 + bv2
        graph_features.append(vn.mean(axis=0))
    gf = jnp.stack(graph_features, axis=0)  # [num_graphs, HIDDEN]
    out = jnp.maximum(gf @ Wm1 + bm1, 0.0) @ Wm2 + bm2
    return out

if __name__ == "__main__":
    import jax
    _d = setup_inputs()
    print(jax.jit(kernel)(*tuple(_d.values())))

</pallas_src>

<mosaic_0001>
#map = affine_map<(d0, d1) -> (0)>
#map1 = affine_map<(d0, d1) -> (0, 0)>
module attributes {stable_mosaic.version = 14 : i64} {
  func.func @_sc_corr_kernel(%arg0: i32, %arg1: i32, %arg2: memref<2560xi32, #tpu.memory_space<hbm>>, %arg3: memref<40960xf32, #tpu.memory_space<hbm>>, %arg4: memref<10000x256xf32, #tpu.memory_space<hbm>>, %arg5: memref<131072xf32, #tpu.memory_space<hbm>>, %arg6: memref<80xi32, #tpu.memory_space<vmem>>, %arg7: memref<1280xf32, #tpu.memory_space<vmem>>, %arg8: memref<80x256xf32, #tpu.memory_space<vmem>>, %arg9: memref<4096xf32, #tpu.memory_space<vmem>>, %arg10: memref<!tpu.dma_semaphore, #tpu.memory_space<semaphore_mem>>) attributes {dimension_semantics = [#tpu.dimension_semantics<core_parallel>, #tpu.dimension_semantics<subcore_parallel>], iteration_bounds = array<i64: 2, 16>, scalar_prefetch = 0 : i64, scratch_operands = 5 : i64, tpu.core_type = #tpu.core_type<sc_vector_subcore>, window_params = [{transform_indices = #map}, {transform_indices = #map}, {transform_indices = #map1}, {transform_indices = #map}]} {
    %mul3A = arith.constant 2 : i32
    %mul3A_0 = arith.muli %arg1, %mul3A : i32
    %add3A = arith.addi %mul3A_0, %arg0 : i32
    %mul3A_1 = arith.constant 80 : i32
    %mul3A_2 = arith.muli %add3A, %mul3A_1 : i32
    "tpu.region"() ({
      %run_scoped3A = tpu.sem_alloc : memref<!tpu.dma_semaphore, #tpu.memory_space<semaphore_mem>>
      %dma_start3A_20 = tpu.memref_slice %arg2[%mul3A_2] : memref<2560xi32, #tpu.memory_space<hbm>> -> memref<80xi32, #tpu.memory_space<hbm>>
      %dma_start3A_21 = tpu.memref_slice %arg2[%mul3A_2] : memref<2560xi32, #tpu.memory_space<hbm>> -> memref<80xi32, #tpu.memory_space<hbm>>
      tpu.enqueue_dma source(%dma_start3A_21 : memref<80xi32, #tpu.memory_space<hbm>>) target(%arg6 : memref<80xi32, #tpu.memory_space<vmem>>) target_semaphore(%run_scoped3A : memref<!tpu.dma_semaphore, #tpu.memory_space<semaphore_mem>>)
      %dma_wait3A_22 = tpu.memref_slice %arg2[%mul3A_2] : memref<2560xi32, #tpu.memory_space<hbm>> -> memref<80xi32, #tpu.memory_space<hbm>>
      %dma_wait3A_23 = tpu.memref_slice %arg2[%mul3A_2] : memref<2560xi32, #tpu.memory_space<hbm>> -> memref<80xi32, #tpu.memory_space<hbm>>
      tpu.wait_dma2 semaphore(%run_scoped3A : memref<!tpu.dma_semaphore, #tpu.memory_space<semaphore_mem>>) src(%dma_wait3A_23 : memref<80xi32, #tpu.memory_space<hbm>>) dst(%arg6 : memref<80xi32, #tpu.memory_space<vmem>>)
      tpu.yield
    }) : () -> ()
    %mul3A_3 = arith.constant 80 : i32
    %mul3A_4 = arith.muli %add3A, %mul3A_3 : i32
    %mul3A_5 = arith.constant 16 : i32
    %mul3A_6 = arith.muli %mul3A_4, %mul3A_5 : i32
    "tpu.region"() ({
      %run_scoped3A = tpu.sem_alloc : memref<!tpu.dma_semaphore, #tpu.memory_space<semaphore_mem>>
      %dma_start3A_20 = tpu.memref_slice %arg3[%mul3A_6] : memref<40960xf32, #tpu.memory_space<hbm>> -> memref<1280xf32, #tpu.memory_space<hbm>>
      %dma_start3A_21 = tpu.memref_slice %arg3[%mul3A_6] : memref<40960xf32, #tpu.memory_space<hbm>> -> memref<1280xf32, #tpu.memory_space<hbm>>
      tpu.enqueue_dma source(%dma_start3A_21 : memref<1280xf32, #tpu.memory_space<hbm>>) target(%arg7 : memref<1280xf32, #tpu.memory_space<vmem>>) target_semaphore(%run_scoped3A : memref<!tpu.dma_semaphore, #tpu.memory_space<semaphore_mem>>)
      %dma_wait3A_22 = tpu.memref_slice %arg3[%mul3A_6] : memref<40960xf32, #tpu.memory_space<hbm>> -> memref<1280xf32, #tpu.memory_space<hbm>>
      %dma_wait3A_23 = tpu.memref_slice %arg3[%mul3A_6] : memref<40960xf32, #tpu.memory_space<hbm>> -> memref<1280xf32, #tpu.memory_space<hbm>>
      tpu.wait_dma2 semaphore(%run_scoped3A : memref<!tpu.dma_semaphore, #tpu.memory_space<semaphore_mem>>) src(%dma_wait3A_23 : memref<1280xf32, #tpu.memory_space<hbm>>) dst(%arg7 : memref<1280xf32, #tpu.memory_space<vmem>>)
      tpu.yield
    }) : () -> ()
    %dma_start3A = arith.constant 0 : i32
    %dma_start3A_7 = arith.constant 0 : i32
    %dma_start3A_8 = tpu.memref_slice %arg4[%dma_start3A, %dma_start3A_7] : memref<10000x256xf32, #tpu.memory_space<hbm>> -> memref<10000x256xf32, #tpu.memory_space<hbm>>
    tpu.enqueue_indirect_dma source(%dma_start3A_8 : memref<10000x256xf32, #tpu.memory_space<hbm>>) target(%arg8 : memref<80x256xf32, #tpu.memory_space<vmem>>) offsets(%arg6 : memref<80xi32, #tpu.memory_space<vmem>>) semaphore(%arg10 : memref<!tpu.dma_semaphore, #tpu.memory_space<semaphore_mem>>)
    %dma_wait3A = arith.constant 0 : i32
    %dma_wait3A_9 = arith.constant 0 : i32
    %dma_wait3A_10 = tpu.memref_slice %arg4[%dma_wait3A, %dma_wait3A_9] : memref<10000x256xf32, #tpu.memory_space<hbm>> -> memref<10000x256xf32, #tpu.memory_space<hbm>>
    tpu.wait_indirect_dma semaphore(%arg10 : memref<!tpu.dma_semaphore, #tpu.memory_space<semaphore_mem>>) src(%dma_wait3A_10 : memref<10000x256xf32, #tpu.memory_space<hbm>>) dst(%arg8 : memref<80x256xf32, #tpu.memory_space<vmem>>)
    %scan3A = arith.constant 0 : i32
    %scan3A_11 = arith.constant 0 : i32
    %scan3A_12 = arith.constant 16 : i32
    %scan3A_13 = arith.addi %scan3A_11, %scan3A_12 : i32
    %scan3A_14 = arith.constant 1 : i32
    scf.for %scan3A_20 = %scan3A_11 to %scan3A_13 step %scan3A_14  : i32 {
      %broadcast_in_dim3A = arith.constant 0.000000e+00 : f32
      %broadcast_in_dim3A_21 = vector.broadcast %broadcast_in_dim3A : f32 to vector<16xf32>
      %mul3A_22 = arith.constant 5 : i32
      %mul3A_23 = arith.muli %scan3A_20, %mul3A_22 : i32
      %add3A_24 = arith.constant 0 : i32
      %add3A_25 = arith.addi %mul3A_23, %add3A_24 : i32
      %mul3A_26 = arith.constant 16 : i32
      %mul3A_27 = arith.muli %add3A_25, %mul3A_26 : i32
      %get3A = arith.index_cast %mul3A_27 : i32 to index
      %get3A_28 = tpu.vector_load %arg7[%get3A] {strides = array<i32>} : memref<1280xf32, #tpu.memory_space<vmem>>, vector<16xf32>,
      %get3A_29 = vector.shape_cast %get3A_28 : vector<16xf32> to vector<16xf32>
      %get3A_30 = arith.index_cast %add3A_25 : i32 to index
      %get3A_31 = arith.constant 0 : index
      %get3A_32 = tpu.vector_load %arg8[%get3A_30, %get3A_31] {strides = array<i32>} : memref<80x256xf32, #tpu.memory_space<vmem>>, vector<1x16xf32>,
      %get3A_33 = vector.shape_cast %get3A_32 : vector<1x16xf32> to vector<16xf32>
      %mul3A_34 = arith.mulf %get3A_29, %get3A_33 : vector<16xf32>
      %add3A_35 = arith.addf %broadcast_in_dim3A_21, %mul3A_34 : vector<16xf32>
      %mul3A_36 = arith.constant 5 : i32
      %mul3A_37 = arith.muli %scan3A_20, %mul3A_36 : i32
      %add3A_38 = arith.constant 1 : i32
      %add3A_39 = arith.addi %mul3A_37, %add3A_38 : i32
      %mul3A_40 = arith.constant 16 : i32
      %mul3A_41 = arith.muli %add3A_39, %mul3A_40 : i32
      %get3A_42 = arith.index_cast %mul3A_41 : i32 to index
      %get3A_43 = tpu.vector_load %arg7[%get3A_42] {strides = array<i32>} : memref<1280xf32, #tpu.memory_space<vmem>>, vector<16xf32>,
      %get3A_44 = vector.shape_cast %get3A_43 : vector<16xf32> to vector<16xf32>
      %get3A_45 = arith.index_cast %add3A_39 : i32 to index
      %get3A_46 = arith.constant 0 : index
      %get3A_47 = tpu.vector_load %arg8[%get3A_45, %get3A_46] {strides = array<i32>} : memref<80x256xf32, #tpu.memory_space<vmem>>, vector<1x16xf32>,
      %get3A_48 = vector.shape_cast %get3A_47 : vector<1x16xf32> to vector<16xf32>
      %mul3A_49 = arith.mulf %get3A_44, %get3A_48 : vector<16xf32>
      %add3A_50 = arith.addf %add3A_35, %mul3A_49 : vector<16xf32>
      %mul3A_51 = arith.constant 5 : i32
      %mul3A_52 = arith.muli %scan3A_20, %mul3A_51 : i32
      %add3A_53 = arith.constant 2 : i32
      %add3A_54 = arith.addi %mul3A_52, %add3A_53 : i32
      %mul3A_55 = arith.constant 16 : i32
      %mul3A_56 = arith.muli %add3A_54, %mul3A_55 : i32
      %get3A_57 = arith.index_cast %mul3A_56 : i32 to index
      %get3A_58 = tpu.vector_load %arg7[%get3A_57] {strides = array<i32>} : memref<1280xf32, #tpu.memory_space<vmem>>, vector<16xf32>,
      %get3A_59 = vector.shape_cast %get3A_58 : vector<16xf32> to vector<16xf32>
      %get3A_60 = arith.index_cast %add3A_54 : i32 to index
      %get3A_61 = arith.constant 0 : index
      %get3A_62 = tpu.vector_load %arg8[%get3A_60, %get3A_61] {strides = array<i32>} : memref<80x256xf32, #tpu.memory_space<vmem>>, vector<1x16xf32>,
      %get3A_63 = vector.shape_cast %get3A_62 : vector<1x16xf32> to vector<16xf32>
      %mul3A_64 = arith.mulf %get3A_59, %get3A_63 : vector<16xf32>
      %add3A_65 = arith.addf %add3A_50, %mul3A_64 : vector<16xf32>
      %mul3A_66 = arith.constant 5 : i32
      %mul3A_67 = arith.muli %scan3A_20, %mul3A_66 : i32
      %add3A_68 = arith.constant 3 : i32
      %add3A_69 = arith.addi %mul3A_67, %add3A_68 : i32
      %mul3A_70 = arith.constant 16 : i32
      %mul3A_71 = arith.muli %add3A_69, %mul3A_70 : i32
      %get3A_72 = arith.index_cast %mul3A_71 : i32 to index
      %get3A_73 = tpu.vector_load %arg7[%get3A_72] {strides = array<i32>} : memref<1280xf32, #tpu.memory_space<vmem>>, vector<16xf32>,
      %get3A_74 = vector.shape_cast %get3A_73 : vector<16xf32> to vector<16xf32>
      %get3A_75 = arith.index_cast %add3A_69 : i32 to index
      %get3A_76 = arith.constant 0 : index
      %get3A_77 = tpu.vector_load %arg8[%get3A_75, %get3A_76] {strides = array<i32>} : memref<80x256xf32, #tpu.memory_space<vmem>>, vector<1x16xf32>,
      %get3A_78 = vector.shape_cast %get3A_77 : vector<1x16xf32> to vector<16xf32>
      %mul3A_79 = arith.mulf %get3A_74, %get3A_78 : vector<16xf32>
      %add3A_80 = arith.addf %add3A_65, %mul3A_79 : vector<16xf32>
      %mul3A_81 = arith.constant 5 : i32
      %mul3A_82 = arith.muli %scan3A_20, %mul3A_81 : i32
      %add3A_83 = arith.constant 4 : i32
      %add3A_84 = arith.addi %mul3A_82, %add3A_83 : i32
      %mul3A_85 = arith.constant 16 : i32
      %mul3A_86 = arith.muli %add3A_84, %mul3A_85 : i32
      %get3A_87 = arith.index_cast %mul3A_86 : i32 to index
      %get3A_88 = tpu.vector_load %arg7[%get3A_87] {strides = array<i32>} : memref<1280xf32, #tpu.memory_space<vmem>>, vector<16xf32>,
      %get3A_89 = vector.shape_cast %get3A_88 : vector<16xf32> to vector<16xf32>
      %get3A_90 = arith.index_cast %add3A_84 : i32 to index
      %get3A_91 = arith.constant 0 : index
      %get3A_92 = tpu.vector_load %arg8[%get3A_90, %get3A_91] {strides = array<i32>} : memref<80x256xf32, #tpu.memory_space<vmem>>, vector<1x16xf32>,
      %get3A_93 = vector.shape_cast %get3A_92 : vector<1x16xf32> to vector<16xf32>
      %mul3A_94 = arith.mulf %get3A_89, %get3A_93 : vector<16xf32>
      %add3A_95 = arith.addf %add3A_80, %mul3A_94 : vector<16xf32>
      %mul3A_96 = arith.constant 256 : i32
      %mul3A_97 = arith.muli %scan3A_20, %mul3A_96 : i32
      %add3A_98 = arith.constant 0 : i32
      %add3A_99 = arith.addi %mul3A_97, %add3A_98 : i32
      %swap3A = arith.index_cast %add3A_99 : i32 to index
      %swap3A_100 = tpu.vector_load %arg9[%swap3A] {strides = array<i32>} : memref<4096xf32, #tpu.memory_space<vmem>>, vector<16xf32>,
      %swap3A_101 = vector.shape_cast %swap3A_100 : vector<16xf32> to vector<16xf32>
      %swap3A_102 = vector.shape_cast %add3A_95 : vector<16xf32> to vector<16xf32>
      tpu.vector_store %arg9[%swap3A], %swap3A_102 {strides = array<i32>} : memref<4096xf32, #tpu.memory_space<vmem>>, vector<16xf32>,
      %broadcast_in_dim3A_103 = arith.constant 0.000000e+00 : f32
      %broadcast_in_dim3A_104 = vector.broadcast %broadcast_in_dim3A_103 : f32 to vector<16xf32>
      %mul3A_105 = arith.constant 5 : i32
      %mul3A_106 = arith.muli %scan3A_20, %mul3A_105 : i32
      %add3A_107 = arith.constant 0 : i32
      %add3A_108 = arith.addi %mul3A_106, %add3A_107 : i32
      %mul3A_109 = arith.constant 16 : i32
      %mul3A_110 = arith.muli %add3A_108, %mul3A_109 : i32
      %get3A_111 = arith.index_cast %mul3A_110 : i32 to index
      %get3A_112 = tpu.vector_load %arg7[%get3A_111] {strides = array<i32>} : memref<1280xf32, #tpu.memory_space<vmem>>, vector<16xf32>,
      %get3A_113 = vector.shape_cast %get3A_112 : vector<16xf32> to vector<16xf32>
      %get3A_114 = arith.index_cast %add3A_108 : i32 to index
      %get3A_115 = arith.constant 16 : index
      %get3A_116 = tpu.vector_load %arg8[%get3A_114, %get3A_115] {strides = array<i32>} : memref<80x256xf32, #tpu.memory_space<vmem>>, vector<1x16xf32>,
      %get3A_117 = vector.shape_cast %get3A_116 : vector<1x16xf32> to vector<16xf32>
      %mul3A_118 = arith.mulf %get3A_113, %get3A_117 : vector<16xf32>
      %add3A_119 = arith.addf %broadcast_in_dim3A_104, %mul3A_118 : vector<16xf32>
      %mul3A_120 = arith.constant 5 : i32
      %mul3A_121 = arith.muli %scan3A_20, %mul3A_120 : i32
      %add3A_122 = arith.constant 1 : i32
      %add3A_123 = arith.addi %mul3A_121, %add3A_122 : i32
      %mul3A_124 = arith.constant 16 : i32
      %mul3A_125 = arith.muli %add3A_123, %mul3A_124 : i32
      %get3A_126 = arith.index_cast %mul3A_125 : i32 to index
      %get3A_127 = tpu.vector_load %arg7[%get3A_126] {strides = array<i32>} : memref<1280xf32, #tpu.memory_space<vmem>>, vector<16xf32>,
      %get3A_128 = vector.shape_cast %get3A_127 : vector<16xf32> to vector<16xf32>
      %get3A_129 = arith.index_cast %add3A_123 : i32 to index
      %get3A_130 = arith.constant 16 : index
      %get3A_131 = tpu.vector_load %arg8[%get3A_129, %get3A_130] {strides = array<i32>} : memref<80x256xf32, #tpu.memory_space<vmem>>, vector<1x16xf32>,
      %get3A_132 = vector.shape_cast %get3A_131 : vector<1x16xf32> to vector<16xf32>
      %mul3A_133 = arith.mulf %get3A_128, %get3A_132 : vector<16xf32>
      %add3A_134 = arith.addf %add3A_119, %mul3A_133 : vector<16xf32>
      %mul3A_135 = arith.constant 5 : i32
      %mul3A_136 = arith.muli %scan3A_20, %mul3A_135 : i32
      %add3A_137 = arith.constant 2 : i32
      %add3A_138 = arith.addi %mul3A_136, %add3A_137 : i32
      %mul3A_139 = arith.constant 16 : i32
      %mul3A_140 = arith.muli %add3A_138, %mul3A_139 : i32
      %get3A_141 = arith.index_cast %mul3A_140 : i32 to index
      %get3A_142 = tpu.vector_load %arg7[%get3A_141] {strides = array<i32>} : memref<1280xf32, #tpu.memory_space<vmem>>, vector<16xf32>,
      %get3A_143 = vector.shape_cast %get3A_142 : vector<16xf32> to vector<16xf32>
      %get3A_144 = arith.index_cast %add3A_138 : i32 to index
      %get3A_145 = arith.constant 16 : index
      %get3A_146 = tpu.vector_load %arg8[%get3A_144, %get3A_145] {strides = array<i32>} : memref<80x256xf32, #tpu.memory_space<vmem>>, vector<1x16xf32>,
      %get3A_147 = vector.shape_cast %get3A_146 : vector<1x16xf32> to vector<16xf32>
      %mul3A_148 = arith.mulf %get3A_143, %get3A_147 : vector<16xf32>
      %add3A_149 = arith.addf %add3A_134, %mul3A_148 : vector<16xf32>
      %mul3A_150 = arith.constant 5 : i32
      %mul3A_151 = arith.muli %scan3A_20, %mul3A_150 : i32
      %add3A_152 = arith.constant 3 : i32
      %add3A_153 = arith.addi %mul3A_151, %add3A_152 : i32
      %mul3A_154 = arith.constant 16 : i32
      %mul3A_155 = arith.muli %add3A_153, %mul3A_154 : i32
      %get3A_156 = arith.index_cast %mul3A_155 : i32 to index
      %get3A_157 = tpu.vector_load %arg7[%get3A_156] {strides = array<i32>} : memref<1280xf32, #tpu.memory_space<vmem>>, vector<16xf32>,
      %get3A_158 = vector.shape_cast %get3A_157 : vector<16xf32> to vector<16xf32>
      %get3A_159 = arith.index_cast %add3A_153 : i32 to index
      %get3A_160 = arith.constant 16 : index
      %get3A_161 = tpu.vector_load %arg8[%get3A_159, %get3A_160] {strides = array<i32>} : memref<80x256xf32, #tpu.memory_space<vmem>>, vector<1x16xf32>,
      %get3A_162 = vector.shape_cast %get3A_161 : vector<1x16xf32> to vector<16xf32>
      %mul3A_163 = arith.mulf %get3A_158, %get3A_162 : vector<16xf32>
      %add3A_164 = arith.addf %add3A_149, %mul3A_163 : vector<16xf32>
      %mul3A_165 = arith.constant 5 : i32
      %mul3A_166 = arith.muli %scan3A_20, %mul3A_165 : i32
      %add3A_167 = arith.constant 4 : i32
      %add3A_168 = arith.addi %mul3A_166, %add3A_167 : i32
      %mul3A_169 = arith.constant 16 : i32
      %mul3A_170 = arith.muli %add3A_168, %mul3A_169 : i32
      %get3A_171 = arith.index_cast %mul3A_170 : i32 to index
      %get3A_172 = tpu.vector_load %arg7[%get3A_171] {strides = array<i32>} : memref<1280xf32, #tpu.memory_space<vmem>>, vector<16xf32>,
      %get3A_173 = vector.shape_cast %get3A_172 : vector<16xf32> to vector<16xf32>
      %get3A_174 = arith.index_cast %add3A_168 : i32 to index
      %get3A_175 = arith.constant 16 : index
      %get3A_176 = tpu.vector_load %arg8[%get3A_174, %get3A_175] {strides = array<i32>} : memref<80x256xf32, #tpu.memory_space<vmem>>, vector<1x16xf32>,
      %get3A_177 = vector.shape_cast %get3A_176 : vector<1x16xf32> to vector<16xf32>
      %mul3A_178 = arith.mulf %get3A_173, %get3A_177 : vector<16xf32>
      %add3A_179 = arith.addf %add3A_164, %mul3A_178 : vector<16xf32>
      %mul3A_180 = arith.constant 256 : i32
      %mul3A_181 = arith.muli %scan3A_20, %mul3A_180 : i32
      %add3A_182 = arith.constant 16 : i32
      %add3A_183 = arith.addi %mul3A_181, %add3A_182 : i32
      %swap3A_184 = arith.index_cast %add3A_183 : i32 to index
      %swap3A_185 = tpu.vector_load %arg9[%swap3A_184] {strides = array<i32>} : memref<4096xf32, #tpu.memory_space<vmem>>, vector<16xf32>,
      %swap3A_186 = vector.shape_cast %swap3A_185 : vector<16xf32> to vector<16xf32>
      %swap3A_187 = vector.shape_cast %add3A_179 : vector<16xf32> to vector<16xf32>
      tpu.vector_store %arg9[%swap3A_184], %swap3A_187 {strides = array<i32>} : memref<4096xf32, #tpu.memory_space<vmem>>, vector<16xf32>,
      %broadcast_in_dim3A_188 = arith.constant 0.000000e+00 : f32
      %broadcast_in_dim3A_189 = vector.broadcast %broadcast_in_dim3A_188 : f32 to vector<16xf32>
      %mul3A_190 = arith.constant 5 : i32
      %mul3A_191 = arith.muli %scan3A_20, %mul3A_190 : i32
      %add3A_192 = arith.constant 0 : i32
      %add3A_193 = arith.addi %mul3A_191, %add3A_192 : i32
      %mul3A_194 = arith.constant 16 : i32
      %mul3A_195 = arith.muli %add3A_193, %mul3A_194 : i32
      %get3A_196 = arith.index_cast %mul3A_195 : i32 to index
      %get3A_197 = tpu.vector_load %arg7[%get3A_196] {strides = array<i32>} : memref<1280xf32, #tpu.memory_space<vmem>>, vector<16xf32>,
      %get3A_198 = vector.shape_cast %get3A_197 : vector<16xf32> to vector<16xf32>
      %get3A_199 = arith.index_cast %add3A_193 : i32 to index
      %get3A_200 = arith.constant 32 : index
      %get3A_201 = tpu.vector_load %arg8[%get3A_199, %get3A_200] {strides = array<i32>} : memref<80x256xf32, #tpu.memory_space<vmem>>, vector<1x16xf32>,
      %get3A_202 = vector.shape_cast %get3A_201 : vector<1x16xf32> to vector<16xf32>
      %mul3A_203 = arith.mulf %get3A_198, %get3A_202 : vector<16xf32>
      %add3A_204 = arith.addf %broadcast_in_dim3A_189, %mul3A_203 : vector<16xf32>
      %mul3A_205 = arith.constant 5 : i32
      %mul3A_206 = arith.muli %scan3A_20, %mul3A_205 : i32
      %add3A_207 = arith.constant 1 : i32
      %add3A_208 = arith.addi %mul3A_206, %add3A_207 : i32
      %mul3A_209 = arith.constant 16 : i32
      %mul3A_210 = arith.muli %add3A_208, %mul3A_209 : i32
      %get3A_211 = arith.index_cast %mul3A_210 : i32 to index
      %get3A_212 = tpu.vector_load %arg7[%get3A_211] {strides = array<i32>} : memref<1280xf32, #tpu.memory_space<vmem>>, vector<16xf32>,
      %get3A_213 = vector.shape_cast %get3A_212 : vector<16xf32> to vector<16xf32>
      %get3A_214 = arith.index_cast %add3A_208 : i32 to index
      %get3A_215 = arith.constant 32 : index
      %get3A_216 = tpu.vector_load %arg8[%get3A_214, %get3A_215] {strides = array<i32>} : memref<80x256xf32, #tpu.memory_space<vmem>>, vector<1x16xf32>,
      %get3A_217 = vector.shape_cast %get3A_216 : vector<1x16xf32> to vector<16xf32>
      %mul3A_218 = arith.mulf %get3A_213, %get3A_217 : vector<16xf32>
      %add3A_219 = arith.addf %add3A_204, %mul3A_218 : vector<16xf32>
      %mul3A_220 = arith.constant 5 : i32
      %mul3A_221 = arith.muli %scan3A_20, %mul3A_220 : i32
      %add3A_222 = arith.constant 2 : i32
      %add3A_223 = arith.addi %mul3A_221, %add3A_222 : i32
      %mul3A_224 = arith.constant 16 : i32
      %mul3A_225 = arith.muli %add3A_223, %mul3A_224 : i32
      %get3A_226 = arith.index_cast %mul3A_225 : i32 to index
      %get3A_227 = tpu.vector_load %arg7[%get3A_226] {strides = array<i32>} : memref<1280xf32, #tpu.memory_space<vmem>>, vector<16xf32>,
      %get3A_228 = vector.shape_cast %get3A_227 : vector<16xf32> to vector<16xf32>
      %get3A_229 = arith.index_cast %add3A_223 : i32 to index
      %get3A_230 = arith.constant 32 : index
      %get3A_231 = tpu.vector_load %arg8[%get3A_229, %get3A_230] {strides = array<i32>} : memref<80x256xf32, #tpu.memory_space<vmem>>, vector<1x16xf32>,
      %get3A_232 = vector.shape_cast %get3A_231 : vector<1x16xf32> to vector<16xf32>
      %mul3A_233 = arith.mulf %get3A_228, %get3A_232 : vector<16xf32>
      %add3A_234 = arith.addf %add3A_219, %mul3A_233 : vector<16xf32>
      %mul3A_235 = arith.constant 5 : i32
      %mul3A_236 = arith.muli %scan3A_20, %mul3A_235 : i32
      %add3A_237 = arith.constant 3 : i32
      %add3A_238 = arith.addi %mul3A_236, %add3A_237 : i32
      %mul3A_239 = arith.constant 16 : i32
      %mul3A_240 = arith.muli %add3A_238, %mul3A_239 : i32
      %get3A_241 = arith.index_cast %mul3A_240 : i32 to index
      %get3A_242 = tpu.vector_load %arg7[%get3A_241] {strides = array<i32>} : memref<1280xf32, #tpu.memory_space<vmem>>, vector<16xf32>,
      %get3A_243 = vector.shape_cast %get3A_242 : vector<16xf32> to vector<16xf32>
      %get3A_244 = arith.index_cast %add3A_238 : i32 to index
      %get3A_245 = arith.constant 32 : index
      %get3A_246 = tpu.vector_load %arg8[%get3A_244, %get3A_245] {strides = array<i32>} : memref<80x256xf32, #tpu.memory_space<vmem>>, vector<1x16xf32>,
      %get3A_247 = vector.shape_cast %get3A_246 : vector<1x16xf32> to vector<16xf32>
      %mul3A_248 = arith.mulf %get3A_243, %get3A_247 : vector<16xf32>
      %add3A_249 = arith.addf %add3A_234, %mul3A_248 : vector<16xf32>
      %mul3A_250 = arith.constant 5 : i32
      %mul3A_251 = arith.muli %scan3A_20, %mul3A_250 : i32
      %add3A_252 = arith.constant 4 : i32
      %add3A_253 = arith.addi %mul3A_251, %add3A_252 : i32
      %mul3A_254 = arith.constant 16 : i32
      %mul3A_255 = arith.muli %add3A_253, %mul3A_254 : i32
      %get3A_256 = arith.index_cast %mul3A_255 : i32 to index
      %get3A_257 = tpu.vector_load %arg7[%get3A_256] {strides = array<i32>} : memref<1280xf32, #tpu.memory_space<vmem>>, vector<16xf32>,
      %get3A_258 = vector.shape_cast %get3A_257 : vector<16xf32> to vector<16xf32>
      %get3A_259 = arith.index_cast %add3A_253 : i32 to index
      %get3A_260 = arith.constant 32 : index
      %get3A_261 = tpu.vector_load %arg8[%get3A_259, %get3A_260] {strides = array<i32>} : memref<80x256xf32, #tpu.memory_space<vmem>>, vector<1x16xf32>,
      %get3A_262 = vector.shape_cast %get3A_261 : vector<1x16xf32> to vector<16xf32>
      %mul3A_263 = arith.mulf %get3A_258, %get3A_262 : vector<16xf32>
      %add3A_264 = arith.addf %add3A_249, %mul3A_263 : vector<16xf32>
      %mul3A_265 = arith.constant 256 : i32
      %mul3A_266 = arith.muli %scan3A_20, %mul3A_265 : i32
      %add3A_267 = arith.constant 32 : i32
      %add3A_268 = arith.addi %mul3A_266, %add3A_267 : i32
      %swap3A_269 = arith.index_cast %add3A_268 : i32 to index
      %swap3A_270 = tpu.vector_load %arg9[%swap3A_269] {strides = array<i32>} : memref<4096xf32, #tpu.memory_space<vmem>>, vector<16xf32>,
      %swap3A_271 = vector.shape_cast %swap3A_270 : vector<16xf32> to vector<16xf32>
      %swap3A_272 = vector.shape_cast %add3A_264 : vector<16xf32> to vector<16xf32>
      tpu.vector_store %arg9[%swap3A_269], %swap3A_272 {strides = array<i32>} : memref<4096xf32, #tpu.memory_space<vmem>>, vector<16xf32>,
      %broadcast_in_dim3A_273 = arith.constant 0.000000e+00 : f32
      %broadcast_in_dim3A_274 = vector.broadcast %broadcast_in_dim3A_273 : f32 to vector<16xf32>
      %mul3A_275 = arith.constant 5 : i32
      %mul3A_276 = arith.muli %scan3A_20, %mul3A_275 : i32
      %add3A_277 = arith.constant 0 : i32
      %add3A_278 = arith.addi %mul3A_276, %add3A_277 : i32
      %mul3A_279 = arith.constant 16 : i32
      %mul3A_280 = arith.muli %add3A_278, %mul3A_279 : i32
      %get3A_281 = arith.index_cast %mul3A_280 : i32 to index
      %get3A_282 = tpu.vector_load %arg7[%get3A_281] {strides = array<i32>} : memref<1280xf32, #tpu.memory_space<vmem>>, vector<16xf32>,
      %get3A_283 = vector.shape_cast %get3A_282 : vector<16xf32> to vector<16xf32>
      %get3A_284 = arith.index_cast %add3A_278 : i32 to index
      %get3A_285 = arith.constant 48 : index
      %get3A_286 = tpu.vector_load %arg8[%get3A_284, %get3A_285] {strides = array<i32>} : memref<80x256xf32, #tpu.memory_space<vmem>>, vector<1x16xf32>,
      %get3A_287 = vector.shape_cast %get3A_286 : vector<1x16xf32> to vector<16xf32>
      %mul3A_288 = arith.mulf %get3A_283, %get3A_287 : vector<16xf32>
      %add3A_289 = arith.addf %broadcast_in_dim3A_274, %mul3A_288 : vector<16xf32>
      %mul3A_290 = arith.constant 5 : i32
      %mul3A_291 = arith.muli %scan3A_20, %mul3A_290 : i32
      %add3A_292 = arith.constant 1 : i32
      %add3A_293 = arith.addi %mul3A_291, %add3A_292 : i32
      %mul3A_294 = arith.constant 16 : i32
      %mul3A_295 = arith.muli %add3A_293, %mul3A_294 : i32
      %get3A_296 = arith.index_cast %mul3A_295 : i32 to index
      %get3A_297 = tpu.vector_load %arg7[%get3A_296] {strides = array<i32>} : memref<1280xf32, #tpu.memory_space<vmem>>, vector<16xf32>,
      %get3A_298 = vector.shape_cast %get3A_297 : vector<16xf32> to vector<16xf32>
      %get3A_299 = arith.index_cast %add3A_293 : i32 to index
      %get3A_300 = arith.constant 48 : index
      %get3A_301 = tpu.vector_load %arg8[%get3A_299, %get3A_300] {strides = array<i32>} : memref<80x256xf32, #tpu.memory_space<vmem>>, vector<1x16xf32>,
      %get3A_302 = vector.shape_cast %get3A_301 : vector<1x16xf32> to vector<16xf32>
      %mul3A_303 = arith.mulf %get3A_298, %get3A_302 : vector<16xf32>
      %add3A_304 = arith.addf %add3A_289, %mul3A_303 : vector<16xf32>
      %mul3A_305 = arith.constant 5 : i32
      %mul3A_306 = arith.muli %scan3A_20, %mul3A_305 : i32
      %add3A_307 = arith.constant 2 : i32
      %add3A_308 = arith.addi %mul3A_306, %add3A_307 : i32
      %mul3A_309 = arith.constant 16 : i32
      %mul3A_310 = arith.muli %add3A_308, %mul3A_309 : i32
      %get3A_311 = arith.index_cast %mul3A_310 : i32 to index
      %get3A_312 = tpu.vector_load %arg7[%get3A_311] {strides = array<i32>} : memref<1280xf32, #tpu.memory_space<vmem>>, vector<16xf32>,
      %get3A_313 = vector.shape_cast %get3A_312 : vector<16xf32> to vector<16xf32>
      %get3A_314 = arith.index_cast %add3A_308 : i32 to index
      %get3A_315 = arith.constant 48 : index
      %get3A_316 = tpu.vector_load %arg8[%get3A_314, %get3A_315] {strides = array<i32>} : memref<80x256xf32, #tpu.memory_space<vmem>>, vector<1x16xf32>,
      %get3A_317 = vector.shape_cast %get3A_316 : vector<1x16xf32> to vector<16xf32>
      %mul3A_318 = arith.mulf %get3A_313, %get3A_317 : vector<16xf32>
      %add3A_319 = arith.addf %add3A_304, %mul3A_318 : vector<16xf32>
      %mul3A_320 = arith.constant 5 : i32
      %mul3A_321 = arith.muli %scan3A_20, %mul3A_320 : i32
      %add3A_322 = arith.constant 3 : i32
      %add3A_323 = arith.addi %mul3A_321, %add3A_322 : i32
      %mul3A_324 = arith.constant 16 : i32
      %mul3A_325 = arith.muli %add3A_323, %mul3A_324 : i32
      %get3A_326 = arith.index_cast %mul3A_325 : i32 to index
      %get3A_327 = tpu.vector_load %arg7[%get3A_326] {strides = array<i32>} : memref<1280xf32, #tpu.memory_space<vmem>>, vector<16xf32>,
      %get3A_328 = vector.shape_cast %get3A_327 : vector<16xf32> to vector<16xf32>
      %get3A_329 = arith.index_cast %add3A_323 : i32 to index
      %get3A_330 = arith.constant 48 : index
      %get3A_331 = tpu.vector_load %arg8[%get3A_329, %get3A_330] {strides = array<i32>} : memref<80x256xf32, #tpu.memory_space<vmem>>, vector<1x16xf32>,
      %get3A_332 = vector.shape_cast %get3A_331 : vector<1x16xf32> to vector<16xf32>
      %mul3A_333 = arith.mulf %get3A_328, %get3A_332 : vector<16xf32>
      %add3A_334 = arith.addf %add3A_319, %mul3A_333 : vector<16xf32>
      %mul3A_335 = arith.constant 5 : i32
      %mul3A_336 = arith.muli %scan3A_20, %mul3A_335 : i32
      %add3A_337 = arith.constant 4 : i32
      %add3A_338 = arith.addi %mul3A_336, %add3A_337 : i32
      %mul3A_339 = arith.constant 16 : i32
      %mul3A_340 = arith.muli %add3A_338, %mul3A_339 : i32
      %get3A_341 = arith.index_cast %mul3A_340 : i32 to index
      %get3A_342 = tpu.vector_load %arg7[%get3A_341] {strides = array<i32>} : memref<1280xf32, #tpu.memory_space<vmem>>, vector<16xf32>,
      %get3A_343 = vector.shape_cast %get3A_342 : vector<16xf32> to vector<16xf32>
      %get3A_344 = arith.index_cast %add3A_338 : i32 to index
      %get3A_345 = arith.constant 48 : index
      %get3A_346 = tpu.vector_load %arg8[%get3A_344, %get3A_345] {strides = array<i32>} : memref<80x256xf32, #tpu.memory_space<vmem>>, vector<1x16xf32>,
      %get3A_347 = vector.shape_cast %get3A_346 : vector<1x16xf32> to vector<16xf32>
      %mul3A_348 = arith.mulf %get3A_343, %get3A_347 : vector<16xf32>
      %add3A_349 = arith.addf %add3A_334, %mul3A_348 : vector<16xf32>
      %mul3A_350 = arith.constant 256 : i32
      %mul3A_351 = arith.muli %scan3A_20, %mul3A_350 : i32
      %add3A_352 = arith.constant 48 : i32
      %add3A_353 = arith.addi %mul3A_351, %add3A_352 : i32
      %swap3A_354 = arith.index_cast %add3A_353 : i32 to index
      %swap3A_355 = tpu.vector_load %arg9[%swap3A_354] {strides = array<i32>} : memref<4096xf32, #tpu.memory_space<vmem>>, vector<16xf32>,
      %swap3A_356 = vector.shape_cast %swap3A_355 : vector<16xf32> to vector<16xf32>
      %swap3A_357 = vector.shape_cast %add3A_349 : vector<16xf32> to vector<16xf32>
      tpu.vector_store %arg9[%swap3A_354], %swap3A_357 {strides = array<i32>} : memref<4096xf32, #tpu.memory_space<vmem>>, vector<16xf32>,
      %broadcast_in_dim3A_358 = arith.constant 0.000000e+00 : f32
      %broadcast_in_dim3A_359 = vector.broadcast %broadcast_in_dim3A_358 : f32 to vector<16xf32>
      %mul3A_360 = arith.constant 5 : i32
      %mul3A_361 = arith.muli %scan3A_20, %mul3A_360 : i32
      %add3A_362 = arith.constant 0 : i32
      %add3A_363 = arith.addi %mul3A_361, %add3A_362 : i32
      %mul3A_364 = arith.constant 16 : i32
      %mul3A_365 = arith.muli %add3A_363, %mul3A_364 : i32
      %get3A_366 = arith.index_cast %mul3A_365 : i32 to index
      %get3A_367 = tpu.vector_load %arg7[%get3A_366] {strides = array<i32>} : memref<1280xf32, #tpu.memory_space<vmem>>, vector<16xf32>,
      %get3A_368 = vector.shape_cast %get3A_367 : vector<16xf32> to vector<16xf32>
      %get3A_369 = arith.index_cast %add3A_363 : i32 to index
      %get3A_370 = arith.constant 64 : index
      %get3A_371 = tpu.vector_load %arg8[%get3A_369, %get3A_370] {strides = array<i32>} : memref<80x256xf32, #tpu.memory_space<vmem>>, vector<1x16xf32>,
      %get3A_372 = vector.shape_cast %get3A_371 : vector<1x16xf32> to vector<16xf32>
      %mul3A_373 = arith.mulf %get3A_368, %get3A_372 : vector<16xf32>
      %add3A_374 = arith.addf %broadcast_in_dim3A_359, %mul3A_373 : vector<16xf32>
      %mul3A_375 = arith.constant 5 : i32
      %mul3A_376 = arith.muli %scan3A_20, %mul3A_375 : i32
      %add3A_377 = arith.constant 1 : i32
      %add3A_378 = arith.addi %mul3A_376, %add3A_377 : i32
      %mul3A_379 = arith.constant 16 : i32
      %mul3A_380 = arith.muli %add3A_378, %mul3A_379 : i32
      %get3A_381 = arith.index_cast %mul3A_380 : i32 to index
      %get3A_382 = tpu.vector_load %arg7[%get3A_381] {strides = array<i32>} : memref<1280xf32, #tpu.memory_space<vmem>>, vector<16xf32>,
      %get3A_383 = vector.shape_cast %get3A_382 : vector<16xf32> to vector<16xf32>
      %get3A_384 = arith.index_cast %add3A_378 : i32 to index
      %get3A_385 = arith.constant 64 : index
      %get3A_386 = tpu.vector_load %arg8[%get3A_384, %get3A_385] {strides = array<i32>} : memref<80x256xf32, #tpu.memory_space<vmem>>, vector<1x16xf32>,
      %get3A_387 = vector.shape_cast %get3A_386 : vector<1x16xf32> to vector<16xf32>
      %mul3A_388 = arith.mulf %get3A_383, %get3A_387 : vector<16xf32>
      %add3A_389 = arith.addf %add3A_374, %mul3A_388 : vector<16xf32>
      %mul3A_390 = arith.constant 5 : i32
      %mul3A_391 = arith.muli %scan3A_20, %mul3A_390 : i32
      %add3A_392 = arith.constant 2 : i32
      %add3A_393 = arith.addi %mul3A_391, %add3A_392 : i32
      %mul3A_394 = arith.constant 16 : i32
      %mul3A_395 = arith.muli %add3A_393, %mul3A_394 : i32
      %get3A_396 = arith.index_cast %mul3A_395 : i32 to index
      %get3A_397 = tpu.vector_load %arg7[%get3A_396] {strides = array<i32>} : memref<1280xf32, #tpu.memory_space<vmem>>, vector<16xf32>,
      %get3A_398 = vector.shape_cast %get3A_397 : vector<16xf32> to vector<16xf32>
      %get3A_399 = arith.index_cast %add3A_393 : i32 to index
      %get3A_400 = arith.constant 64 : index
      %get3A_401 = tpu.vector_load %arg8[%get3A_399, %get3A_400] {strides = array<i32>} : memref<80x256xf32, #tpu.memory_space<vmem>>, vector<1x16xf32>,
      %get3A_402 = vector.shape_cast %get3A_401 : vector<1x16xf32> to vector<16xf32>
      %mul3A_403 = arith.mulf %get3A_398, %get3A_402 : vector<16xf32>
      %add3A_404 = arith.addf %add3A_389, %mul3A_403 : vector<16xf32>
      %mul3A_405 = arith.constant 5 : i32
      %mul3A_406 = arith.muli %scan3A_20, %mul3A_405 : i32
      %add3A_407 = arith.constant 3 : i32
      %add3A_408 = arith.addi %mul3A_406, %add3A_407 : i32
      %mul3A_409 = arith.constant 16 : i32
      %mul3A_410 = arith.muli %add3A_408, %mul3A_409 : i32
      %get3A_411 = arith.index_cast %mul3A_410 : i32 to index
      %get3A_412 = tpu.vector_load %arg7[%get3A_411] {strides = array<i32>} : memref<1280xf32, #tpu.memory_space<vmem>>, vector<16xf32>,
      %get3A_413 = vector.shape_cast %get3A_412 : vector<16xf32> to vector<16xf32>
      %get3A_414 = arith.index_cast %add3A_408 : i32 to index
      %get3A_415 = arith.constant 64 : index
      %get3A_416 = tpu.vector_load %arg8[%get3A_414, %get3A_415] {strides = array<i32>} : memref<80x256xf32, #tpu.memory_space<vmem>>, vector<1x16xf32>,
      %get3A_417 = vector.shape_cast %get3A_416 : vector<1x16xf32> to vector<16xf32>
      %mul3A_418 = arith.mulf %get3A_413, %get3A_417 : vector<16xf32>
      %add3A_419 = arith.addf %add3A_404, %mul3A_418 : vector<16xf32>
      %mul3A_420 = arith.constant 5 : i32
      %mul3A_421 = arith.muli %scan3A_20, %mul3A_420 : i32
      %add3A_422 = arith.constant 4 : i32
      %add3A_423 = arith.addi %mul3A_421, %add3A_422 : i32
      %mul3A_424 = arith.constant 16 : i32
      %mul3A_425 = arith.muli %add3A_423, %mul3A_424 : i32
      %get3A_426 = arith.index_cast %mul3A_425 : i32 to index
      %get3A_427 = tpu.vector_load %arg7[%get3A_426] {strides = array<i32>} : memref<1280xf32, #tpu.memory_space<vmem>>, vector<16xf32>,
      %get3A_428 = vector.shape_cast %get3A_427 : vector<16xf32> to vector<16xf32>
      %get3A_429 = arith.index_cast %add3A_423 : i32 to index
      %get3A_430 = arith.constant 64 : index
      %get3A_431 = tpu.vector_load %arg8[%get3A_429, %get3A_430] {strides = array<i32>} : memref<80x256xf32, #tpu.memory_space<vmem>>, vector<1x16xf32>,
      %get3A_432 = vector.shape_cast %get3A_431 : vector<1x16xf32> to vector<16xf32>
      %mul3A_433 = arith.mulf %get3A_428, %get3A_432 : vector<16xf32>
      %add3A_434 = arith.addf %add3A_419, %mul3A_433 : vector<16xf32>
      %mul3A_435 = arith.constant 256 : i32
      %mul3A_436 = arith.muli %scan3A_20, %mul3A_435 : i32
      %add3A_437 = arith.constant 64 : i32
      %add3A_438 = arith.addi %mul3A_436, %add3A_437 : i32
      %swap3A_439 = arith.index_cast %add3A_438 : i32 to index
      %swap3A_440 = tpu.vector_load %arg9[%swap3A_439] {strides = array<i32>} : memref<4096xf32, #tpu.memory_space<vmem>>, vector<16xf32>,
      %swap3A_441 = vector.shape_cast %swap3A_440 : vector<16xf32> to vector<16xf32>
      %swap3A_442 = vector.shape_cast %add3A_434 : vector<16xf32> to vector<16xf32>
      tpu.vector_store %arg9[%swap3A_439], %swap3A_442 {strides = array<i32>} : memref<4096xf32, #tpu.memory_space<vmem>>, vector<16xf32>,
      %broadcast_in_dim3A_443 = arith.constant 0.000000e+00 : f32
      %broadcast_in_dim3A_444 = vector.broadcast %broadcast_in_dim3A_443 : f32 to vector<16xf32>
      %mul3A_445 = arith.constant 5 : i32
      %mul3A_446 = arith.muli %scan3A_20, %mul3A_445 : i32
      %add3A_447 = arith.constant 0 : i32
      %add3A_448 = arith.addi %mul3A_446, %add3A_447 : i32
      %mul3A_449 = arith.constant 16 : i32
      %mul3A_450 = arith.muli %add3A_448, %mul3A_449 : i32
      %get3A_451 = arith.index_cast %mul3A_450 : i32 to index
      %get3A_452 = tpu.vector_load %arg7[%get3A_451] {strides = array<i32>} : memref<1280xf32, #tpu.memory_space<vmem>>, vector<16xf32>,
      %get3A_453 = vector.shape_cast %get3A_452 : vector<16xf32> to vector<16xf32>
      %get3A_454 = arith.index_cast %add3A_448 : i32 to index
      %get3A_455 = arith.constant 80 : index
      %get3A_456 = tpu.vector_load %arg8[%get3A_454, %get3A_455] {strides = array<i32>} : memref<80x256xf32, #tpu.memory_space<vmem>>, vector<1x16xf32>,
      %get3A_457 = vector.shape_cast %get3A_456 : vector<1x16xf32> to vector<16xf32>
      %mul3A_458 = arith.mulf %get3A_453, %get3A_457 : vector<16xf32>
      %add3A_459 = arith.addf %broadcast_in_dim3A_444, %mul3A_458 : vector<16xf32>
      %mul3A_460 = arith.constant 5 : i32
      %mul3A_461 = arith.muli %scan3A_20, %mul3A_460 : i32
      %add3A_462 = arith.constant 1 : i32
      %add3A_463 = arith.addi %mul3A_461, %add3A_462 : i32
      %mul3A_464 = arith.constant 16 : i32
      %mul3A_465 = arith.muli %add3A_463, %mul3A_464 : i32
      %get3A_466 = arith.index_cast %mul3A_465 : i32 to index
      %get3A_467 = tpu.vector_load %arg7[%get3A_466] {strides = array<i32>} : memref<1280xf32, #tpu.memory_space<vmem>>, vector<16xf32>,
      %get3A_468 = vector.shape_cast %get3A_467 : vector<16xf32> to vector<16xf32>
      %get3A_469 = arith.index_cast %add3A_463 : i32 to index
      %get3A_470 = arith.constant 80 : index
      %get3A_471 = tpu.vector_load %arg8[%get3A_469, %get3A_470] {strides = array<i32>} : memref<80x256xf32, #tpu.memory_space<vmem>>, vector<1x16xf32>,
      %get3A_472 = vector.shape_cast %get3A_471 : vector<1x16xf32> to vector<16xf32>
      %mul3A_473 = arith.mulf %get3A_468, %get3A_472 : vector<16xf32>
      %add3A_474 = arith.addf %add3A_459, %mul3A_473 : vector<16xf32>
      %mul3A_475 = arith.constant 5 : i32
      %mul3A_476 = arith.muli %scan3A_20, %mul3A_475 : i32
      %add3A_477 = arith.constant 2 : i32
      %add3A_478 = arith.addi %mul3A_476, %add3A_477 : i32
      %mul3A_479 = arith.constant 16 : i32
      %mul3A_480 = arith.muli %add3A_478, %mul3A_479 : i32
      %get3A_481 = arith.index_cast %mul3A_480 : i32 to index
      %get3A_482 = tpu.vector_load %arg7[%get3A_481] {strides = array<i32>} : memref<1280xf32, #tpu.memory_space<vmem>>, vector<16xf32>,
      %get3A_483 = vector.shape_cast %get3A_482 : vector<16xf32> to vector<16xf32>
      %get3A_484 = arith.index_cast %add3A_478 : i32 to index
      %get3A_485 = arith.constant 80 : index
      %get3A_486 = tpu.vector_load %arg8[%get3A_484, %get3A_485] {strides = array<i32>} : memref<80x256xf32, #tpu.memory_space<vmem>>, vector<1x16xf32>,
      %get3A_487 = vector.shape_cast %get3A_486 : vector<1x16xf32> to vector<16xf32>
      %mul3A_488 = arith.mulf %get3A_483, %get3A_487 : vector<16xf32>
      %add3A_489 = arith.addf %add3A_474, %mul3A_488 : vector<16xf32>
      %mul3A_490 = arith.constant 5 : i32
      %mul3A_491 = arith.muli %scan3A_20, %mul3A_490 : i32
      %add3A_492 = arith.constant 3 : i32
      %add3A_493 = arith.addi %mul3A_491, %add3A_492 : i32
      %mul3A_494 = arith.constant 16 : i32
      %mul3A_495 = arith.muli %add3A_493, %mul3A_494 : i32
      %get3A_496 = arith.index_cast %mul3A_495 : i32 to index
      %get3A_497 = tpu.vector_load %arg7[%get3A_496] {strides = array<i32>} : memref<1280xf32, #tpu.memory_space<vmem>>, vector<16xf32>,
      %get3A_498 = vector.shape_cast %get3A_497 : vector<16xf32> to vector<16xf32>
      %get3A_499 = arith.index_cast %add3A_493 : i32 to index
      %get3A_500 = arith.constant 80 : index
      %get3A_501 = tpu.vector_load %arg8[%get3A_499, %get3A_500] {strides = array<i32>} : memref<80x256xf32, #tpu.memory_space<vmem>>, vector<1x16xf32>,
      %get3A_502 = vector.shape_cast %get3A_501 : vector<1x16xf32> to vector<16xf32>
      %mul3A_503 = arith.mulf %get3A_498, %get3A_502 : vector<16xf32>
      %add3A_504 = arith.addf %add3A_489, %mul3A_503 : vector<16xf32>
      %mul3A_505 = arith.constant 5 : i32
      %mul3A_506 = arith.muli %scan3A_20, %mul3A_505 : i32
      %add3A_507 = arith.constant 4 : i32
      %add3A_508 = arith.addi %mul3A_506, %add3A_507 : i32
      %mul3A_509 = arith.constant 16 : i32
      %mul3A_510 = arith.muli %add3A_508, %mul3A_509 : i32
      %get3A_511 = arith.index_cast %mul3A_510 : i32 to index
      %get3A_512 = tpu.vector_load %arg7[%get3A_511] {strides = array<i32>} : memref<1280xf32, #tpu.memory_space<vmem>>, vector<16xf32>,
      %get3A_513 = vector.shape_cast %get3A_512 : vector<16xf32> to vector<16xf32>
      %get3A_514 = arith.index_cast %add3A_508 : i32 to index
      %get3A_515 = arith.constant 80 : index
      %get3A_516 = tpu.vector_load %arg8[%get3A_514, %get3A_515] {strides = array<i32>} : memref<80x256xf32, #tpu.memory_space<vmem>>, vector<1x16xf32>,
      %get3A_517 = vector.shape_cast %get3A_516 : vector<1x16xf32> to vector<16xf32>
      %mul3A_518 = arith.mulf %get3A_513, %get3A_517 : vector<16xf32>
      %add3A_519 = arith.addf %add3A_504, %mul3A_518 : vector<16xf32>
      %mul3A_520 = arith.constant 256 : i32
      %mul3A_521 = arith.muli %scan3A_20, %mul3A_520 : i32
      %add3A_522 = arith.constant 80 : i32
      %add3A_523 = arith.addi %mul3A_521, %add3A_522 : i32
      %swap3A_524 = arith.index_cast %add3A_523 : i32 to index
      %swap3A_525 = tpu.vector_load %arg9[%swap3A_524] {strides = array<i32>} : memref<4096xf32, #tpu.memory_space<vmem>>, vector<16xf32>,
      %swap3A_526 = vector.shape_cast %swap3A_525 : vector<16xf32> to vector<16xf32>
      %swap3A_527 = vector.shape_cast %add3A_519 : vector<16xf32> to vector<16xf32>
      tpu.vector_store %arg9[%swap3A_524], %swap3A_527 {strides = array<i32>} : memref<4096xf32, #tpu.memory_space<vmem>>, vector<16xf32>,
      %broadcast_in_dim3A_528 = arith.constant 0.000000e+00 : f32
      %broadcast_in_dim3A_529 = vector.broadcast %broadcast_in_dim3A_528 : f32 to vector<16xf32>
      %mul3A_530 = arith.constant 5 : i32
      %mul3A_531 = arith.muli %scan3A_20, %mul3A_530 : i32
      %add3A_532 = arith.constant 0 : i32
      %add3A_533 = arith.addi %mul3A_531, %add3A_532 : i32
      %mul3A_534 = arith.constant 16 : i32
      %mul3A_535 = arith.muli %add3A_533, %mul3A_534 : i32
      %get3A_536 = arith.index_cast %mul3A_535 : i32 to index
      %get3A_537 = tpu.vector_load %arg7[%get3A_536] {strides = array<i32>} : memref<1280xf32, #tpu.memory_space<vmem>>, vector<16xf32>,
      %get3A_538 = vector.shape_cast %get3A_537 : vector<16xf32> to vector<16xf32>
      %get3A_539 = arith.index_cast %add3A_533 : i32 to index
      %get3A_540 = arith.constant 96 : index
      %get3A_541 = tpu.vector_load %arg8[%get3A_539, %get3A_540] {strides = array<i32>} : memref<80x256xf32, #tpu.memory_space<vmem>>, vector<1x16xf32>,
      %get3A_542 = vector.shape_cast %get3A_541 : vector<1x16xf32> to vector<16xf32>
      %mul3A_543 = arith.mulf %get3A_538, %get3A_542 : vector<16xf32>
      %add3A_544 = arith.addf %broadcast_in_dim3A_529, %mul3A_543 : vector<16xf32>
      %mul3A_545 = arith.constant 5 : i32
      %mul3A_546 = arith.muli %scan3A_20, %mul3A_545 : i32
      %add3A_547 = arith.constant 1 : i32
      %add3A_548 = arith.addi %mul3A_546, %add3A_547 : i32
      %mul3A_549 = arith.constant 16 : i32
      %mul3A_550 = arith.muli %add3A_548, %mul3A_549 : i32
      %get3A_551 = arith.index_cast %mul3A_550 : i32 to index
      %get3A_552 = tpu.vector_load %arg7[%get3A_551] {strides = array<i32>} : memref<1280xf32, #tpu.memory_space<vmem>>, vector<16xf32>,
      %get3A_553 = vector.shape_cast %get3A_552 : vector<16xf32> to vector<16xf32>
      %get3A_554 = arith.index_cast %add3A_548 : i32 to index
      %get3A_555 = arith.constant 96 : index
      %get3A_556 = tpu.vector_load %arg8[%get3A_554, %get3A_555] {strides = array<i32>} : memref<80x256xf32, #tpu.memory_space<vmem>>, vector<1x16xf32>,
      %get3A_557 = vector.shape_cast %get3A_556 : vector<1x16xf32> to vector<16xf32>
      %mul3A_558 = arith.mulf %get3A_553, %get3A_557 : vector<16xf32>
      %add3A_559 = arith.addf %add3A_544, %mul3A_558 : vector<16xf32>
      %mul3A_560 = arith.constant 5 : i32
      %mul3A_561 = arith.muli %scan3A_20, %mul3A_560 : i32
      %add3A_562 = arith.constant 2 : i32
      %add3A_563 = arith.addi %mul3A_561, %add3A_562 : i32
      %mul3A_564 = arith.constant 16 : i32
      %mul3A_565 = arith.muli %add3A_563, %mul3A_564 : i32
      %get3A_566 = arith.index_cast %mul3A_565 : i32 to index
      %get3A_567 = tpu.vector_load %arg7[%get3A_566] {strides = array<i32>} : memref<1280xf32, #tpu.memory_space<vmem>>, vector<16xf32>,
      %get3A_568 = vector.shape_cast %get3A_567 : vector<16xf32> to vector<16xf32>
      %get3A_569 = arith.index_cast %add3A_563 : i32 to index
      %get3A_570 = arith.constant 96 : index
      %get3A_571 = tpu.vector_load %arg8[%get3A_569, %get3A_570] {strides = array<i32>} : memref<80x256xf32, #tpu.memory_space<vmem>>, vector<1x16xf32>,
      %get3A_572 = vector.shape_cast %get3A_571 : vector<1x16xf32> to vector<16xf32>
      %mul3A_573 = arith.mulf %get3A_568, %get3A_572 : vector<16xf32>
      %add3A_574 = arith.addf %add3A_559, %mul3A_573 : vector<16xf32>
      %mul3A_575 = arith.constant 5 : i32
      %mul3A_576 = arith.muli %scan3A_20, %mul3A_575 : i32
      %add3A_577 = arith.constant 3 : i32
      %add3A_578 = arith.addi %mul3A_576, %add3A_577 : i32
      %mul3A_579 = arith.constant 16 : i32
      %mul3A_580 = arith.muli %add3A_578, %mul3A_579 : i32
      %get3A_581 = arith.index_cast %mul3A_580 : i32 to index
      %get3A_582 = tpu.vector_load %arg7[%get3A_581] {strides = array<i32>} : memref<1280xf32, #tpu.memory_space<vmem>>, vector<16xf32>,
      %get3A_583 = vector.shape_cast %get3A_582 : vector<16xf32> to vector<16xf32>
      %get3A_584 = arith.index_cast %add3A_578 : i32 to index
      %get3A_585 = arith.constant 96 : index
      %get3A_586 = tpu.vector_load %arg8[%get3A_584, %get3A_585] {strides = array<i32>} : memref<80x256xf32, #tpu.memory_space<vmem>>, vector<1x16xf32>,
      %get3A_587 = vector.shape_cast %get3A_586 : vector<1x16xf32> to vector<16xf32>
      %mul3A_588 = arith.mulf %get3A_583, %get3A_587 : vector<16xf32>
      %add3A_589 = arith.addf %add3A_574, %mul3A_588 : vector<16xf32>
      %mul3A_590 = arith.constant 5 : i32
      %mul3A_591 = arith.muli %scan3A_20, %mul3A_590 : i32
      %add3A_592 = arith.constant 4 : i32
      %add3A_593 = arith.addi %mul3A_591, %add3A_592 : i32
      %mul3A_594 = arith.constant 16 : i32
      %mul3A_595 = arith.muli %add3A_593, %mul3A_594 : i32
      %get3A_596 = arith.index_cast %mul3A_595 : i32 to index
      %get3A_597 = tpu.vector_load %arg7[%get3A_596] {strides = array<i32>} : memref<1280xf32, #tpu.memory_space<vmem>>, vector<16xf32>,
      %get3A_598 = vector.shape_cast %get3A_597 : vector<16xf32> to vector<16xf32>
      %get3A_599 = arith.index_cast %add3A_593 : i32 to index
      %get3A_600 = arith.constant 96 : index
      %get3A_601 = tpu.vector_load %arg8[%get3A_599, %get3A_600] {strides = array<i32>} : memref<80x256xf32, #tpu.memory_space<vmem>>, vector<1x16xf32>,
      %get3A_602 = vector.shape_cast %get3A_601 : vector<1x16xf32> to vector<16xf32>
      %mul3A_603 = arith.mulf %get3A_598, %get3A_602 : vector<16xf32>
      %add3A_604 = arith.addf %add3A_589, %mul3A_603 : vector<16xf32>
      %mul3A_605 = arith.constant 256 : i32
      %mul3A_606 = arith.muli %scan3A_20, %mul3A_605 : i32
      %add3A_607 = arith.constant 96 : i32
      %add3A_608 = arith.addi %mul3A_606, %add3A_607 : i32
      %swap3A_609 = arith.index_cast %add3A_608 : i32 to index
      %swap3A_610 = tpu.vector_load %arg9[%swap3A_609] {strides = array<i32>} : memref<4096xf32, #tpu.memory_space<vmem>>, vector<16xf32>,
      %swap3A_611 = vector.shape_cast %swap3A_610 : vector<16xf32> to vector<16xf32>
      %swap3A_612 = vector.shape_cast %add3A_604 : vector<16xf32> to vector<16xf32>
      tpu.vector_store %arg9[%swap3A_609], %swap3A_612 {strides = array<i32>} : memref<4096xf32, #tpu.memory_space<vmem>>, vector<16xf32>,
      %broadcast_in_dim3A_613 = arith.constant 0.000000e+00 : f32
      %broadcast_in_dim3A_614 = vector.broadcast %broadcast_in_dim3A_613 : f32 to vector<16xf32>
      %mul3A_615 = arith.constant 5 : i32
      %mul3A_616 = arith.muli %scan3A_20, %mul3A_615 : i32
      %add3A_617 = arith.constant 0 : i32
      %add3A_618 = arith.addi %mul3A_616, %add3A_617 : i32
      %mul3A_619 = arith.constant 16 : i32
      %mul3A_620 = arith.muli %add3A_618, %mul3A_619 : i32
      %get3A_621 = arith.index_cast %mul3A_620 : i32 to index
      %get3A_622 = tpu.vector_load %arg7[%get3A_621] {strides = array<i32>} : memref<1280xf32, #tpu.memory_space<vmem>>, vector<16xf32>,
      %get3A_623 = vector.shape_cast %get3A_622 : vector<16xf32> to vector<16xf32>
      %get3A_624 = arith.index_cast %add3A_618 : i32 to index
      %get3A_625 = arith.constant 112 : index
      %get3A_626 = tpu.vector_load %arg8[%get3A_624, %get3A_625] {strides = array<i32>} : memref<80x256xf32, #tpu.memory_space<vmem>>, vector<1x16xf32>,
      %get3A_627 = vector.shape_cast %get3A_626 : vector<1x16xf32> to vector<16xf32>
      %mul3A_628 = arith.mulf %get3A_623, %get3A_627 : vector<16xf32>
      %add3A_629 = arith.addf %broadcast_in_dim3A_614, %mul3A_628 : vector<16xf32>
      %mul3A_630 = arith.constant 5 : i32
      %mul3A_631 = arith.muli %scan3A_20, %mul3A_630 : i32
      %add3A_632 = arith.constant 1 : i32
      %add3A_633 = arith.addi %mul3A_631, %add3A_632 : i32
      %mul3A_634 = arith.constant 16 : i32
      %mul3A_635 = arith.muli %add3A_633, %mul3A_634 : i32
      %get3A_636 = arith.index_cast %mul3A_635 : i32 to index
      %get3A_637 = tpu.vector_load %arg7[%get3A_636] {strides = array<i32>} : memref<1280xf32, #tpu.memory_space<vmem>>, vector<16xf32>,
      %get3A_638 = vector.shape_cast %get3A_637 : vector<16xf32> to vector<16xf32>
      %get3A_639 = arith.index_cast %add3A_633 : i32 to index
      %get3A_640 = arith.constant 112 : index
      %get3A_641 = tpu.vector_load %arg8[%get3A_639, %get3A_640] {strides = array<i32>} : memref<80x256xf32, #tpu.memory_space<vmem>>, vector<1x16xf32>,
      %get3A_642 = vector.shape_cast %get3A_641 : vector<1x16xf32> to vector<16xf32>
      %mul3A_643 = arith.mulf %get3A_638, %get3A_642 : vector<16xf32>
      %add3A_644 = arith.addf %add3A_629, %mul3A_643 : vector<16xf32>
      %mul3A_645 = arith.constant 5 : i32
      %mul3A_646 = arith.muli %scan3A_20, %mul3A_645 : i32
      %add3A_647 = arith.constant 2 : i32
      %add3A_648 = arith.addi %mul3A_646, %add3A_647 : i32
      %mul3A_649 = arith.constant 16 : i32
      %mul3A_650 = arith.muli %add3A_648, %mul3A_649 : i32
      %get3A_651 = arith.index_cast %mul3A_650 : i32 to index
      %get3A_652 = tpu.vector_load %arg7[%get3A_651] {strides = array<i32>} : memref<1280xf32, #tpu.memory_space<vmem>>, vector<16xf32>,
      %get3A_653 = vector.shape_cast %get3A_652 : vector<16xf32> to vector<16xf32>
      %get3A_654 = arith.index_cast %add3A_648 : i32 to index
      %get3A_655 = arith.constant 112 : index
      %get3A_656 = tpu.vector_load %arg8[%get3A_654, %get3A_655] {strides = array<i32>} : memref<80x256xf32, #tpu.memory_space<vmem>>, vector<1x16xf32>,
      %get3A_657 = vector.shape_cast %get3A_656 : vector<1x16xf32> to vector<16xf32>
      %mul3A_658 = arith.mulf %get3A_653, %get3A_657 : vector<16xf32>
      %add3A_659 = arith.addf %add3A_644, %mul3A_658 : vector<16xf32>
      %mul3A_660 = arith.constant 5 : i32
      %mul3A_661 = arith.muli %scan3A_20, %mul3A_660 : i32
      %add3A_662 = arith.constant 3 : i32
      %add3A_663 = arith.addi %mul3A_661, %add3A_662 : i32
      %mul3A_664 = arith.constant 16 : i32
      %mul3A_665 = arith.muli %add3A_663, %mul3A_664 : i32
      %get3A_666 = arith.index_cast %mul3A_665 : i32 to index
      %get3A_667 = tpu.vector_load %arg7[%get3A_666] {strides = array<i32>} : memref<1280xf32, #tpu.memory_space<vmem>>, vector<16xf32>,
      %get3A_668 = vector.shape_cast %get3A_667 : vector<16xf32> to vector<16xf32>
      %get3A_669 = arith.index_cast %add3A_663 : i32 to index
      %get3A_670 = arith.constant 112 : index
      %get3A_671 = tpu.vector_load %arg8[%get3A_669, %get3A_670] {strides = array<i32>} : memref<80x256xf32, #tpu.memory_space<vmem>>, vector<1x16xf32>,
      %get3A_672 = vector.shape_cast %get3A_671 : vector<1x16xf32> to vector<16xf32>
      %mul3A_673 = arith.mulf %get3A_668, %get3A_672 : vector<16xf32>
      %add3A_674 = arith.addf %add3A_659, %mul3A_673 : vector<16xf32>
      %mul3A_675 = arith.constant 5 : i32
      %mul3A_676 = arith.muli %scan3A_20, %mul3A_675 : i32
      %add3A_677 = arith.constant 4 : i32
      %add3A_678 = arith.addi %mul3A_676, %add3A_677 : i32
      %mul3A_679 = arith.constant 16 : i32
      %mul3A_680 = arith.muli %add3A_678, %mul3A_679 : i32
      %get3A_681 = arith.index_cast %mul3A_680 : i32 to index
      %get3A_682 = tpu.vector_load %arg7[%get3A_681] {strides = array<i32>} : memref<1280xf32, #tpu.memory_space<vmem>>, vector<16xf32>,
      %get3A_683 = vector.shape_cast %get3A_682 : vector<16xf32> to vector<16xf32>
      %get3A_684 = arith.index_cast %add3A_678 : i32 to index
      %get3A_685 = arith.constant 112 : index
      %get3A_686 = tpu.vector_load %arg8[%get3A_684, %get3A_685] {strides = array<i32>} : memref<80x256xf32, #tpu.memory_space<vmem>>, vector<1x16xf32>,
      %get3A_687 = vector.shape_cast %get3A_686 : vector<1x16xf32> to vector<16xf32>
      %mul3A_688 = arith.mulf %get3A_683, %get3A_687 : vector<16xf32>
      %add3A_689 = arith.addf %add3A_674, %mul3A_688 : vector<16xf32>
      %mul3A_690 = arith.constant 256 : i32
      %mul3A_691 = arith.muli %scan3A_20, %mul3A_690 : i32
      %add3A_692 = arith.constant 112 : i32
      %add3A_693 = arith.addi %mul3A_691, %add3A_692 : i32
      %swap3A_694 = arith.index_cast %add3A_693 : i32 to index
      %swap3A_695 = tpu.vector_load %arg9[%swap3A_694] {strides = array<i32>} : memref<4096xf32, #tpu.memory_space<vmem>>, vector<16xf32>,
      %swap3A_696 = vector.shape_cast %swap3A_695 : vector<16xf32> to vector<16xf32>
      %swap3A_697 = vector.shape_cast %add3A_689 : vector<16xf32> to vector<16xf32>
      tpu.vector_store %arg9[%swap3A_694], %swap3A_697 {strides = array<i32>} : memref<4096xf32, #tpu.memory_space<vmem>>, vector<16xf32>,
      %broadcast_in_dim3A_698 = arith.constant 0.000000e+00 : f32
      %broadcast_in_dim3A_699 = vector.broadcast %broadcast_in_dim3A_698 : f32 to vector<16xf32>
      %mul3A_700 = arith.constant 5 : i32
      %mul3A_701 = arith.muli %scan3A_20, %mul3A_700 : i32
      %add3A_702 = arith.constant 0 : i32
      %add3A_703 = arith.addi %mul3A_701, %add3A_702 : i32
      %mul3A_704 = arith.constant 16 : i32
      %mul3A_705 = arith.muli %add3A_703, %mul3A_704 : i32
      %get3A_706 = arith.index_cast %mul3A_705 : i32 to index
      %get3A_707 = tpu.vector_load %arg7[%get3A_706] {strides = array<i32>} : memref<1280xf32, #tpu.memory_space<vmem>>, vector<16xf32>,
      %get3A_708 = vector.shape_cast %get3A_707 : vector<16xf32> to vector<16xf32>
      %get3A_709 = arith.index_cast %add3A_703 : i32 to index
      %get3A_710 = arith.constant 128 : index
      %get3A_711 = tpu.vector_load %arg8[%get3A_709, %get3A_710] {strides = array<i32>} : memref<80x256xf32, #tpu.memory_space<vmem>>, vector<1x16xf32>,
      %get3A_712 = vector.shape_cast %get3A_711 : vector<1x16xf32> to vector<16xf32>
      %mul3A_713 = arith.mulf %get3A_708, %get3A_712 : vector<16xf32>
      %add3A_714 = arith.addf %broadcast_in_dim3A_699, %mul3A_713 : vector<16xf32>
      %mul3A_715 = arith.constant 5 : i32
      %mul3A_716 = arith.muli %scan3A_20, %mul3A_715 : i32
      %add3A_717 = arith.constant 1 : i32
      %add3A_718 = arith.addi %mul3A_716, %add3A_717 : i32
      %mul3A_719 = arith.constant 16 : i32
      %mul3A_720 = arith.muli %add3A_718, %mul3A_719 : i32
      %get3A_721 = arith.index_cast %mul3A_720 : i32 to index
      %get3A_722 = tpu.vector_load %arg7[%get3A_721] {strides = array<i32>} : memref<1280xf32, #tpu.memory_space<vmem>>, vector<16xf32>,
      %get3A_723 = vector.shape_cast %get3A_722 : vector<16xf32> to vector<16xf32>
      %get3A_724 = arith.index_cast %add3A_718 : i32 to index
      %get3A_725 = arith.constant 128 : index
      %get3A_726 = tpu.vector_load %arg8[%get3A_724, %get3A_725] {strides = array<i32>} : memref<80x256xf32, #tpu.memory_space<vmem>>, vector<1x16xf32>,
      %get3A_727 = vector.shape_cast %get3A_726 : vector<1x16xf32> to vector<16xf32>
      %mul3A_728 = arith.mulf %get3A_723, %get3A_727 : vector<16xf32>
      %add3A_729 = arith.addf %add3A_714, %mul3A_728 : vector<16xf32>
      %mul3A_730 = arith.constant 5 : i32
      %mul3A_731 = arith.muli %scan3A_20, %mul3A_730 : i32
      %add3A_732 = arith.constant 2 : i32
      %add3A_733 = arith.addi %mul3A_731, %add3A_732 : i32
      %mul3A_734 = arith.constant 16 : i32
      %mul3A_735 = arith.muli %add3A_733, %mul3A_734 : i32
      %get3A_736 = arith.index_cast %mul3A_735 : i32 to index
      %get3A_737 = tpu.vector_load %arg7[%get3A_736] {strides = array<i32>} : memref<1280xf32, #tpu.memory_space<vmem>>, vector<16xf32>,
      %get3A_738 = vector.shape_cast %get3A_737 : vector<16xf32> to vector<16xf32>
      %get3A_739 = arith.index_cast %add3A_733 : i32 to index
      %get3A_740 = arith.constant 128 : index
      %get3A_741 = tpu.vector_load %arg8[%get3A_739, %get3A_740] {strides = array<i32>} : memref<80x256xf32, #tpu.memory_space<vmem>>, vector<1x16xf32>,
      %get3A_742 = vector.shape_cast %get3A_741 : vector<1x16xf32> to vector<16xf32>
      %mul3A_743 = arith.mulf %get3A_738, %get3A_742 : vector<16xf32>
      %add3A_744 = arith.addf %add3A_729, %mul3A_743 : vector<16xf32>
      %mul3A_745 = arith.constant 5 : i32
      %mul3A_746 = arith.muli %scan3A_20, %mul3A_745 : i32
      %add3A_747 = arith.constant 3 : i32
      %add3A_748 = arith.addi %mul3A_746, %add3A_747 : i32
      %mul3A_749 = arith.constant 16 : i32
      %mul3A_750 = arith.muli %add3A_748, %mul3A_749 : i32
      %get3A_751 = arith.index_cast %mul3A_750 : i32 to index
      %get3A_752 = tpu.vector_load %arg7[%get3A_751] {strides = array<i32>} : memref<1280xf32, #tpu.memory_space<vmem>>, vector<16xf32>,
      %get3A_753 = vector.shape_cast %get3A_752 : vector<16xf32> to vector<16xf32>
      %get3A_754 = arith.index_cast %add3A_748 : i32 to index
      %get3A_755 = arith.constant 128 : index
      %get3A_756 = tpu.vector_load %arg8[%get3A_754, %get3A_755] {strides = array<i32>} : memref<80x256xf32, #tpu.memory_space<vmem>>, vector<1x16xf32>,
      %get3A_757 = vector.shape_cast %get3A_756 : vector<1x16xf32> to vector<16xf32>
      %mul3A_758 = arith.mulf %get3A_753, %get3A_757 : vector<16xf32>
      %add3A_759 = arith.addf %add3A_744, %mul3A_758 : vector<16xf32>
      %mul3A_760 = arith.constant 5 : i32
      %mul3A_761 = arith.muli %scan3A_20, %mul3A_760 : i32
      %add3A_762 = arith.constant 4 : i32
      %add3A_763 = arith.addi %mul3A_761, %add3A_762 : i32
      %mul3A_764 = arith.constant 16 : i32
      %mul3A_765 = arith.muli %add3A_763, %mul3A_764 : i32
      %get3A_766 = arith.index_cast %mul3A_765 : i32 to index
      %get3A_767 = tpu.vector_load %arg7[%get3A_766] {strides = array<i32>} : memref<1280xf32, #tpu.memory_space<vmem>>, vector<16xf32>,
      %get3A_768 = vector.shape_cast %get3A_767 : vector<16xf32> to vector<16xf32>
      %get3A_769 = arith.index_cast %add3A_763 : i32 to index
      %get3A_770 = arith.constant 128 : index
      %get3A_771 = tpu.vector_load %arg8[%get3A_769, %get3A_770] {strides = array<i32>} : memref<80x256xf32, #tpu.memory_space<vmem>>, vector<1x16xf32>,
      %get3A_772 = vector.shape_cast %get3A_771 : vector<1x16xf32> to vector<16xf32>
      %mul3A_773 = arith.mulf %get3A_768, %get3A_772 : vector<16xf32>
      %add3A_774 = arith.addf %add3A_759, %mul3A_773 : vector<16xf32>
      %mul3A_775 = arith.constant 256 : i32
      %mul3A_776 = arith.muli %scan3A_20, %mul3A_775 : i32
      %add3A_777 = arith.constant 128 : i32
      %add3A_778 = arith.addi %mul3A_776, %add3A_777 : i32
      %swap3A_779 = arith.index_cast %add3A_778 : i32 to index
      %swap3A_780 = tpu.vector_load %arg9[%swap3A_779] {strides = array<i32>} : memref<4096xf32, #tpu.memory_space<vmem>>, vector<16xf32>,
      %swap3A_781 = vector.shape_cast %swap3A_780 : vector<16xf32> to vector<16xf32>
      %swap3A_782 = vector.shape_cast %add3A_774 : vector<16xf32> to vector<16xf32>
      tpu.vector_store %arg9[%swap3A_779], %swap3A_782 {strides = array<i32>} : memref<4096xf32, #tpu.memory_space<vmem>>, vector<16xf32>,
      %broadcast_in_dim3A_783 = arith.constant 0.000000e+00 : f32
      %broadcast_in_dim3A_784 = vector.broadcast %broadcast_in_dim3A_783 : f32 to vector<16xf32>
      %mul3A_785 = arith.constant 5 : i32
      %mul3A_786 = arith.muli %scan3A_20, %mul3A_785 : i32
      %add3A_787 = arith.constant 0 : i32
      %add3A_788 = arith.addi %mul3A_786, %add3A_787 : i32
      %mul3A_789 = arith.constant 16 : i32
      %mul3A_790 = arith.muli %add3A_788, %mul3A_789 : i32
      %get3A_791 = arith.index_cast %mul3A_790 : i32 to index
      %get3A_792 = tpu.vector_load %arg7[%get3A_791] {strides = array<i32>} : memref<1280xf32, #tpu.memory_space<vmem>>, vector<16xf32>,
      %get3A_793 = vector.shape_cast %get3A_792 : vector<16xf32> to vector<16xf32>
      %get3A_794 = arith.index_cast %add3A_788 : i32 to index
      %get3A_795 = arith.constant 144 : index
      %get3A_796 = tpu.vector_load %arg8[%get3A_794, %get3A_795] {strides = array<i32>} : memref<80x256xf32, #tpu.memory_space<vmem>>, vector<1x16xf32>,
      %get3A_797 = vector.shape_cast %get3A_796 : vector<1x16xf32> to vector<16xf32>
      %mul3A_798 = arith.mulf %get3A_793, %get3A_797 : vector<16xf32>
      %add3A_799 = arith.addf %broadcast_in_dim3A_784, %mul3A_798 : vector<16xf32>
      %mul3A_800 = arith.constant 5 : i32
      %mul3A_801 = arith.muli %scan3A_20, %mul3A_800 : i32
      %add3A_802 = arith.constant 1 : i32
      %add3A_803 = arith.addi %mul3A_801, %add3A_802 : i32
      %mul3A_804 = arith.constant 16 : i32
      %mul3A_805 = arith.muli %add3A_803, %mul3A_804 : i32
      %get3A_806 = arith.index_cast %mul3A_805 : i32 to index
      %get3A_807 = tpu.vector_load %arg7[%get3A_806] {strides = array<i32>} : memref<1280xf32, #tpu.memory_space<vmem>>, vector<16xf32>,
      %get3A_808 = vector.shape_cast %get3A_807 : vector<16xf32> to vector<16xf32>
      %get3A_809 = arith.index_cast %add3A_803 : i32 to index
      %get3A_810 = arith.constant 144 : index
      %get3A_811 = tpu.vector_load %arg8[%get3A_809, %get3A_810] {strides = array<i32>} : memref<80x256xf32, #tpu.memory_space<vmem>>, vector<1x16xf32>,
      %get3A_812 = vector.shape_cast %get3A_811 : vector<1x16xf32> to vector<16xf32>
      %mul3A_813 = arith.mulf %get3A_808, %get3A_812 : vector<16xf32>
      %add3A_814 = arith.addf %add3A_799, %mul3A_813 : vector<16xf32>
      %mul3A_815 = arith.constant 5 : i32
      %mul3A_816 = arith.muli %scan3A_20, %mul3A_815 : i32
      %add3A_817 = arith.constant 2 : i32
      %add3A_818 = arith.addi %mul3A_816, %add3A_817 : i32
      %mul3A_819 = arith.constant 16 : i32
      %mul3A_820 = arith.muli %add3A_818, %mul3A_819 : i32
      %get3A_821 = arith.index_cast %mul3A_820 : i32 to index
      %get3A_822 = tpu.vector_load %arg7[%get3A_821] {strides = array<i32>} : memref<1280xf32, #tpu.memory_space<vmem>>, vector<16xf32>,
      %get3A_823 = vector.shape_cast %get3A_822 : vector<16xf32> to vector<16xf32>
      %get3A_824 = arith.index_cast %add3A_818 : i32 to index
      %get3A_825 = arith.constant 144 : index
      %get3A_826 = tpu.vector_load %arg8[%get3A_824, %get3A_825] {strides = array<i32>} : memref<80x256xf32, #tpu.memory_space<vmem>>, vector<1x16xf32>,
      %get3A_827 = vector.shape_cast %get3A_826 : vector<1x16xf32> to vector<16xf32>
      %mul3A_828 = arith.mulf %get3A_823, %get3A_827 : vector<16xf32>
      %add3A_829 = arith.addf %add3A_814, %mul3A_828 : vector<16xf32>
      %mul3A_830 = arith.constant 5 : i32
      %mul3A_831 = arith.muli %scan3A_20, %mul3A_830 : i32
      %add3A_832 = arith.constant 3 : i32
      %add3A_833 = arith.addi %mul3A_831, %add3A_832 : i32
      %mul3A_834 = arith.constant 16 : i32
      %mul3A_835 = arith.muli %add3A_833, %mul3A_834 : i32
      %get3A_836 = arith.index_cast %mul3A_835 : i32 to index
      %get3A_837 = tpu.vector_load %arg7[%get3A_836] {strides = array<i32>} : memref<1280xf32, #tpu.memory_space<vmem>>, vector<16xf32>,
      %get3A_838 = vector.shape_cast %get3A_837 : vector<16xf32> to vector<16xf32>
      %get3A_839 = arith.index_cast %add3A_833 : i32 to index
      %get3A_840 = arith.constant 144 : index
      %get3A_841 = tpu.vector_load %arg8[%get3A_839, %get3A_840] {strides = array<i32>} : memref<80x256xf32, #tpu.memory_space<vmem>>, vector<1x16xf32>,
      %get3A_842 = vector.shape_cast %get3A_841 : vector<1x16xf32> to vector<16xf32>
      %mul3A_843 = arith.mulf %get3A_838, %get3A_842 : vector<16xf32>
      %add3A_844 = arith.addf %add3A_829, %mul3A_843 : vector<16xf32>
      %mul3A_845 = arith.constant 5 : i32
      %mul3A_846 = arith.muli %scan3A_20, %mul3A_845 : i32
      %add3A_847 = arith.constant 4 : i32
      %add3A_848 = arith.addi %mul3A_846, %add3A_847 : i32
      %mul3A_849 = arith.constant 16 : i32
      %mul3A_850 = arith.muli %add3A_848, %mul3A_849 : i32
      %get3A_851 = arith.index_cast %mul3A_850 : i32 to index
      %get3A_852 = tpu.vector_load %arg7[%get3A_851] {strides = array<i32>} : memref<1280xf32, #tpu.memory_space<vmem>>, vector<16xf32>,
      %get3A_853 = vector.shape_cast %get3A_852 : vector<16xf32> to vector<16xf32>
      %get3A_854 = arith.index_cast %add3A_848 : i32 to index
      %get3A_855 = arith.constant 144 : index
      %get3A_856 = tpu.vector_load %arg8[%get3A_854, %get3A_855] {strides = array<i32>} : memref<80x256xf32, #tpu.memory_space<vmem>>, vector<1x16xf32>,
      %get3A_857 = vector.shape_cast %get3A_856 : vector<1x16xf32> to vector<16xf32>
      %mul3A_858 = arith.mulf %get3A_853, %get3A_857 : vector<16xf32>
      %add3A_859 = arith.addf %add3A_844, %mul3A_858 : vector<16xf32>
      %mul3A_860 = arith.constant 256 : i32
      %mul3A_861 = arith.muli %scan3A_20, %mul3A_860 : i32
      %add3A_862 = arith.constant 144 : i32
      %add3A_863 = arith.addi %mul3A_861, %add3A_862 : i32
      %swap3A_864 = arith.index_cast %add3A_863 : i32 to index
      %swap3A_865 = tpu.vector_load %arg9[%swap3A_864] {strides = array<i32>} : memref<4096xf32, #tpu.memory_space<vmem>>, vector<16xf32>,
      %swap3A_866 = vector.shape_cast %swap3A_865 : vector<16xf32> to vector<16xf32>
      %swap3A_867 = vector.shape_cast %add3A_859 : vector<16xf32> to vector<16xf32>
      tpu.vector_store %arg9[%swap3A_864], %swap3A_867 {strides = array<i32>} : memref<4096xf32, #tpu.memory_space<vmem>>, vector<16xf32>,
      %broadcast_in_dim3A_868 = arith.constant 0.000000e+00 : f32
      %broadcast_in_dim3A_869 = vector.broadcast %broadcast_in_dim3A_868 : f32 to vector<16xf32>
      %mul3A_870 = arith.constant 5 : i32
      %mul3A_871 = arith.muli %scan3A_20, %mul3A_870 : i32
      %add3A_872 = arith.constant 0 : i32
      %add3A_873 = arith.addi %mul3A_871, %add3A_872 : i32
      %mul3A_874 = arith.constant 16 : i32
      %mul3A_875 = arith.muli %add3A_873, %mul3A_874 : i32
      %get3A_876 = arith.index_cast %mul3A_875 : i32 to index
      %get3A_877 = tpu.vector_load %arg7[%get3A_876] {strides = array<i32>} : memref<1280xf32, #tpu.memory_space<vmem>>, vector<16xf32>,
      %get3A_878 = vector.shape_cast %get3A_877 : vector<16xf32> to vector<16xf32>
      %get3A_879 = arith.index_cast %add3A_873 : i32 to index
      %get3A_880 = arith.constant 160 : index
      %get3A_881 = tpu.vector_load %arg8[%get3A_879, %get3A_880] {strides = array<i32>} : memref<80x256xf32, #tpu.memory_space<vmem>>, vector<1x16xf32>,
      %get3A_882 = vector.shape_cast %get3A_881 : vector<1x16xf32> to vector<16xf32>
      %mul3A_883 = arith.mulf %get3A_878, %get3A_882 : vector<16xf32>
      %add3A_884 = arith.addf %broadcast_in_dim3A_869, %mul3A_883 : vector<16xf32>
      %mul3A_885 = arith.constant 5 : i32
      %mul3A_886 = arith.muli %scan3A_20, %mul3A_885 : i32
      %add3A_887 = arith.constant 1 : i32
      %add3A_888 = arith.addi %mul3A_886, %add3A_887 : i32
      %mul3A_889 = arith.constant 16 : i32
      %mul3A_890 = arith.muli %add3A_888, %mul3A_889 : i32
      %get3A_891 = arith.index_cast %mul3A_890 : i32 to index
      %get3A_892 = tpu.vector_load %arg7[%get3A_891] {strides = array<i32>} : memref<1280xf32, #tpu.memory_space<vmem>>, vector<16xf32>,
      %get3A_893 = vector.shape_cast %get3A_892 : vector<16xf32> to vector<16xf32>
      %get3A_894 = arith.index_cast %add3A_888 : i32 to index
      %get3A_895 = arith.constant 160 : index
      %get3A_896 = tpu.vector_load %arg8[%get3A_894, %get3A_895] {strides = array<i32>} : memref<80x256xf32, #tpu.memory_space<vmem>>, vector<1x16xf32>,
      %get3A_897 = vector.shape_cast %get3A_896 : vector<1x16xf32> to vector<16xf32>
      %mul3A_898 = arith.mulf %get3A_893, %get3A_897 : vector<16xf32>
      %add3A_899 = arith.addf %add3A_884, %mul3A_898 : vector<16xf32>
      %mul3A_900 = arith.constant 5 : i32
      %mul3A_901 = arith.muli %scan3A_20, %mul3A_900 : i32
      %add3A_902 = arith.constant 2 : i32
      %add3A_903 = arith.addi %mul3A_901, %add3A_902 : i32
      %mul3A_904 = arith.constant 16 : i32
      %mul3A_905 = arith.muli %add3A_903, %mul3A_904 : i32
      %get3A_906 = arith.index_cast %mul3A_905 : i32 to index
      %get3A_907 = tpu.vector_load %arg7[%get3A_906] {strides = array<i32>} : memref<1280xf32, #tpu.memory_space<vmem>>, vector<16xf32>,
      %get3A_908 = vector.shape_cast %get3A_907 : vector<16xf32> to vector<16xf32>
      %get3A_909 = arith.index_cast %add3A_903 : i32 to index
      %get3A_910 = arith.constant 160 : index
      %get3A_911 = tpu.vector_load %arg8[%get3A_909, %get3A_910] {strides = array<i32>} : memref<80x256xf32, #tpu.memory_space<vmem>>, vector<1x16xf32>,
      %get3A_912 = vector.shape_cast %get3A_911 : vector<1x16xf32> to vector<16xf32>
      %mul3A_913 = arith.mulf %get3A_908, %get3A_912 : vector<16xf32>
      %add3A_914 = arith.addf %add3A_899, %mul3A_913 : vector<16xf32>
      %mul3A_915 = arith.constant 5 : i32
      %mul3A_916 = arith.muli %scan3A_20, %mul3A_915 : i32
      %add3A_917 = arith.constant 3 : i32
      %add3A_918 = arith.addi %mul3A_916, %add3A_917 : i32
      %mul3A_919 = arith.constant 16 : i32
      %mul3A_920 = arith.muli %add3A_918, %mul3A_919 : i32
      %get3A_921 = arith.index_cast %mul3A_920 : i32 to index
      %get3A_922 = tpu.vector_load %arg7[%get3A_921] {strides = array<i32>} : memref<1280xf32, #tpu.memory_space<vmem>>, vector<16xf32>,
      %get3A_923 = vector.shape_cast %get3A_922 : vector<16xf32> to vector<16xf32>
      %get3A_924 = arith.index_cast %add3A_918 : i32 to index
      %get3A_925 = arith.constant 160 : index
      %get3A_926 = tpu.vector_load %arg8[%get3A_924, %get3A_925] {strides = array<i32>} : memref<80x256xf32, #tpu.memory_space<vmem>>, vector<1x16xf32>,
      %get3A_927 = vector.shape_cast %get3A_926 : vector<1x16xf32> to vector<16xf32>
      %mul3A_928 = arith.mulf %get3A_923, %get3A_927 : vector<16xf32>
      %add3A_929 = arith.addf %add3A_914, %mul3A_928 : vector<16xf32>
      %mul3A_930 = arith.constant 5 : i32
      %mul3A_931 = arith.muli %scan3A_20, %mul3A_930 : i32
      %add3A_932 = arith.constant 4 : i32
      %add3A_933 = arith.addi %mul3A_931, %add3A_932 : i32
      %mul3A_934 = arith.constant 16 : i32
      %mul3A_935 = arith.muli %add3A_933, %mul3A_934 : i32
      %get3A_936 = arith.index_cast %mul3A_935 : i32 to index
      %get3A_937 = tpu.vector_load %arg7[%get3A_936] {strides = array<i32>} : memref<1280xf32, #tpu.memory_space<vmem>>, vector<16xf32>,
      %get3A_938 = vector.shape_cast %get3A_937 : vector<16xf32> to vector<16xf32>
      %get3A_939 = arith.index_cast %add3A_933 : i32 to index
      %get3A_940 = arith.constant 160 : index
      %get3A_941 = tpu.vector_load %arg8[%get3A_939, %get3A_940] {strides = array<i32>} : memref<80x256xf32, #tpu.memory_space<vmem>>, vector<1x16xf32>,
      %get3A_942 = vector.shape_cast %get3A_941 : vector<1x16xf32> to vector<16xf32>
      %mul3A_943 = arith.mulf %get3A_938, %get3A_942 : vector<16xf32>
      %add3A_944 = arith.addf %add3A_929, %mul3A_943 : vector<16xf32>
      %mul3A_945 = arith.constant 256 : i32
      %mul3A_946 = arith.muli %scan3A_20, %mul3A_945 : i32
      %add3A_947 = arith.constant 160 : i32
      %add3A_948 = arith.addi %mul3A_946, %add3A_947 : i32
      %swap3A_949 = arith.index_cast %add3A_948 : i32 to index
      %swap3A_950 = tpu.vector_load %arg9[%swap3A_949] {strides = array<i32>} : memref<4096xf32, #tpu.memory_space<vmem>>, vector<16xf32>,
      %swap3A_951 = vector.shape_cast %swap3A_950 : vector<16xf32> to vector<16xf32>
      %swap3A_952 = vector.shape_cast %add3A_944 : vector<16xf32> to vector<16xf32>
      tpu.vector_store %arg9[%swap3A_949], %swap3A_952 {strides = array<i32>} : memref<4096xf32, #tpu.memory_space<vmem>>, vector<16xf32>,
      %broadcast_in_dim3A_953 = arith.constant 0.000000e+00 : f32
      %broadcast_in_dim3A_954 = vector.broadcast %broadcast_in_dim3A_953 : f32 to vector<16xf32>
      %mul3A_955 = arith.constant 5 : i32
      %mul3A_956 = arith.muli %scan3A_20, %mul3A_955 : i32
      %add3A_957 = arith.constant 0 : i32
      %add3A_958 = arith.addi %mul3A_956, %add3A_957 : i32
      %mul3A_959 = arith.constant 16 : i32
      %mul3A_960 = arith.muli %add3A_958, %mul3A_959 : i32
      %get3A_961 = arith.index_cast %mul3A_960 : i32 to index
      %get3A_962 = tpu.vector_load %arg7[%get3A_961] {strides = array<i32>} : memref<1280xf32, #tpu.memory_space<vmem>>, vector<16xf32>,
      %get3A_963 = vector.shape_cast %get3A_962 : vector<16xf32> to vector<16xf32>
      %get3A_964 = arith.index_cast %add3A_958 : i32 to index
      %get3A_965 = arith.constant 176 : index
      %get3A_966 = tpu.vector_load %arg8[%get3A_964, %get3A_965] {strides = array<i32>} : memref<80x256xf32, #tpu.memory_space<vmem>>, vector<1x16xf32>,
      %get3A_967 = vector.shape_cast %get3A_966 : vector<1x16xf32> to vector<16xf32>
      %mul3A_968 = arith.mulf %get3A_963, %get3A_967 : vector<16xf32>
      %add3A_969 = arith.addf %broadcast_in_dim3A_954, %mul3A_968 : vector<16xf32>
      %mul3A_970 = arith.constant 5 : i32
      %mul3A_971 = arith.muli %scan3A_20, %mul3A_970 : i32
      %add3A_972 = arith.constant 1 : i32
      %add3A_973 = arith.addi %mul3A_971, %add3A_972 : i32
      %mul3A_974 = arith.constant 16 : i32
      %mul3A_975 = arith.muli %add3A_973, %mul3A_974 : i32
      %get3A_976 = arith.index_cast %mul3A_975 : i32 to index
      %get3A_977 = tpu.vector_load %arg7[%get3A_976] {strides = array<i32>} : memref<1280xf32, #tpu.memory_space<vmem>>, vector<16xf32>,
      %get3A_978 = vector.shape_cast %get3A_977 : vector<16xf32> to vector<16xf32>
      %get3A_979 = arith.index_cast %add3A_973 : i32 to index
      %get3A_980 = arith.constant 176 : index
      %get3A_981 = tpu.vector_load %arg8[%get3A_979, %get3A_980] {strides = array<i32>} : memref<80x256xf32, #tpu.memory_space<vmem>>, vector<1x16xf32>,
      %get3A_982 = vector.shape_cast %get3A_981 : vector<1x16xf32> to vector<16xf32>
      %mul3A_983 = arith.mulf %get3A_978, %get3A_982 : vector<16xf32>
      %add3A_984 = arith.addf %add3A_969, %mul3A_983 : vector<16xf32>
      %mul3A_985 = arith.constant 5 : i32
      %mul3A_986 = arith.muli %scan3A_20, %mul3A_985 : i32
      %add3A_987 = arith.constant 2 : i32
      %add3A_988 = arith.addi %mul3A_986, %add3A_987 : i32
      %mul3A_989 = arith.constant 16 : i32
      %mul3A_990 = arith.muli %add3A_988, %mul3A_989 : i32
      %get3A_991 = arith.index_cast %mul3A_990 : i32 to index
      %get3A_992 = tpu.vector_load %arg7[%get3A_991] {strides = array<i32>} : memref<1280xf32, #tpu.memory_space<vmem>>, vector<16xf32>,
      %get3A_993 = vector.shape_cast %get3A_992 : vector<16xf32> to vector<16xf32>
      %get3A_994 = arith.index_cast %add3A_988 : i32 to index
      %get3A_995 = arith.constant 176 : index
      %get3A_996 = tpu.vector_load %arg8[%get3A_994, %get3A_995] {strides = array<i32>} : memref<80x256xf32, #tpu.memory_space<vmem>>, vector<1x16xf32>,
      %get3A_997 = vector.shape_cast %get3A_996 : vector<1x16xf32> to vector<16xf32>
      %mul3A_998 = arith.mulf %get3A_993, %get3A_997 : vector<16xf32>
      %add3A_999 = arith.addf %add3A_984, %mul3A_998 : vector<16xf32>
      %mul3A_1000 = arith.constant 5 : i32
      %mul3A_1001 = arith.muli %scan3A_20, %mul3A_1000 : i32
      %add3A_1002 = arith.constant 3 : i32
      %add3A_1003 = arith.addi %mul3A_1001, %add3A_1002 : i32
      %mul3A_1004 = arith.constant 16 : i32
      %mul3A_1005 = arith.muli %add3A_1003, %mul3A_1004 : i32
      %get3A_1006 = arith.index_cast %mul3A_1005 : i32 to index
      %get3A_1007 = tpu.vector_load %arg7[%get3A_1006] {strides = array<i32>} : memref<1280xf32, #tpu.memory_space<vmem>>, vector<16xf32>,
      %get3A_1008 = vector.shape_cast %get3A_1007 : vector<16xf32> to vector<16xf32>
      %get3A_1009 = arith.index_cast %add3A_1003 : i32 to index
      %get3A_1010 = arith.constant 176 : index
      %get3A_1011 = tpu.vector_load %arg8[%get3A_1009, %get3A_1010] {strides = array<i32>} : memref<80x256xf32, #tpu.memory_space<vmem>>, vector<1x16xf32>,
      %get3A_1012 = vector.shape_cast %get3A_1011 : vector<1x16xf32> to vector<16xf32>
      %mul3A_1013 = arith.mulf %get3A_1008, %get3A_1012 : vector<16xf32>
      %add3A_1014 = arith.addf %add3A_999, %mul3A_1013 : vector<16xf32>
      %mul3A_1015 = arith.constant 5 : i32
      %mul3A_1016 = arith.muli %scan3A_20, %mul3A_1015 : i32
      %add3A_1017 = arith.constant 4 : i32
      %add3A_1018 = arith.addi %mul3A_1016, %add3A_1017 : i32
      %mul3A_1019 = arith.constant 16 : i32
      %mul3A_1020 = arith.muli %add3A_1018, %mul3A_1019 : i32
      %get3A_1021 = arith.index_cast %mul3A_1020 : i32 to index
      %get3A_1022 = tpu.vector_load %arg7[%get3A_1021] {strides = array<i32>} : memref<1280xf32, #tpu.memory_space<vmem>>, vector<16xf32>,
      %get3A_1023 = vector.shape_cast %get3A_1022 : vector<16xf32> to vector<16xf32>
      %get3A_1024 = arith.index_cast %add3A_1018 : i32 to index
      %get3A_1025 = arith.constant 176 : index
      %get3A_1026 = tpu.vector_load %arg8[%get3A_1024, %get3A_1025] {strides = array<i32>} : memref<80x256xf32, #tpu.memory_space<vmem>>, vector<1x16xf32>,
      %get3A_1027 = vector.shape_cast %get3A_1026 : vector<1x16xf32> to vector<16xf32>
      %mul3A_1028 = arith.mulf %get3A_1023, %get3A_1027 : vector<16xf32>
      %add3A_1029 = arith.addf %add3A_1014, %mul3A_1028 : vector<16xf32>
      %mul3A_1030 = arith.constant 256 : i32
      %mul3A_1031 = arith.muli %scan3A_20, %mul3A_1030 : i32
      %add3A_1032 = arith.constant 176 : i32
      %add3A_1033 = arith.addi %mul3A_1031, %add3A_1032 : i32
      %swap3A_1034 = arith.index_cast %add3A_1033 : i32 to index
      %swap3A_1035 = tpu.vector_load %arg9[%swap3A_1034] {strides = array<i32>} : memref<4096xf32, #tpu.memory_space<vmem>>, vector<16xf32>,
      %swap3A_1036 = vector.shape_cast %swap3A_1035 : vector<16xf32> to vector<16xf32>
      %swap3A_1037 = vector.shape_cast %add3A_1029 : vector<16xf32> to vector<16xf32>
      tpu.vector_store %arg9[%swap3A_1034], %swap3A_1037 {strides = array<i32>} : memref<4096xf32, #tpu.memory_space<vmem>>, vector<16xf32>,
      %broadcast_in_dim3A_1038 = arith.constant 0.000000e+00 : f32
      %broadcast_in_dim3A_1039 = vector.broadcast %broadcast_in_dim3A_1038 : f32 to vector<16xf32>
      %mul3A_1040 = arith.constant 5 : i32
      %mul3A_1041 = arith.muli %scan3A_20, %mul3A_1040 : i32
      %add3A_1042 = arith.constant 0 : i32
      %add3A_1043 = arith.addi %mul3A_1041, %add3A_1042 : i32
      %mul3A_1044 = arith.constant 16 : i32
      %mul3A_1045 = arith.muli %add3A_1043, %mul3A_1044 : i32
      %get3A_1046 = arith.index_cast %mul3A_1045 : i32 to index
      %get3A_1047 = tpu.vector_load %arg7[%get3A_1046] {strides = array<i32>} : memref<1280xf32, #tpu.memory_space<vmem>>, vector<16xf32>,
      %get3A_1048 = vector.shape_cast %get3A_1047 : vector<16xf32> to vector<16xf32>
      %get3A_1049 = arith.index_cast %add3A_1043 : i32 to index
      %get3A_1050 = arith.constant 192 : index
      %get3A_1051 = tpu.vector_load %arg8[%get3A_1049, %get3A_1050] {strides = array<i32>} : memref<80x256xf32, #tpu.memory_space<vmem>>, vector<1x16xf32>,
      %get3A_1052 = vector.shape_cast %get3A_1051 : vector<1x16xf32> to vector<16xf32>
      %mul3A_1053 = arith.mulf %get3A_1048, %get3A_1052 : vector<16xf32>
      %add3A_1054 = arith.addf %broadcast_in_dim3A_1039, %mul3A_1053 : vector<16xf32>
      %mul3A_1055 = arith.constant 5 : i32
      %mul3A_1056 = arith.muli %scan3A_20, %mul3A_1055 : i32
      %add3A_1057 = arith.constant 1 : i32
      %add3A_1058 = arith.addi %mul3A_1056, %add3A_1057 : i32
      %mul3A_1059 = arith.constant 16 : i32
      %mul3A_1060 = arith.muli %add3A_1058, %mul3A_1059 : i32
      %get3A_1061 = arith.index_cast %mul3A_1060 : i32 to index
      %get3A_1062 = tpu.vector_load %arg7[%get3A_1061] {strides = array<i32>} : memref<1280xf32, #tpu.memory_space<vmem>>, vector<16xf32>,
      %get3A_1063 = vector.shape_cast %get3A_1062 : vector<16xf32> to vector<16xf32>
      %get3A_1064 = arith.index_cast %add3A_1058 : i32 to index
      %get3A_1065 = arith.constant 192 : index
      %get3A_1066 = tpu.vector_load %arg8[%get3A_1064, %get3A_1065] {strides = array<i32>} : memref<80x256xf32, #tpu.memory_space<vmem>>, vector<1x16xf32>,
      %get3A_1067 = vector.shape_cast %get3A_1066 : vector<1x16xf32> to vector<16xf32>
      %mul3A_1068 = arith.mulf %get3A_1063, %get3A_1067 : vector<16xf32>
      %add3A_1069 = arith.addf %add3A_1054, %mul3A_1068 : vector<16xf32>
      %mul3A_1070 = arith.constant 5 : i32
      %mul3A_1071 = arith.muli %scan3A_20, %mul3A_1070 : i32
      %add3A_1072 = arith.constant 2 : i32
      %add3A_1073 = arith.addi %mul3A_1071, %add3A_1072 : i32
      %mul3A_1074 = arith.constant 16 : i32
      %mul3A_1075 = arith.muli %add3A_1073, %mul3A_1074 : i32
      %get3A_1076 = arith.index_cast %mul3A_1075 : i32 to index
      %get3A_1077 = tpu.vector_load %arg7[%get3A_1076] {strides = array<i32>} : memref<1280xf32, #tpu.memory_space<vmem>>, vector<16xf32>,
      %get3A_1078 = vector.shape_cast %get3A_1077 : vector<16xf32> to vector<16xf32>
      %get3A_1079 = arith.index_cast %add3A_1073 : i32 to index
      %get3A_1080 = arith.constant 192 : index
      %get3A_1081 = tpu.vector_load %arg8[%get3A_1079, %get3A_1080] {strides = array<i32>} : memref<80x256xf32, #tpu.memory_space<vmem>>, vector<1x16xf32>,
      %get3A_1082 = vector.shape_cast %get3A_1081 : vector<1x16xf32> to vector<16xf32>
      %mul3A_1083 = arith.mulf %get3A_1078, %get3A_1082 : vector<16xf32>
      %add3A_1084 = arith.addf %add3A_1069, %mul3A_1083 : vector<16xf32>
      %mul3A_1085 = arith.constant 5 : i32
      %mul3A_1086 = arith.muli %scan3A_20, %mul3A_1085 : i32
      %add3A_1087 = arith.constant 3 : i32
      %add3A_1088 = arith.addi %mul3A_1086, %add3A_1087 : i32
      %mul3A_1089 = arith.constant 16 : i32
      %mul3A_1090 = arith.muli %add3A_1088, %mul3A_1089 : i32
      %get3A_1091 = arith.index_cast %mul3A_1090 : i32 to index
      %get3A_1092 = tpu.vector_load %arg7[%get3A_1091] {strides = array<i32>} : memref<1280xf32, #tpu.memory_space<vmem>>, vector<16xf32>,
      %get3A_1093 = vector.shape_cast %get3A_1092 : vector<16xf32> to vector<16xf32>
      %get3A_1094 = arith.index_cast %add3A_1088 : i32 to index
      %get3A_1095 = arith.constant 192 : index
      %get3A_1096 = tpu.vector_load %arg8[%get3A_1094, %get3A_1095] {strides = array<i32>} : memref<80x256xf32, #tpu.memory_space<vmem>>, vector<1x16xf32>,
      %get3A_1097 = vector.shape_cast %get3A_1096 : vector<1x16xf32> to vector<16xf32>
      %mul3A_1098 = arith.mulf %get3A_1093, %get3A_1097 : vector<16xf32>
      %add3A_1099 = arith.addf %add3A_1084, %mul3A_1098 : vector<16xf32>
      %mul3A_1100 = arith.constant 5 : i32
      %mul3A_1101 = arith.muli %scan3A_20, %mul3A_1100 : i32
      %add3A_1102 = arith.constant 4 : i32
      %add3A_1103 = arith.addi %mul3A_1101, %add3A_1102 : i32
      %mul3A_1104 = arith.constant 16 : i32
      %mul3A_1105 = arith.muli %add3A_1103, %mul3A_1104 : i32
      %get3A_1106 = arith.index_cast %mul3A_1105 : i32 to index
      %get3A_1107 = tpu.vector_load %arg7[%get3A_1106] {strides = array<i32>} : memref<1280xf32, #tpu.memory_space<vmem>>, vector<16xf32>,
      %get3A_1108 = vector.shape_cast %get3A_1107 : vector<16xf32> to vector<16xf32>
      %get3A_1109 = arith.index_cast %add3A_1103 : i32 to index
      %get3A_1110 = arith.constant 192 : index
      %get3A_1111 = tpu.vector_load %arg8[%get3A_1109, %get3A_1110] {strides = array<i32>} : memref<80x256xf32, #tpu.memory_space<vmem>>, vector<1x16xf32>,
      %get3A_1112 = vector.shape_cast %get3A_1111 : vector<1x16xf32> to vector<16xf32>
      %mul3A_1113 = arith.mulf %get3A_1108, %get3A_1112 : vector<16xf32>
      %add3A_1114 = arith.addf %add3A_1099, %mul3A_1113 : vector<16xf32>
      %mul3A_1115 = arith.constant 256 : i32
      %mul3A_1116 = arith.muli %scan3A_20, %mul3A_1115 : i32
      %add3A_1117 = arith.constant 192 : i32
      %add3A_1118 = arith.addi %mul3A_1116, %add3A_1117 : i32
      %swap3A_1119 = arith.index_cast %add3A_1118 : i32 to index
      %swap3A_1120 = tpu.vector_load %arg9[%swap3A_1119] {strides = array<i32>} : memref<4096xf32, #tpu.memory_space<vmem>>, vector<16xf32>,
      %swap3A_1121 = vector.shape_cast %swap3A_1120 : vector<16xf32> to vector<16xf32>
      %swap3A_1122 = vector.shape_cast %add3A_1114 : vector<16xf32> to vector<16xf32>
      tpu.vector_store %arg9[%swap3A_1119], %swap3A_1122 {strides = array<i32>} : memref<4096xf32, #tpu.memory_space<vmem>>, vector<16xf32>,
      %broadcast_in_dim3A_1123 = arith.constant 0.000000e+00 : f32
      %broadcast_in_dim3A_1124 = vector.broadcast %broadcast_in_dim3A_1123 : f32 to vector<16xf32>
      %mul3A_1125 = arith.constant 5 : i32
      %mul3A_1126 = arith.muli %scan3A_20, %mul3A_1125 : i32
      %add3A_1127 = arith.constant 0 : i32
      %add3A_1128 = arith.addi %mul3A_1126, %add3A_1127 : i32
      %mul3A_1129 = arith.constant 16 : i32
      %mul3A_1130 = arith.muli %add3A_1128, %mul3A_1129 : i32
      %get3A_1131 = arith.index_cast %mul3A_1130 : i32 to index
      %get3A_1132 = tpu.vector_load %arg7[%get3A_1131] {strides = array<i32>} : memref<1280xf32, #tpu.memory_space<vmem>>, vector<16xf32>,
      %get3A_1133 = vector.shape_cast %get3A_1132 : vector<16xf32> to vector<16xf32>
      %get3A_1134 = arith.index_cast %add3A_1128 : i32 to index
      %get3A_1135 = arith.constant 208 : index
      %get3A_1136 = tpu.vector_load %arg8[%get3A_1134, %get3A_1135] {strides = array<i32>} : memref<80x256xf32, #tpu.memory_space<vmem>>, vector<1x16xf32>,
      %get3A_1137 = vector.shape_cast %get3A_1136 : vector<1x16xf32> to vector<16xf32>
      %mul3A_1138 = arith.mulf %get3A_1133, %get3A_1137 : vector<16xf32>
      %add3A_1139 = arith.addf %broadcast_in_dim3A_1124, %mul3A_1138 : vector<16xf32>
      %mul3A_1140 = arith.constant 5 : i32
      %mul3A_1141 = arith.muli %scan3A_20, %mul3A_1140 : i32
      %add3A_1142 = arith.constant 1 : i32
      %add3A_1143 = arith.addi %mul3A_1141, %add3A_1142 : i32
      %mul3A_1144 = arith.constant 16 : i32
      %mul3A_1145 = arith.muli %add3A_1143, %mul3A_1144 : i32
      %get3A_1146 = arith.index_cast %mul3A_1145 : i32 to index
      %get3A_1147 = tpu.vector_load %arg7[%get3A_1146] {strides = array<i32>} : memref<1280xf32, #tpu.memory_space<vmem>>, vector<16xf32>,
      %get3A_1148 = vector.shape_cast %get3A_1147 : vector<16xf32> to vector<16xf32>
      %get3A_1149 = arith.index_cast %add3A_1143 : i32 to index
      %get3A_1150 = arith.constant 208 : index
      %get3A_1151 = tpu.vector_load %arg8[%get3A_1149, %get3A_1150] {strides = array<i32>} : memref<80x256xf32, #tpu.memory_space<vmem>>, vector<1x16xf32>,
      %get3A_1152 = vector.shape_cast %get3A_1151 : vector<1x16xf32> to vector<16xf32>
      %mul3A_1153 = arith.mulf %get3A_1148, %get3A_1152 : vector<16xf32>
      %add3A_1154 = arith.addf %add3A_1139, %mul3A_1153 : vector<16xf32>
      %mul3A_1155 = arith.constant 5 : i32
      %mul3A_1156 = arith.muli %scan3A_20, %mul3A_1155 : i32
      %add3A_1157 = arith.constant 2 : i32
      %add3A_1158 = arith.addi %mul3A_1156, %add3A_1157 : i32
      %mul3A_1159 = arith.constant 16 : i32
      %mul3A_1160 = arith.muli %add3A_1158, %mul3A_1159 : i32
      %get3A_1161 = arith.index_cast %mul3A_1160 : i32 to index
      %get3A_1162 = tpu.vector_load %arg7[%get3A_1161] {strides = array<i32>} : memref<1280xf32, #tpu.memory_space<vmem>>, vector<16xf32>,
      %get3A_1163 = vector.shape_cast %get3A_1162 : vector<16xf32> to vector<16xf32>
      %get3A_1164 = arith.index_cast %add3A_1158 : i32 to index
      %get3A_1165 = arith.constant 208 : index
      %get3A_1166 = tpu.vector_load %arg8[%get3A_1164, %get3A_1165] {strides = array<i32>} : memref<80x256xf32, #tpu.memory_space<vmem>>, vector<1x16xf32>,
      %get3A_1167 = vector.shape_cast %get3A_1166 : vector<1x16xf32> to vector<16xf32>
      %mul3A_1168 = arith.mulf %get3A_1163, %get3A_1167 : vector<16xf32>
      %add3A_1169 = arith.addf %add3A_1154, %mul3A_1168 : vector<16xf32>
      %mul3A_1170 = arith.constant 5 : i32
      %mul3A_1171 = arith.muli %scan3A_20, %mul3A_1170 : i32
      %add3A_1172 = arith.constant 3 : i32
      %add3A_1173 = arith.addi %mul3A_1171, %add3A_1172 : i32
      %mul3A_1174 = arith.constant 16 : i32
      %mul3A_1175 = arith.muli %add3A_1173, %mul3A_1174 : i32
      %get3A_1176 = arith.index_cast %mul3A_1175 : i32 to index
      %get3A_1177 = tpu.vector_load %arg7[%get3A_1176] {strides = array<i32>} : memref<1280xf32, #tpu.memory_space<vmem>>, vector<16xf32>,
      %get3A_1178 = vector.shape_cast %get3A_1177 : vector<16xf32> to vector<16xf32>
      %get3A_1179 = arith.index_cast %add3A_1173 : i32 to index
      %get3A_1180 = arith.constant 208 : index
      %get3A_1181 = tpu.vector_load %arg8[%get3A_1179, %get3A_1180] {strides = array<i32>} : memref<80x256xf32, #tpu.memory_space<vmem>>, vector<1x16xf32>,
      %get3A_1182 = vector.shape_cast %get3A_1181 : vector<1x16xf32> to vector<16xf32>
      %mul3A_1183 = arith.mulf %get3A_1178, %get3A_1182 : vector<16xf32>
      %add3A_1184 = arith.addf %add3A_1169, %mul3A_1183 : vector<16xf32>
      %mul3A_1185 = arith.constant 5 : i32
      %mul3A_1186 = arith.muli %scan3A_20, %mul3A_1185 : i32
      %add3A_1187 = arith.constant 4 : i32
      %add3A_1188 = arith.addi %mul3A_1186, %add3A_1187 : i32
      %mul3A_1189 = arith.constant 16 : i32
      %mul3A_1190 = arith.muli %add3A_1188, %mul3A_1189 : i32
      %get3A_1191 = arith.index_cast %mul3A_1190 : i32 to index
      %get3A_1192 = tpu.vector_load %arg7[%get3A_1191] {strides = array<i32>} : memref<1280xf32, #tpu.memory_space<vmem>>, vector<16xf32>,
      %get3A_1193 = vector.shape_cast %get3A_1192 : vector<16xf32> to vector<16xf32>
      %get3A_1194 = arith.index_cast %add3A_1188 : i32 to index
      %get3A_1195 = arith.constant 208 : index
      %get3A_1196 = tpu.vector_load %arg8[%get3A_1194, %get3A_1195] {strides = array<i32>} : memref<80x256xf32, #tpu.memory_space<vmem>>, vector<1x16xf32>,
      %get3A_1197 = vector.shape_cast %get3A_1196 : vector<1x16xf32> to vector<16xf32>
      %mul3A_1198 = arith.mulf %get3A_1193, %get3A_1197 : vector<16xf32>
      %add3A_1199 = arith.addf %add3A_1184, %mul3A_1198 : vector<16xf32>
      %mul3A_1200 = arith.constant 256 : i32
      %mul3A_1201 = arith.muli %scan3A_20, %mul3A_1200 : i32
      %add3A_1202 = arith.constant 208 : i32
      %add3A_1203 = arith.addi %mul3A_1201, %add3A_1202 : i32
      %swap3A_1204 = arith.index_cast %add3A_1203 : i32 to index
      %swap3A_1205 = tpu.vector_load %arg9[%swap3A_1204] {strides = array<i32>} : memref<4096xf32, #tpu.memory_space<vmem>>, vector<16xf32>,
      %swap3A_1206 = vector.shape_cast %swap3A_1205 : vector<16xf32> to vector<16xf32>
      %swap3A_1207 = vector.shape_cast %add3A_1199 : vector<16xf32> to vector<16xf32>
      tpu.vector_store %arg9[%swap3A_1204], %swap3A_1207 {strides = array<i32>} : memref<4096xf32, #tpu.memory_space<vmem>>, vector<16xf32>,
      %broadcast_in_dim3A_1208 = arith.constant 0.000000e+00 : f32
      %broadcast_in_dim3A_1209 = vector.broadcast %broadcast_in_dim3A_1208 : f32 to vector<16xf32>
      %mul3A_1210 = arith.constant 5 : i32
      %mul3A_1211 = arith.muli %scan3A_20, %mul3A_1210 : i32
      %add3A_1212 = arith.constant 0 : i32
      %add3A_1213 = arith.addi %mul3A_1211, %add3A_1212 : i32
      %mul3A_1214 = arith.constant 16 : i32
      %mul3A_1215 = arith.muli %add3A_1213, %mul3A_1214 : i32
      %get3A_1216 = arith.index_cast %mul3A_1215 : i32 to index
      %get3A_1217 = tpu.vector_load %arg7[%get3A_1216] {strides = array<i32>} : memref<1280xf32, #tpu.memory_space<vmem>>, vector<16xf32>,
      %get3A_1218 = vector.shape_cast %get3A_1217 : vector<16xf32> to vector<16xf32>
      %get3A_1219 = arith.index_cast %add3A_1213 : i32 to index
      %get3A_1220 = arith.constant 224 : index
      %get3A_1221 = tpu.vector_load %arg8[%get3A_1219, %get3A_1220] {strides = array<i32>} : memref<80x256xf32, #tpu.memory_space<vmem>>, vector<1x16xf32>,
      %get3A_1222 = vector.shape_cast %get3A_1221 : vector<1x16xf32> to vector<16xf32>
      %mul3A_1223 = arith.mulf %get3A_1218, %get3A_1222 : vector<16xf32>
      %add3A_1224 = arith.addf %broadcast_in_dim3A_1209, %mul3A_1223 : vector<16xf32>
      %mul3A_1225 = arith.constant 5 : i32
      %mul3A_1226 = arith.muli %scan3A_20, %mul3A_1225 : i32
      %add3A_1227 = arith.constant 1 : i32
      %add3A_1228 = arith.addi %mul3A_1226, %add3A_1227 : i32
      %mul3A_1229 = arith.constant 16 : i32
      %mul3A_1230 = arith.muli %add3A_1228, %mul3A_1229 : i32
      %get3A_1231 = arith.index_cast %mul3A_1230 : i32 to index
      %get3A_1232 = tpu.vector_load %arg7[%get3A_1231] {strides = array<i32>} : memref<1280xf32, #tpu.memory_space<vmem>>, vector<16xf32>,
      %get3A_1233 = vector.shape_cast %get3A_1232 : vector<16xf32> to vector<16xf32>
      %get3A_1234 = arith.index_cast %add3A_1228 : i32 to index
      %get3A_1235 = arith.constant 224 : index
      %get3A_1236 = tpu.vector_load %arg8[%get3A_1234, %get3A_1235] {strides = array<i32>} : memref<80x256xf32, #tpu.memory_space<vmem>>, vector<1x16xf32>,
      %get3A_1237 = vector.shape_cast %get3A_1236 : vector<1x16xf32> to vector<16xf32>
      %mul3A_1238 = arith.mulf %get3A_1233, %get3A_1237 : vector<16xf32>
      %add3A_1239 = arith.addf %add3A_1224, %mul3A_1238 : vector<16xf32>
      %mul3A_1240 = arith.constant 5 : i32
      %mul3A_1241 = arith.muli %scan3A_20, %mul3A_1240 : i32
      %add3A_1242 = arith.constant 2 : i32
      %add3A_1243 = arith.addi %mul3A_1241, %add3A_1242 : i32
      %mul3A_1244 = arith.constant 16 : i32
      %mul3A_1245 = arith.muli %add3A_1243, %mul3A_1244 : i32
      %get3A_1246 = arith.index_cast %mul3A_1245 : i32 to index
      %get3A_1247 = tpu.vector_load %arg7[%get3A_1246] {strides = array<i32>} : memref<1280xf32, #tpu.memory_space<vmem>>, vector<16xf32>,
      %get3A_1248 = vector.shape_cast %get3A_1247 : vector<16xf32> to vector<16xf32>
      %get3A_1249 = arith.index_cast %add3A_1243 : i32 to index
      %get3A_1250 = arith.constant 224 : index
      %get3A_1251 = tpu.vector_load %arg8[%get3A_1249, %get3A_1250] {strides = array<i32>} : memref<80x256xf32, #tpu.memory_space<vmem>>, vector<1x16xf32>,
      %get3A_1252 = vector.shape_cast %get3A_1251 : vector<1x16xf32> to vector<16xf32>
      %mul3A_1253 = arith.mulf %get3A_1248, %get3A_1252 : vector<16xf32>
      %add3A_1254 = arith.addf %add3A_1239, %mul3A_1253 : vector<16xf32>
      %mul3A_1255 = arith.constant 5 : i32
      %mul3A_1256 = arith.muli %scan3A_20, %mul3A_1255 : i32
      %add3A_1257 = arith.constant 3 : i32
      %add3A_1258 = arith.addi %mul3A_1256, %add3A_1257 : i32
      %mul3A_1259 = arith.constant 16 : i32
      %mul3A_1260 = arith.muli %add3A_1258, %mul3A_1259 : i32
      %get3A_1261 = arith.index_cast %mul3A_1260 : i32 to index
      %get3A_1262 = tpu.vector_load %arg7[%get3A_1261] {strides = array<i32>} : memref<1280xf32, #tpu.memory_space<vmem>>, vector<16xf32>,
      %get3A_1263 = vector.shape_cast %get3A_1262 : vector<16xf32> to vector<16xf32>
      %get3A_1264 = arith.index_cast %add3A_1258 : i32 to index
      %get3A_1265 = arith.constant 224 : index
      %get3A_1266 = tpu.vector_load %arg8[%get3A_1264, %get3A_1265] {strides = array<i32>} : memref<80x256xf32, #tpu.memory_space<vmem>>, vector<1x16xf32>,
      %get3A_1267 = vector.shape_cast %get3A_1266 : vector<1x16xf32> to vector<16xf32>
      %mul3A_1268 = arith.mulf %get3A_1263, %get3A_1267 : vector<16xf32>
      %add3A_1269 = arith.addf %add3A_1254, %mul3A_1268 : vector<16xf32>
      %mul3A_1270 = arith.constant 5 : i32
      %mul3A_1271 = arith.muli %scan3A_20, %mul3A_1270 : i32
      %add3A_1272 = arith.constant 4 : i32
      %add3A_1273 = arith.addi %mul3A_1271, %add3A_1272 : i32
      %mul3A_1274 = arith.constant 16 : i32
      %mul3A_1275 = arith.muli %add3A_1273, %mul3A_1274 : i32
      %get3A_1276 = arith.index_cast %mul3A_1275 : i32 to index
      %get3A_1277 = tpu.vector_load %arg7[%get3A_1276] {strides = array<i32>} : memref<1280xf32, #tpu.memory_space<vmem>>, vector<16xf32>,
      %get3A_1278 = vector.shape_cast %get3A_1277 : vector<16xf32> to vector<16xf32>
      %get3A_1279 = arith.index_cast %add3A_1273 : i32 to index
      %get3A_1280 = arith.constant 224 : index
      %get3A_1281 = tpu.vector_load %arg8[%get3A_1279, %get3A_1280] {strides = array<i32>} : memref<80x256xf32, #tpu.memory_space<vmem>>, vector<1x16xf32>,
      %get3A_1282 = vector.shape_cast %get3A_1281 : vector<1x16xf32> to vector<16xf32>
      %mul3A_1283 = arith.mulf %get3A_1278, %get3A_1282 : vector<16xf32>
      %add3A_1284 = arith.addf %add3A_1269, %mul3A_1283 : vector<16xf32>
      %mul3A_1285 = arith.constant 256 : i32
      %mul3A_1286 = arith.muli %scan3A_20, %mul3A_1285 : i32
      %add3A_1287 = arith.constant 224 : i32
      %add3A_1288 = arith.addi %mul3A_1286, %add3A_1287 : i32
      %swap3A_1289 = arith.index_cast %add3A_1288 : i32 to index
      %swap3A_1290 = tpu.vector_load %arg9[%swap3A_1289] {strides = array<i32>} : memref<4096xf32, #tpu.memory_space<vmem>>, vector<16xf32>,
      %swap3A_1291 = vector.shape_cast %swap3A_1290 : vector<16xf32> to vector<16xf32>
      %swap3A_1292 = vector.shape_cast %add3A_1284 : vector<16xf32> to vector<16xf32>
      tpu.vector_store %arg9[%swap3A_1289], %swap3A_1292 {strides = array<i32>} : memref<4096xf32, #tpu.memory_space<vmem>>, vector<16xf32>,
      %broadcast_in_dim3A_1293 = arith.constant 0.000000e+00 : f32
      %broadcast_in_dim3A_1294 = vector.broadcast %broadcast_in_dim3A_1293 : f32 to vector<16xf32>
      %mul3A_1295 = arith.constant 5 : i32
      %mul3A_1296 = arith.muli %scan3A_20, %mul3A_1295 : i32
      %add3A_1297 = arith.constant 0 : i32
      %add3A_1298 = arith.addi %mul3A_1296, %add3A_1297 : i32
      %mul3A_1299 = arith.constant 16 : i32
      %mul3A_1300 = arith.muli %add3A_1298, %mul3A_1299 : i32
      %get3A_1301 = arith.index_cast %mul3A_1300 : i32 to index
      %get3A_1302 = tpu.vector_load %arg7[%get3A_1301] {strides = array<i32>} : memref<1280xf32, #tpu.memory_space<vmem>>, vector<16xf32>,
      %get3A_1303 = vector.shape_cast %get3A_1302 : vector<16xf32> to vector<16xf32>
      %get3A_1304 = arith.index_cast %add3A_1298 : i32 to index
      %get3A_1305 = arith.constant 240 : index
      %get3A_1306 = tpu.vector_load %arg8[%get3A_1304, %get3A_1305] {strides = array<i32>} : memref<80x256xf32, #tpu.memory_space<vmem>>, vector<1x16xf32>,
      %get3A_1307 = vector.shape_cast %get3A_1306 : vector<1x16xf32> to vector<16xf32>
      %mul3A_1308 = arith.mulf %get3A_1303, %get3A_1307 : vector<16xf32>
      %add3A_1309 = arith.addf %broadcast_in_dim3A_1294, %mul3A_1308 : vector<16xf32>
      %mul3A_1310 = arith.constant 5 : i32
      %mul3A_1311 = arith.muli %scan3A_20, %mul3A_1310 : i32
      %add3A_1312 = arith.constant 1 : i32
      %add3A_1313 = arith.addi %mul3A_1311, %add3A_1312 : i32
      %mul3A_1314 = arith.constant 16 : i32
      %mul3A_1315 = arith.muli %add3A_1313, %mul3A_1314 : i32
      %get3A_1316 = arith.index_cast %mul3A_1315 : i32 to index
      %get3A_1317 = tpu.vector_load %arg7[%get3A_1316] {strides = array<i32>} : memref<1280xf32, #tpu.memory_space<vmem>>, vector<16xf32>,
      %get3A_1318 = vector.shape_cast %get3A_1317 : vector<16xf32> to vector<16xf32>
      %get3A_1319 = arith.index_cast %add3A_1313 : i32 to index
      %get3A_1320 = arith.constant 240 : index
      %get3A_1321 = tpu.vector_load %arg8[%get3A_1319, %get3A_1320] {strides = array<i32>} : memref<80x256xf32, #tpu.memory_space<vmem>>, vector<1x16xf32>,
      %get3A_1322 = vector.shape_cast %get3A_1321 : vector<1x16xf32> to vector<16xf32>
      %mul3A_1323 = arith.mulf %get3A_1318, %get3A_1322 : vector<16xf32>
      %add3A_1324 = arith.addf %add3A_1309, %mul3A_1323 : vector<16xf32>
      %mul3A_1325 = arith.constant 5 : i32
      %mul3A_1326 = arith.muli %scan3A_20, %mul3A_1325 : i32
      %add3A_1327 = arith.constant 2 : i32
      %add3A_1328 = arith.addi %mul3A_1326, %add3A_1327 : i32
      %mul3A_1329 = arith.constant 16 : i32
      %mul3A_1330 = arith.muli %add3A_1328, %mul3A_1329 : i32
      %get3A_1331 = arith.index_cast %mul3A_1330 : i32 to index
      %get3A_1332 = tpu.vector_load %arg7[%get3A_1331] {strides = array<i32>} : memref<1280xf32, #tpu.memory_space<vmem>>, vector<16xf32>,
      %get3A_1333 = vector.shape_cast %get3A_1332 : vector<16xf32> to vector<16xf32>
      %get3A_1334 = arith.index_cast %add3A_1328 : i32 to index
      %get3A_1335 = arith.constant 240 : index
      %get3A_1336 = tpu.vector_load %arg8[%get3A_1334, %get3A_1335] {strides = array<i32>} : memref<80x256xf32, #tpu.memory_space<vmem>>, vector<1x16xf32>,
      %get3A_1337 = vector.shape_cast %get3A_1336 : vector<1x16xf32> to vector<16xf32>
      %mul3A_1338 = arith.mulf %get3A_1333, %get3A_1337 : vector<16xf32>
      %add3A_1339 = arith.addf %add3A_1324, %mul3A_1338 : vector<16xf32>
      %mul3A_1340 = arith.constant 5 : i32
      %mul3A_1341 = arith.muli %scan3A_20, %mul3A_1340 : i32
      %add3A_1342 = arith.constant 3 : i32
      %add3A_1343 = arith.addi %mul3A_1341, %add3A_1342 : i32
      %mul3A_1344 = arith.constant 16 : i32
      %mul3A_1345 = arith.muli %add3A_1343, %mul3A_1344 : i32
      %get3A_1346 = arith.index_cast %mul3A_1345 : i32 to index
      %get3A_1347 = tpu.vector_load %arg7[%get3A_1346] {strides = array<i32>} : memref<1280xf32, #tpu.memory_space<vmem>>, vector<16xf32>,
      %get3A_1348 = vector.shape_cast %get3A_1347 : vector<16xf32> to vector<16xf32>
      %get3A_1349 = arith.index_cast %add3A_1343 : i32 to index
      %get3A_1350 = arith.constant 240 : index
      %get3A_1351 = tpu.vector_load %arg8[%get3A_1349, %get3A_1350] {strides = array<i32>} : memref<80x256xf32, #tpu.memory_space<vmem>>, vector<1x16xf32>,
      %get3A_1352 = vector.shape_cast %get3A_1351 : vector<1x16xf32> to vector<16xf32>
      %mul3A_1353 = arith.mulf %get3A_1348, %get3A_1352 : vector<16xf32>
      %add3A_1354 = arith.addf %add3A_1339, %mul3A_1353 : vector<16xf32>
      %mul3A_1355 = arith.constant 5 : i32
      %mul3A_1356 = arith.muli %scan3A_20, %mul3A_1355 : i32
      %add3A_1357 = arith.constant 4 : i32
      %add3A_1358 = arith.addi %mul3A_1356, %add3A_1357 : i32
      %mul3A_1359 = arith.constant 16 : i32
      %mul3A_1360 = arith.muli %add3A_1358, %mul3A_1359 : i32
      %get3A_1361 = arith.index_cast %mul3A_1360 : i32 to index
      %get3A_1362 = tpu.vector_load %arg7[%get3A_1361] {strides = array<i32>} : memref<1280xf32, #tpu.memory_space<vmem>>, vector<16xf32>,
      %get3A_1363 = vector.shape_cast %get3A_1362 : vector<16xf32> to vector<16xf32>
      %get3A_1364 = arith.index_cast %add3A_1358 : i32 to index
      %get3A_1365 = arith.constant 240 : index
      %get3A_1366 = tpu.vector_load %arg8[%get3A_1364, %get3A_1365] {strides = array<i32>} : memref<80x256xf32, #tpu.memory_space<vmem>>, vector<1x16xf32>,
      %get3A_1367 = vector.shape_cast %get3A_1366 : vector<1x16xf32> to vector<16xf32>
      %mul3A_1368 = arith.mulf %get3A_1363, %get3A_1367 : vector<16xf32>
      %add3A_1369 = arith.addf %add3A_1354, %mul3A_1368 : vector<16xf32>
      %mul3A_1370 = arith.constant 256 : i32
      %mul3A_1371 = arith.muli %scan3A_20, %mul3A_1370 : i32
      %add3A_1372 = arith.constant 240 : i32
      %add3A_1373 = arith.addi %mul3A_1371, %add3A_1372 : i32
      %swap3A_1374 = arith.index_cast %add3A_1373 : i32 to index
      %swap3A_1375 = tpu.vector_load %arg9[%swap3A_1374] {strides = array<i32>} : memref<4096xf32, #tpu.memory_space<vmem>>, vector<16xf32>,
      %swap3A_1376 = vector.shape_cast %swap3A_1375 : vector<16xf32> to vector<16xf32>
      %swap3A_1377 = vector.shape_cast %add3A_1369 : vector<16xf32> to vector<16xf32>
      tpu.vector_store %arg9[%swap3A_1374], %swap3A_1377 {strides = array<i32>} : memref<4096xf32, #tpu.memory_space<vmem>>, vector<16xf32>,
    }
    %scan3A_15 = arith.constant 16 : i32
    %mul3A_16 = arith.constant 16 : i32
    %mul3A_17 = arith.muli %add3A, %mul3A_16 : i32
    %mul3A_18 = arith.constant 256 : i32
    %mul3A_19 = arith.muli %mul3A_17, %mul3A_18 : i32
    "tpu.region"() ({
      %run_scoped3A = tpu.sem_alloc : memref<!tpu.dma_semaphore, #tpu.memory_space<semaphore_mem>>
      %dma_start3A_20 = tpu.memref_slice %arg5[%mul3A_19] : memref<131072xf32, #tpu.memory_space<hbm>> -> memref<4096xf32, #tpu.memory_space<hbm>>
      %dma_start3A_21 = tpu.memref_slice %arg5[%mul3A_19] : memref<131072xf32, #tpu.memory_space<hbm>> -> memref<4096xf32, #tpu.memory_space<hbm>>
      tpu.enqueue_dma source(%arg9 : memref<4096xf32, #tpu.memory_space<vmem>>) target(%dma_start3A_21 : memref<4096xf32, #tpu.memory_space<hbm>>) target_semaphore(%run_scoped3A : memref<!tpu.dma_semaphore, #tpu.memory_space<semaphore_mem>>)
      %dma_wait3A_22 = tpu.memref_slice %arg5[%mul3A_19] : memref<131072xf32, #tpu.memory_space<hbm>> -> memref<4096xf32, #tpu.memory_space<hbm>>
      %dma_wait3A_23 = tpu.memref_slice %arg5[%mul3A_19] : memref<131072xf32, #tpu.memory_space<hbm>> -> memref<4096xf32, #tpu.memory_space<hbm>>
      tpu.wait_dma2 semaphore(%run_scoped3A : memref<!tpu.dma_semaphore, #tpu.memory_space<semaphore_mem>>) src(%arg9 : memref<4096xf32, #tpu.memory_space<vmem>>) dst(%dma_wait3A_23 : memref<4096xf32, #tpu.memory_space<hbm>>)
      tpu.yield
    }) : () -> ()
    return
  }
}

module attributes {stable_mosaic.version = 14 : i64} {
  func.func @_fused_kernel(%arg0: i32, %arg1: memref<1000x256xf32, #tpu.memory_space<vmem>>, %arg2: memref<256x512xf32, #tpu.memory_space<vmem>>, %arg3: memref<1x512xf32, #tpu.memory_space<vmem>>, %arg4: memref<512x64xf32, #tpu.memory_space<vmem>>, %arg5: memref<1000x1xi32, #tpu.memory_space<vmem>>, %arg6: memref<16xi32, #tpu.memory_space<smem>>, %arg7: memref<8x512xf32, #tpu.memory_space<vmem>>, %arg8: memref<8x64xf32, #tpu.memory_space<vmem>>, %arg9: memref<8x64xf32, #tpu.memory_space<vmem>>, %arg10: memref<8x64xf32, #tpu.memory_space<vmem>>, %arg11: memref<40x64xf32, #tpu.memory_space<vmem>>, %arg12: memref<40x64xi32, #tpu.memory_space<vmem>>, %arg13: memref<10000x64xf32, #tpu.memory_space<vmem>>) attributes {dimension_semantics = [#tpu.dimension_semantics<arbitrary>], iteration_bounds = array<i64: 10>, scalar_prefetch = 0 : i64, scratch_operands = 1 : i64, tpu.core_type = #tpu.core_type<tc>, window_params = [{transform_indices = @transform_0, window_bounds = array<i64: 1000, 256>}, {pipeline_mode = #tpu.pipeline_mode<synchronous>, transform_indices = @transform_1, window_bounds = array<i64: 256, 512>}, {pipeline_mode = #tpu.pipeline_mode<synchronous>, transform_indices = @transform_2, window_bounds = array<i64: 1, 512>}, {pipeline_mode = #tpu.pipeline_mode<synchronous>, transform_indices = @transform_3, window_bounds = array<i64: 512, 64>}, {transform_indices = @transform_4, window_bounds = array<i64: 1000, 1>}, {transform_indices = @transform_5, window_bounds = array<i64: 16>}, {pipeline_mode = #tpu.pipeline_mode<synchronous>, transform_indices = @transform_6, window_bounds = array<i64: 8, 512>}, {pipeline_mode = #tpu.pipeline_mode<synchronous>, transform_indices = @transform_7, window_bounds = array<i64: 8, 64>}, {pipeline_mode = #tpu.pipeline_mode<synchronous>, transform_indices = @transform_8, window_bounds = array<i64: 8, 64>}, {pipeline_mode = #tpu.pipeline_mode<synchronous>, transform_indices = @transform_9, window_bounds = array<i64: 8, 64>}, {pipeline_mode = #tpu.pipeline_mode<synchronous>, transform_indices = @transform_10, window_bounds = array<i64: 40, 64>}, {pipeline_mode = #tpu.pipeline_mode<synchronous>, transform_indices = @transform_11, window_bounds = array<i64: 40, 64>}]} {
    %get3A = arith.constant 0 : index
    %get3A_0 = arith.constant 0 : index
    %get3A_1 = vector.load %arg1[%get3A, %get3A_0] : memref<1000x256xf32, #tpu.memory_space<vmem>>, vector<1000x256xf32>
    %get3A_2 = arith.constant 0 : index
    %get3A_3 = arith.constant 0 : index
    %get3A_4 = vector.load %arg2[%get3A_2, %get3A_3] : memref<256x512xf32, #tpu.memory_space<vmem>>, vector<256x512xf32>
    %dot_general3A = arith.constant dense<0.000000e+00> : vector<1000x512xf32>
    %dot_general3A_5 = tpu.matmul %get3A_1, %get3A_4, %dot_general3A {dimension_numbers = #tpu.dot_dimension_numbers<[1], [0], [0], [1], [0, 0, 1, 1], [], []>, transpose_lhs_hint = false} : vector<1000x256xf32>, vector<256x512xf32>, vector<1000x512xf32> -> vector<1000x512xf32>
    %get3A_6 = arith.constant 0 : index
    %get3A_7 = arith.constant 0 : index
    %get3A_8 = vector.load %arg3[%get3A_6, %get3A_7] : memref<1x512xf32, #tpu.memory_space<vmem>>, vector<1x512xf32>
    %add3A = vector.broadcast %get3A_8 : vector<1x512xf32> to vector<1000x512xf32>
    %add3A_9 = arith.addf %dot_general3A_5, %add3A : vector<1000x512xf32>
    %get3A_10 = arith.constant 0 : index
    %get3A_11 = arith.constant 0 : index
    %get3A_12 = vector.load %arg4[%get3A_10, %get3A_11] : memref<512x64xf32, #tpu.memory_space<vmem>>, vector<512x64xf32>
    %dot_general3A_13 = arith.constant dense<0.000000e+00> : vector<1000x64xf32>
    %dot_general3A_14 = tpu.matmul %add3A_9, %get3A_12, %dot_general3A_13 {dimension_numbers = #tpu.dot_dimension_numbers<[1], [0], [0], [1], [0, 0, 1, 1], [], []>, transpose_lhs_hint = false} : vector<1000x512xf32>, vector<512x64xf32>, vector<1000x64xf32> -> vector<1000x64xf32>
    %mul3A = arith.constant 1000 : i32
    %mul3A_15 = arith.muli %arg0, %mul3A : i32
    %swap3A = arith.index_cast %mul3A_15 : i32 to index
    %swap3A_16 = arith.constant 0 : index
    %swap3A_17 = vector.load %arg13[%swap3A, %swap3A_16] : memref<10000x64xf32, #tpu.memory_space<vmem>>, vector<1000x64xf32>
    tpu.vector_store %arg13[%swap3A, %swap3A_16], %dot_general3A_14 {strides = array<i32>} : memref<10000x64xf32, #tpu.memory_space<vmem>>, vector<1000x64xf32>,
    %iota3A = tpu.iota {dimensions = array<i32: 1>} : vector<1000x8xi32>
    %get3A_18 = arith.constant 0 : index
    %get3A_19 = arith.constant 0 : index
    %get3A_20 = vector.load %arg5[%get3A_18, %get3A_19] : memref<1000x1xi32, #tpu.memory_space<vmem>>, vector<1000x1xi32>
    %eq3A = vector.broadcast %get3A_20 : vector<1000x1xi32> to vector<1000x8xi32>
    %eq3A_21 = arith.cmpi eq, %eq3A, %iota3A : vector<1000x8xi32>
    %convert_element_type3A = arith.extui %eq3A_21 : vector<1000x8xi1> to vector<1000x8xi32>
    %convert_element_type3A_22 = arith.sitofp %convert_element_type3A : vector<1000x8xi32> to vector<1000x8xf32>
    %dot_general3A_23 = arith.constant dense<0.000000e+00> : vector<8x512xf32>
    %dot_general3A_24 = tpu.matmul %convert_element_type3A_22, %add3A_9, %dot_general3A_23 {dimension_numbers = #tpu.dot_dimension_numbers<[0], [0], [1], [1], [0, 1, 1, 1], [], []>, precision = #tpu.contract_precision<fp32>, transpose_lhs_hint = false} : vector<1000x8xf32>, vector<1000x512xf32>, vector<8x512xf32> -> vector<8x512xf32>
    %eq3A_25 = arith.constant 0 : i32
    %eq3A_26 = arith.cmpi eq, %arg0, %eq3A_25 : i32
    %convert_element_type3A_27 = arith.extui %eq3A_26 : i1 to i32
    %cond3A = arith.constant 0 : i32
    %cond3A_28 = arith.cmpi ne, %convert_element_type3A_27, %cond3A : i32
    scf.if %cond3A_28 {
      %broadcast_in_dim3A = arith.constant 0.000000e+00 : f32
      %broadcast_in_dim3A_41 = vector.broadcast %broadcast_in_dim3A : f32 to vector<8x512xf32>
      %swap3A_42 = arith.constant 0 : index
      %swap3A_43 = arith.constant 0 : index
      %swap3A_44 = vector.load %arg7[%swap3A_42, %swap3A_43] : memref<8x512xf32, #tpu.memory_space<vmem>>, vector<8x512xf32>
      tpu.vector_store %arg7[%swap3A_42, %swap3A_43], %broadcast_in_dim3A_41 {strides = array<i32>} : memref<8x512xf32, #tpu.memory_space<vmem>>, vector<8x512xf32>,
    } else {
    }
    %get3A_29 = arith.constant 0 : index
    %get3A_30 = arith.constant 0 : index
    %get3A_31 = vector.load %arg7[%get3A_29, %get3A_30] : memref<8x512xf32, #tpu.memory_space<vmem>>, vector<8x512xf32>
    %add3A_32 = arith.addf %get3A_31, %dot_general3A_24 : vector<8x512xf32>
    %swap3A_33 = arith.constant 0 : index
    %swap3A_34 = arith.constant 0 : index
    %swap3A_35 = vector.load %arg7[%swap3A_33, %swap3A_34] : memref<8x512xf32, #tpu.memory_space<vmem>>, vector<8x512xf32>
    tpu.vector_store %arg7[%swap3A_33, %swap3A_34], %add3A_32 {strides = array<i32>} : memref<8x512xf32, #tpu.memory_space<vmem>>, vector<8x512xf32>,
    %eq3A_36 = arith.constant 9 : i32
    %eq3A_37 = arith.cmpi eq, %arg0, %eq3A_36 : i32
    %convert_element_type3A_38 = arith.extui %eq3A_37 : i1 to i32
    %cond3A_39 = arith.constant 0 : i32
    %cond3A_40 = arith.cmpi ne, %convert_element_type3A_38, %cond3A_39 : i32
    scf.if %cond3A_40 {
      %iota3A_41 = tpu.iota {dimensions = array<i32: 0>} : vector<1000x64xi32>
      %get3A_42 = arith.constant 0 : index
      %get3A_43 = memref.load %arg6[%get3A_42] : memref<16xi32, #tpu.memory_space<smem>>
      %get3A_44 = arith.constant 1 : index
      %get3A_45 = memref.load %arg6[%get3A_44] : memref<16xi32, #tpu.memory_space<smem>>
      %get3A_46 = arith.constant 1 : index
      %get3A_47 = memref.load %arg6[%get3A_46] : memref<16xi32, #tpu.memory_space<smem>>
      %get3A_48 = arith.constant 2 : index
      %get3A_49 = memref.load %arg6[%get3A_48] : memref<16xi32, #tpu.memory_space<smem>>
      %get3A_50 = arith.constant 2 : index
      %get3A_51 = memref.load %arg6[%get3A_50] : memref<16xi32, #tpu.memory_space<smem>>
      %get3A_52 = arith.constant 3 : index
      %get3A_53 = memref.load %arg6[%get3A_52] : memref<16xi32, #tpu.memory_space<smem>>
      %get3A_54 = arith.constant 3 : index
      %get3A_55 = memref.load %arg6[%get3A_54] : memref<16xi32, #tpu.memory_space<smem>>
      %get3A_56 = arith.constant 4 : index
      %get3A_57 = memref.load %arg6[%get3A_56] : memref<16xi32, #tpu.memory_space<smem>>
      %get3A_58 = arith.constant 4 : index
      %get3A_59 = memref.load %arg6[%get3A_58] : memref<16xi32, #tpu.memory_space<smem>>
      %get3A_60 = arith.constant 5 : index
      %get3A_61 = memref.load %arg6[%get3A_60] : memref<16xi32, #tpu.memory_space<smem>>
      %get3A_62 = arith.constant 5 : index
      %get3A_63 = memref.load %arg6[%get3A_62] : memref<16xi32, #tpu.memory_space<smem>>
      %get3A_64 = arith.constant 6 : index
      %get3A_65 = memref.load %arg6[%get3A_64] : memref<16xi32, #tpu.memory_space<smem>>
      %get3A_66 = arith.constant 6 : index
      %get3A_67 = memref.load %arg6[%get3A_66] : memref<16xi32, #tpu.memory_space<smem>>
      %get3A_68 = arith.constant 7 : index
      %get3A_69 = memref.load %arg6[%get3A_68] : memref<16xi32, #tpu.memory_space<smem>>
      %get3A_70 = arith.constant 7 : index
      %get3A_71 = memref.load %arg6[%get3A_70] : memref<16xi32, #tpu.memory_space<smem>>
      %get3A_72 = arith.constant 8 : index
      %get3A_73 = memref.load %arg6[%get3A_72] : memref<16xi32, #tpu.memory_space<smem>>
      %jit3A = arith.constant 1000 : i32
      %div3A = arith.divsi %get3A_43, %jit3A : i32
      %sign3A = arith.constant 0 : i32
      %sign3A_74 = arith.cmpi sgt, %get3A_43, %sign3A : i32
      %sign3A_75 = arith.extui %sign3A_74 : i1 to i32
      %sign3A_76 = arith.constant 0 : i32
      %sign3A_77 = arith.cmpi slt, %get3A_43, %sign3A_76 : i32
      %sign3A_78 = arith.extui %sign3A_77 : i1 to i32
      %sign3A_79 = arith.subi %sign3A_75, %sign3A_78 : i32
      %sign3A_80 = arith.constant 0 : i32
      %sign3A_81 = arith.cmpi sgt, %jit3A, %sign3A_80 : i32
      %sign3A_82 = arith.extui %sign3A_81 : i1 to i32
      %sign3A_83 = arith.constant 0 : i32
      %sign3A_84 = arith.cmpi slt, %jit3A, %sign3A_83 : i32
      %sign3A_85 = arith.extui %sign3A_84 : i1 to i32
      %sign3A_86 = arith.subi %sign3A_82, %sign3A_85 : i32
      %ne3A = arith.cmpi ne, %sign3A_79, %sign3A_86 : i32
      %rem3A = arith.remsi %get3A_43, %jit3A : i32
      %ne3A_87 = arith.constant 0 : i32
      %ne3A_88 = arith.cmpi ne, %rem3A, %ne3A_87 : i32
      %and3A = arith.andi %ne3A, %ne3A_88 : i1
      %sub3A = arith.constant 1 : i32
      %sub3A_89 = arith.subi %div3A, %sub3A : i32
      %select_n3A = arith.select %and3A, %sub3A_89, %div3A : i32
      %add3A_90 = arith.constant 1000 : i32
      %add3A_91 = arith.addi %get3A_45, %add3A_90 : i32
      %sub3A_92 = arith.constant 1 : i32
      %sub3A_93 = arith.subi %add3A_91, %sub3A_92 : i32
      %jit3A_94 = arith.constant 1000 : i32
      %div3A_95 = arith.divsi %sub3A_93, %jit3A_94 : i32
      %sign3A_96 = arith.constant 0 : i32
      %sign3A_97 = arith.cmpi sgt, %sub3A_93, %sign3A_96 : i32
      %sign3A_98 = arith.extui %sign3A_97 : i1 to i32
      %sign3A_99 = arith.constant 0 : i32
      %sign3A_100 = arith.cmpi slt, %sub3A_93, %sign3A_99 : i32
      %sign3A_101 = arith.extui %sign3A_100 : i1 to i32
      %sign3A_102 = arith.subi %sign3A_98, %sign3A_101 : i32
      %sign3A_103 = arith.constant 0 : i32
      %sign3A_104 = arith.cmpi sgt, %jit3A_94, %sign3A_103 : i32
      %sign3A_105 = arith.extui %sign3A_104 : i1 to i32
      %sign3A_106 = arith.constant 0 : i32
      %sign3A_107 = arith.cmpi slt, %jit3A_94, %sign3A_106 : i32
      %sign3A_108 = arith.extui %sign3A_107 : i1 to i32
      %sign3A_109 = arith.subi %sign3A_105, %sign3A_108 : i32
      %ne3A_110 = arith.cmpi ne, %sign3A_102, %sign3A_109 : i32
      %rem3A_111 = arith.remsi %sub3A_93, %jit3A_94 : i32
      %ne3A_112 = arith.constant 0 : i32
      %ne3A_113 = arith.cmpi ne, %rem3A_111, %ne3A_112 : i32
      %and3A_114 = arith.andi %ne3A_110, %ne3A_113 : i1
      %sub3A_115 = arith.constant 1 : i32
      %sub3A_116 = arith.subi %div3A_95, %sub3A_115 : i32
      %select_n3A_117 = arith.select %and3A_114, %sub3A_116, %div3A_95 : i32
      %max3A = arith.maxsi %select_n3A_117, %select_n3A : i32
      %broadcast_in_dim3A = arith.constant 0xFF800000 : f32
      %broadcast_in_dim3A_118 = vector.broadcast %broadcast_in_dim3A : f32 to vector<5x64xf32>
      %broadcast_in_dim3A_119 = arith.constant 10000 : i32
      %broadcast_in_dim3A_120 = vector.broadcast %broadcast_in_dim3A_119 : i32 to vector<5x64xi32>
      %while3A = arith.constant 0xFF800000 : f32
      %while3A_121 = arith.subi %max3A, %select_n3A : i32
      %while3A_122 = arith.addi %select_n3A, %while3A_121 : i32
      %while3A_123 = arith.constant 1 : i32
      %while3A_124 = arith.divsi %while3A_121, %while3A_123 : i32
      %while3A_125 = arith.muli %while3A_124, %while3A_123 : i32
      %while3A_126 = arith.addi %select_n3A, %while3A_125 : i32
      %while3A_127 = arith.constant 1 : i32
      %while3A_128:2 = scf.for %while3A_860 = %select_n3A to %while3A_126 step %while3A_127 iter_args(%while3A_861 = %broadcast_in_dim3A_118, %while3A_862 = %broadcast_in_dim3A_120) -> (vector<5x64xf32>, vector<5x64xi32>)  : i32 {
        %mul3A_863 = arith.constant 1000 : i32
        %mul3A_864 = arith.muli %while3A_860, %mul3A_863 : i32
        %get3A_865 = arith.index_cast %mul3A_864 : i32 to index
        %get3A_866 = arith.constant 0 : index
        %get3A_867 = vector.load %arg13[%get3A_865, %get3A_866] : memref<10000x64xf32, #tpu.memory_space<vmem>>, vector<1000x64xf32>
        %mul3A_868 = arith.constant 1000 : i32
        %mul3A_869 = arith.muli %while3A_860, %mul3A_868 : i32
        %add3A_870 = vector.broadcast %mul3A_869 : i32 to vector<1000x64xi32>
        %add3A_871 = arith.addi %iota3A_41, %add3A_870 : vector<1000x64xi32>
        %ge3A = vector.broadcast %get3A_43 : i32 to vector<1000x64xi32>
        %ge3A_872 = arith.cmpi sge, %add3A_871, %ge3A : vector<1000x64xi32>
        %lt3A = vector.broadcast %get3A_45 : i32 to vector<1000x64xi32>
        %lt3A_873 = arith.cmpi slt, %add3A_871, %lt3A : vector<1000x64xi32>
        %and3A_874 = arith.andi %ge3A_872, %lt3A_873 : vector<1000x64xi1>
        %broadcast_in_dim3A_875 = vector.broadcast %while3A : f32 to vector<1000x64xf32>
        %select_n3A_876 = arith.select %and3A_874, %get3A_867, %broadcast_in_dim3A_875 : vector<1000x64xi1>, vector<1000x64xf32>
        %reduce_max3A = arith.constant dense<0xFF800000> : vector<64xf32>
        %reduce_max3A_877 = vector.multi_reduction <maximumf>, %select_n3A_876, %reduce_max3A [0] : vector<1000x64xf32> to vector<64xf32>
        %broadcast_in_dim3A_878 = vector.shape_cast %reduce_max3A_877 : vector<64xf32> to vector<1x64xf32>
        %eq3A_879 = vector.broadcast %broadcast_in_dim3A_878 : vector<1x64xf32> to vector<1000x64xf32>
        %eq3A_880 = arith.cmpf oeq, %select_n3A_876, %eq3A_879 : vector<1000x64xf32>
        %gt3A_881 = vector.broadcast %while3A : f32 to vector<1x64xf32>
        %gt3A_882 = arith.cmpf ogt, %broadcast_in_dim3A_878, %gt3A_881 : vector<1x64xf32>
        %and3A_883 = vector.broadcast %gt3A_882 : vector<1x64xi1> to vector<1000x64xi1>
        %and3A_884 = arith.andi %eq3A_880, %and3A_883 : vector<1000x64xi1>
        %jit3A_885 = arith.constant 10000 : i32
        %broadcast_in_dim3A_886 = vector.broadcast %jit3A_885 : i32 to vector<1000x64xi32>
        %select_n3A_887 = arith.select %and3A_884, %add3A_871, %broadcast_in_dim3A_886 : vector<1000x64xi1>, vector<1000x64xi32>
        %reduce_min3A = arith.constant dense<2147483647> : vector<64xi32>
        %reduce_min3A_888 = vector.multi_reduction <minsi>, %select_n3A_887, %reduce_min3A [0] : vector<1000x64xi32> to vector<64xi32>
        %broadcast_in_dim3A_889 = vector.shape_cast %reduce_min3A_888 : vector<64xi32> to vector<1x64xi32>
        %eq3A_890 = vector.broadcast %broadcast_in_dim3A_889 : vector<1x64xi32> to vector<1000x64xi32>
        %eq3A_891 = arith.cmpi eq, %add3A_871, %eq3A_890 : vector<1000x64xi32>
        %broadcast_in_dim3A_892 = vector.broadcast %while3A : f32 to vector<1000x64xf32>
        %select_n3A_893 = arith.select %eq3A_891, %broadcast_in_dim3A_892, %select_n3A_876 : vector<1000x64xi1>, vector<1000x64xf32>
        %reduce_max3A_894 = arith.constant dense<0xFF800000> : vector<64xf32>
        %reduce_max3A_895 = vector.multi_reduction <maximumf>, %select_n3A_893, %reduce_max3A_894 [0] : vector<1000x64xf32> to vector<64xf32>
        %broadcast_in_dim3A_896 = vector.shape_cast %reduce_max3A_895 : vector<64xf32> to vector<1x64xf32>
        %eq3A_897 = vector.broadcast %broadcast_in_dim3A_896 : vector<1x64xf32> to vector<1000x64xf32>
        %eq3A_898 = arith.cmpf oeq, %select_n3A_893, %eq3A_897 : vector<1000x64xf32>
        %gt3A_899 = vector.broadcast %while3A : f32 to vector<1x64xf32>
        %gt3A_900 = arith.cmpf ogt, %broadcast_in_dim3A_896, %gt3A_899 : vector<1x64xf32>
        %and3A_901 = vector.broadcast %gt3A_900 : vector<1x64xi1> to vector<1000x64xi1>
        %and3A_902 = arith.andi %eq3A_898, %and3A_901 : vector<1000x64xi1>
        %jit3A_903 = arith.constant 10000 : i32
        %broadcast_in_dim3A_904 = vector.broadcast %jit3A_903 : i32 to vector<1000x64xi32>
        %select_n3A_905 = arith.select %and3A_902, %add3A_871, %broadcast_in_dim3A_904 : vector<1000x64xi1>, vector<1000x64xi32>
        %reduce_min3A_906 = arith.constant dense<2147483647> : vector<64xi32>
        %reduce_min3A_907 = vector.multi_reduction <minsi>, %select_n3A_905, %reduce_min3A_906 [0] : vector<1000x64xi32> to vector<64xi32>
        %broadcast_in_dim3A_908 = vector.shape_cast %reduce_min3A_907 : vector<64xi32> to vector<1x64xi32>
        %eq3A_909 = vector.broadcast %broadcast_in_dim3A_908 : vector<1x64xi32> to vector<1000x64xi32>
        %eq3A_910 = arith.cmpi eq, %add3A_871, %eq3A_909 : vector<1000x64xi32>
        %broadcast_in_dim3A_911 = vector.broadcast %while3A : f32 to vector<1000x64xf32>
        %select_n3A_912 = arith.select %eq3A_910, %broadcast_in_dim3A_911, %select_n3A_893 : vector<1000x64xi1>, vector<1000x64xf32>
        %reduce_max3A_913 = arith.constant dense<0xFF800000> : vector<64xf32>
        %reduce_max3A_914 = vector.multi_reduction <maximumf>, %select_n3A_912, %reduce_max3A_913 [0] : vector<1000x64xf32> to vector<64xf32>
        %broadcast_in_dim3A_915 = vector.shape_cast %reduce_max3A_914 : vector<64xf32> to vector<1x64xf32>
        %eq3A_916 = vector.broadcast %broadcast_in_dim3A_915 : vector<1x64xf32> to vector<1000x64xf32>
        %eq3A_917 = arith.cmpf oeq, %select_n3A_912, %eq3A_916 : vector<1000x64xf32>
        %gt3A_918 = vector.broadcast %while3A : f32 to vector<1x64xf32>
        %gt3A_919 = arith.cmpf ogt, %broadcast_in_dim3A_915, %gt3A_918 : vector<1x64xf32>
        %and3A_920 = vector.broadcast %gt3A_919 : vector<1x64xi1> to vector<1000x64xi1>
        %and3A_921 = arith.andi %eq3A_917, %and3A_920 : vector<1000x64xi1>
        %jit3A_922 = arith.constant 10000 : i32
        %broadcast_in_dim3A_923 = vector.broadcast %jit3A_922 : i32 to vector<1000x64xi32>
        %select_n3A_924 = arith.select %and3A_921, %add3A_871, %broadcast_in_dim3A_923 : vector<1000x64xi1>, vector<1000x64xi32>
        %reduce_min3A_925 = arith.constant dense<2147483647> : vector<64xi32>
        %reduce_min3A_926 = vector.multi_reduction <minsi>, %select_n3A_924, %reduce_min3A_925 [0] : vector<1000x64xi32> to vector<64xi32>
        %broadcast_in_dim3A_927 = vector.shape_cast %reduce_min3A_926 : vector<64xi32> to vector<1x64xi32>
        %eq3A_928 = vector.broadcast %broadcast_in_dim3A_927 : vector<1x64xi32> to vector<1000x64xi32>
        %eq3A_929 = arith.cmpi eq, %add3A_871, %eq3A_928 : vector<1000x64xi32>
        %broadcast_in_dim3A_930 = vector.broadcast %while3A : f32 to vector<1000x64xf32>
        %select_n3A_931 = arith.select %eq3A_929, %broadcast_in_dim3A_930, %select_n3A_912 : vector<1000x64xi1>, vector<1000x64xf32>
        %reduce_max3A_932 = arith.constant dense<0xFF800000> : vector<64xf32>
        %reduce_max3A_933 = vector.multi_reduction <maximumf>, %select_n3A_931, %reduce_max3A_932 [0] : vector<1000x64xf32> to vector<64xf32>
        %broadcast_in_dim3A_934 = vector.shape_cast %reduce_max3A_933 : vector<64xf32> to vector<1x64xf32>
        %eq3A_935 = vector.broadcast %broadcast_in_dim3A_934 : vector<1x64xf32> to vector<1000x64xf32>
        %eq3A_936 = arith.cmpf oeq, %select_n3A_931, %eq3A_935 : vector<1000x64xf32>
        %gt3A_937 = vector.broadcast %while3A : f32 to vector<1x64xf32>
        %gt3A_938 = arith.cmpf ogt, %broadcast_in_dim3A_934, %gt3A_937 : vector<1x64xf32>
        %and3A_939 = vector.broadcast %gt3A_938 : vector<1x64xi1> to vector<1000x64xi1>
        %and3A_940 = arith.andi %eq3A_936, %and3A_939 : vector<1000x64xi1>
        %jit3A_941 = arith.constant 10000 : i32
        %broadcast_in_dim3A_942 = vector.broadcast %jit3A_941 : i32 to vector<1000x64xi32>
        %select_n3A_943 = arith.select %and3A_940, %add3A_871, %broadcast_in_dim3A_942 : vector<1000x64xi1>, vector<1000x64xi32>
        %reduce_min3A_944 = arith.constant dense<2147483647> : vector<64xi32>
        %reduce_min3A_945 = vector.multi_reduction <minsi>, %select_n3A_943, %reduce_min3A_944 [0] : vector<1000x64xi32> to vector<64xi32>
        %broadcast_in_dim3A_946 = vector.shape_cast %reduce_min3A_945 : vector<64xi32> to vector<1x64xi32>
        %eq3A_947 = vector.broadcast %broadcast_in_dim3A_946 : vector<1x64xi32> to vector<1000x64xi32>
        %eq3A_948 = arith.cmpi eq, %add3A_871, %eq3A_947 : vector<1000x64xi32>
        %broadcast_in_dim3A_949 = vector.broadcast %while3A : f32 to vector<1000x64xf32>
        %select_n3A_950 = arith.select %eq3A_948, %broadcast_in_dim3A_949, %select_n3A_931 : vector<1000x64xi1>, vector<1000x64xf32>
        %reduce_max3A_951 = arith.constant dense<0xFF800000> : vector<64xf32>
        %reduce_max3A_952 = vector.multi_reduction <maximumf>, %select_n3A_950, %reduce_max3A_951 [0] : vector<1000x64xf32> to vector<64xf32>
        %broadcast_in_dim3A_953 = vector.shape_cast %reduce_max3A_952 : vector<64xf32> to vector<1x64xf32>
        %eq3A_954 = vector.broadcast %broadcast_in_dim3A_953 : vector<1x64xf32> to vector<1000x64xf32>
        %eq3A_955 = arith.cmpf oeq, %select_n3A_950, %eq3A_954 : vector<1000x64xf32>
        %gt3A_956 = vector.broadcast %while3A : f32 to vector<1x64xf32>
        %gt3A_957 = arith.cmpf ogt, %broadcast_in_dim3A_953, %gt3A_956 : vector<1x64xf32>
        %and3A_958 = vector.broadcast %gt3A_957 : vector<1x64xi1> to vector<1000x64xi1>
        %and3A_959 = arith.andi %eq3A_955, %and3A_958 : vector<1000x64xi1>
        %jit3A_960 = arith.constant 10000 : i32
        %broadcast_in_dim3A_961 = vector.broadcast %jit3A_960 : i32 to vector<1000x64xi32>
        %select_n3A_962 = arith.select %and3A_959, %add3A_871, %broadcast_in_dim3A_961 : vector<1000x64xi1>, vector<1000x64xi32>
        %reduce_min3A_963 = arith.constant dense<2147483647> : vector<64xi32>
        %reduce_min3A_964 = vector.multi_reduction <minsi>, %select_n3A_962, %reduce_min3A_963 [0] : vector<1000x64xi32> to vector<64xi32>
        %broadcast_in_dim3A_965 = vector.shape_cast %reduce_min3A_964 : vector<64xi32> to vector<1x64xi32>
        %concatenate3A_966 = tpu.concatenate %broadcast_in_dim3A_878, %broadcast_in_dim3A_896, %broadcast_in_dim3A_915, %broadcast_in_dim3A_934, %broadcast_in_dim3A_953, %while3A_861 in 0 : vector<1x64xf32>, vector<1x64xf32>, vector<1x64xf32>, vector<1x64xf32>, vector<1x64xf32>, vector<5x64xf32> -> vector<10x64xf32>
        %concatenate3A_967 = tpu.concatenate %broadcast_in_dim3A_889, %broadcast_in_dim3A_908, %broadcast_in_dim3A_927, %broadcast_in_dim3A_946, %broadcast_in_dim3A_965, %while3A_862 in 0 : vector<1x64xi32>, vector<1x64xi32>, vector<1x64xi32>, vector<1x64xi32>, vector<1x64xi32>, vector<5x64xi32> -> vector<10x64xi32>
        %reduce_max3A_968 = arith.constant dense<0xFF800000> : vector<64xf32>
        %reduce_max3A_969 = vector.multi_reduction <maximumf>, %concatenate3A_966, %reduce_max3A_968 [0] : vector<10x64xf32> to vector<64xf32>
        %broadcast_in_dim3A_970 = vector.shape_cast %reduce_max3A_969 : vector<64xf32> to vector<1x64xf32>
        %eq3A_971 = vector.broadcast %broadcast_in_dim3A_970 : vector<1x64xf32> to vector<10x64xf32>
        %eq3A_972 = arith.cmpf oeq, %concatenate3A_966, %eq3A_971 : vector<10x64xf32>
        %gt3A_973 = vector.broadcast %while3A : f32 to vector<1x64xf32>
        %gt3A_974 = arith.cmpf ogt, %broadcast_in_dim3A_970, %gt3A_973 : vector<1x64xf32>
        %and3A_975 = vector.broadcast %gt3A_974 : vector<1x64xi1> to vector<10x64xi1>
        %and3A_976 = arith.andi %eq3A_972, %and3A_975 : vector<10x64xi1>
        %jit3A_977 = arith.constant 10000 : i32
        %broadcast_in_dim3A_978 = vector.broadcast %jit3A_977 : i32 to vector<10x64xi32>
        %select_n3A_979 = arith.select %and3A_976, %concatenate3A_967, %broadcast_in_dim3A_978 : vector<10x64xi1>, vector<10x64xi32>
        %reduce_min3A_980 = arith.constant dense<2147483647> : vector<64xi32>
        %reduce_min3A_981 = vector.multi_reduction <minsi>, %select_n3A_979, %reduce_min3A_980 [0] : vector<10x64xi32> to vector<64xi32>
        %broadcast_in_dim3A_982 = vector.shape_cast %reduce_min3A_981 : vector<64xi32> to vector<1x64xi32>
        %eq3A_983 = vector.broadcast %broadcast_in_dim3A_982 : vector<1x64xi32> to vector<10x64xi32>
        %eq3A_984 = arith.cmpi eq, %concatenate3A_967, %eq3A_983 : vector<10x64xi32>
        %broadcast_in_dim3A_985 = vector.broadcast %while3A : f32 to vector<10x64xf32>
        %select_n3A_986 = arith.select %eq3A_984, %broadcast_in_dim3A_985, %concatenate3A_966 : vector<10x64xi1>, vector<10x64xf32>
        %reduce_max3A_987 = arith.constant dense<0xFF800000> : vector<64xf32>
        %reduce_max3A_988 = vector.multi_reduction <maximumf>, %select_n3A_986, %reduce_max3A_987 [0] : vector<10x64xf32> to vector<64xf32>
        %broadcast_in_dim3A_989 = vector.shape_cast %reduce_max3A_988 : vector<64xf32> to vector<1x64xf32>
        %eq3A_990 = vector.broadcast %broadcast_in_dim3A_989 : vector<1x64xf32> to vector<10x64xf32>
        %eq3A_991 = arith.cmpf oeq, %select_n3A_986, %eq3A_990 : vector<10x64xf32>
        %gt3A_992 = vector.broadcast %while3A : f32 to vector<1x64xf32>
        %gt3A_993 = arith.cmpf ogt, %broadcast_in_dim3A_989, %gt3A_992 : vector<1x64xf32>
        %and3A_994 = vector.broadcast %gt3A_993 : vector<1x64xi1> to vector<10x64xi1>
        %and3A_995 = arith.andi %eq3A_991, %and3A_994 : vector<10x64xi1>
        %jit3A_996 = arith.constant 10000 : i32
        %broadcast_in_dim3A_997 = vector.broadcast %jit3A_996 : i32 to vector<10x64xi32>
        %select_n3A_998 = arith.select %and3A_995, %concatenate3A_967, %broadcast_in_dim3A_997 : vector<10x64xi1>, vector<10x64xi32>
        %reduce_min3A_999 = arith.constant dense<2147483647> : vector<64xi32>
        %reduce_min3A_1000 = vector.multi_reduction <minsi>, %select_n3A_998, %reduce_min3A_999 [0] : vector<10x64xi32> to vector<64xi32>
        %broadcast_in_dim3A_1001 = vector.shape_cast %reduce_min3A_1000 : vector<64xi32> to vector<1x64xi32>
        %eq3A_1002 = vector.broadcast %broadcast_in_dim3A_1001 : vector<1x64xi32> to vector<10x64xi32>
        %eq3A_1003 = arith.cmpi eq, %concatenate3A_967, %eq3A_1002 : vector<10x64xi32>
        %broadcast_in_dim3A_1004 = vector.broadcast %while3A : f32 to vector<10x64xf32>
        %select_n3A_1005 = arith.select %eq3A_1003, %broadcast_in_dim3A_1004, %select_n3A_986 : vector<10x64xi1>, vector<10x64xf32>
        %reduce_max3A_1006 = arith.constant dense<0xFF800000> : vector<64xf32>
        %reduce_max3A_1007 = vector.multi_reduction <maximumf>, %select_n3A_1005, %reduce_max3A_1006 [0] : vector<10x64xf32> to vector<64xf32>
        %broadcast_in_dim3A_1008 = vector.shape_cast %reduce_max3A_1007 : vector<64xf32> to vector<1x64xf32>
        %eq3A_1009 = vector.broadcast %broadcast_in_dim3A_1008 : vector<1x64xf32> to vector<10x64xf32>
        %eq3A_1010 = arith.cmpf oeq, %select_n3A_1005, %eq3A_1009 : vector<10x64xf32>
        %gt3A_1011 = vector.broadcast %while3A : f32 to vector<1x64xf32>
        %gt3A_1012 = arith.cmpf ogt, %broadcast_in_dim3A_1008, %gt3A_1011 : vector<1x64xf32>
        %and3A_1013 = vector.broadcast %gt3A_1012 : vector<1x64xi1> to vector<10x64xi1>
        %and3A_1014 = arith.andi %eq3A_1010, %and3A_1013 : vector<10x64xi1>
        %jit3A_1015 = arith.constant 10000 : i32
        %broadcast_in_dim3A_1016 = vector.broadcast %jit3A_1015 : i32 to vector<10x64xi32>
        %select_n3A_1017 = arith.select %and3A_1014, %concatenate3A_967, %broadcast_in_dim3A_1016 : vector<10x64xi1>, vector<10x64xi32>
        %reduce_min3A_1018 = arith.constant dense<2147483647> : vector<64xi32>
        %reduce_min3A_1019 = vector.multi_reduction <minsi>, %select_n3A_1017, %reduce_min3A_1018 [0] : vector<10x64xi32> to vector<64xi32>
        %broadcast_in_dim3A_1020 = vector.shape_cast %reduce_min3A_1019 : vector<64xi32> to vector<1x64xi32>
        %eq3A_1021 = vector.broadcast %broadcast_in_dim3A_1020 : vector<1x64xi32> to vector<10x64xi32>
        %eq3A_1022 = arith.cmpi eq, %concatenate3A_967, %eq3A_1021 : vector<10x64xi32>
        %broadcast_in_dim3A_1023 = vector.broadcast %while3A : f32 to vector<10x64xf32>
        %select_n3A_1024 = arith.select %eq3A_1022, %broadcast_in_dim3A_1023, %select_n3A_1005 : vector<10x64xi1>, vector<10x64xf32>
        %reduce_max3A_1025 = arith.constant dense<0xFF800000> : vector<64xf32>
        %reduce_max3A_1026 = vector.multi_reduction <maximumf>, %select_n3A_1024, %reduce_max3A_1025 [0] : vector<10x64xf32> to vector<64xf32>
        %broadcast_in_dim3A_1027 = vector.shape_cast %reduce_max3A_1026 : vector<64xf32> to vector<1x64xf32>
        %eq3A_1028 = vector.broadcast %broadcast_in_dim3A_1027 : vector<1x64xf32> to vector<10x64xf32>
        %eq3A_1029 = arith.cmpf oeq, %select_n3A_1024, %eq3A_1028 : vector<10x64xf32>
        %gt3A_1030 = vector.broadcast %while3A : f32 to vector<1x64xf32>
        %gt3A_1031 = arith.cmpf ogt, %broadcast_in_dim3A_1027, %gt3A_1030 : vector<1x64xf32>
        %and3A_1032 = vector.broadcast %gt3A_1031 : vector<1x64xi1> to vector<10x64xi1>
        %and3A_1033 = arith.andi %eq3A_1029, %and3A_1032 : vector<10x64xi1>
        %jit3A_1034 = arith.constant 10000 : i32
        %broadcast_in_dim3A_1035 = vector.broadcast %jit3A_1034 : i32 to vector<10x64xi32>
        %select_n3A_1036 = arith.select %and3A_1033, %concatenate3A_967, %broadcast_in_dim3A_1035 : vector<10x64xi1>, vector<10x64xi32>
        %reduce_min3A_1037 = arith.constant dense<2147483647> : vector<64xi32>
        %reduce_min3A_1038 = vector.multi_reduction <minsi>, %select_n3A_1036, %reduce_min3A_1037 [0] : vector<10x64xi32> to vector<64xi32>
        %broadcast_in_dim3A_1039 = vector.shape_cast %reduce_min3A_1038 : vector<64xi32> to vector<1x64xi32>
        %eq3A_1040 = vector.broadcast %broadcast_in_dim3A_1039 : vector<1x64xi32> to vector<10x64xi32>
        %eq3A_1041 = arith.cmpi eq, %concatenate3A_967, %eq3A_1040 : vector<10x64xi32>
        %broadcast_in_dim3A_1042 = vector.broadcast %while3A : f32 to vector<10x64xf32>
        %select_n3A_1043 = arith.select %eq3A_1041, %broadcast_in_dim3A_1042, %select_n3A_1024 : vector<10x64xi1>, vector<10x64xf32>
        %reduce_max3A_1044 = arith.constant dense<0xFF800000> : vector<64xf32>
        %reduce_max3A_1045 = vector.multi_reduction <maximumf>, %select_n3A_1043, %reduce_max3A_1044 [0] : vector<10x64xf32> to vector<64xf32>
        %broadcast_in_dim3A_1046 = vector.shape_cast %reduce_max3A_1045 : vector<64xf32> to vector<1x64xf32>
        %eq3A_1047 = vector.broadcast %broadcast_in_dim3A_1046 : vector<1x64xf32> to vector<10x64xf32>
        %eq3A_1048 = arith.cmpf oeq, %select_n3A_1043, %eq3A_1047 : vector<10x64xf32>
        %gt3A_1049 = vector.broadcast %while3A : f32 to vector<1x64xf32>
        %gt3A_1050 = arith.cmpf ogt, %broadcast_in_dim3A_1046, %gt3A_1049 : vector<1x64xf32>
        %and3A_1051 = vector.broadcast %gt3A_1050 : vector<1x64xi1> to vector<10x64xi1>
        %and3A_1052 = arith.andi %eq3A_1048, %and3A_1051 : vector<10x64xi1>
        %jit3A_1053 = arith.constant 10000 : i32
        %broadcast_in_dim3A_1054 = vector.broadcast %jit3A_1053 : i32 to vector<10x64xi32>
        %select_n3A_1055 = arith.select %and3A_1052, %concatenate3A_967, %broadcast_in_dim3A_1054 : vector<10x64xi1>, vector<10x64xi32>
        %reduce_min3A_1056 = arith.constant dense<2147483647> : vector<64xi32>
        %reduce_min3A_1057 = vector.multi_reduction <minsi>, %select_n3A_1055, %reduce_min3A_1056 [0] : vector<10x64xi32> to vector<64xi32>
        %broadcast_in_dim3A_1058 = vector.shape_cast %reduce_min3A_1057 : vector<64xi32> to vector<1x64xi32>
        %concatenate3A_1059 = tpu.concatenate %broadcast_in_dim3A_970, %broadcast_in_dim3A_989, %broadcast_in_dim3A_1008, %broadcast_in_dim3A_1027, %broadcast_in_dim3A_1046 in 0 : vector<1x64xf32>, vector<1x64xf32>, vector<1x64xf32>, vector<1x64xf32>, vector<1x64xf32> -> vector<5x64xf32>
        %concatenate3A_1060 = tpu.concatenate %broadcast_in_dim3A_982, %broadcast_in_dim3A_1001, %broadcast_in_dim3A_1020, %broadcast_in_dim3A_1039, %broadcast_in_dim3A_1058 in 0 : vector<1x64xi32>, vector<1x64xi32>, vector<1x64xi32>, vector<1x64xi32>, vector<1x64xi32> -> vector<5x64xi32>
        scf.yield %concatenate3A_1059, %concatenate3A_1060 : vector<5x64xf32>, vector<5x64xi32>
      }
      %while3A_129 = arith.constant 1 : i32
      %while3A_130:2 = scf.for %while3A_860 = %while3A_126 to %while3A_122 step %while3A_129 iter_args(%while3A_861 = %while3A_128#0, %while3A_862 = %while3A_128#1) -> (vector<5x64xf32>, vector<5x64xi32>)  : i32 {
        %mul3A_863 = arith.constant 1000 : i32
        %mul3A_864 = arith.muli %while3A_860, %mul3A_863 : i32
        %get3A_865 = arith.index_cast %mul3A_864 : i32 to index
        %get3A_866 = arith.constant 0 : index
        %get3A_867 = vector.load %arg13[%get3A_865, %get3A_866] : memref<10000x64xf32, #tpu.memory_space<vmem>>, vector<1000x64xf32>
        %mul3A_868 = arith.constant 1000 : i32
        %mul3A_869 = arith.muli %while3A_860, %mul3A_868 : i32
        %add3A_870 = vector.broadcast %mul3A_869 : i32 to vector<1000x64xi32>
        %add3A_871 = arith.addi %iota3A_41, %add3A_870 : vector<1000x64xi32>
        %ge3A = vector.broadcast %get3A_43 : i32 to vector<1000x64xi32>
        %ge3A_872 = arith.cmpi sge, %add3A_871, %ge3A : vector<1000x64xi32>
        %lt3A = vector.broadcast %get3A_45 : i32 to vector<1000x64xi32>
        %lt3A_873 = arith.cmpi slt, %add3A_871, %lt3A : vector<1000x64xi32>
        %and3A_874 = arith.andi %ge3A_872, %lt3A_873 : vector<1000x64xi1>
        %broadcast_in_dim3A_875 = vector.broadcast %while3A : f32 to vector<1000x64xf32>
        %select_n3A_876 = arith.select %and3A_874, %get3A_867, %broadcast_in_dim3A_875 : vector<1000x64xi1>, vector<1000x64xf32>
        %reduce_max3A = arith.constant dense<0xFF800000> : vector<64xf32>
        %reduce_max3A_877 = vector.multi_reduction <maximumf>, %select_n3A_876, %reduce_max3A [0] : vector<1000x64xf32> to vector<64xf32>
        %broadcast_in_dim3A_878 = vector.shape_cast %reduce_max3A_877 : vector<64xf32> to vector<1x64xf32>
        %eq3A_879 = vector.broadcast %broadcast_in_dim3A_878 : vector<1x64xf32> to vector<1000x64xf32>
        %eq3A_880 = arith.cmpf oeq, %select_n3A_876, %eq3A_879 : vector<1000x64xf32>
        %gt3A_881 = vector.broadcast %while3A : f32 to vector<1x64xf32>
        %gt3A_882 = arith.cmpf ogt, %broadcast_in_dim3A_878, %gt3A_881 : vector<1x64xf32>
        %and3A_883 = vector.broadcast %gt3A_882 : vector<1x64xi1> to vector<1000x64xi1>
        %and3A_884 = arith.andi %eq3A_880, %and3A_883 : vector<1000x64xi1>
        %jit3A_885 = arith.constant 10000 : i32
        %broadcast_in_dim3A_886 = vector.broadcast %jit3A_885 : i32 to vector<1000x64xi32>
        %select_n3A_887 = arith.select %and3A_884, %add3A_871, %broadcast_in_dim3A_886 : vector<1000x64xi1>, vector<1000x64xi32>
        %reduce_min3A = arith.constant dense<2147483647> : vector<64xi32>
        %reduce_min3A_888 = vector.multi_reduction <minsi>, %select_n3A_887, %reduce_min3A [0] : vector<1000x64xi32> to vector<64xi32>
        %broadcast_in_dim3A_889 = vector.shape_cast %reduce_min3A_888 : vector<64xi32> to vector<1x64xi32>
        %eq3A_890 = vector.broadcast %broadcast_in_dim3A_889 : vector<1x64xi32> to vector<1000x64xi32>
        %eq3A_891 = arith.cmpi eq, %add3A_871, %eq3A_890 : vector<1000x64xi32>
        %broadcast_in_dim3A_892 = vector.broadcast %while3A : f32 to vector<1000x64xf32>
        %select_n3A_893 = arith.select %eq3A_891, %broadcast_in_dim3A_892, %select_n3A_876 : vector<1000x64xi1>, vector<1000x64xf32>
        %reduce_max3A_894 = arith.constant dense<0xFF800000> : vector<64xf32>
        %reduce_max3A_895 = vector.multi_reduction <maximumf>, %select_n3A_893, %reduce_max3A_894 [0] : vector<1000x64xf32> to vector<64xf32>
        %broadcast_in_dim3A_896 = vector.shape_cast %reduce_max3A_895 : vector<64xf32> to vector<1x64xf32>
        %eq3A_897 = vector.broadcast %broadcast_in_dim3A_896 : vector<1x64xf32> to vector<1000x64xf32>
        %eq3A_898 = arith.cmpf oeq, %select_n3A_893, %eq3A_897 : vector<1000x64xf32>
        %gt3A_899 = vector.broadcast %while3A : f32 to vector<1x64xf32>
        %gt3A_900 = arith.cmpf ogt, %broadcast_in_dim3A_896, %gt3A_899 : vector<1x64xf32>
        %and3A_901 = vector.broadcast %gt3A_900 : vector<1x64xi1> to vector<1000x64xi1>
        %and3A_902 = arith.andi %eq3A_898, %and3A_901 : vector<1000x64xi1>
        %jit3A_903 = arith.constant 10000 : i32
        %broadcast_in_dim3A_904 = vector.broadcast %jit3A_903 : i32 to vector<1000x64xi32>
        %select_n3A_905 = arith.select %and3A_902, %add3A_871, %broadcast_in_dim3A_904 : vector<1000x64xi1>, vector<1000x64xi32>
        %reduce_min3A_906 = arith.constant dense<2147483647> : vector<64xi32>
        %reduce_min3A_907 = vector.multi_reduction <minsi>, %select_n3A_905, %reduce_min3A_906 [0] : vector<1000x64xi32> to vector<64xi32>
        %broadcast_in_dim3A_908 = vector.shape_cast %reduce_min3A_907 : vector<64xi32> to vector<1x64xi32>
        %eq3A_909 = vector.broadcast %broadcast_in_dim3A_908 : vector<1x64xi32> to vector<1000x64xi32>
        %eq3A_910 = arith.cmpi eq, %add3A_871, %eq3A_909 : vector<1000x64xi32>
        %broadcast_in_dim3A_911 = vector.broadcast %while3A : f32 to vector<1000x64xf32>
        %select_n3A_912 = arith.select %eq3A_910, %broadcast_in_dim3A_911, %select_n3A_893 : vector<1000x64xi1>, vector<1000x64xf32>
        %reduce_max3A_913 = arith.constant dense<0xFF800000> : vector<64xf32>
        %reduce_max3A_914 = vector.multi_reduction <maximumf>, %select_n3A_912, %reduce_max3A_913 [0] : vector<1000x64xf32> to vector<64xf32>
        %broadcast_in_dim3A_915 = vector.shape_cast %reduce_max3A_914 : vector<64xf32> to vector<1x64xf32>
        %eq3A_916 = vector.broadcast %broadcast_in_dim3A_915 : vector<1x64xf32> to vector<1000x64xf32>
        %eq3A_917 = arith.cmpf oeq, %select_n3A_912, %eq3A_916 : vector<1000x64xf32>
        %gt3A_918 = vector.broadcast %while3A : f32 to vector<1x64xf32>
        %gt3A_919 = arith.cmpf ogt, %broadcast_in_dim3A_915, %gt3A_918 : vector<1x64xf32>
        %and3A_920 = vector.broadcast %gt3A_919 : vector<1x64xi1> to vector<1000x64xi1>
        %and3A_921 = arith.andi %eq3A_917, %and3A_920 : vector<1000x64xi1>
        %jit3A_922 = arith.constant 10000 : i32
        %broadcast_in_dim3A_923 = vector.broadcast %jit3A_922 : i32 to vector<1000x64xi32>
        %select_n3A_924 = arith.select %and3A_921, %add3A_871, %broadcast_in_dim3A_923 : vector<1000x64xi1>, vector<1000x64xi32>
        %reduce_min3A_925 = arith.constant dense<2147483647> : vector<64xi32>
        %reduce_min3A_926 = vector.multi_reduction <minsi>, %select_n3A_924, %reduce_min3A_925 [0] : vector<1000x64xi32> to vector<64xi32>
        %broadcast_in_dim3A_927 = vector.shape_cast %reduce_min3A_926 : vector<64xi32> to vector<1x64xi32>
        %eq3A_928 = vector.broadcast %broadcast_in_dim3A_927 : vector<1x64xi32> to vector<1000x64xi32>
        %eq3A_929 = arith.cmpi eq, %add3A_871, %eq3A_928 : vector<1000x64xi32>
        %broadcast_in_dim3A_930 = vector.broadcast %while3A : f32 to vector<1000x64xf32>
        %select_n3A_931 = arith.select %eq3A_929, %broadcast_in_dim3A_930, %select_n3A_912 : vector<1000x64xi1>, vector<1000x64xf32>
        %reduce_max3A_932 = arith.constant dense<0xFF800000> : vector<64xf32>
        %reduce_max3A_933 = vector.multi_reduction <maximumf>, %select_n3A_931, %reduce_max3A_932 [0] : vector<1000x64xf32> to vector<64xf32>
        %broadcast_in_dim3A_934 = vector.shape_cast %reduce_max3A_933 : vector<64xf32> to vector<1x64xf32>
        %eq3A_935 = vector.broadcast %broadcast_in_dim3A_934 : vector<1x64xf32> to vector<1000x64xf32>
        %eq3A_936 = arith.cmpf oeq, %select_n3A_931, %eq3A_935 : vector<1000x64xf32>
        %gt3A_937 = vector.broadcast %while3A : f32 to vector<1x64xf32>
        %gt3A_938 = arith.cmpf ogt, %broadcast_in_dim3A_934, %gt3A_937 : vector<1x64xf32>
        %and3A_939 = vector.broadcast %gt3A_938 : vector<1x64xi1> to vector<1000x64xi1>
        %and3A_940 = arith.andi %eq3A_936, %and3A_939 : vector<1000x64xi1>
        %jit3A_941 = arith.constant 10000 : i32
        %broadcast_in_dim3A_942 = vector.broadcast %jit3A_941 : i32 to vector<1000x64xi32>
        %select_n3A_943 = arith.select %and3A_940, %add3A_871, %broadcast_in_dim3A_942 : vector<1000x64xi1>, vector<1000x64xi32>
        %reduce_min3A_944 = arith.constant dense<2147483647> : vector<64xi32>
        %reduce_min3A_945 = vector.multi_reduction <minsi>, %select_n3A_943, %reduce_min3A_944 [0] : vector<1000x64xi32> to vector<64xi32>
        %broadcast_in_dim3A_946 = vector.shape_cast %reduce_min3A_945 : vector<64xi32> to vector<1x64xi32>
        %eq3A_947 = vector.broadcast %broadcast_in_dim3A_946 : vector<1x64xi32> to vector<1000x64xi32>
        %eq3A_948 = arith.cmpi eq, %add3A_871, %eq3A_947 : vector<1000x64xi32>
        %broadcast_in_dim3A_949 = vector.broadcast %while3A : f32 to vector<1000x64xf32>
        %select_n3A_950 = arith.select %eq3A_948, %broadcast_in_dim3A_949, %select_n3A_931 : vector<1000x64xi1>, vector<1000x64xf32>
        %reduce_max3A_951 = arith.constant dense<0xFF800000> : vector<64xf32>
        %reduce_max3A_952 = vector.multi_reduction <maximumf>, %select_n3A_950, %reduce_max3A_951 [0] : vector<1000x64xf32> to vector<64xf32>
        %broadcast_in_dim3A_953 = vector.shape_cast %reduce_max3A_952 : vector<64xf32> to vector<1x64xf32>
        %eq3A_954 = vector.broadcast %broadcast_in_dim3A_953 : vector<1x64xf32> to vector<1000x64xf32>
        %eq3A_955 = arith.cmpf oeq, %select_n3A_950, %eq3A_954 : vector<1000x64xf32>
        %gt3A_956 = vector.broadcast %while3A : f32 to vector<1x64xf32>
        %gt3A_957 = arith.cmpf ogt, %broadcast_in_dim3A_953, %gt3A_956 : vector<1x64xf32>
        %and3A_958 = vector.broadcast %gt3A_957 : vector<1x64xi1> to vector<1000x64xi1>
        %and3A_959 = arith.andi %eq3A_955, %and3A_958 : vector<1000x64xi1>
        %jit3A_960 = arith.constant 10000 : i32
        %broadcast_in_dim3A_961 = vector.broadcast %jit3A_960 : i32 to vector<1000x64xi32>
        %select_n3A_962 = arith.select %and3A_959, %add3A_871, %broadcast_in_dim3A_961 : vector<1000x64xi1>, vector<1000x64xi32>
        %reduce_min3A_963 = arith.constant dense<2147483647> : vector<64xi32>
        %reduce_min3A_964 = vector.multi_reduction <minsi>, %select_n3A_962, %reduce_min3A_963 [0] : vector<1000x64xi32> to vector<64xi32>
        %broadcast_in_dim3A_965 = vector.shape_cast %reduce_min3A_964 : vector<64xi32> to vector<1x64xi32>
        %concatenate3A_966 = tpu.concatenate %broadcast_in_dim3A_878, %broadcast_in_dim3A_896, %broadcast_in_dim3A_915, %broadcast_in_dim3A_934, %broadcast_in_dim3A_953, %while3A_861 in 0 : vector<1x64xf32>, vector<1x64xf32>, vector<1x64xf32>, vector<1x64xf32>, vector<1x64xf32>, vector<5x64xf32> -> vector<10x64xf32>
        %concatenate3A_967 = tpu.concatenate %broadcast_in_dim3A_889, %broadcast_in_dim3A_908, %broadcast_in_dim3A_927, %broadcast_in_dim3A_946, %broadcast_in_dim3A_965, %while3A_862 in 0 : vector<1x64xi32>, vector<1x64xi32>, vector<1x64xi32>, vector<1x64xi32>, vector<1x64xi32>, vector<5x64xi32> -> vector<10x64xi32>
        %reduce_max3A_968 = arith.constant dense<0xFF800000> : vector<64xf32>
        %reduce_max3A_969 = vector.multi_reduction <maximumf>, %concatenate3A_966, %reduce_max3A_968 [0] : vector<10x64xf32> to vector<64xf32>
        %broadcast_in_dim3A_970 = vector.shape_cast %reduce_max3A_969 : vector<64xf32> to vector<1x64xf32>
        %eq3A_971 = vector.broadcast %broadcast_in_dim3A_970 : vector<1x64xf32> to vector<10x64xf32>
        %eq3A_972 = arith.cmpf oeq, %concatenate3A_966, %eq3A_971 : vector<10x64xf32>
        %gt3A_973 = vector.broadcast %while3A : f32 to vector<1x64xf32>
        %gt3A_974 = arith.cmpf ogt, %broadcast_in_dim3A_970, %gt3A_973 : vector<1x64xf32>
        %and3A_975 = vector.broadcast %gt3A_974 : vector<1x64xi1> to vector<10x64xi1>
        %and3A_976 = arith.andi %eq3A_972, %and3A_975 : vector<10x64xi1>
        %jit3A_977 = arith.constant 10000 : i32
        %broadcast_in_dim3A_978 = vector.broadcast %jit3A_977 : i32 to vector<10x64xi32>
        %select_n3A_979 = arith.select %and3A_976, %concatenate3A_967, %broadcast_in_dim3A_978 : vector<10x64xi1>, vector<10x64xi32>
        %reduce_min3A_980 = arith.constant dense<2147483647> : vector<64xi32>
        %reduce_min3A_981 = vector.multi_reduction <minsi>, %select_n3A_979, %reduce_min3A_980 [0] : vector<10x64xi32> to vector<64xi32>
        %broadcast_in_dim3A_982 = vector.shape_cast %reduce_min3A_981 : vector<64xi32> to vector<1x64xi32>
        %eq3A_983 = vector.broadcast %broadcast_in_dim3A_982 : vector<1x64xi32> to vector<10x64xi32>
        %eq3A_984 = arith.cmpi eq, %concatenate3A_967, %eq3A_983 : vector<10x64xi32>
        %broadcast_in_dim3A_985 = vector.broadcast %while3A : f32 to vector<10x64xf32>
        %select_n3A_986 = arith.select %eq3A_984, %broadcast_in_dim3A_985, %concatenate3A_966 : vector<10x64xi1>, vector<10x64xf32>
        %reduce_max3A_987 = arith.constant dense<0xFF800000> : vector<64xf32>
        %reduce_max3A_988 = vector.multi_reduction <maximumf>, %select_n3A_986, %reduce_max3A_987 [0] : vector<10x64xf32> to vector<64xf32>
        %broadcast_in_dim3A_989 = vector.shape_cast %reduce_max3A_988 : vector<64xf32> to vector<1x64xf32>
        %eq3A_990 = vector.broadcast %broadcast_in_dim3A_989 : vector<1x64xf32> to vector<10x64xf32>
        %eq3A_991 = arith.cmpf oeq, %select_n3A_986, %eq3A_990 : vector<10x64xf32>
        %gt3A_992 = vector.broadcast %while3A : f32 to vector<1x64xf32>
        %gt3A_993 = arith.cmpf ogt, %broadcast_in_dim3A_989, %gt3A_992 : vector<1x64xf32>
        %and3A_994 = vector.broadcast %gt3A_993 : vector<1x64xi1> to vector<10x64xi1>
        %and3A_995 = arith.andi %eq3A_991, %and3A_994 : vector<10x64xi1>
        %jit3A_996 = arith.constant 10000 : i32
        %broadcast_in_dim3A_997 = vector.broadcast %jit3A_996 : i32 to vector<10x64xi32>
        %select_n3A_998 = arith.select %and3A_995, %concatenate3A_967, %broadcast_in_dim3A_997 : vector<10x64xi1>, vector<10x64xi32>
        %reduce_min3A_999 = arith.constant dense<2147483647> : vector<64xi32>
        %reduce_min3A_1000 = vector.multi_reduction <minsi>, %select_n3A_998, %reduce_min3A_999 [0] : vector<10x64xi32> to vector<64xi32>
        %broadcast_in_dim3A_1001 = vector.shape_cast %reduce_min3A_1000 : vector<64xi32> to vector<1x64xi32>
        %eq3A_1002 = vector.broadcast %broadcast_in_dim3A_1001 : vector<1x64xi32> to vector<10x64xi32>
        %eq3A_1003 = arith.cmpi eq, %concatenate3A_967, %eq3A_1002 : vector<10x64xi32>
        %broadcast_in_dim3A_1004 = vector.broadcast %while3A : f32 to vector<10x64xf32>
        %select_n3A_1005 = arith.select %eq3A_1003, %broadcast_in_dim3A_1004, %select_n3A_986 : vector<10x64xi1>, vector<10x64xf32>
        %reduce_max3A_1006 = arith.constant dense<0xFF800000> : vector<64xf32>
        %reduce_max3A_1007 = vector.multi_reduction <maximumf>, %select_n3A_1005, %reduce_max3A_1006 [0] : vector<10x64xf32> to vector<64xf32>
        %broadcast_in_dim3A_1008 = vector.shape_cast %reduce_max3A_1007 : vector<64xf32> to vector<1x64xf32>
        %eq3A_1009 = vector.broadcast %broadcast_in_dim3A_1008 : vector<1x64xf32> to vector<10x64xf32>
        %eq3A_1010 = arith.cmpf oeq, %select_n3A_1005, %eq3A_1009 : vector<10x64xf32>
        %gt3A_1011 = vector.broadcast %while3A : f32 to vector<1x64xf32>
        %gt3A_1012 = arith.cmpf ogt, %broadcast_in_dim3A_1008, %gt3A_1011 : vector<1x64xf32>
        %and3A_1013 = vector.broadcast %gt3A_1012 : vector<1x64xi1> to vector<10x64xi1>
        %and3A_1014 = arith.andi %eq3A_1010, %and3A_1013 : vector<10x64xi1>
        %jit3A_1015 = arith.constant 10000 : i32
        %broadcast_in_dim3A_1016 = vector.broadcast %jit3A_1015 : i32 to vector<10x64xi32>
        %select_n3A_1017 = arith.select %and3A_1014, %concatenate3A_967, %broadcast_in_dim3A_1016 : vector<10x64xi1>, vector<10x64xi32>
        %reduce_min3A_1018 = arith.constant dense<2147483647> : vector<64xi32>
        %reduce_min3A_1019 = vector.multi_reduction <minsi>, %select_n3A_1017, %reduce_min3A_1018 [0] : vector<10x64xi32> to vector<64xi32>
        %broadcast_in_dim3A_1020 = vector.shape_cast %reduce_min3A_1019 : vector<64xi32> to vector<1x64xi32>
        %eq3A_1021 = vector.broadcast %broadcast_in_dim3A_1020 : vector<1x64xi32> to vector<10x64xi32>
        %eq3A_1022 = arith.cmpi eq, %concatenate3A_967, %eq3A_1021 : vector<10x64xi32>
        %broadcast_in_dim3A_1023 = vector.broadcast %while3A : f32 to vector<10x64xf32>
        %select_n3A_1024 = arith.select %eq3A_1022, %broadcast_in_dim3A_1023, %select_n3A_1005 : vector<10x64xi1>, vector<10x64xf32>
        %reduce_max3A_1025 = arith.constant dense<0xFF800000> : vector<64xf32>
        %reduce_max3A_1026 = vector.multi_reduction <maximumf>, %select_n3A_1024, %reduce_max3A_1025 [0] : vector<10x64xf32> to vector<64xf32>
        %broadcast_in_dim3A_1027 = vector.shape_cast %reduce_max3A_1026 : vector<64xf32> to vector<1x64xf32>
        %eq3A_1028 = vector.broadcast %broadcast_in_dim3A_1027 : vector<1x64xf32> to vector<10x64xf32>
        %eq3A_1029 = arith.cmpf oeq, %select_n3A_1024, %eq3A_1028 : vector<10x64xf32>
        %gt3A_1030 = vector.broadcast %while3A : f32 to vector<1x64xf32>
        %gt3A_1031 = arith.cmpf ogt, %broadcast_in_dim3A_1027, %gt3A_1030 : vector<1x64xf32>
        %and3A_1032 = vector.broadcast %gt3A_1031 : vector<1x64xi1> to vector<10x64xi1>
        %and3A_1033 = arith.andi %eq3A_1029, %and3A_1032 : vector<10x64xi1>
        %jit3A_1034 = arith.constant 10000 : i32
        %broadcast_in_dim3A_1035 = vector.broadcast %jit3A_1034 : i32 to vector<10x64xi32>
        %select_n3A_1036 = arith.select %and3A_1033, %concatenate3A_967, %broadcast_in_dim3A_1035 : vector<10x64xi1>, vector<10x64xi32>
        %reduce_min3A_1037 = arith.constant dense<2147483647> : vector<64xi32>
        %reduce_min3A_1038 = vector.multi_reduction <minsi>, %select_n3A_1036, %reduce_min3A_1037 [0] : vector<10x64xi32> to vector<64xi32>
        %broadcast_in_dim3A_1039 = vector.shape_cast %reduce_min3A_1038 : vector<64xi32> to vector<1x64xi32>
        %eq3A_1040 = vector.broadcast %broadcast_in_dim3A_1039 : vector<1x64xi32> to vector<10x64xi32>
        %eq3A_1041 = arith.cmpi eq, %concatenate3A_967, %eq3A_1040 : vector<10x64xi32>
        %broadcast_in_dim3A_1042 = vector.broadcast %while3A : f32 to vector<10x64xf32>
        %select_n3A_1043 = arith.select %eq3A_1041, %broadcast_in_dim3A_1042, %select_n3A_1024 : vector<10x64xi1>, vector<10x64xf32>
        %reduce_max3A_1044 = arith.constant dense<0xFF800000> : vector<64xf32>
        %reduce_max3A_1045 = vector.multi_reduction <maximumf>, %select_n3A_1043, %reduce_max3A_1044 [0] : vector<10x64xf32> to vector<64xf32>
        %broadcast_in_dim3A_1046 = vector.shape_cast %reduce_max3A_1045 : vector<64xf32> to vector<1x64xf32>
        %eq3A_1047 = vector.broadcast %broadcast_in_dim3A_1046 : vector<1x64xf32> to vector<10x64xf32>
        %eq3A_1048 = arith.cmpf oeq, %select_n3A_1043, %eq3A_1047 : vector<10x64xf32>
        %gt3A_1049 = vector.broadcast %while3A : f32 to vector<1x64xf32>
        %gt3A_1050 = arith.cmpf ogt, %broadcast_in_dim3A_1046, %gt3A_1049 : vector<1x64xf32>
        %and3A_1051 = vector.broadcast %gt3A_1050 : vector<1x64xi1> to vector<10x64xi1>
        %and3A_1052 = arith.andi %eq3A_1048, %and3A_1051 : vector<10x64xi1>
        %jit3A_1053 = arith.constant 10000 : i32
        %broadcast_in_dim3A_1054 = vector.broadcast %jit3A_1053 : i32 to vector<10x64xi32>
        %select_n3A_1055 = arith.select %and3A_1052, %concatenate3A_967, %broadcast_in_dim3A_1054 : vector<10x64xi1>, vector<10x64xi32>
        %reduce_min3A_1056 = arith.constant dense<2147483647> : vector<64xi32>
        %reduce_min3A_1057 = vector.multi_reduction <minsi>, %select_n3A_1055, %reduce_min3A_1056 [0] : vector<10x64xi32> to vector<64xi32>
        %broadcast_in_dim3A_1058 = vector.shape_cast %reduce_min3A_1057 : vector<64xi32> to vector<1x64xi32>
        %concatenate3A_1059 = tpu.concatenate %broadcast_in_dim3A_970, %broadcast_in_dim3A_989, %broadcast_in_dim3A_1008, %broadcast_in_dim3A_1027, %broadcast_in_dim3A_1046 in 0 : vector<1x64xf32>, vector<1x64xf32>, vector<1x64xf32>, vector<1x64xf32>, vector<1x64xf32> -> vector<5x64xf32>
        %concatenate3A_1060 = tpu.concatenate %broadcast_in_dim3A_982, %broadcast_in_dim3A_1001, %broadcast_in_dim3A_1020, %broadcast_in_dim3A_1039, %broadcast_in_dim3A_1058 in 0 : vector<1x64xi32>, vector<1x64xi32>, vector<1x64xi32>, vector<1x64xi32>, vector<1x64xi32> -> vector<5x64xi32>
        scf.yield %concatenate3A_1059, %concatenate3A_1060 : vector<5x64xf32>, vector<5x64xi32>
      }
      %jit3A_131 = arith.constant 1000 : i32
      %div3A_132 = arith.divsi %get3A_47, %jit3A_131 : i32
      %sign3A_133 = arith.constant 0 : i32
      %sign3A_134 = arith.cmpi sgt, %get3A_47, %sign3A_133 : i32
      %sign3A_135 = arith.extui %sign3A_134 : i1 to i32
      %sign3A_136 = arith.constant 0 : i32
      %sign3A_137 = arith.cmpi slt, %get3A_47, %sign3A_136 : i32
      %sign3A_138 = arith.extui %sign3A_137 : i1 to i32
      %sign3A_139 = arith.subi %sign3A_135, %sign3A_138 : i32
      %sign3A_140 = arith.constant 0 : i32
      %sign3A_141 = arith.cmpi sgt, %jit3A_131, %sign3A_140 : i32
      %sign3A_142 = arith.extui %sign3A_141 : i1 to i32
      %sign3A_143 = arith.constant 0 : i32
      %sign3A_144 = arith.cmpi slt, %jit3A_131, %sign3A_143 : i32
      %sign3A_145 = arith.extui %sign3A_144 : i1 to i32
      %sign3A_146 = arith.subi %sign3A_142, %sign3A_145 : i32
      %ne3A_147 = arith.cmpi ne, %sign3A_139, %sign3A_146 : i32
      %rem3A_148 = arith.remsi %get3A_47, %jit3A_131 : i32
      %ne3A_149 = arith.constant 0 : i32
      %ne3A_150 = arith.cmpi ne, %rem3A_148, %ne3A_149 : i32
      %and3A_151 = arith.andi %ne3A_147, %ne3A_150 : i1
      %sub3A_152 = arith.constant 1 : i32
      %sub3A_153 = arith.subi %div3A_132, %sub3A_152 : i32
      %select_n3A_154 = arith.select %and3A_151, %sub3A_153, %div3A_132 : i32
      %add3A_155 = arith.constant 1000 : i32
      %add3A_156 = arith.addi %get3A_49, %add3A_155 : i32
      %sub3A_157 = arith.constant 1 : i32
      %sub3A_158 = arith.subi %add3A_156, %sub3A_157 : i32
      %jit3A_159 = arith.constant 1000 : i32
      %div3A_160 = arith.divsi %sub3A_158, %jit3A_159 : i32
      %sign3A_161 = arith.constant 0 : i32
      %sign3A_162 = arith.cmpi sgt, %sub3A_158, %sign3A_161 : i32
      %sign3A_163 = arith.extui %sign3A_162 : i1 to i32
      %sign3A_164 = arith.constant 0 : i32
      %sign3A_165 = arith.cmpi slt, %sub3A_158, %sign3A_164 : i32
      %sign3A_166 = arith.extui %sign3A_165 : i1 to i32
      %sign3A_167 = arith.subi %sign3A_163, %sign3A_166 : i32
      %sign3A_168 = arith.constant 0 : i32
      %sign3A_169 = arith.cmpi sgt, %jit3A_159, %sign3A_168 : i32
      %sign3A_170 = arith.extui %sign3A_169 : i1 to i32
      %sign3A_171 = arith.constant 0 : i32
      %sign3A_172 = arith.cmpi slt, %jit3A_159, %sign3A_171 : i32
      %sign3A_173 = arith.extui %sign3A_172 : i1 to i32
      %sign3A_174 = arith.subi %sign3A_170, %sign3A_173 : i32
      %ne3A_175 = arith.cmpi ne, %sign3A_167, %sign3A_174 : i32
      %rem3A_176 = arith.remsi %sub3A_158, %jit3A_159 : i32
      %ne3A_177 = arith.constant 0 : i32
      %ne3A_178 = arith.cmpi ne, %rem3A_176, %ne3A_177 : i32
      %and3A_179 = arith.andi %ne3A_175, %ne3A_178 : i1
      %sub3A_180 = arith.constant 1 : i32
      %sub3A_181 = arith.subi %div3A_160, %sub3A_180 : i32
      %select_n3A_182 = arith.select %and3A_179, %sub3A_181, %div3A_160 : i32
      %max3A_183 = arith.maxsi %select_n3A_182, %select_n3A_154 : i32
      %broadcast_in_dim3A_184 = arith.constant 0xFF800000 : f32
      %broadcast_in_dim3A_185 = vector.broadcast %broadcast_in_dim3A_184 : f32 to vector<5x64xf32>
      %broadcast_in_dim3A_186 = arith.constant 10000 : i32
      %broadcast_in_dim3A_187 = vector.broadcast %broadcast_in_dim3A_186 : i32 to vector<5x64xi32>
      %while3A_188 = arith.constant 0xFF800000 : f32
      %while3A_189 = arith.subi %max3A_183, %select_n3A_154 : i32
      %while3A_190 = arith.addi %select_n3A_154, %while3A_189 : i32
      %while3A_191 = arith.constant 1 : i32
      %while3A_192 = arith.divsi %while3A_189, %while3A_191 : i32
      %while3A_193 = arith.muli %while3A_192, %while3A_191 : i32
      %while3A_194 = arith.addi %select_n3A_154, %while3A_193 : i32
      %while3A_195 = arith.constant 1 : i32
      %while3A_196:2 = scf.for %while3A_860 = %select_n3A_154 to %while3A_194 step %while3A_195 iter_args(%while3A_861 = %broadcast_in_dim3A_185, %while3A_862 = %broadcast_in_dim3A_187) -> (vector<5x64xf32>, vector<5x64xi32>)  : i32 {
        %mul3A_863 = arith.constant 1000 : i32
        %mul3A_864 = arith.muli %while3A_860, %mul3A_863 : i32
        %get3A_865 = arith.index_cast %mul3A_864 : i32 to index
        %get3A_866 = arith.constant 0 : index
        %get3A_867 = vector.load %arg13[%get3A_865, %get3A_866] : memref<10000x64xf32, #tpu.memory_space<vmem>>, vector<1000x64xf32>
        %mul3A_868 = arith.constant 1000 : i32
        %mul3A_869 = arith.muli %while3A_860, %mul3A_868 : i32
        %add3A_870 = vector.broadcast %mul3A_869 : i32 to vector<1000x64xi32>
        %add3A_871 = arith.addi %iota3A_41, %add3A_870 : vector<1000x64xi32>
        %ge3A = vector.broadcast %get3A_47 : i32 to vector<1000x64xi32>
        %ge3A_872 = arith.cmpi sge, %add3A_871, %ge3A : vector<1000x64xi32>
        %lt3A = vector.broadcast %get3A_49 : i32 to vector<1000x64xi32>
        %lt3A_873 = arith.cmpi slt, %add3A_871, %lt3A : vector<1000x64xi32>
        %and3A_874 = arith.andi %ge3A_872, %lt3A_873 : vector<1000x64xi1>
        %broadcast_in_dim3A_875 = vector.broadcast %while3A_188 : f32 to vector<1000x64xf32>
        %select_n3A_876 = arith.select %and3A_874, %get3A_867, %broadcast_in_dim3A_875 : vector<1000x64xi1>, vector<1000x64xf32>
        %reduce_max3A = arith.constant dense<0xFF800000> : vector<64xf32>
        %reduce_max3A_877 = vector.multi_reduction <maximumf>, %select_n3A_876, %reduce_max3A [0] : vector<1000x64xf32> to vector<64xf32>
        %broadcast_in_dim3A_878 = vector.shape_cast %reduce_max3A_877 : vector<64xf32> to vector<1x64xf32>
        %eq3A_879 = vector.broadcast %broadcast_in_dim3A_878 : vector<1x64xf32> to vector<1000x64xf32>
        %eq3A_880 = arith.cmpf oeq, %select_n3A_876, %eq3A_879 : vector<1000x64xf32>
        %gt3A_881 = vector.broadcast %while3A_188 : f32 to vector<1x64xf32>
        %gt3A_882 = arith.cmpf ogt, %broadcast_in_dim3A_878, %gt3A_881 : vector<1x64xf32>
        %and3A_883 = vector.broadcast %gt3A_882 : vector<1x64xi1> to vector<1000x64xi1>
        %and3A_884 = arith.andi %eq3A_880, %and3A_883 : vector<1000x64xi1>
        %jit3A_885 = arith.constant 10000 : i32
        %broadcast_in_dim3A_886 = vector.broadcast %jit3A_885 : i32 to vector<1000x64xi32>
        %select_n3A_887 = arith.select %and3A_884, %add3A_871, %broadcast_in_dim3A_886 : vector<1000x64xi1>, vector<1000x64xi32>
        %reduce_min3A = arith.constant dense<2147483647> : vector<64xi32>
        %reduce_min3A_888 = vector.multi_reduction <minsi>, %select_n3A_887, %reduce_min3A [0] : vector<1000x64xi32> to vector<64xi32>
        %broadcast_in_dim3A_889 = vector.shape_cast %reduce_min3A_888 : vector<64xi32> to vector<1x64xi32>
        %eq3A_890 = vector.broadcast %broadcast_in_dim3A_889 : vector<1x64xi32> to vector<1000x64xi32>
        %eq3A_891 = arith.cmpi eq, %add3A_871, %eq3A_890 : vector<1000x64xi32>
        %broadcast_in_dim3A_892 = vector.broadcast %while3A_188 : f32 to vector<1000x64xf32>
        %select_n3A_893 = arith.select %eq3A_891, %broadcast_in_dim3A_892, %select_n3A_876 : vector<1000x64xi1>, vector<1000x64xf32>
        %reduce_max3A_894 = arith.constant dense<0xFF800000> : vector<64xf32>
        %reduce_max3A_895 = vector.multi_reduction <maximumf>, %select_n3A_893, %reduce_max3A_894 [0] : vector<1000x64xf32> to vector<64xf32>
        %broadcast_in_dim3A_896 = vector.shape_cast %reduce_max3A_895 : vector<64xf32> to vector<1x64xf32>
        %eq3A_897 = vector.broadcast %broadcast_in_dim3A_896 : vector<1x64xf32> to vector<1000x64xf32>
        %eq3A_898 = arith.cmpf oeq, %select_n3A_893, %eq3A_897 : vector<1000x64xf32>
        %gt3A_899 = vector.broadcast %while3A_188 : f32 to vector<1x64xf32>
        %gt3A_900 = arith.cmpf ogt, %broadcast_in_dim3A_896, %gt3A_899 : vector<1x64xf32>
        %and3A_901 = vector.broadcast %gt3A_900 : vector<1x64xi1> to vector<1000x64xi1>
        %and3A_902 = arith.andi %eq3A_898, %and3A_901 : vector<1000x64xi1>
        %jit3A_903 = arith.constant 10000 : i32
        %broadcast_in_dim3A_904 = vector.broadcast %jit3A_903 : i32 to vector<1000x64xi32>
        %select_n3A_905 = arith.select %and3A_902, %add3A_871, %broadcast_in_dim3A_904 : vector<1000x64xi1>, vector<1000x64xi32>
        %reduce_min3A_906 = arith.constant dense<2147483647> : vector<64xi32>
        %reduce_min3A_907 = vector.multi_reduction <minsi>, %select_n3A_905, %reduce_min3A_906 [0] : vector<1000x64xi32> to vector<64xi32>
        %broadcast_in_dim3A_908 = vector.shape_cast %reduce_min3A_907 : vector<64xi32> to vector<1x64xi32>
        %eq3A_909 = vector.broadcast %broadcast_in_dim3A_908 : vector<1x64xi32> to vector<1000x64xi32>
        %eq3A_910 = arith.cmpi eq, %add3A_871, %eq3A_909 : vector<1000x64xi32>
        %broadcast_in_dim3A_911 = vector.broadcast %while3A_188 : f32 to vector<1000x64xf32>
        %select_n3A_912 = arith.select %eq3A_910, %broadcast_in_dim3A_911, %select_n3A_893 : vector<1000x64xi1>, vector<1000x64xf32>
        %reduce_max3A_913 = arith.constant dense<0xFF800000> : vector<64xf32>
        %reduce_max3A_914 = vector.multi_reduction <maximumf>, %select_n3A_912, %reduce_max3A_913 [0] : vector<1000x64xf32> to vector<64xf32>
        %broadcast_in_dim3A_915 = vector.shape_cast %reduce_max3A_914 : vector<64xf32> to vector<1x64xf32>
        %eq3A_916 = vector.broadcast %broadcast_in_dim3A_915 : vector<1x64xf32> to vector<1000x64xf32>
        %eq3A_917 = arith.cmpf oeq, %select_n3A_912, %eq3A_916 : vector<1000x64xf32>
        %gt3A_918 = vector.broadcast %while3A_188 : f32 to vector<1x64xf32>
        %gt3A_919 = arith.cmpf ogt, %broadcast_in_dim3A_915, %gt3A_918 : vector<1x64xf32>
        %and3A_920 = vector.broadcast %gt3A_919 : vector<1x64xi1> to vector<1000x64xi1>
        %and3A_921 = arith.andi %eq3A_917, %and3A_920 : vector<1000x64xi1>
        %jit3A_922 = arith.constant 10000 : i32
        %broadcast_in_dim3A_923 = vector.broadcast %jit3A_922 : i32 to vector<1000x64xi32>
        %select_n3A_924 = arith.select %and3A_921, %add3A_871, %broadcast_in_dim3A_923 : vector<1000x64xi1>, vector<1000x64xi32>
        %reduce_min3A_925 = arith.constant dense<2147483647> : vector<64xi32>
        %reduce_min3A_926 = vector.multi_reduction <minsi>, %select_n3A_924, %reduce_min3A_925 [0] : vector<1000x64xi32> to vector<64xi32>
        %broadcast_in_dim3A_927 = vector.shape_cast %reduce_min3A_926 : vector<64xi32> to vector<1x64xi32>
        %eq3A_928 = vector.broadcast %broadcast_in_dim3A_927 : vector<1x64xi32> to vector<1000x64xi32>
        %eq3A_929 = arith.cmpi eq, %add3A_871, %eq3A_928 : vector<1000x64xi32>
        %broadcast_in_dim3A_930 = vector.broadcast %while3A_188 : f32 to vector<1000x64xf32>
        %select_n3A_931 = arith.select %eq3A_929, %broadcast_in_dim3A_930, %select_n3A_912 : vector<1000x64xi1>, vector<1000x64xf32>
        %reduce_max3A_932 = arith.constant dense<0xFF800000> : vector<64xf32>
        %reduce_max3A_933 = vector.multi_reduction <maximumf>, %select_n3A_931, %reduce_max3A_932 [0] : vector<1000x64xf32> to vector<64xf32>
        %broadcast_in_dim3A_934 = vector.shape_cast %reduce_max3A_933 : vector<64xf32> to vector<1x64xf32>
        %eq3A_935 = vector.broadcast %broadcast_in_dim3A_934 : vector<1x64xf32> to vector<1000x64xf32>
        %eq3A_936 = arith.cmpf oeq, %select_n3A_931, %eq3A_935 : vector<1000x64xf32>
        %gt3A_937 = vector.broadcast %while3A_188 : f32 to vector<1x64xf32>
        %gt3A_938 = arith.cmpf ogt, %broadcast_in_dim3A_934, %gt3A_937 : vector<1x64xf32>
        %and3A_939 = vector.broadcast %gt3A_938 : vector<1x64xi1> to vector<1000x64xi1>
        %and3A_940 = arith.andi %eq3A_936, %and3A_939 : vector<1000x64xi1>
        %jit3A_941 = arith.constant 10000 : i32
        %broadcast_in_dim3A_942 = vector.broadcast %jit3A_941 : i32 to vector<1000x64xi32>
        %select_n3A_943 = arith.select %and3A_940, %add3A_871, %broadcast_in_dim3A_942 : vector<1000x64xi1>, vector<1000x64xi32>
        %reduce_min3A_944 = arith.constant dense<2147483647> : vector<64xi32>
        %reduce_min3A_945 = vector.multi_reduction <minsi>, %select_n3A_943, %reduce_min3A_944 [0] : vector<1000x64xi32> to vector<64xi32>
        %broadcast_in_dim3A_946 = vector.shape_cast %reduce_min3A_945 : vector<64xi32> to vector<1x64xi32>
        %eq3A_947 = vector.broadcast %broadcast_in_dim3A_946 : vector<1x64xi32> to vector<1000x64xi32>
        %eq3A_948 = arith.cmpi eq, %add3A_871, %eq3A_947 : vector<1000x64xi32>
        %broadcast_in_dim3A_949 = vector.broadcast %while3A_188 : f32 to vector<1000x64xf32>
        %select_n3A_950 = arith.select %eq3A_948, %broadcast_in_dim3A_949, %select_n3A_931 : vector<1000x64xi1>, vector<1000x64xf32>
        %reduce_max3A_951 = arith.constant dense<0xFF800000> : vector<64xf32>
        %reduce_max3A_952 = vector.multi_reduction <maximumf>, %select_n3A_950, %reduce_max3A_951 [0] : vector<1000x64xf32> to vector<64xf32>
        %broadcast_in_dim3A_953 = vector.shape_cast %reduce_max3A_952 : vector<64xf32> to vector<1x64xf32>
        %eq3A_954 = vector.broadcast %broadcast_in_dim3A_953 : vector<1x64xf32> to vector<1000x64xf32>
        %eq3A_955 = arith.cmpf oeq, %select_n3A_950, %eq3A_954 : vector<1000x64xf32>
        %gt3A_956 = vector.broadcast %while3A_188 : f32 to vector<1x64xf32>
        %gt3A_957 = arith.cmpf ogt, %broadcast_in_dim3A_953, %gt3A_956 : vector<1x64xf32>
        %and3A_958 = vector.broadcast %gt3A_957 : vector<1x64xi1> to vector<1000x64xi1>
        %and3A_959 = arith.andi %eq3A_955, %and3A_958 : vector<1000x64xi1>
        %jit3A_960 = arith.constant 10000 : i32
        %broadcast_in_dim3A_961 = vector.broadcast %jit3A_960 : i32 to vector<1000x64xi32>
        %select_n3A_962 = arith.select %and3A_959, %add3A_871, %broadcast_in_dim3A_961 : vector<1000x64xi1>, vector<1000x64xi32>
        %reduce_min3A_963 = arith.constant dense<2147483647> : vector<64xi32>
        %reduce_min3A_964 = vector.multi_reduction <minsi>, %select_n3A_962, %reduce_min3A_963 [0] : vector<1000x64xi32> to vector<64xi32>
        %broadcast_in_dim3A_965 = vector.shape_cast %reduce_min3A_964 : vector<64xi32> to vector<1x64xi32>
        %concatenate3A_966 = tpu.concatenate %broadcast_in_dim3A_878, %broadcast_in_dim3A_896, %broadcast_in_dim3A_915, %broadcast_in_dim3A_934, %broadcast_in_dim3A_953, %while3A_861 in 0 : vector<1x64xf32>, vector<1x64xf32>, vector<1x64xf32>, vector<1x64xf32>, vector<1x64xf32>, vector<5x64xf32> -> vector<10x64xf32>
        %concatenate3A_967 = tpu.concatenate %broadcast_in_dim3A_889, %broadcast_in_dim3A_908, %broadcast_in_dim3A_927, %broadcast_in_dim3A_946, %broadcast_in_dim3A_965, %while3A_862 in 0 : vector<1x64xi32>, vector<1x64xi32>, vector<1x64xi32>, vector<1x64xi32>, vector<1x64xi32>, vector<5x64xi32> -> vector<10x64xi32>
        %reduce_max3A_968 = arith.constant dense<0xFF800000> : vector<64xf32>
        %reduce_max3A_969 = vector.multi_reduction <maximumf>, %concatenate3A_966, %reduce_max3A_968 [0] : vector<10x64xf32> to vector<64xf32>
        %broadcast_in_dim3A_970 = vector.shape_cast %reduce_max3A_969 : vector<64xf32> to vector<1x64xf32>
        %eq3A_971 = vector.broadcast %broadcast_in_dim3A_970 : vector<1x64xf32> to vector<10x64xf32>
        %eq3A_972 = arith.cmpf oeq, %concatenate3A_966, %eq3A_971 : vector<10x64xf32>
        %gt3A_973 = vector.broadcast %while3A_188 : f32 to vector<1x64xf32>
        %gt3A_974 = arith.cmpf ogt, %broadcast_in_dim3A_970, %gt3A_973 : vector<1x64xf32>
        %and3A_975 = vector.broadcast %gt3A_974 : vector<1x64xi1> to vector<10x64xi1>
        %and3A_976 = arith.andi %eq3A_972, %and3A_975 : vector<10x64xi1>
        %jit3A_977 = arith.constant 10000 : i32
        %broadcast_in_dim3A_978 = vector.broadcast %jit3A_977 : i32 to vector<10x64xi32>
        %select_n3A_979 = arith.select %and3A_976, %concatenate3A_967, %broadcast_in_dim3A_978 : vector<10x64xi1>, vector<10x64xi32>
        %reduce_min3A_980 = arith.constant dense<2147483647> : vector<64xi32>
        %reduce_min3A_981 = vector.multi_reduction <minsi>, %select_n3A_979, %reduce_min3A_980 [0] : vector<10x64xi32> to vector<64xi32>
        %broadcast_in_dim3A_982 = vector.shape_cast %reduce_min3A_981 : vector<64xi32> to vector<1x64xi32>
        %eq3A_983 = vector.broadcast %broadcast_in_dim3A_982 : vector<1x64xi32> to vector<10x64xi32>
        %eq3A_984 = arith.cmpi eq, %concatenate3A_967, %eq3A_983 : vector<10x64xi32>
        %broadcast_in_dim3A_985 = vector.broadcast %while3A_188 : f32 to vector<10x64xf32>
        %select_n3A_986 = arith.select %eq3A_984, %broadcast_in_dim3A_985, %concatenate3A_966 : vector<10x64xi1>, vector<10x64xf32>
        %reduce_max3A_987 = arith.constant dense<0xFF800000> : vector<64xf32>
        %reduce_max3A_988 = vector.multi_reduction <maximumf>, %select_n3A_986, %reduce_max3A_987 [0] : vector<10x64xf32> to vector<64xf32>
        %broadcast_in_dim3A_989 = vector.shape_cast %reduce_max3A_988 : vector<64xf32> to vector<1x64xf32>
        %eq3A_990 = vector.broadcast %broadcast_in_dim3A_989 : vector<1x64xf32> to vector<10x64xf32>
        %eq3A_991 = arith.cmpf oeq, %select_n3A_986, %eq3A_990 : vector<10x64xf32>
        %gt3A_992 = vector.broadcast %while3A_188 : f32 to vector<1x64xf32>
        %gt3A_993 = arith.cmpf ogt, %broadcast_in_dim3A_989, %gt3A_992 : vector<1x64xf32>
        %and3A_994 = vector.broadcast %gt3A_993 : vector<1x64xi1> to vector<10x64xi1>
        %and3A_995 = arith.andi %eq3A_991, %and3A_994 : vector<10x64xi1>
        %jit3A_996 = arith.constant 10000 : i32
        %broadcast_in_dim3A_997 = vector.broadcast %jit3A_996 : i32 to vector<10x64xi32>
        %select_n3A_998 = arith.select %and3A_995, %concatenate3A_967, %broadcast_in_dim3A_997 : vector<10x64xi1>, vector<10x64xi32>
        %reduce_min3A_999 = arith.constant dense<2147483647> : vector<64xi32>
        %reduce_min3A_1000 = vector.multi_reduction <minsi>, %select_n3A_998, %reduce_min3A_999 [0] : vector<10x64xi32> to vector<64xi32>
        %broadcast_in_dim3A_1001 = vector.shape_cast %reduce_min3A_1000 : vector<64xi32> to vector<1x64xi32>
        %eq3A_1002 = vector.broadcast %broadcast_in_dim3A_1001 : vector<1x64xi32> to vector<10x64xi32>
        %eq3A_1003 = arith.cmpi eq, %concatenate3A_967, %eq3A_1002 : vector<10x64xi32>
        %broadcast_in_dim3A_1004 = vector.broadcast %while3A_188 : f32 to vector<10x64xf32>
        %select_n3A_1005 = arith.select %eq3A_1003, %broadcast_in_dim3A_1004, %select_n3A_986 : vector<10x64xi1>, vector<10x64xf32>
        %reduce_max3A_1006 = arith.constant dense<0xFF800000> : vector<64xf32>
        %reduce_max3A_1007 = vector.multi_reduction <maximumf>, %select_n3A_1005, %reduce_max3A_1006 [0] : vector<10x64xf32> to vector<64xf32>
        %broadcast_in_dim3A_1008 = vector.shape_cast %reduce_max3A_1007 : vector<64xf32> to vector<1x64xf32>
        %eq3A_1009 = vector.broadcast %broadcast_in_dim3A_1008 : vector<1x64xf32> to vector<10x64xf32>
        %eq3A_1010 = arith.cmpf oeq, %select_n3A_1005, %eq3A_1009 : vector<10x64xf32>
        %gt3A_1011 = vector.broadcast %while3A_188 : f32 to vector<1x64xf32>
        %gt3A_1012 = arith.cmpf ogt, %broadcast_in_dim3A_1008, %gt3A_1011 : vector<1x64xf32>
        %and3A_1013 = vector.broadcast %gt3A_1012 : vector<1x64xi1> to vector<10x64xi1>
        %and3A_1014 = arith.andi %eq3A_1010, %and3A_1013 : vector<10x64xi1>
        %jit3A_1015 = arith.constant 10000 : i32
        %broadcast_in_dim3A_1016 = vector.broadcast %jit3A_1015 : i32 to vector<10x64xi32>
        %select_n3A_1017 = arith.select %and3A_1014, %concatenate3A_967, %broadcast_in_dim3A_1016 : vector<10x64xi1>, vector<10x64xi32>
        %reduce_min3A_1018 = arith.constant dense<2147483647> : vector<64xi32>
        %reduce_min3A_1019 = vector.multi_reduction <minsi>, %select_n3A_1017, %reduce_min3A_1018 [0] : vector<10x64xi32> to vector<64xi32>
        %broadcast_in_dim3A_1020 = vector.shape_cast %reduce_min3A_1019 : vector<64xi32> to vector<1x64xi32>
        %eq3A_1021 = vector.broadcast %broadcast_in_dim3A_1020 : vector<1x64xi32> to vector<10x64xi32>
        %eq3A_1022 = arith.cmpi eq, %concatenate3A_967, %eq3A_1021 : vector<10x64xi32>
        %broadcast_in_dim3A_1023 = vector.broadcast %while3A_188 : f32 to vector<10x64xf32>
        %select_n3A_1024 = arith.select %eq3A_1022, %broadcast_in_dim3A_1023, %select_n3A_1005 : vector<10x64xi1>, vector<10x64xf32>
        %reduce_max3A_1025 = arith.constant dense<0xFF800000> : vector<64xf32>
        %reduce_max3A_1026 = vector.multi_reduction <maximumf>, %select_n3A_1024, %reduce_max3A_1025 [0] : vector<10x64xf32> to vector<64xf32>
        %broadcast_in_dim3A_1027 = vector.shape_cast %reduce_max3A_1026 : vector<64xf32> to vector<1x64xf32>
        %eq3A_1028 = vector.broadcast %broadcast_in_dim3A_1027 : vector<1x64xf32> to vector<10x64xf32>
        %eq3A_1029 = arith.cmpf oeq, %select_n3A_1024, %eq3A_1028 : vector<10x64xf32>
        %gt3A_1030 = vector.broadcast %while3A_188 : f32 to vector<1x64xf32>
        %gt3A_1031 = arith.cmpf ogt, %broadcast_in_dim3A_1027, %gt3A_1030 : vector<1x64xf32>
        %and3A_1032 = vector.broadcast %gt3A_1031 : vector<1x64xi1> to vector<10x64xi1>
        %and3A_1033 = arith.andi %eq3A_1029, %and3A_1032 : vector<10x64xi1>
        %jit3A_1034 = arith.constant 10000 : i32
        %broadcast_in_dim3A_1035 = vector.broadcast %jit3A_1034 : i32 to vector<10x64xi32>
        %select_n3A_1036 = arith.select %and3A_1033, %concatenate3A_967, %broadcast_in_dim3A_1035 : vector<10x64xi1>, vector<10x64xi32>
        %reduce_min3A_1037 = arith.constant dense<2147483647> : vector<64xi32>
        %reduce_min3A_1038 = vector.multi_reduction <minsi>, %select_n3A_1036, %reduce_min3A_1037 [0] : vector<10x64xi32> to vector<64xi32>
        %broadcast_in_dim3A_1039 = vector.shape_cast %reduce_min3A_1038 : vector<64xi32> to vector<1x64xi32>
        %eq3A_1040 = vector.broadcast %broadcast_in_dim3A_1039 : vector<1x64xi32> to vector<10x64xi32>
        %eq3A_1041 = arith.cmpi eq, %concatenate3A_967, %eq3A_1040 : vector<10x64xi32>
        %broadcast_in_dim3A_1042 = vector.broadcast %while3A_188 : f32 to vector<10x64xf32>
        %select_n3A_1043 = arith.select %eq3A_1041, %broadcast_in_dim3A_1042, %select_n3A_1024 : vector<10x64xi1>, vector<10x64xf32>
        %reduce_max3A_1044 = arith.constant dense<0xFF800000> : vector<64xf32>
        %reduce_max3A_1045 = vector.multi_reduction <maximumf>, %select_n3A_1043, %reduce_max3A_1044 [0] : vector<10x64xf32> to vector<64xf32>
        %broadcast_in_dim3A_1046 = vector.shape_cast %reduce_max3A_1045 : vector<64xf32> to vector<1x64xf32>
        %eq3A_1047 = vector.broadcast %broadcast_in_dim3A_1046 : vector<1x64xf32> to vector<10x64xf32>
        %eq3A_1048 = arith.cmpf oeq, %select_n3A_1043, %eq3A_1047 : vector<10x64xf32>
        %gt3A_1049 = vector.broadcast %while3A_188 : f32 to vector<1x64xf32>
        %gt3A_1050 = arith.cmpf ogt, %broadcast_in_dim3A_1046, %gt3A_1049 : vector<1x64xf32>
        %and3A_1051 = vector.broadcast %gt3A_1050 : vector<1x64xi1> to vector<10x64xi1>
        %and3A_1052 = arith.andi %eq3A_1048, %and3A_1051 : vector<10x64xi1>
        %jit3A_1053 = arith.constant 10000 : i32
        %broadcast_in_dim3A_1054 = vector.broadcast %jit3A_1053 : i32 to vector<10x64xi32>
        %select_n3A_1055 = arith.select %and3A_1052, %concatenate3A_967, %broadcast_in_dim3A_1054 : vector<10x64xi1>, vector<10x64xi32>
        %reduce_min3A_1056 = arith.constant dense<2147483647> : vector<64xi32>
        %reduce_min3A_1057 = vector.multi_reduction <minsi>, %select_n3A_1055, %reduce_min3A_1056 [0] : vector<10x64xi32> to vector<64xi32>
        %broadcast_in_dim3A_1058 = vector.shape_cast %reduce_min3A_1057 : vector<64xi32> to vector<1x64xi32>
        %concatenate3A_1059 = tpu.concatenate %broadcast_in_dim3A_970, %broadcast_in_dim3A_989, %broadcast_in_dim3A_1008, %broadcast_in_dim3A_1027, %broadcast_in_dim3A_1046 in 0 : vector<1x64xf32>, vector<1x64xf32>, vector<1x64xf32>, vector<1x64xf32>, vector<1x64xf32> -> vector<5x64xf32>
        %concatenate3A_1060 = tpu.concatenate %broadcast_in_dim3A_982, %broadcast_in_dim3A_1001, %broadcast_in_dim3A_1020, %broadcast_in_dim3A_1039, %broadcast_in_dim3A_1058 in 0 : vector<1x64xi32>, vector<1x64xi32>, vector<1x64xi32>, vector<1x64xi32>, vector<1x64xi32> -> vector<5x64xi32>
        scf.yield %concatenate3A_1059, %concatenate3A_1060 : vector<5x64xf32>, vector<5x64xi32>
      }
      %while3A_197 = arith.constant 1 : i32
      %while3A_198:2 = scf.for %while3A_860 = %while3A_194 to %while3A_190 step %while3A_197 iter_args(%while3A_861 = %while3A_196#0, %while3A_862 = %while3A_196#1) -> (vector<5x64xf32>, vector<5x64xi32>)  : i32 {
        %mul3A_863 = arith.constant 1000 : i32
        %mul3A_864 = arith.muli %while3A_860, %mul3A_863 : i32
        %get3A_865 = arith.index_cast %mul3A_864 : i32 to index
        %get3A_866 = arith.constant 0 : index
        %get3A_867 = vector.load %arg13[%get3A_865, %get3A_866] : memref<10000x64xf32, #tpu.memory_space<vmem>>, vector<1000x64xf32>
        %mul3A_868 = arith.constant 1000 : i32
        %mul3A_869 = arith.muli %while3A_860, %mul3A_868 : i32
        %add3A_870 = vector.broadcast %mul3A_869 : i32 to vector<1000x64xi32>
        %add3A_871 = arith.addi %iota3A_41, %add3A_870 : vector<1000x64xi32>
        %ge3A = vector.broadcast %get3A_47 : i32 to vector<1000x64xi32>
        %ge3A_872 = arith.cmpi sge, %add3A_871, %ge3A : vector<1000x64xi32>
        %lt3A = vector.broadcast %get3A_49 : i32 to vector<1000x64xi32>
        %lt3A_873 = arith.cmpi slt, %add3A_871, %lt3A : vector<1000x64xi32>
        %and3A_874 = arith.andi %ge3A_872, %lt3A_873 : vector<1000x64xi1>
        %broadcast_in_dim3A_875 = vector.broadcast %while3A_188 : f32 to vector<1000x64xf32>
        %select_n3A_876 = arith.select %and3A_874, %get3A_867, %broadcast_in_dim3A_875 : vector<1000x64xi1>, vector<1000x64xf32>
        %reduce_max3A = arith.constant dense<0xFF800000> : vector<64xf32>
        %reduce_max3A_877 = vector.multi_reduction <maximumf>, %select_n3A_876, %reduce_max3A [0] : vector<1000x64xf32> to vector<64xf32>
        %broadcast_in_dim3A_878 = vector.shape_cast %reduce_max3A_877 : vector<64xf32> to vector<1x64xf32>
        %eq3A_879 = vector.broadcast %broadcast_in_dim3A_878 : vector<1x64xf32> to vector<1000x64xf32>
        %eq3A_880 = arith.cmpf oeq, %select_n3A_876, %eq3A_879 : vector<1000x64xf32>
        %gt3A_881 = vector.broadcast %while3A_188 : f32 to vector<1x64xf32>
        %gt3A_882 = arith.cmpf ogt, %broadcast_in_dim3A_878, %gt3A_881 : vector<1x64xf32>
        %and3A_883 = vector.broadcast %gt3A_882 : vector<1x64xi1> to vector<1000x64xi1>
        %and3A_884 = arith.andi %eq3A_880, %and3A_883 : vector<1000x64xi1>
        %jit3A_885 = arith.constant 10000 : i32
        %broadcast_in_dim3A_886 = vector.broadcast %jit3A_885 : i32 to vector<1000x64xi32>
        %select_n3A_887 = arith.select %and3A_884, %add3A_871, %broadcast_in_dim3A_886 : vector<1000x64xi1>, vector<1000x64xi32>
        %reduce_min3A = arith.constant dense<2147483647> : vector<64xi32>
        %reduce_min3A_888 = vector.multi_reduction <minsi>, %select_n3A_887, %reduce_min3A [0] : vector<1000x64xi32> to vector<64xi32>
        %broadcast_in_dim3A_889 = vector.shape_cast %reduce_min3A_888 : vector<64xi32> to vector<1x64xi32>
        %eq3A_890 = vector.broadcast %broadcast_in_dim3A_889 : vector<1x64xi32> to vector<1000x64xi32>
        %eq3A_891 = arith.cmpi eq, %add3A_871, %eq3A_890 : vector<1000x64xi32>
        %broadcast_in_dim3A_892 = vector.broadcast %while3A_188 : f32 to vector<1000x64xf32>
        %select_n3A_893 = arith.select %eq3A_891, %broadcast_in_dim3A_892, %select_n3A_876 : vector<1000x64xi1>, vector<1000x64xf32>
        %reduce_max3A_894 = arith.constant dense<0xFF800000> : vector<64xf32>
        %reduce_max3A_895 = vector.multi_reduction <maximumf>, %select_n3A_893, %reduce_max3A_894 [0] : vector<1000x64xf32> to vector<64xf32>
        %broadcast_in_dim3A_896 = vector.shape_cast %reduce_max3A_895 : vector<64xf32> to vector<1x64xf32>
        %eq3A_897 = vector.broadcast %broadcast_in_dim3A_896 : vector<1x64xf32> to vector<1000x64xf32>
        %eq3A_898 = arith.cmpf oeq, %select_n3A_893, %eq3A_897 : vector<1000x64xf32>
        %gt3A_899 = vector.broadcast %while3A_188 : f32 to vector<1x64xf32>
        %gt3A_900 = arith.cmpf ogt, %broadcast_in_dim3A_896, %gt3A_899 : vector<1x64xf32>
        %and3A_901 = vector.broadcast %gt3A_900 : vector<1x64xi1> to vector<1000x64xi1>
        %and3A_902 = arith.andi %eq3A_898, %and3A_901 : vector<1000x64xi1>
        %jit3A_903 = arith.constant 10000 : i32
        %broadcast_in_dim3A_904 = vector.broadcast %jit3A_903 : i32 to vector<1000x64xi32>
        %select_n3A_905 = arith.select %and3A_902, %add3A_871, %broadcast_in_dim3A_904 : vector<1000x64xi1>, vector<1000x64xi32>
        %reduce_min3A_906 = arith.constant dense<2147483647> : vector<64xi32>
        %reduce_min3A_907 = vector.multi_reduction <minsi>, %select_n3A_905, %reduce_min3A_906 [0] : vector<1000x64xi32> to vector<64xi32>
        %broadcast_in_dim3A_908 = vector.shape_cast %reduce_min3A_907 : vector<64xi32> to vector<1x64xi32>
        %eq3A_909 = vector.broadcast %broadcast_in_dim3A_908 : vector<1x64xi32> to vector<1000x64xi32>
        %eq3A_910 = arith.cmpi eq, %add3A_871, %eq3A_909 : vector<1000x64xi32>
        %broadcast_in_dim3A_911 = vector.broadcast %while3A_188 : f32 to vector<1000x64xf32>
        %select_n3A_912 = arith.select %eq3A_910, %broadcast_in_dim3A_911, %select_n3A_893 : vector<1000x64xi1>, vector<1000x64xf32>
        %reduce_max3A_913 = arith.constant dense<0xFF800000> : vector<64xf32>
        %reduce_max3A_914 = vector.multi_reduction <maximumf>, %select_n3A_912, %reduce_max3A_913 [0] : vector<1000x64xf32> to vector<64xf32>
        %broadcast_in_dim3A_915 = vector.shape_cast %reduce_max3A_914 : vector<64xf32> to vector<1x64xf32>
        %eq3A_916 = vector.broadcast %broadcast_in_dim3A_915 : vector<1x64xf32> to vector<1000x64xf32>
        %eq3A_917 = arith.cmpf oeq, %select_n3A_912, %eq3A_916 : vector<1000x64xf32>
        %gt3A_918 = vector.broadcast %while3A_188 : f32 to vector<1x64xf32>
        %gt3A_919 = arith.cmpf ogt, %broadcast_in_dim3A_915, %gt3A_918 : vector<1x64xf32>
        %and3A_920 = vector.broadcast %gt3A_919 : vector<1x64xi1> to vector<1000x64xi1>
        %and3A_921 = arith.andi %eq3A_917, %and3A_920 : vector<1000x64xi1>
        %jit3A_922 = arith.constant 10000 : i32
        %broadcast_in_dim3A_923 = vector.broadcast %jit3A_922 : i32 to vector<1000x64xi32>
        %select_n3A_924 = arith.select %and3A_921, %add3A_871, %broadcast_in_dim3A_923 : vector<1000x64xi1>, vector<1000x64xi32>
        %reduce_min3A_925 = arith.constant dense<2147483647> : vector<64xi32>
        %reduce_min3A_926 = vector.multi_reduction <minsi>, %select_n3A_924, %reduce_min3A_925 [0] : vector<1000x64xi32> to vector<64xi32>
        %broadcast_in_dim3A_927 = vector.shape_cast %reduce_min3A_926 : vector<64xi32> to vector<1x64xi32>
        %eq3A_928 = vector.broadcast %broadcast_in_dim3A_927 : vector<1x64xi32> to vector<1000x64xi32>
        %eq3A_929 = arith.cmpi eq, %add3A_871, %eq3A_928 : vector<1000x64xi32>
        %broadcast_in_dim3A_930 = vector.broadcast %while3A_188 : f32 to vector<1000x64xf32>
        %select_n3A_931 = arith.select %eq3A_929, %broadcast_in_dim3A_930, %select_n3A_912 : vector<1000x64xi1>, vector<1000x64xf32>
        %reduce_max3A_932 = arith.constant dense<0xFF800000> : vector<64xf32>
        %reduce_max3A_933 = vector.multi_reduction <maximumf>, %select_n3A_931, %reduce_max3A_932 [0] : vector<1000x64xf32> to vector<64xf32>
        %broadcast_in_dim3A_934 = vector.shape_cast %reduce_max3A_933 : vector<64xf32> to vector<1x64xf32>
        %eq3A_935 = vector.broadcast %broadcast_in_dim3A_934 : vector<1x64xf32> to vector<1000x64xf32>
        %eq3A_936 = arith.cmpf oeq, %select_n3A_931, %eq3A_935 : vector<1000x64xf32>
        %gt3A_937 = vector.broadcast %while3A_188 : f32 to vector<1x64xf32>
        %gt3A_938 = arith.cmpf ogt, %broadcast_in_dim3A_934, %gt3A_937 : vector<1x64xf32>
        %and3A_939 = vector.broadcast %gt3A_938 : vector<1x64xi1> to vector<1000x64xi1>
        %and3A_940 = arith.andi %eq3A_936, %and3A_939 : vector<1000x64xi1>
        %jit3A_941 = arith.constant 10000 : i32
        %broadcast_in_dim3A_942 = vector.broadcast %jit3A_941 : i32 to vector<1000x64xi32>
        %select_n3A_943 = arith.select %and3A_940, %add3A_871, %broadcast_in_dim3A_942 : vector<1000x64xi1>, vector<1000x64xi32>
        %reduce_min3A_944 = arith.constant dense<2147483647> : vector<64xi32>
        %reduce_min3A_945 = vector.multi_reduction <minsi>, %select_n3A_943, %reduce_min3A_944 [0] : vector<1000x64xi32> to vector<64xi32>
        %broadcast_in_dim3A_946 = vector.shape_cast %reduce_min3A_945 : vector<64xi32> to vector<1x64xi32>
        %eq3A_947 = vector.broadcast %broadcast_in_dim3A_946 : vector<1x64xi32> to vector<1000x64xi32>
        %eq3A_948 = arith.cmpi eq, %add3A_871, %eq3A_947 : vector<1000x64xi32>
        %broadcast_in_dim3A_949 = vector.broadcast %while3A_188 : f32 to vector<1000x64xf32>
        %select_n3A_950 = arith.select %eq3A_948, %broadcast_in_dim3A_949, %select_n3A_931 : vector<1000x64xi1>, vector<1000x64xf32>
        %reduce_max3A_951 = arith.constant dense<0xFF800000> : vector<64xf32>
        %reduce_max3A_952 = vector.multi_reduction <maximumf>, %select_n3A_950, %reduce_max3A_951 [0] : vector<1000x64xf32> to vector<64xf32>
        %broadcast_in_dim3A_953 = vector.shape_cast %reduce_max3A_952 : vector<64xf32> to vector<1x64xf32>
        %eq3A_954 = vector.broadcast %broadcast_in_dim3A_953 : vector<1x64xf32> to vector<1000x64xf32>
        %eq3A_955 = arith.cmpf oeq, %select_n3A_950, %eq3A_954 : vector<1000x64xf32>
        %gt3A_956 = vector.broadcast %while3A_188 : f32 to vector<1x64xf32>
        %gt3A_957 = arith.cmpf ogt, %broadcast_in_dim3A_953, %gt3A_956 : vector<1x64xf32>
        %and3A_958 = vector.broadcast %gt3A_957 : vector<1x64xi1> to vector<1000x64xi1>
        %and3A_959 = arith.andi %eq3A_955, %and3A_958 : vector<1000x64xi1>
        %jit3A_960 = arith.constant 10000 : i32
        %broadcast_in_dim3A_961 = vector.broadcast %jit3A_960 : i32 to vector<1000x64xi32>
        %select_n3A_962 = arith.select %and3A_959, %add3A_871, %broadcast_in_dim3A_961 : vector<1000x64xi1>, vector<1000x64xi32>
        %reduce_min3A_963 = arith.constant dense<2147483647> : vector<64xi32>
        %reduce_min3A_964 = vector.multi_reduction <minsi>, %select_n3A_962, %reduce_min3A_963 [0] : vector<1000x64xi32> to vector<64xi32>
        %broadcast_in_dim3A_965 = vector.shape_cast %reduce_min3A_964 : vector<64xi32> to vector<1x64xi32>
        %concatenate3A_966 = tpu.concatenate %broadcast_in_dim3A_878, %broadcast_in_dim3A_896, %broadcast_in_dim3A_915, %broadcast_in_dim3A_934, %broadcast_in_dim3A_953, %while3A_861 in 0 : vector<1x64xf32>, vector<1x64xf32>, vector<1x64xf32>, vector<1x64xf32>, vector<1x64xf32>, vector<5x64xf32> -> vector<10x64xf32>
        %concatenate3A_967 = tpu.concatenate %broadcast_in_dim3A_889, %broadcast_in_dim3A_908, %broadcast_in_dim3A_927, %broadcast_in_dim3A_946, %broadcast_in_dim3A_965, %while3A_862 in 0 : vector<1x64xi32>, vector<1x64xi32>, vector<1x64xi32>, vector<1x64xi32>, vector<1x64xi32>, vector<5x64xi32> -> vector<10x64xi32>
        %reduce_max3A_968 = arith.constant dense<0xFF800000> : vector<64xf32>
        %reduce_max3A_969 = vector.multi_reduction <maximumf>, %concatenate3A_966, %reduce_max3A_968 [0] : vector<10x64xf32> to vector<64xf32>
        %broadcast_in_dim3A_970 = vector.shape_cast %reduce_max3A_969 : vector<64xf32> to vector<1x64xf32>
        %eq3A_971 = vector.broadcast %broadcast_in_dim3A_970 : vector<1x64xf32> to vector<10x64xf32>
        %eq3A_972 = arith.cmpf oeq, %concatenate3A_966, %eq3A_971 : vector<10x64xf32>
        %gt3A_973 = vector.broadcast %while3A_188 : f32 to vector<1x64xf32>
        %gt3A_974 = arith.cmpf ogt, %broadcast_in_dim3A_970, %gt3A_973 : vector<1x64xf32>
        %and3A_975 = vector.broadcast %gt3A_974 : vector<1x64xi1> to vector<10x64xi1>
        %and3A_976 = arith.andi %eq3A_972, %and3A_975 : vector<10x64xi1>
        %jit3A_977 = arith.constant 10000 : i32
        %broadcast_in_dim3A_978 = vector.broadcast %jit3A_977 : i32 to vector<10x64xi32>
        %select_n3A_979 = arith.select %and3A_976, %concatenate3A_967, %broadcast_in_dim3A_978 : vector<10x64xi1>, vector<10x64xi32>
        %reduce_min3A_980 = arith.constant dense<2147483647> : vector<64xi32>
        %reduce_min3A_981 = vector.multi_reduction <minsi>, %select_n3A_979, %reduce_min3A_980 [0] : vector<10x64xi32> to vector<64xi32>
        %broadcast_in_dim3A_982 = vector.shape_cast %reduce_min3A_981 : vector<64xi32> to vector<1x64xi32>
        %eq3A_983 = vector.broadcast %broadcast_in_dim3A_982 : vector<1x64xi32> to vector<10x64xi32>
        %eq3A_984 = arith.cmpi eq, %concatenate3A_967, %eq3A_983 : vector<10x64xi32>
        %broadcast_in_dim3A_985 = vector.broadcast %while3A_188 : f32 to vector<10x64xf32>
        %select_n3A_986 = arith.select %eq3A_984, %broadcast_in_dim3A_985, %concatenate3A_966 : vector<10x64xi1>, vector<10x64xf32>
        %reduce_max3A_987 = arith.constant dense<0xFF800000> : vector<64xf32>
        %reduce_max3A_988 = vector.multi_reduction <maximumf>, %select_n3A_986, %reduce_max3A_987 [0] : vector<10x64xf32> to vector<64xf32>
        %broadcast_in_dim3A_989 = vector.shape_cast %reduce_max3A_988 : vector<64xf32> to vector<1x64xf32>
        %eq3A_990 = vector.broadcast %broadcast_in_dim3A_989 : vector<1x64xf32> to vector<10x64xf32>
        %eq3A_991 = arith.cmpf oeq, %select_n3A_986, %eq3A_990 : vector<10x64xf32>
        %gt3A_992 = vector.broadcast %while3A_188 : f32 to vector<1x64xf32>
        %gt3A_993 = arith.cmpf ogt, %broadcast_in_dim3A_989, %gt3A_992 : vector<1x64xf32>
        %and3A_994 = vector.broadcast %gt3A_993 : vector<1x64xi1> to vector<10x64xi1>
        %and3A_995 = arith.andi %eq3A_991, %and3A_994 : vector<10x64xi1>
        %jit3A_996 = arith.constant 10000 : i32
        %broadcast_in_dim3A_997 = vector.broadcast %jit3A_996 : i32 to vector<10x64xi32>
        %select_n3A_998 = arith.select %and3A_995, %concatenate3A_967, %broadcast_in_dim3A_997 : vector<10x64xi1>, vector<10x64xi32>
        %reduce_min3A_999 = arith.constant dense<2147483647> : vector<64xi32>
        %reduce_min3A_1000 = vector.multi_reduction <minsi>, %select_n3A_998, %reduce_min3A_999 [0] : vector<10x64xi32> to vector<64xi32>
        %broadcast_in_dim3A_1001 = vector.shape_cast %reduce_min3A_1000 : vector<64xi32> to vector<1x64xi32>
        %eq3A_1002 = vector.broadcast %broadcast_in_dim3A_1001 : vector<1x64xi32> to vector<10x64xi32>
        %eq3A_1003 = arith.cmpi eq, %concatenate3A_967, %eq3A_1002 : vector<10x64xi32>
        %broadcast_in_dim3A_1004 = vector.broadcast %while3A_188 : f32 to vector<10x64xf32>
        %select_n3A_1005 = arith.select %eq3A_1003, %broadcast_in_dim3A_1004, %select_n3A_986 : vector<10x64xi1>, vector<10x64xf32>
        %reduce_max3A_1006 = arith.constant dense<0xFF800000> : vector<64xf32>
        %reduce_max3A_1007 = vector.multi_reduction <maximumf>, %select_n3A_1005, %reduce_max3A_1006 [0] : vector<10x64xf32> to vector<64xf32>
        %broadcast_in_dim3A_1008 = vector.shape_cast %reduce_max3A_1007 : vector<64xf32> to vector<1x64xf32>
        %eq3A_1009 = vector.broadcast %broadcast_in_dim3A_1008 : vector<1x64xf32> to vector<10x64xf32>
        %eq3A_1010 = arith.cmpf oeq, %select_n3A_1005, %eq3A_1009 : vector<10x64xf32>
        %gt3A_1011 = vector.broadcast %while3A_188 : f32 to vector<1x64xf32>
        %gt3A_1012 = arith.cmpf ogt, %broadcast_in_dim3A_1008, %gt3A_1011 : vector<1x64xf32>
        %and3A_1013 = vector.broadcast %gt3A_1012 : vector<1x64xi1> to vector<10x64xi1>
        %and3A_1014 = arith.andi %eq3A_1010, %and3A_1013 : vector<10x64xi1>
        %jit3A_1015 = arith.constant 10000 : i32
        %broadcast_in_dim3A_1016 = vector.broadcast %jit3A_1015 : i32 to vector<10x64xi32>
        %select_n3A_1017 = arith.select %and3A_1014, %concatenate3A_967, %broadcast_in_dim3A_1016 : vector<10x64xi1>, vector<10x64xi32>
        %reduce_min3A_1018 = arith.constant dense<2147483647> : vector<64xi32>
        %reduce_min3A_1019 = vector.multi_reduction <minsi>, %select_n3A_1017, %reduce_min3A_1018 [0] : vector<10x64xi32> to vector<64xi32>
        %broadcast_in_dim3A_1020 = vector.shape_cast %reduce_min3A_1019 : vector<64xi32> to vector<1x64xi32>
        %eq3A_1021 = vector.broadcast %broadcast_in_dim3A_1020 : vector<1x64xi32> to vector<10x64xi32>
        %eq3A_1022 = arith.cmpi eq, %concatenate3A_967, %eq3A_1021 : vector<10x64xi32>
        %broadcast_in_dim3A_1023 = vector.broadcast %while3A_188 : f32 to vector<10x64xf32>
        %select_n3A_1024 = arith.select %eq3A_1022, %broadcast_in_dim3A_1023, %select_n3A_1005 : vector<10x64xi1>, vector<10x64xf32>
        %reduce_max3A_1025 = arith.constant dense<0xFF800000> : vector<64xf32>
        %reduce_max3A_1026 = vector.multi_reduction <maximumf>, %select_n3A_1024, %reduce_max3A_1025 [0] : vector<10x64xf32> to vector<64xf32>
        %broadcast_in_dim3A_1027 = vector.shape_cast %reduce_max3A_1026 : vector<64xf32> to vector<1x64xf32>
        %eq3A_1028 = vector.broadcast %broadcast_in_dim3A_1027 : vector<1x64xf32> to vector<10x64xf32>
        %eq3A_1029 = arith.cmpf oeq, %select_n3A_1024, %eq3A_1028 : vector<10x64xf32>
        %gt3A_1030 = vector.broadcast %while3A_188 : f32 to vector<1x64xf32>
        %gt3A_1031 = arith.cmpf ogt, %broadcast_in_dim3A_1027, %gt3A_1030 : vector<1x64xf32>
        %and3A_1032 = vector.broadcast %gt3A_1031 : vector<1x64xi1> to vector<10x64xi1>
        %and3A_1033 = arith.andi %eq3A_1029, %and3A_1032 : vector<10x64xi1>
        %jit3A_1034 = arith.constant 10000 : i32
        %broadcast_in_dim3A_1035 = vector.broadcast %jit3A_1034 : i32 to vector<10x64xi32>
        %select_n3A_1036 = arith.select %and3A_1033, %concatenate3A_967, %broadcast_in_dim3A_1035 : vector<10x64xi1>, vector<10x64xi32>
        %reduce_min3A_1037 = arith.constant dense<2147483647> : vector<64xi32>
        %reduce_min3A_1038 = vector.multi_reduction <minsi>, %select_n3A_1036, %reduce_min3A_1037 [0] : vector<10x64xi32> to vector<64xi32>
        %broadcast_in_dim3A_1039 = vector.shape_cast %reduce_min3A_1038 : vector<64xi32> to vector<1x64xi32>
        %eq3A_1040 = vector.broadcast %broadcast_in_dim3A_1039 : vector<1x64xi32> to vector<10x64xi32>
        %eq3A_1041 = arith.cmpi eq, %concatenate3A_967, %eq3A_1040 : vector<10x64xi32>
        %broadcast_in_dim3A_1042 = vector.broadcast %while3A_188 : f32 to vector<10x64xf32>
        %select_n3A_1043 = arith.select %eq3A_1041, %broadcast_in_dim3A_1042, %select_n3A_1024 : vector<10x64xi1>, vector<10x64xf32>
        %reduce_max3A_1044 = arith.constant dense<0xFF800000> : vector<64xf32>
        %reduce_max3A_1045 = vector.multi_reduction <maximumf>, %select_n3A_1043, %reduce_max3A_1044 [0] : vector<10x64xf32> to vector<64xf32>
        %broadcast_in_dim3A_1046 = vector.shape_cast %reduce_max3A_1045 : vector<64xf32> to vector<1x64xf32>
        %eq3A_1047 = vector.broadcast %broadcast_in_dim3A_1046 : vector<1x64xf32> to vector<10x64xf32>
        %eq3A_1048 = arith.cmpf oeq, %select_n3A_1043, %eq3A_1047 : vector<10x64xf32>
        %gt3A_1049 = vector.broadcast %while3A_188 : f32 to vector<1x64xf32>
        %gt3A_1050 = arith.cmpf ogt, %broadcast_in_dim3A_1046, %gt3A_1049 : vector<1x64xf32>
        %and3A_1051 = vector.broadcast %gt3A_1050 : vector<1x64xi1> to vector<10x64xi1>
        %and3A_1052 = arith.andi %eq3A_1048, %and3A_1051 : vector<10x64xi1>
        %jit3A_1053 = arith.constant 10000 : i32
        %broadcast_in_dim3A_1054 = vector.broadcast %jit3A_1053 : i32 to vector<10x64xi32>
        %select_n3A_1055 = arith.select %and3A_1052, %concatenate3A_967, %broadcast_in_dim3A_1054 : vector<10x64xi1>, vector<10x64xi32>
        %reduce_min3A_1056 = arith.constant dense<2147483647> : vector<64xi32>
        %reduce_min3A_1057 = vector.multi_reduction <minsi>, %select_n3A_1055, %reduce_min3A_1056 [0] : vector<10x64xi32> to vector<64xi32>
        %broadcast_in_dim3A_1058 = vector.shape_cast %reduce_min3A_1057 : vector<64xi32> to vector<1x64xi32>
        %concatenate3A_1059 = tpu.concatenate %broadcast_in_dim3A_970, %broadcast_in_dim3A_989, %broadcast_in_dim3A_1008, %broadcast_in_dim3A_1027, %broadcast_in_dim3A_1046 in 0 : vector<1x64xf32>, vector<1x64xf32>, vector<1x64xf32>, vector<1x64xf32>, vector<1x64xf32> -> vector<5x64xf32>
        %concatenate3A_1060 = tpu.concatenate %broadcast_in_dim3A_982, %broadcast_in_dim3A_1001, %broadcast_in_dim3A_1020, %broadcast_in_dim3A_1039, %broadcast_in_dim3A_1058 in 0 : vector<1x64xi32>, vector<1x64xi32>, vector<1x64xi32>, vector<1x64xi32>, vector<1x64xi32> -> vector<5x64xi32>
        scf.yield %concatenate3A_1059, %concatenate3A_1060 : vector<5x64xf32>, vector<5x64xi32>
      }
      %jit3A_199 = arith.constant 1000 : i32
      %div3A_200 = arith.divsi %get3A_51, %jit3A_199 : i32
      %sign3A_201 = arith.constant 0 : i32
      %sign3A_202 = arith.cmpi sgt, %get3A_51, %sign3A_201 : i32
      %sign3A_203 = arith.extui %sign3A_202 : i1 to i32
      %sign3A_204 = arith.constant 0 : i32
      %sign3A_205 = arith.cmpi slt, %get3A_51, %sign3A_204 : i32
      %sign3A_206 = arith.extui %sign3A_205 : i1 to i32
      %sign3A_207 = arith.subi %sign3A_203, %sign3A_206 : i32
      %sign3A_208 = arith.constant 0 : i32
      %sign3A_209 = arith.cmpi sgt, %jit3A_199, %sign3A_208 : i32
      %sign3A_210 = arith.extui %sign3A_209 : i1 to i32
      %sign3A_211 = arith.constant 0 : i32
      %sign3A_212 = arith.cmpi slt, %jit3A_199, %sign3A_211 : i32
      %sign3A_213 = arith.extui %sign3A_212 : i1 to i32
      %sign3A_214 = arith.subi %sign3A_210, %sign3A_213 : i32
      %ne3A_215 = arith.cmpi ne, %sign3A_207, %sign3A_214 : i32
      %rem3A_216 = arith.remsi %get3A_51, %jit3A_199 : i32
      %ne3A_217 = arith.constant 0 : i32
      %ne3A_218 = arith.cmpi ne, %rem3A_216, %ne3A_217 : i32
      %and3A_219 = arith.andi %ne3A_215, %ne3A_218 : i1
      %sub3A_220 = arith.constant 1 : i32
      %sub3A_221 = arith.subi %div3A_200, %sub3A_220 : i32
      %select_n3A_222 = arith.select %and3A_219, %sub3A_221, %div3A_200 : i32
      %add3A_223 = arith.constant 1000 : i32
      %add3A_224 = arith.addi %get3A_53, %add3A_223 : i32
      %sub3A_225 = arith.constant 1 : i32
      %sub3A_226 = arith.subi %add3A_224, %sub3A_225 : i32
      %jit3A_227 = arith.constant 1000 : i32
      %div3A_228 = arith.divsi %sub3A_226, %jit3A_227 : i32
      %sign3A_229 = arith.constant 0 : i32
      %sign3A_230 = arith.cmpi sgt, %sub3A_226, %sign3A_229 : i32
      %sign3A_231 = arith.extui %sign3A_230 : i1 to i32
      %sign3A_232 = arith.constant 0 : i32
      %sign3A_233 = arith.cmpi slt, %sub3A_226, %sign3A_232 : i32
      %sign3A_234 = arith.extui %sign3A_233 : i1 to i32
      %sign3A_235 = arith.subi %sign3A_231, %sign3A_234 : i32
      %sign3A_236 = arith.constant 0 : i32
      %sign3A_237 = arith.cmpi sgt, %jit3A_227, %sign3A_236 : i32
      %sign3A_238 = arith.extui %sign3A_237 : i1 to i32
      %sign3A_239 = arith.constant 0 : i32
      %sign3A_240 = arith.cmpi slt, %jit3A_227, %sign3A_239 : i32
      %sign3A_241 = arith.extui %sign3A_240 : i1 to i32
      %sign3A_242 = arith.subi %sign3A_238, %sign3A_241 : i32
      %ne3A_243 = arith.cmpi ne, %sign3A_235, %sign3A_242 : i32
      %rem3A_244 = arith.remsi %sub3A_226, %jit3A_227 : i32
      %ne3A_245 = arith.constant 0 : i32
      %ne3A_246 = arith.cmpi ne, %rem3A_244, %ne3A_245 : i32
      %and3A_247 = arith.andi %ne3A_243, %ne3A_246 : i1
      %sub3A_248 = arith.constant 1 : i32
      %sub3A_249 = arith.subi %div3A_228, %sub3A_248 : i32
      %select_n3A_250 = arith.select %and3A_247, %sub3A_249, %div3A_228 : i32
      %max3A_251 = arith.maxsi %select_n3A_250, %select_n3A_222 : i32
      %broadcast_in_dim3A_252 = arith.constant 0xFF800000 : f32
      %broadcast_in_dim3A_253 = vector.broadcast %broadcast_in_dim3A_252 : f32 to vector<5x64xf32>
      %broadcast_in_dim3A_254 = arith.constant 10000 : i32
      %broadcast_in_dim3A_255 = vector.broadcast %broadcast_in_dim3A_254 : i32 to vector<5x64xi32>
      %while3A_256 = arith.constant 0xFF800000 : f32
      %while3A_257 = arith.subi %max3A_251, %select_n3A_222 : i32
      %while3A_258 = arith.addi %select_n3A_222, %while3A_257 : i32
      %while3A_259 = arith.constant 1 : i32
      %while3A_260 = arith.divsi %while3A_257, %while3A_259 : i32
      %while3A_261 = arith.muli %while3A_260, %while3A_259 : i32
      %while3A_262 = arith.addi %select_n3A_222, %while3A_261 : i32
      %while3A_263 = arith.constant 1 : i32
      %while3A_264:2 = scf.for %while3A_860 = %select_n3A_222 to %while3A_262 step %while3A_263 iter_args(%while3A_861 = %broadcast_in_dim3A_253, %while3A_862 = %broadcast_in_dim3A_255) -> (vector<5x64xf32>, vector<5x64xi32>)  : i32 {
        %mul3A_863 = arith.constant 1000 : i32
        %mul3A_864 = arith.muli %while3A_860, %mul3A_863 : i32
        %get3A_865 = arith.index_cast %mul3A_864 : i32 to index
        %get3A_866 = arith.constant 0 : index
        %get3A_867 = vector.load %arg13[%get3A_865, %get3A_866] : memref<10000x64xf32, #tpu.memory_space<vmem>>, vector<1000x64xf32>
        %mul3A_868 = arith.constant 1000 : i32
        %mul3A_869 = arith.muli %while3A_860, %mul3A_868 : i32
        %add3A_870 = vector.broadcast %mul3A_869 : i32 to vector<1000x64xi32>
        %add3A_871 = arith.addi %iota3A_41, %add3A_870 : vector<1000x64xi32>
        %ge3A = vector.broadcast %get3A_51 : i32 to vector<1000x64xi32>
        %ge3A_872 = arith.cmpi sge, %add3A_871, %ge3A : vector<1000x64xi32>
        %lt3A = vector.broadcast %get3A_53 : i32 to vector<1000x64xi32>
        %lt3A_873 = arith.cmpi slt, %add3A_871, %lt3A : vector<1000x64xi32>
        %and3A_874 = arith.andi %ge3A_872, %lt3A_873 : vector<1000x64xi1>
        %broadcast_in_dim3A_875 = vector.broadcast %while3A_256 : f32 to vector<1000x64xf32>
        %select_n3A_876 = arith.select %and3A_874, %get3A_867, %broadcast_in_dim3A_875 : vector<1000x64xi1>, vector<1000x64xf32>
        %reduce_max3A = arith.constant dense<0xFF800000> : vector<64xf32>
        %reduce_max3A_877 = vector.multi_reduction <maximumf>, %select_n3A_876, %reduce_max3A [0] : vector<1000x64xf32> to vector<64xf32>
        %broadcast_in_dim3A_878 = vector.shape_cast %reduce_max3A_877 : vector<64xf32> to vector<1x64xf32>
        %eq3A_879 = vector.broadcast %broadcast_in_dim3A_878 : vector<1x64xf32> to vector<1000x64xf32>
        %eq3A_880 = arith.cmpf oeq, %select_n3A_876, %eq3A_879 : vector<1000x64xf32>
        %gt3A_881 = vector.broadcast %while3A_256 : f32 to vector<1x64xf32>
        %gt3A_882 = arith.cmpf ogt, %broadcast_in_dim3A_878, %gt3A_881 : vector<1x64xf32>
        %and3A_883 = vector.broadcast %gt3A_882 : vector<1x64xi1> to vector<1000x64xi1>
        %and3A_884 = arith.andi %eq3A_880, %and3A_883 : vector<1000x64xi1>
        %jit3A_885 = arith.constant 10000 : i32
        %broadcast_in_dim3A_886 = vector.broadcast %jit3A_885 : i32 to vector<1000x64xi32>
        %select_n3A_887 = arith.select %and3A_884, %add3A_871, %broadcast_in_dim3A_886 : vector<1000x64xi1>, vector<1000x64xi32>
        %reduce_min3A = arith.constant dense<2147483647> : vector<64xi32>
        %reduce_min3A_888 = vector.multi_reduction <minsi>, %select_n3A_887, %reduce_min3A [0] : vector<1000x64xi32> to vector<64xi32>
        %broadcast_in_dim3A_889 = vector.shape_cast %reduce_min3A_888 : vector<64xi32> to vector<1x64xi32>
        %eq3A_890 = vector.broadcast %broadcast_in_dim3A_889 : vector<1x64xi32> to vector<1000x64xi32>
        %eq3A_891 = arith.cmpi eq, %add3A_871, %eq3A_890 : vector<1000x64xi32>
        %broadcast_in_dim3A_892 = vector.broadcast %while3A_256 : f32 to vector<1000x64xf32>
        %select_n3A_893 = arith.select %eq3A_891, %broadcast_in_dim3A_892, %select_n3A_876 : vector<1000x64xi1>, vector<1000x64xf32>
        %reduce_max3A_894 = arith.constant dense<0xFF800000> : vector<64xf32>
        %reduce_max3A_895 = vector.multi_reduction <maximumf>, %select_n3A_893, %reduce_max3A_894 [0] : vector<1000x64xf32> to vector<64xf32>
        %broadcast_in_dim3A_896 = vector.shape_cast %reduce_max3A_895 : vector<64xf32> to vector<1x64xf32>
        %eq3A_897 = vector.broadcast %broadcast_in_dim3A_896 : vector<1x64xf32> to vector<1000x64xf32>
        %eq3A_898 = arith.cmpf oeq, %select_n3A_893, %eq3A_897 : vector<1000x64xf32>
        %gt3A_899 = vector.broadcast %while3A_256 : f32 to vector<1x64xf32>
        %gt3A_900 = arith.cmpf ogt, %broadcast_in_dim3A_896, %gt3A_899 : vector<1x64xf32>
        %and3A_901 = vector.broadcast %gt3A_900 : vector<1x64xi1> to vector<1000x64xi1>
        %and3A_902 = arith.andi %eq3A_898, %and3A_901 : vector<1000x64xi1>
        %jit3A_903 = arith.constant 10000 : i32
        %broadcast_in_dim3A_904 = vector.broadcast %jit3A_903 : i32 to vector<1000x64xi32>
        %select_n3A_905 = arith.select %and3A_902, %add3A_871, %broadcast_in_dim3A_904 : vector<1000x64xi1>, vector<1000x64xi32>
        %reduce_min3A_906 = arith.constant dense<2147483647> : vector<64xi32>
        %reduce_min3A_907 = vector.multi_reduction <minsi>, %select_n3A_905, %reduce_min3A_906 [0] : vector<1000x64xi32> to vector<64xi32>
        %broadcast_in_dim3A_908 = vector.shape_cast %reduce_min3A_907 : vector<64xi32> to vector<1x64xi32>
        %eq3A_909 = vector.broadcast %broadcast_in_dim3A_908 : vector<1x64xi32> to vector<1000x64xi32>
        %eq3A_910 = arith.cmpi eq, %add3A_871, %eq3A_909 : vector<1000x64xi32>
        %broadcast_in_dim3A_911 = vector.broadcast %while3A_256 : f32 to vector<1000x64xf32>
        %select_n3A_912 = arith.select %eq3A_910, %broadcast_in_dim3A_911, %select_n3A_893 : vector<1000x64xi1>, vector<1000x64xf32>
        %reduce_max3A_913 = arith.constant dense<0xFF800000> : vector<64xf32>
        %reduce_max3A_914 = vector.multi_reduction <maximumf>, %select_n3A_912, %reduce_max3A_913 [0] : vector<1000x64xf32> to vector<64xf32>
        %broadcast_in_dim3A_915 = vector.shape_cast %reduce_max3A_914 : vector<64xf32> to vector<1x64xf32>
        %eq3A_916 = vector.broadcast %broadcast_in_dim3A_915 : vector<1x64xf32> to vector<1000x64xf32>
        %eq3A_917 = arith.cmpf oeq, %select_n3A_912, %eq3A_916 : vector<1000x64xf32>
        %gt3A_918 = vector.broadcast %while3A_256 : f32 to vector<1x64xf32>
        %gt3A_919 = arith.cmpf ogt, %broadcast_in_dim3A_915, %gt3A_918 : vector<1x64xf32>
        %and3A_920 = vector.broadcast %gt3A_919 : vector<1x64xi1> to vector<1000x64xi1>
        %and3A_921 = arith.andi %eq3A_917, %and3A_920 : vector<1000x64xi1>
        %jit3A_922 = arith.constant 10000 : i32
        %broadcast_in_dim3A_923 = vector.broadcast %jit3A_922 : i32 to vector<1000x64xi32>
        %select_n3A_924 = arith.select %and3A_921, %add3A_871, %broadcast_in_dim3A_923 : vector<1000x64xi1>, vector<1000x64xi32>
        %reduce_min3A_925 = arith.constant dense<2147483647> : vector<64xi32>
        %reduce_min3A_926 = vector.multi_reduction <minsi>, %select_n3A_924, %reduce_min3A_925 [0] : vector<1000x64xi32> to vector<64xi32>
        %broadcast_in_dim3A_927 = vector.shape_cast %reduce_min3A_926 : vector<64xi32> to vector<1x64xi32>
        %eq3A_928 = vector.broadcast %broadcast_in_dim3A_927 : vector<1x64xi32> to vector<1000x64xi32>
        %eq3A_929 = arith.cmpi eq, %add3A_871, %eq3A_928 : vector<1000x64xi32>
        %broadcast_in_dim3A_930 = vector.broadcast %while3A_256 : f32 to vector<1000x64xf32>
        %select_n3A_931 = arith.select %eq3A_929, %broadcast_in_dim3A_930, %select_n3A_912 : vector<1000x64xi1>, vector<1000x64xf32>
        %reduce_max3A_932 = arith.constant dense<0xFF800000> : vector<64xf32>
        %reduce_max3A_933 = vector.multi_reduction <maximumf>, %select_n3A_931, %reduce_max3A_932 [0] : vector<1000x64xf32> to vector<64xf32>
        %broadcast_in_dim3A_934 = vector.shape_cast %reduce_max3A_933 : vector<64xf32> to vector<1x64xf32>
        %eq3A_935 = vector.broadcast %broadcast_in_dim3A_934 : vector<1x64xf32> to vector<1000x64xf32>
        %eq3A_936 = arith.cmpf oeq, %select_n3A_931, %eq3A_935 : vector<1000x64xf32>
        %gt3A_937 = vector.broadcast %while3A_256 : f32 to vector<1x64xf32>
        %gt3A_938 = arith.cmpf ogt, %broadcast_in_dim3A_934, %gt3A_937 : vector<1x64xf32>
        %and3A_939 = vector.broadcast %gt3A_938 : vector<1x64xi1> to vector<1000x64xi1>
        %and3A_940 = arith.andi %eq3A_936, %and3A_939 : vector<1000x64xi1>
        %jit3A_941 = arith.constant 10000 : i32
        %broadcast_in_dim3A_942 = vector.broadcast %jit3A_941 : i32 to vector<1000x64xi32>
        %select_n3A_943 = arith.select %and3A_940, %add3A_871, %broadcast_in_dim3A_942 : vector<1000x64xi1>, vector<1000x64xi32>
        %reduce_min3A_944 = arith.constant dense<2147483647> : vector<64xi32>
        %reduce_min3A_945 = vector.multi_reduction <minsi>, %select_n3A_943, %reduce_min3A_944 [0] : vector<1000x64xi32> to vector<64xi32>
        %broadcast_in_dim3A_946 = vector.shape_cast %reduce_min3A_945 : vector<64xi32> to vector<1x64xi32>
        %eq3A_947 = vector.broadcast %broadcast_in_dim3A_946 : vector<1x64xi32> to vector<1000x64xi32>
        %eq3A_948 = arith.cmpi eq, %add3A_871, %eq3A_947 : vector<1000x64xi32>
        %broadcast_in_dim3A_949 = vector.broadcast %while3A_256 : f32 to vector<1000x64xf32>
        %select_n3A_950 = arith.select %eq3A_948, %broadcast_in_dim3A_949, %select_n3A_931 : vector<1000x64xi1>, vector<1000x64xf32>
        %reduce_max3A_951 = arith.constant dense<0xFF800000> : vector<64xf32>
        %reduce_max3A_952 = vector.multi_reduction <maximumf>, %select_n3A_950, %reduce_max3A_951 [0] : vector<1000x64xf32> to vector<64xf32>
        %broadcast_in_dim3A_953 = vector.shape_cast %reduce_max3A_952 : vector<64xf32> to vector<1x64xf32>
        %eq3A_954 = vector.broadcast %broadcast_in_dim3A_953 : vector<1x64xf32> to vector<1000x64xf32>
        %eq3A_955 = arith.cmpf oeq, %select_n3A_950, %eq3A_954 : vector<1000x64xf32>
        %gt3A_956 = vector.broadcast %while3A_256 : f32 to vector<1x64xf32>
        %gt3A_957 = arith.cmpf ogt, %broadcast_in_dim3A_953, %gt3A_956 : vector<1x64xf32>
        %and3A_958 = vector.broadcast %gt3A_957 : vector<1x64xi1> to vector<1000x64xi1>
        %and3A_959 = arith.andi %eq3A_955, %and3A_958 : vector<1000x64xi1>
        %jit3A_960 = arith.constant 10000 : i32
        %broadcast_in_dim3A_961 = vector.broadcast %jit3A_960 : i32 to vector<1000x64xi32>
        %select_n3A_962 = arith.select %and3A_959, %add3A_871, %broadcast_in_dim3A_961 : vector<1000x64xi1>, vector<1000x64xi32>
        %reduce_min3A_963 = arith.constant dense<2147483647> : vector<64xi32>
        %reduce_min3A_964 = vector.multi_reduction <minsi>, %select_n3A_962, %reduce_min3A_963 [0] : vector<1000x64xi32> to vector<64xi32>
        %broadcast_in_dim3A_965 = vector.shape_cast %reduce_min3A_964 : vector<64xi32> to vector<1x64xi32>
        %concatenate3A_966 = tpu.concatenate %broadcast_in_dim3A_878, %broadcast_in_dim3A_896, %broadcast_in_dim3A_915, %broadcast_in_dim3A_934, %broadcast_in_dim3A_953, %while3A_861 in 0 : vector<1x64xf32>, vector<1x64xf32>, vector<1x64xf32>, vector<1x64xf32>, vector<1x64xf32>, vector<5x64xf32> -> vector<10x64xf32>
        %concatenate3A_967 = tpu.concatenate %broadcast_in_dim3A_889, %broadcast_in_dim3A_908, %broadcast_in_dim3A_927, %broadcast_in_dim3A_946, %broadcast_in_dim3A_965, %while3A_862 in 0 : vector<1x64xi32>, vector<1x64xi32>, vector<1x64xi32>, vector<1x64xi32>, vector<1x64xi32>, vector<5x64xi32> -> vector<10x64xi32>
        %reduce_max3A_968 = arith.constant dense<0xFF800000> : vector<64xf32>
        %reduce_max3A_969 = vector.multi_reduction <maximumf>, %concatenate3A_966, %reduce_max3A_968 [0] : vector<10x64xf32> to vector<64xf32>
        %broadcast_in_dim3A_970 = vector.shape_cast %reduce_max3A_969 : vector<64xf32> to vector<1x64xf32>
        %eq3A_971 = vector.broadcast %broadcast_in_dim3A_970 : vector<1x64xf32> to vector<10x64xf32>
        %eq3A_972 = arith.cmpf oeq, %concatenate3A_966, %eq3A_971 : vector<10x64xf32>
        %gt3A_973 = vector.broadcast %while3A_256 : f32 to vector<1x64xf32>
        %gt3A_974 = arith.cmpf ogt, %broadcast_in_dim3A_970, %gt3A_973 : vector<1x64xf32>
        %and3A_975 = vector.broadcast %gt3A_974 : vector<1x64xi1> to vector<10x64xi1>
        %and3A_976 = arith.andi %eq3A_972, %and3A_975 : vector<10x64xi1>
        %jit3A_977 = arith.constant 10000 : i32
        %broadcast_in_dim3A_978 = vector.broadcast %jit3A_977 : i32 to vector<10x64xi32>
        %select_n3A_979 = arith.select %and3A_976, %concatenate3A_967, %broadcast_in_dim3A_978 : vector<10x64xi1>, vector<10x64xi32>
        %reduce_min3A_980 = arith.constant dense<2147483647> : vector<64xi32>
        %reduce_min3A_981 = vector.multi_reduction <minsi>, %select_n3A_979, %reduce_min3A_980 [0] : vector<10x64xi32> to vector<64xi32>
        %broadcast_in_dim3A_982 = vector.shape_cast %reduce_min3A_981 : vector<64xi32> to vector<1x64xi32>
        %eq3A_983 = vector.broadcast %broadcast_in_dim3A_982 : vector<1x64xi32> to vector<10x64xi32>
        %eq3A_984 = arith.cmpi eq, %concatenate3A_967, %eq3A_983 : vector<10x64xi32>
        %broadcast_in_dim3A_985 = vector.broadcast %while3A_256 : f32 to vector<10x64xf32>
        %select_n3A_986 = arith.select %eq3A_984, %broadcast_in_dim3A_985, %concatenate3A_966 : vector<10x64xi1>, vector<10x64xf32>
        %reduce_max3A_987 = arith.constant dense<0xFF800000> : vector<64xf32>
        %reduce_max3A_988 = vector.multi_reduction <maximumf>, %select_n3A_986, %reduce_max3A_987 [0] : vector<10x64xf32> to vector<64xf32>
        %broadcast_in_dim3A_989 = vector.shape_cast %reduce_max3A_988 : vector<64xf32> to vector<1x64xf32>
        %eq3A_990 = vector.broadcast %broadcast_in_dim3A_989 : vector<1x64xf32> to vector<10x64xf32>
        %eq3A_991 = arith.cmpf oeq, %select_n3A_986, %eq3A_990 : vector<10x64xf32>
        %gt3A_992 = vector.broadcast %while3A_256 : f32 to vector<1x64xf32>
        %gt3A_993 = arith.cmpf ogt, %broadcast_in_dim3A_989, %gt3A_992 : vector<1x64xf32>
        %and3A_994 = vector.broadcast %gt3A_993 : vector<1x64xi1> to vector<10x64xi1>
        %and3A_995 = arith.andi %eq3A_991, %and3A_994 : vector<10x64xi1>
        %jit3A_996 = arith.constant 10000 : i32
        %broadcast_in_dim3A_997 = vector.broadcast %jit3A_996 : i32 to vector<10x64xi32>
        %select_n3A_998 = arith.select %and3A_995, %concatenate3A_967, %broadcast_in_dim3A_997 : vector<10x64xi1>, vector<10x64xi32>
        %reduce_min3A_999 = arith.constant dense<2147483647> : vector<64xi32>
        %reduce_min3A_1000 = vector.multi_reduction <minsi>, %select_n3A_998, %reduce_min3A_999 [0] : vector<10x64xi32> to vector<64xi32>
        %broadcast_in_dim3A_1001 = vector.shape_cast %reduce_min3A_1000 : vector<64xi32> to vector<1x64xi32>
        %eq3A_1002 = vector.broadcast %broadcast_in_dim3A_1001 : vector<1x64xi32> to vector<10x64xi32>
        %eq3A_1003 = arith.cmpi eq, %concatenate3A_967, %eq3A_1002 : vector<10x64xi32>
        %broadcast_in_dim3A_1004 = vector.broadcast %while3A_256 : f32 to vector<10x64xf32>
        %select_n3A_1005 = arith.select %eq3A_1003, %broadcast_in_dim3A_1004, %select_n3A_986 : vector<10x64xi1>, vector<10x64xf32>
        %reduce_max3A_1006 = arith.constant dense<0xFF800000> : vector<64xf32>
        %reduce_max3A_1007 = vector.multi_reduction <maximumf>, %select_n3A_1005, %reduce_max3A_1006 [0] : vector<10x64xf32> to vector<64xf32>
        %broadcast_in_dim3A_1008 = vector.shape_cast %reduce_max3A_1007 : vector<64xf32> to vector<1x64xf32>
        %eq3A_1009 = vector.broadcast %broadcast_in_dim3A_1008 : vector<1x64xf32> to vector<10x64xf32>
        %eq3A_1010 = arith.cmpf oeq, %select_n3A_1005, %eq3A_1009 : vector<10x64xf32>
        %gt3A_1011 = vector.broadcast %while3A_256 : f32 to vector<1x64xf32>
        %gt3A_1012 = arith.cmpf ogt, %broadcast_in_dim3A_1008, %gt3A_1011 : vector<1x64xf32>
        %and3A_1013 = vector.broadcast %gt3A_1012 : vector<1x64xi1> to vector<10x64xi1>
        %and3A_1014 = arith.andi %eq3A_1010, %and3A_1013 : vector<10x64xi1>
        %jit3A_1015 = arith.constant 10000 : i32
        %broadcast_in_dim3A_1016 = vector.broadcast %jit3A_1015 : i32 to vector<10x64xi32>
        %select_n3A_1017 = arith.select %and3A_1014, %concatenate3A_967, %broadcast_in_dim3A_1016 : vector<10x64xi1>, vector<10x64xi32>
        %reduce_min3A_1018 = arith.constant dense<2147483647> : vector<64xi32>
        %reduce_min3A_1019 = vector.multi_reduction <minsi>, %select_n3A_1017, %reduce_min3A_1018 [0] : vector<10x64xi32> to vector<64xi32>
        %broadcast_in_dim3A_1020 = vector.shape_cast %reduce_min3A_1019 : vector<64xi32> to vector<1x64xi32>
        %eq3A_1021 = vector.broadcast %broadcast_in_dim3A_1020 : vector<1x64xi32> to vector<10x64xi32>
        %eq3A_1022 = arith.cmpi eq, %concatenate3A_967, %eq3A_1021 : vector<10x64xi32>
        %broadcast_in_dim3A_1023 = vector.broadcast %while3A_256 : f32 to vector<10x64xf32>
        %select_n3A_1024 = arith.select %eq3A_1022, %broadcast_in_dim3A_1023, %select_n3A_1005 : vector<10x64xi1>, vector<10x64xf32>
        %reduce_max3A_1025 = arith.constant dense<0xFF800000> : vector<64xf32>
        %reduce_max3A_1026 = vector.multi_reduction <maximumf>, %select_n3A_1024, %reduce_max3A_1025 [0] : vector<10x64xf32> to vector<64xf32>
        %broadcast_in_dim3A_1027 = vector.shape_cast %reduce_max3A_1026 : vector<64xf32> to vector<1x64xf32>
        %eq3A_1028 = vector.broadcast %broadcast_in_dim3A_1027 : vector<1x64xf32> to vector<10x64xf32>
        %eq3A_1029 = arith.cmpf oeq, %select_n3A_1024, %eq3A_1028 : vector<10x64xf32>
        %gt3A_1030 = vector.broadcast %while3A_256 : f32 to vector<1x64xf32>
        %gt3A_1031 = arith.cmpf ogt, %broadcast_in_dim3A_1027, %gt3A_1030 : vector<1x64xf32>
        %and3A_1032 = vector.broadcast %gt3A_1031 : vector<1x64xi1> to vector<10x64xi1>
        %and3A_1033 = arith.andi %eq3A_1029, %and3A_1032 : vector<10x64xi1>
        %jit3A_1034 = arith.constant 10000 : i32
        %broadcast_in_dim3A_1035 = vector.broadcast %jit3A_1034 : i32 to vector<10x64xi32>
        %select_n3A_1036 = arith.select %and3A_1033, %concatenate3A_967, %broadcast_in_dim3A_1035 : vector<10x64xi1>, vector<10x64xi32>
        %reduce_min3A_1037 = arith.constant dense<2147483647> : vector<64xi32>
        %reduce_min3A_1038 = vector.multi_reduction <minsi>, %select_n3A_1036, %reduce_min3A_1037 [0] : vector<10x64xi32> to vector<64xi32>
        %broadcast_in_dim3A_1039 = vector.shape_cast %reduce_min3A_1038 : vector<64xi32> to vector<1x64xi32>
        %eq3A_1040 = vector.broadcast %broadcast_in_dim3A_1039 : vector<1x64xi32> to vector<10x64xi32>
        %eq3A_1041 = arith.cmpi eq, %concatenate3A_967, %eq3A_1040 : vector<10x64xi32>
        %broadcast_in_dim3A_1042 = vector.broadcast %while3A_256 : f32 to vector<10x64xf32>
        %select_n3A_1043 = arith.select %eq3A_1041, %broadcast_in_dim3A_1042, %select_n3A_1024 : vector<10x64xi1>, vector<10x64xf32>
        %reduce_max3A_1044 = arith.constant dense<0xFF800000> : vector<64xf32>
        %reduce_max3A_1045 = vector.multi_reduction <maximumf>, %select_n3A_1043, %reduce_max3A_1044 [0] : vector<10x64xf32> to vector<64xf32>
        %broadcast_in_dim3A_1046 = vector.shape_cast %reduce_max3A_1045 : vector<64xf32> to vector<1x64xf32>
        %eq3A_1047 = vector.broadcast %broadcast_in_dim3A_1046 : vector<1x64xf32> to vector<10x64xf32>
        %eq3A_1048 = arith.cmpf oeq, %select_n3A_1043, %eq3A_1047 : vector<10x64xf32>
        %gt3A_1049 = vector.broadcast %while3A_256 : f32 to vector<1x64xf32>
        %gt3A_1050 = arith.cmpf ogt, %broadcast_in_dim3A_1046, %gt3A_1049 : vector<1x64xf32>
        %and3A_1051 = vector.broadcast %gt3A_1050 : vector<1x64xi1> to vector<10x64xi1>
        %and3A_1052 = arith.andi %eq3A_1048, %and3A_1051 : vector<10x64xi1>
        %jit3A_1053 = arith.constant 10000 : i32
        %broadcast_in_dim3A_1054 = vector.broadcast %jit3A_1053 : i32 to vector<10x64xi32>
        %select_n3A_1055 = arith.select %and3A_1052, %concatenate3A_967, %broadcast_in_dim3A_1054 : vector<10x64xi1>, vector<10x64xi32>
        %reduce_min3A_1056 = arith.constant dense<2147483647> : vector<64xi32>
        %reduce_min3A_1057 = vector.multi_reduction <minsi>, %select_n3A_1055, %reduce_min3A_1056 [0] : vector<10x64xi32> to vector<64xi32>
        %broadcast_in_dim3A_1058 = vector.shape_cast %reduce_min3A_1057 : vector<64xi32> to vector<1x64xi32>
        %concatenate3A_1059 = tpu.concatenate %broadcast_in_dim3A_970, %broadcast_in_dim3A_989, %broadcast_in_dim3A_1008, %broadcast_in_dim3A_1027, %broadcast_in_dim3A_1046 in 0 : vector<1x64xf32>, vector<1x64xf32>, vector<1x64xf32>, vector<1x64xf32>, vector<1x64xf32> -> vector<5x64xf32>
        %concatenate3A_1060 = tpu.concatenate %broadcast_in_dim3A_982, %broadcast_in_dim3A_1001, %broadcast_in_dim3A_1020, %broadcast_in_dim3A_1039, %broadcast_in_dim3A_1058 in 0 : vector<1x64xi32>, vector<1x64xi32>, vector<1x64xi32>, vector<1x64xi32>, vector<1x64xi32> -> vector<5x64xi32>
        scf.yield %concatenate3A_1059, %concatenate3A_1060 : vector<5x64xf32>, vector<5x64xi32>
      }
      %while3A_265 = arith.constant 1 : i32
      %while3A_266:2 = scf.for %while3A_860 = %while3A_262 to %while3A_258 step %while3A_265 iter_args(%while3A_861 = %while3A_264#0, %while3A_862 = %while3A_264#1) -> (vector<5x64xf32>, vector<5x64xi32>)  : i32 {
        %mul3A_863 = arith.constant 1000 : i32
        %mul3A_864 = arith.muli %while3A_860, %mul3A_863 : i32
        %get3A_865 = arith.index_cast %mul3A_864 : i32 to index
        %get3A_866 = arith.constant 0 : index
        %get3A_867 = vector.load %arg13[%get3A_865, %get3A_866] : memref<10000x64xf32, #tpu.memory_space<vmem>>, vector<1000x64xf32>
        %mul3A_868 = arith.constant 1000 : i32
        %mul3A_869 = arith.muli %while3A_860, %mul3A_868 : i32
        %add3A_870 = vector.broadcast %mul3A_869 : i32 to vector<1000x64xi32>
        %add3A_871 = arith.addi %iota3A_41, %add3A_870 : vector<1000x64xi32>
        %ge3A = vector.broadcast %get3A_51 : i32 to vector<1000x64xi32>
        %ge3A_872 = arith.cmpi sge, %add3A_871, %ge3A : vector<1000x64xi32>
        %lt3A = vector.broadcast %get3A_53 : i32 to vector<1000x64xi32>
        %lt3A_873 = arith.cmpi slt, %add3A_871, %lt3A : vector<1000x64xi32>
        %and3A_874 = arith.andi %ge3A_872, %lt3A_873 : vector<1000x64xi1>
        %broadcast_in_dim3A_875 = vector.broadcast %while3A_256 : f32 to vector<1000x64xf32>
        %select_n3A_876 = arith.select %and3A_874, %get3A_867, %broadcast_in_dim3A_875 : vector<1000x64xi1>, vector<1000x64xf32>
        %reduce_max3A = arith.constant dense<0xFF800000> : vector<64xf32>
        %reduce_max3A_877 = vector.multi_reduction <maximumf>, %select_n3A_876, %reduce_max3A [0] : vector<1000x64xf32> to vector<64xf32>
        %broadcast_in_dim3A_878 = vector.shape_cast %reduce_max3A_877 : vector<64xf32> to vector<1x64xf32>
        %eq3A_879 = vector.broadcast %broadcast_in_dim3A_878 : vector<1x64xf32> to vector<1000x64xf32>
        %eq3A_880 = arith.cmpf oeq, %select_n3A_876, %eq3A_879 : vector<1000x64xf32>
        %gt3A_881 = vector.broadcast %while3A_256 : f32 to vector<1x64xf32>
        %gt3A_882 = arith.cmpf ogt, %broadcast_in_dim3A_878, %gt3A_881 : vector<1x64xf32>
        %and3A_883 = vector.broadcast %gt3A_882 : vector<1x64xi1> to vector<1000x64xi1>
        %and3A_884 = arith.andi %eq3A_880, %and3A_883 : vector<1000x64xi1>
        %jit3A_885 = arith.constant 10000 : i32
        %broadcast_in_dim3A_886 = vector.broadcast %jit3A_885 : i32 to vector<1000x64xi32>
        %select_n3A_887 = arith.select %and3A_884, %add3A_871, %broadcast_in_dim3A_886 : vector<1000x64xi1>, vector<1000x64xi32>
        %reduce_min3A = arith.constant dense<2147483647> : vector<64xi32>
        %reduce_min3A_888 = vector.multi_reduction <minsi>, %select_n3A_887, %reduce_min3A [0] : vector<1000x64xi32> to vector<64xi32>
        %broadcast_in_dim3A_889 = vector.shape_cast %reduce_min3A_888 : vector<64xi32> to vector<1x64xi32>
        %eq3A_890 = vector.broadcast %broadcast_in_dim3A_889 : vector<1x64xi32> to vector<1000x64xi32>
        %eq3A_891 = arith.cmpi eq, %add3A_871, %eq3A_890 : vector<1000x64xi32>
        %broadcast_in_dim3A_892 = vector.broadcast %while3A_256 : f32 to vector<1000x64xf32>
        %select_n3A_893 = arith.select %eq3A_891, %broadcast_in_dim3A_892, %select_n3A_876 : vector<1000x64xi1>, vector<1000x64xf32>
        %reduce_max3A_894 = arith.constant dense<0xFF800000> : vector<64xf32>
        %reduce_max3A_895 = vector.multi_reduction <maximumf>, %select_n3A_893, %reduce_max3A_894 [0] : vector<1000x64xf32> to vector<64xf32>
        %broadcast_in_dim3A_896 = vector.shape_cast %reduce_max3A_895 : vector<64xf32> to vector<1x64xf32>
        %eq3A_897 = vector.broadcast %broadcast_in_dim3A_896 : vector<1x64xf32> to vector<1000x64xf32>
        %eq3A_898 = arith.cmpf oeq, %select_n3A_893, %eq3A_897 : vector<1000x64xf32>
        %gt3A_899 = vector.broadcast %while3A_256 : f32 to vector<1x64xf32>
        %gt3A_900 = arith.cmpf ogt, %broadcast_in_dim3A_896, %gt3A_899 : vector<1x64xf32>
        %and3A_901 = vector.broadcast %gt3A_900 : vector<1x64xi1> to vector<1000x64xi1>
        %and3A_902 = arith.andi %eq3A_898, %and3A_901 : vector<1000x64xi1>
        %jit3A_903 = arith.constant 10000 : i32
        %broadcast_in_dim3A_904 = vector.broadcast %jit3A_903 : i32 to vector<1000x64xi32>
        %select_n3A_905 = arith.select %and3A_902, %add3A_871, %broadcast_in_dim3A_904 : vector<1000x64xi1>, vector<1000x64xi32>
        %reduce_min3A_906 = arith.constant dense<2147483647> : vector<64xi32>
        %reduce_min3A_907 = vector.multi_reduction <minsi>, %select_n3A_905, %reduce_min3A_906 [0] : vector<1000x64xi32> to vector<64xi32>
        %broadcast_in_dim3A_908 = vector.shape_cast %reduce_min3A_907 : vector<64xi32> to vector<1x64xi32>
        %eq3A_909 = vector.broadcast %broadcast_in_dim3A_908 : vector<1x64xi32> to vector<1000x64xi32>
        %eq3A_910 = arith.cmpi eq, %add3A_871, %eq3A_909 : vector<1000x64xi32>
        %broadcast_in_dim3A_911 = vector.broadcast %while3A_256 : f32 to vector<1000x64xf32>
        %select_n3A_912 = arith.select %eq3A_910, %broadcast_in_dim3A_911, %select_n3A_893 : vector<1000x64xi1>, vector<1000x64xf32>
        %reduce_max3A_913 = arith.constant dense<0xFF800000> : vector<64xf32>
        %reduce_max3A_914 = vector.multi_reduction <maximumf>, %select_n3A_912, %reduce_max3A_913 [0] : vector<1000x64xf32> to vector<64xf32>
        %broadcast_in_dim3A_915 = vector.shape_cast %reduce_max3A_914 : vector<64xf32> to vector<1x64xf32>
        %eq3A_916 = vector.broadcast %broadcast_in_dim3A_915 : vector<1x64xf32> to vector<1000x64xf32>
        %eq3A_917 = arith.cmpf oeq, %select_n3A_912, %eq3A_916 : vector<1000x64xf32>
        %gt3A_918 = vector.broadcast %while3A_256 : f32 to vector<1x64xf32>
        %gt3A_919 = arith.cmpf ogt, %broadcast_in_dim3A_915, %gt3A_918 : vector<1x64xf32>
        %and3A_920 = vector.broadcast %gt3A_919 : vector<1x64xi1> to vector<1000x64xi1>
        %and3A_921 = arith.andi %eq3A_917, %and3A_920 : vector<1000x64xi1>
        %jit3A_922 = arith.constant 10000 : i32
        %broadcast_in_dim3A_923 = vector.broadcast %jit3A_922 : i32 to vector<1000x64xi32>
        %select_n3A_924 = arith.select %and3A_921, %add3A_871, %broadcast_in_dim3A_923 : vector<1000x64xi1>, vector<1000x64xi32>
        %reduce_min3A_925 = arith.constant dense<2147483647> : vector<64xi32>
        %reduce_min3A_926 = vector.multi_reduction <minsi>, %select_n3A_924, %reduce_min3A_925 [0] : vector<1000x64xi32> to vector<64xi32>
        %broadcast_in_dim3A_927 = vector.shape_cast %reduce_min3A_926 : vector<64xi32> to vector<1x64xi32>
        %eq3A_928 = vector.broadcast %broadcast_in_dim3A_927 : vector<1x64xi32> to vector<1000x64xi32>
        %eq3A_929 = arith.cmpi eq, %add3A_871, %eq3A_928 : vector<1000x64xi32>
        %broadcast_in_dim3A_930 = vector.broadcast %while3A_256 : f32 to vector<1000x64xf32>
        %select_n3A_931 = arith.select %eq3A_929, %broadcast_in_dim3A_930, %select_n3A_912 : vector<1000x64xi1>, vector<1000x64xf32>
        %reduce_max3A_932 = arith.constant dense<0xFF800000> : vector<64xf32>
        %reduce_max3A_933 = vector.multi_reduction <maximumf>, %select_n3A_931, %reduce_max3A_932 [0] : vector<1000x64xf32> to vector<64xf32>
        %broadcast_in_dim3A_934 = vector.shape_cast %reduce_max3A_933 : vector<64xf32> to vector<1x64xf32>
        %eq3A_935 = vector.broadcast %broadcast_in_dim3A_934 : vector<1x64xf32> to vector<1000x64xf32>
        %eq3A_936 = arith.cmpf oeq, %select_n3A_931, %eq3A_935 : vector<1000x64xf32>
        %gt3A_937 = vector.broadcast %while3A_256 : f32 to vector<1x64xf32>
        %gt3A_938 = arith.cmpf ogt, %broadcast_in_dim3A_934, %gt3A_937 : vector<1x64xf32>
        %and3A_939 = vector.broadcast %gt3A_938 : vector<1x64xi1> to vector<1000x64xi1>
        %and3A_940 = arith.andi %eq3A_936, %and3A_939 : vector<1000x64xi1>
        %jit3A_941 = arith.constant 10000 : i32
        %broadcast_in_dim3A_942 = vector.broadcast %jit3A_941 : i32 to vector<1000x64xi32>
        %select_n3A_943 = arith.select %and3A_940, %add3A_871, %broadcast_in_dim3A_942 : vector<1000x64xi1>, vector<1000x64xi32>
        %reduce_min3A_944 = arith.constant dense<2147483647> : vector<64xi32>
        %reduce_min3A_945 = vector.multi_reduction <minsi>, %select_n3A_943, %reduce_min3A_944 [0] : vector<1000x64xi32> to vector<64xi32>
        %broadcast_in_dim3A_946 = vector.shape_cast %reduce_min3A_945 : vector<64xi32> to vector<1x64xi32>
        %eq3A_947 = vector.broadcast %broadcast_in_dim3A_946 : vector<1x64xi32> to vector<1000x64xi32>
        %eq3A_948 = arith.cmpi eq, %add3A_871, %eq3A_947 : vector<1000x64xi32>
        %broadcast_in_dim3A_949 = vector.broadcast %while3A_256 : f32 to vector<1000x64xf32>
        %select_n3A_950 = arith.select %eq3A_948, %broadcast_in_dim3A_949, %select_n3A_931 : vector<1000x64xi1>, vector<1000x64xf32>
        %reduce_max3A_951 = arith.constant dense<0xFF800000> : vector<64xf32>
        %reduce_max3A_952 = vector.multi_reduction <maximumf>, %select_n3A_950, %reduce_max3A_951 [0] : vector<1000x64xf32> to vector<64xf32>
        %broadcast_in_dim3A_953 = vector.shape_cast %reduce_max3A_952 : vector<64xf32> to vector<1x64xf32>
        %eq3A_954 = vector.broadcast %broadcast_in_dim3A_953 : vector<1x64xf32> to vector<1000x64xf32>
        %eq3A_955 = arith.cmpf oeq, %select_n3A_950, %eq3A_954 : vector<1000x64xf32>
        %gt3A_956 = vector.broadcast %while3A_256 : f32 to vector<1x64xf32>
        %gt3A_957 = arith.cmpf ogt, %broadcast_in_dim3A_953, %gt3A_956 : vector<1x64xf32>
        %and3A_958 = vector.broadcast %gt3A_957 : vector<1x64xi1> to vector<1000x64xi1>
        %and3A_959 = arith.andi %eq3A_955, %and3A_958 : vector<1000x64xi1>
        %jit3A_960 = arith.constant 10000 : i32
        %broadcast_in_dim3A_961 = vector.broadcast %jit3A_960 : i32 to vector<1000x64xi32>
        %select_n3A_962 = arith.select %and3A_959, %add3A_871, %broadcast_in_dim3A_961 : vector<1000x64xi1>, vector<1000x64xi32>
        %reduce_min3A_963 = arith.constant dense<2147483647> : vector<64xi32>
        %reduce_min3A_964 = vector.multi_reduction <minsi>, %select_n3A_962, %reduce_min3A_963 [0] : vector<1000x64xi32> to vector<64xi32>
        %broadcast_in_dim3A_965 = vector.shape_cast %reduce_min3A_964 : vector<64xi32> to vector<1x64xi32>
        %concatenate3A_966 = tpu.concatenate %broadcast_in_dim3A_878, %broadcast_in_dim3A_896, %broadcast_in_dim3A_915, %broadcast_in_dim3A_934, %broadcast_in_dim3A_953, %while3A_861 in 0 : vector<1x64xf32>, vector<1x64xf32>, vector<1x64xf32>, vector<1x64xf32>, vector<1x64xf32>, vector<5x64xf32> -> vector<10x64xf32>
        %concatenate3A_967 = tpu.concatenate %broadcast_in_dim3A_889, %broadcast_in_dim3A_908, %broadcast_in_dim3A_927, %broadcast_in_dim3A_946, %broadcast_in_dim3A_965, %while3A_862 in 0 : vector<1x64xi32>, vector<1x64xi32>, vector<1x64xi32>, vector<1x64xi32>, vector<1x64xi32>, vector<5x64xi32> -> vector<10x64xi32>
        %reduce_max3A_968 = arith.constant dense<0xFF800000> : vector<64xf32>
        %reduce_max3A_969 = vector.multi_reduction <maximumf>, %concatenate3A_966, %reduce_max3A_968 [0] : vector<10x64xf32> to vector<64xf32>
        %broadcast_in_dim3A_970 = vector.shape_cast %reduce_max3A_969 : vector<64xf32> to vector<1x64xf32>
        %eq3A_971 = vector.broadcast %broadcast_in_dim3A_970 : vector<1x64xf32> to vector<10x64xf32>
        %eq3A_972 = arith.cmpf oeq, %concatenate3A_966, %eq3A_971 : vector<10x64xf32>
        %gt3A_973 = vector.broadcast %while3A_256 : f32 to vector<1x64xf32>
        %gt3A_974 = arith.cmpf ogt, %broadcast_in_dim3A_970, %gt3A_973 : vector<1x64xf32>
        %and3A_975 = vector.broadcast %gt3A_974 : vector<1x64xi1> to vector<10x64xi1>
        %and3A_976 = arith.andi %eq3A_972, %and3A_975 : vector<10x64xi1>
        %jit3A_977 = arith.constant 10000 : i32
        %broadcast_in_dim3A_978 = vector.broadcast %jit3A_977 : i32 to vector<10x64xi32>
        %select_n3A_979 = arith.select %and3A_976, %concatenate3A_967, %broadcast_in_dim3A_978 : vector<10x64xi1>, vector<10x64xi32>
        %reduce_min3A_980 = arith.constant dense<2147483647> : vector<64xi32>
        %reduce_min3A_981 = vector.multi_reduction <minsi>, %select_n3A_979, %reduce_min3A_980 [0] : vector<10x64xi32> to vector<64xi32>
        %broadcast_in_dim3A_982 = vector.shape_cast %reduce_min3A_981 : vector<64xi32> to vector<1x64xi32>
        %eq3A_983 = vector.broadcast %broadcast_in_dim3A_982 : vector<1x64xi32> to vector<10x64xi32>
        %eq3A_984 = arith.cmpi eq, %concatenate3A_967, %eq3A_983 : vector<10x64xi32>
        %broadcast_in_dim3A_985 = vector.broadcast %while3A_256 : f32 to vector<10x64xf32>
        %select_n3A_986 = arith.select %eq3A_984, %broadcast_in_dim3A_985, %concatenate3A_966 : vector<10x64xi1>, vector<10x64xf32>
        %reduce_max3A_987 = arith.constant dense<0xFF800000> : vector<64xf32>
        %reduce_max3A_988 = vector.multi_reduction <maximumf>, %select_n3A_986, %reduce_max3A_987 [0] : vector<10x64xf32> to vector<64xf32>
        %broadcast_in_dim3A_989 = vector.shape_cast %reduce_max3A_988 : vector<64xf32> to vector<1x64xf32>
        %eq3A_990 = vector.broadcast %broadcast_in_dim3A_989 : vector<1x64xf32> to vector<10x64xf32>
        %eq3A_991 = arith.cmpf oeq, %select_n3A_986, %eq3A_990 : vector<10x64xf32>
        %gt3A_992 = vector.broadcast %while3A_256 : f32 to vector<1x64xf32>
        %gt3A_993 = arith.cmpf ogt, %broadcast_in_dim3A_989, %gt3A_992 : vector<1x64xf32>
        %and3A_994 = vector.broadcast %gt3A_993 : vector<1x64xi1> to vector<10x64xi1>
        %and3A_995 = arith.andi %eq3A_991, %and3A_994 : vector<10x64xi1>
        %jit3A_996 = arith.constant 10000 : i32
        %broadcast_in_dim3A_997 = vector.broadcast %jit3A_996 : i32 to vector<10x64xi32>
        %select_n3A_998 = arith.select %and3A_995, %concatenate3A_967, %broadcast_in_dim3A_997 : vector<10x64xi1>, vector<10x64xi32>
        %reduce_min3A_999 = arith.constant dense<2147483647> : vector<64xi32>
        %reduce_min3A_1000 = vector.multi_reduction <minsi>, %select_n3A_998, %reduce_min3A_999 [0] : vector<10x64xi32> to vector<64xi32>
        %broadcast_in_dim3A_1001 = vector.shape_cast %reduce_min3A_1000 : vector<64xi32> to vector<1x64xi32>
        %eq3A_1002 = vector.broadcast %broadcast_in_dim3A_1001 : vector<1x64xi32> to vector<10x64xi32>
        %eq3A_1003 = arith.cmpi eq, %concatenate3A_967, %eq3A_1002 : vector<10x64xi32>
        %broadcast_in_dim3A_1004 = vector.broadcast %while3A_256 : f32 to vector<10x64xf32>
        %select_n3A_1005 = arith.select %eq3A_1003, %broadcast_in_dim3A_1004, %select_n3A_986 : vector<10x64xi1>, vector<10x64xf32>
        %reduce_max3A_1006 = arith.constant dense<0xFF800000> : vector<64xf32>
        %reduce_max3A_1007 = vector.multi_reduction <maximumf>, %select_n3A_1005, %reduce_max3A_1006 [0] : vector<10x64xf32> to vector<64xf32>
        %broadcast_in_dim3A_1008 = vector.shape_cast %reduce_max3A_1007 : vector<64xf32> to vector<1x64xf32>
        %eq3A_1009 = vector.broadcast %broadcast_in_dim3A_1008 : vector<1x64xf32> to vector<10x64xf32>
        %eq3A_1010 = arith.cmpf oeq, %select_n3A_1005, %eq3A_1009 : vector<10x64xf32>
        %gt3A_1011 = vector.broadcast %while3A_256 : f32 to vector<1x64xf32>
        %gt3A_1012 = arith.cmpf ogt, %broadcast_in_dim3A_1008, %gt3A_1011 : vector<1x64xf32>
        %and3A_1013 = vector.broadcast %gt3A_1012 : vector<1x64xi1> to vector<10x64xi1>
        %and3A_1014 = arith.andi %eq3A_1010, %and3A_1013 : vector<10x64xi1>
        %jit3A_1015 = arith.constant 10000 : i32
        %broadcast_in_dim3A_1016 = vector.broadcast %jit3A_1015 : i32 to vector<10x64xi32>
        %select_n3A_1017 = arith.select %and3A_1014, %concatenate3A_967, %broadcast_in_dim3A_1016 : vector<10x64xi1>, vector<10x64xi32>
        %reduce_min3A_1018 = arith.constant dense<2147483647> : vector<64xi32>
        %reduce_min3A_1019 = vector.multi_reduction <minsi>, %select_n3A_1017, %reduce_min3A_1018 [0] : vector<10x64xi32> to vector<64xi32>
        %broadcast_in_dim3A_1020 = vector.shape_cast %reduce_min3A_1019 : vector<64xi32> to vector<1x64xi32>
        %eq3A_1021 = vector.broadcast %broadcast_in_dim3A_1020 : vector<1x64xi32> to vector<10x64xi32>
        %eq3A_1022 = arith.cmpi eq, %concatenate3A_967, %eq3A_1021 : vector<10x64xi32>
        %broadcast_in_dim3A_1023 = vector.broadcast %while3A_256 : f32 to vector<10x64xf32>
        %select_n3A_1024 = arith.select %eq3A_1022, %broadcast_in_dim3A_1023, %select_n3A_1005 : vector<10x64xi1>, vector<10x64xf32>
        %reduce_max3A_1025 = arith.constant dense<0xFF800000> : vector<64xf32>
        %reduce_max3A_1026 = vector.multi_reduction <maximumf>, %select_n3A_1024, %reduce_max3A_1025 [0] : vector<10x64xf32> to vector<64xf32>
        %broadcast_in_dim3A_1027 = vector.shape_cast %reduce_max3A_1026 : vector<64xf32> to vector<1x64xf32>
        %eq3A_1028 = vector.broadcast %broadcast_in_dim3A_1027 : vector<1x64xf32> to vector<10x64xf32>
        %eq3A_1029 = arith.cmpf oeq, %select_n3A_1024, %eq3A_1028 : vector<10x64xf32>
        %gt3A_1030 = vector.broadcast %while3A_256 : f32 to vector<1x64xf32>
        %gt3A_1031 = arith.cmpf ogt, %broadcast_in_dim3A_1027, %gt3A_1030 : vector<1x64xf32>
        %and3A_1032 = vector.broadcast %gt3A_1031 : vector<1x64xi1> to vector<10x64xi1>
        %and3A_1033 = arith.andi %eq3A_1029, %and3A_1032 : vector<10x64xi1>
        %jit3A_1034 = arith.constant 10000 : i32
        %broadcast_in_dim3A_1035 = vector.broadcast %jit3A_1034 : i32 to vector<10x64xi32>
        %select_n3A_1036 = arith.select %and3A_1033, %concatenate3A_967, %broadcast_in_dim3A_1035 : vector<10x64xi1>, vector<10x64xi32>
        %reduce_min3A_1037 = arith.constant dense<2147483647> : vector<64xi32>
        %reduce_min3A_1038 = vector.multi_reduction <minsi>, %select_n3A_1036, %reduce_min3A_1037 [0] : vector<10x64xi32> to vector<64xi32>
        %broadcast_in_dim3A_1039 = vector.shape_cast %reduce_min3A_1038 : vector<64xi32> to vector<1x64xi32>
        %eq3A_1040 = vector.broadcast %broadcast_in_dim3A_1039 : vector<1x64xi32> to vector<10x64xi32>
        %eq3A_1041 = arith.cmpi eq, %concatenate3A_967, %eq3A_1040 : vector<10x64xi32>
        %broadcast_in_dim3A_1042 = vector.broadcast %while3A_256 : f32 to vector<10x64xf32>
        %select_n3A_1043 = arith.select %eq3A_1041, %broadcast_in_dim3A_1042, %select_n3A_1024 : vector<10x64xi1>, vector<10x64xf32>
        %reduce_max3A_1044 = arith.constant dense<0xFF800000> : vector<64xf32>
        %reduce_max3A_1045 = vector.multi_reduction <maximumf>, %select_n3A_1043, %reduce_max3A_1044 [0] : vector<10x64xf32> to vector<64xf32>
        %broadcast_in_dim3A_1046 = vector.shape_cast %reduce_max3A_1045 : vector<64xf32> to vector<1x64xf32>
        %eq3A_1047 = vector.broadcast %broadcast_in_dim3A_1046 : vector<1x64xf32> to vector<10x64xf32>
        %eq3A_1048 = arith.cmpf oeq, %select_n3A_1043, %eq3A_1047 : vector<10x64xf32>
        %gt3A_1049 = vector.broadcast %while3A_256 : f32 to vector<1x64xf32>
        %gt3A_1050 = arith.cmpf ogt, %broadcast_in_dim3A_1046, %gt3A_1049 : vector<1x64xf32>
        %and3A_1051 = vector.broadcast %gt3A_1050 : vector<1x64xi1> to vector<10x64xi1>
        %and3A_1052 = arith.andi %eq3A_1048, %and3A_1051 : vector<10x64xi1>
        %jit3A_1053 = arith.constant 10000 : i32
        %broadcast_in_dim3A_1054 = vector.broadcast %jit3A_1053 : i32 to vector<10x64xi32>
        %select_n3A_1055 = arith.select %and3A_1052, %concatenate3A_967, %broadcast_in_dim3A_1054 : vector<10x64xi1>, vector<10x64xi32>
        %reduce_min3A_1056 = arith.constant dense<2147483647> : vector<64xi32>
        %reduce_min3A_1057 = vector.multi_reduction <minsi>, %select_n3A_1055, %reduce_min3A_1056 [0] : vector<10x64xi32> to vector<64xi32>
        %broadcast_in_dim3A_1058 = vector.shape_cast %reduce_min3A_1057 : vector<64xi32> to vector<1x64xi32>
        %concatenate3A_1059 = tpu.concatenate %broadcast_in_dim3A_970, %broadcast_in_dim3A_989, %broadcast_in_dim3A_1008, %broadcast_in_dim3A_1027, %broadcast_in_dim3A_1046 in 0 : vector<1x64xf32>, vector<1x64xf32>, vector<1x64xf32>, vector<1x64xf32>, vector<1x64xf32> -> vector<5x64xf32>
        %concatenate3A_1060 = tpu.concatenate %broadcast_in_dim3A_982, %broadcast_in_dim3A_1001, %broadcast_in_dim3A_1020, %broadcast_in_dim3A_1039, %broadcast_in_dim3A_1058 in 0 : vector<1x64xi32>, vector<1x64xi32>, vector<1x64xi32>, vector<1x64xi32>, vector<1x64xi32> -> vector<5x64xi32>
        scf.yield %concatenate3A_1059, %concatenate3A_1060 : vector<5x64xf32>, vector<5x64xi32>
      }
      %jit3A_267 = arith.constant 1000 : i32
      %div3A_268 = arith.divsi %get3A_55, %jit3A_267 : i32
      %sign3A_269 = arith.constant 0 : i32
      %sign3A_270 = arith.cmpi sgt, %get3A_55, %sign3A_269 : i32
      %sign3A_271 = arith.extui %sign3A_270 : i1 to i32
      %sign3A_272 = arith.constant 0 : i32
      %sign3A_273 = arith.cmpi slt, %get3A_55, %sign3A_272 : i32
      %sign3A_274 = arith.extui %sign3A_273 : i1 to i32
      %sign3A_275 = arith.subi %sign3A_271, %sign3A_274 : i32
      %sign3A_276 = arith.constant 0 : i32
      %sign3A_277 = arith.cmpi sgt, %jit3A_267, %sign3A_276 : i32
      %sign3A_278 = arith.extui %sign3A_277 : i1 to i32
      %sign3A_279 = arith.constant 0 : i32
      %sign3A_280 = arith.cmpi slt, %jit3A_267, %sign3A_279 : i32
      %sign3A_281 = arith.extui %sign3A_280 : i1 to i32
      %sign3A_282 = arith.subi %sign3A_278, %sign3A_281 : i32
      %ne3A_283 = arith.cmpi ne, %sign3A_275, %sign3A_282 : i32
      %rem3A_284 = arith.remsi %get3A_55, %jit3A_267 : i32
      %ne3A_285 = arith.constant 0 : i32
      %ne3A_286 = arith.cmpi ne, %rem3A_284, %ne3A_285 : i32
      %and3A_287 = arith.andi %ne3A_283, %ne3A_286 : i1
      %sub3A_288 = arith.constant 1 : i32
      %sub3A_289 = arith.subi %div3A_268, %sub3A_288 : i32
      %select_n3A_290 = arith.select %and3A_287, %sub3A_289, %div3A_268 : i32
      %add3A_291 = arith.constant 1000 : i32
      %add3A_292 = arith.addi %get3A_57, %add3A_291 : i32
      %sub3A_293 = arith.constant 1 : i32
      %sub3A_294 = arith.subi %add3A_292, %sub3A_293 : i32
      %jit3A_295 = arith.constant 1000 : i32
      %div3A_296 = arith.divsi %sub3A_294, %jit3A_295 : i32
      %sign3A_297 = arith.constant 0 : i32
      %sign3A_298 = arith.cmpi sgt, %sub3A_294, %sign3A_297 : i32
      %sign3A_299 = arith.extui %sign3A_298 : i1 to i32
      %sign3A_300 = arith.constant 0 : i32
      %sign3A_301 = arith.cmpi slt, %sub3A_294, %sign3A_300 : i32
      %sign3A_302 = arith.extui %sign3A_301 : i1 to i32
      %sign3A_303 = arith.subi %sign3A_299, %sign3A_302 : i32
      %sign3A_304 = arith.constant 0 : i32
      %sign3A_305 = arith.cmpi sgt, %jit3A_295, %sign3A_304 : i32
      %sign3A_306 = arith.extui %sign3A_305 : i1 to i32
      %sign3A_307 = arith.constant 0 : i32
      %sign3A_308 = arith.cmpi slt, %jit3A_295, %sign3A_307 : i32
      %sign3A_309 = arith.extui %sign3A_308 : i1 to i32
      %sign3A_310 = arith.subi %sign3A_306, %sign3A_309 : i32
      %ne3A_311 = arith.cmpi ne, %sign3A_303, %sign3A_310 : i32
      %rem3A_312 = arith.remsi %sub3A_294, %jit3A_295 : i32
      %ne3A_313 = arith.constant 0 : i32
      %ne3A_314 = arith.cmpi ne, %rem3A_312, %ne3A_313 : i32
      %and3A_315 = arith.andi %ne3A_311, %ne3A_314 : i1
      %sub3A_316 = arith.constant 1 : i32
      %sub3A_317 = arith.subi %div3A_296, %sub3A_316 : i32
      %select_n3A_318 = arith.select %and3A_315, %sub3A_317, %div3A_296 : i32
      %max3A_319 = arith.maxsi %select_n3A_318, %select_n3A_290 : i32
      %broadcast_in_dim3A_320 = arith.constant 0xFF800000 : f32
      %broadcast_in_dim3A_321 = vector.broadcast %broadcast_in_dim3A_320 : f32 to vector<5x64xf32>
      %broadcast_in_dim3A_322 = arith.constant 10000 : i32
      %broadcast_in_dim3A_323 = vector.broadcast %broadcast_in_dim3A_322 : i32 to vector<5x64xi32>
      %while3A_324 = arith.constant 0xFF800000 : f32
      %while3A_325 = arith.subi %max3A_319, %select_n3A_290 : i32
      %while3A_326 = arith.addi %select_n3A_290, %while3A_325 : i32
      %while3A_327 = arith.constant 1 : i32
      %while3A_328 = arith.divsi %while3A_325, %while3A_327 : i32
      %while3A_329 = arith.muli %while3A_328, %while3A_327 : i32
      %while3A_330 = arith.addi %select_n3A_290, %while3A_329 : i32
      %while3A_331 = arith.constant 1 : i32
      %while3A_332:2 = scf.for %while3A_860 = %select_n3A_290 to %while3A_330 step %while3A_331 iter_args(%while3A_861 = %broadcast_in_dim3A_321, %while3A_862 = %broadcast_in_dim3A_323) -> (vector<5x64xf32>, vector<5x64xi32>)  : i32 {
        %mul3A_863 = arith.constant 1000 : i32
        %mul3A_864 = arith.muli %while3A_860, %mul3A_863 : i32
        %get3A_865 = arith.index_cast %mul3A_864 : i32 to index
        %get3A_866 = arith.constant 0 : index
        %get3A_867 = vector.load %arg13[%get3A_865, %get3A_866] : memref<10000x64xf32, #tpu.memory_space<vmem>>, vector<1000x64xf32>
        %mul3A_868 = arith.constant 1000 : i32
        %mul3A_869 = arith.muli %while3A_860, %mul3A_868 : i32
        %add3A_870 = vector.broadcast %mul3A_869 : i32 to vector<1000x64xi32>
        %add3A_871 = arith.addi %iota3A_41, %add3A_870 : vector<1000x64xi32>
        %ge3A = vector.broadcast %get3A_55 : i32 to vector<1000x64xi32>
        %ge3A_872 = arith.cmpi sge, %add3A_871, %ge3A : vector<1000x64xi32>
        %lt3A = vector.broadcast %get3A_57 : i32 to vector<1000x64xi32>
        %lt3A_873 = arith.cmpi slt, %add3A_871, %lt3A : vector<1000x64xi32>
        %and3A_874 = arith.andi %ge3A_872, %lt3A_873 : vector<1000x64xi1>
        %broadcast_in_dim3A_875 = vector.broadcast %while3A_324 : f32 to vector<1000x64xf32>
        %select_n3A_876 = arith.select %and3A_874, %get3A_867, %broadcast_in_dim3A_875 : vector<1000x64xi1>, vector<1000x64xf32>
        %reduce_max3A = arith.constant dense<0xFF800000> : vector<64xf32>
        %reduce_max3A_877 = vector.multi_reduction <maximumf>, %select_n3A_876, %reduce_max3A [0] : vector<1000x64xf32> to vector<64xf32>
        %broadcast_in_dim3A_878 = vector.shape_cast %reduce_max3A_877 : vector<64xf32> to vector<1x64xf32>
        %eq3A_879 = vector.broadcast %broadcast_in_dim3A_878 : vector<1x64xf32> to vector<1000x64xf32>
        %eq3A_880 = arith.cmpf oeq, %select_n3A_876, %eq3A_879 : vector<1000x64xf32>
        %gt3A_881 = vector.broadcast %while3A_324 : f32 to vector<1x64xf32>
        %gt3A_882 = arith.cmpf ogt, %broadcast_in_dim3A_878, %gt3A_881 : vector<1x64xf32>
        %and3A_883 = vector.broadcast %gt3A_882 : vector<1x64xi1> to vector<1000x64xi1>
        %and3A_884 = arith.andi %eq3A_880, %and3A_883 : vector<1000x64xi1>
        %jit3A_885 = arith.constant 10000 : i32
        %broadcast_in_dim3A_886 = vector.broadcast %jit3A_885 : i32 to vector<1000x64xi32>
        %select_n3A_887 = arith.select %and3A_884, %add3A_871, %broadcast_in_dim3A_886 : vector<1000x64xi1>, vector<1000x64xi32>
        %reduce_min3A = arith.constant dense<2147483647> : vector<64xi32>
        %reduce_min3A_888 = vector.multi_reduction <minsi>, %select_n3A_887, %reduce_min3A [0] : vector<1000x64xi32> to vector<64xi32>
        %broadcast_in_dim3A_889 = vector.shape_cast %reduce_min3A_888 : vector<64xi32> to vector<1x64xi32>
        %eq3A_890 = vector.broadcast %broadcast_in_dim3A_889 : vector<1x64xi32> to vector<1000x64xi32>
        %eq3A_891 = arith.cmpi eq, %add3A_871, %eq3A_890 : vector<1000x64xi32>
        %broadcast_in_dim3A_892 = vector.broadcast %while3A_324 : f32 to vector<1000x64xf32>
        %select_n3A_893 = arith.select %eq3A_891, %broadcast_in_dim3A_892, %select_n3A_876 : vector<1000x64xi1>, vector<1000x64xf32>
        %reduce_max3A_894 = arith.constant dense<0xFF800000> : vector<64xf32>
        %reduce_max3A_895 = vector.multi_reduction <maximumf>, %select_n3A_893, %reduce_max3A_894 [0] : vector<1000x64xf32> to vector<64xf32>
        %broadcast_in_dim3A_896 = vector.shape_cast %reduce_max3A_895 : vector<64xf32> to vector<1x64xf32>
        %eq3A_897 = vector.broadcast %broadcast_in_dim3A_896 : vector<1x64xf32> to vector<1000x64xf32>
        %eq3A_898 = arith.cmpf oeq, %select_n3A_893, %eq3A_897 : vector<1000x64xf32>
        %gt3A_899 = vector.broadcast %while3A_324 : f32 to vector<1x64xf32>
        %gt3A_900 = arith.cmpf ogt, %broadcast_in_dim3A_896, %gt3A_899 : vector<1x64xf32>
        %and3A_901 = vector.broadcast %gt3A_900 : vector<1x64xi1> to vector<1000x64xi1>
        %and3A_902 = arith.andi %eq3A_898, %and3A_901 : vector<1000x64xi1>
        %jit3A_903 = arith.constant 10000 : i32
        %broadcast_in_dim3A_904 = vector.broadcast %jit3A_903 : i32 to vector<1000x64xi32>
        %select_n3A_905 = arith.select %and3A_902, %add3A_871, %broadcast_in_dim3A_904 : vector<1000x64xi1>, vector<1000x64xi32>
        %reduce_min3A_906 = arith.constant dense<2147483647> : vector<64xi32>
        %reduce_min3A_907 = vector.multi_reduction <minsi>, %select_n3A_905, %reduce_min3A_906 [0] : vector<1000x64xi32> to vector<64xi32>
        %broadcast_in_dim3A_908 = vector.shape_cast %reduce_min3A_907 : vector<64xi32> to vector<1x64xi32>
        %eq3A_909 = vector.broadcast %broadcast_in_dim3A_908 : vector<1x64xi32> to vector<1000x64xi32>
        %eq3A_910 = arith.cmpi eq, %add3A_871, %eq3A_909 : vector<1000x64xi32>
        %broadcast_in_dim3A_911 = vector.broadcast %while3A_324 : f32 to vector<1000x64xf32>
        %select_n3A_912 = arith.select %eq3A_910, %broadcast_in_dim3A_911, %select_n3A_893 : vector<1000x64xi1>, vector<1000x64xf32>
        %reduce_max3A_913 = arith.constant dense<0xFF800000> : vector<64xf32>
        %reduce_max3A_914 = vector.multi_reduction <maximumf>, %select_n3A_912, %reduce_max3A_913 [0] : vector<1000x64xf32> to vector<64xf32>
        %broadcast_in_dim3A_915 = vector.shape_cast %reduce_max3A_914 : vector<64xf32> to vector<1x64xf32>
        %eq3A_916 = vector.broadcast %broadcast_in_dim3A_915 : vector<1x64xf32> to vector<1000x64xf32>
        %eq3A_917 = arith.cmpf oeq, %select_n3A_912, %eq3A_916 : vector<1000x64xf32>
        %gt3A_918 = vector.broadcast %while3A_324 : f32 to vector<1x64xf32>
        %gt3A_919 = arith.cmpf ogt, %broadcast_in_dim3A_915, %gt3A_918 : vector<1x64xf32>
        %and3A_920 = vector.broadcast %gt3A_919 : vector<1x64xi1> to vector<1000x64xi1>
        %and3A_921 = arith.andi %eq3A_917, %and3A_920 : vector<1000x64xi1>
        %jit3A_922 = arith.constant 10000 : i32
        %broadcast_in_dim3A_923 = vector.broadcast %jit3A_922 : i32 to vector<1000x64xi32>
        %select_n3A_924 = arith.select %and3A_921, %add3A_871, %broadcast_in_dim3A_923 : vector<1000x64xi1>, vector<1000x64xi32>
        %reduce_min3A_925 = arith.constant dense<2147483647> : vector<64xi32>
        %reduce_min3A_926 = vector.multi_reduction <minsi>, %select_n3A_924, %reduce_min3A_925 [0] : vector<1000x64xi32> to vector<64xi32>
        %broadcast_in_dim3A_927 = vector.shape_cast %reduce_min3A_926 : vector<64xi32> to vector<1x64xi32>
        %eq3A_928 = vector.broadcast %broadcast_in_dim3A_927 : vector<1x64xi32> to vector<1000x64xi32>
        %eq3A_929 = arith.cmpi eq, %add3A_871, %eq3A_928 : vector<1000x64xi32>
        %broadcast_in_dim3A_930 = vector.broadcast %while3A_324 : f32 to vector<1000x64xf32>
        %select_n3A_931 = arith.select %eq3A_929, %broadcast_in_dim3A_930, %select_n3A_912 : vector<1000x64xi1>, vector<1000x64xf32>
        %reduce_max3A_932 = arith.constant dense<0xFF800000> : vector<64xf32>
        %reduce_max3A_933 = vector.multi_reduction <maximumf>, %select_n3A_931, %reduce_max3A_932 [0] : vector<1000x64xf32> to vector<64xf32>
        %broadcast_in_dim3A_934 = vector.shape_cast %reduce_max3A_933 : vector<64xf32> to vector<1x64xf32>
        %eq3A_935 = vector.broadcast %broadcast_in_dim3A_934 : vector<1x64xf32> to vector<1000x64xf32>
        %eq3A_936 = arith.cmpf oeq, %select_n3A_931, %eq3A_935 : vector<1000x64xf32>
        %gt3A_937 = vector.broadcast %while3A_324 : f32 to vector<1x64xf32>
        %gt3A_938 = arith.cmpf ogt, %broadcast_in_dim3A_934, %gt3A_937 : vector<1x64xf32>
        %and3A_939 = vector.broadcast %gt3A_938 : vector<1x64xi1> to vector<1000x64xi1>
        %and3A_940 = arith.andi %eq3A_936, %and3A_939 : vector<1000x64xi1>
        %jit3A_941 = arith.constant 10000 : i32
        %broadcast_in_dim3A_942 = vector.broadcast %jit3A_941 : i32 to vector<1000x64xi32>
        %select_n3A_943 = arith.select %and3A_940, %add3A_871, %broadcast_in_dim3A_942 : vector<1000x64xi1>, vector<1000x64xi32>
        %reduce_min3A_944 = arith.constant dense<2147483647> : vector<64xi32>
        %reduce_min3A_945 = vector.multi_reduction <minsi>, %select_n3A_943, %reduce_min3A_944 [0] : vector<1000x64xi32> to vector<64xi32>
        %broadcast_in_dim3A_946 = vector.shape_cast %reduce_min3A_945 : vector<64xi32> to vector<1x64xi32>
        %eq3A_947 = vector.broadcast %broadcast_in_dim3A_946 : vector<1x64xi32> to vector<1000x64xi32>
        %eq3A_948 = arith.cmpi eq, %add3A_871, %eq3A_947 : vector<1000x64xi32>
        %broadcast_in_dim3A_949 = vector.broadcast %while3A_324 : f32 to vector<1000x64xf32>
        %select_n3A_950 = arith.select %eq3A_948, %broadcast_in_dim3A_949, %select_n3A_931 : vector<1000x64xi1>, vector<1000x64xf32>
        %reduce_max3A_951 = arith.constant dense<0xFF800000> : vector<64xf32>
        %reduce_max3A_952 = vector.multi_reduction <maximumf>, %select_n3A_950, %reduce_max3A_951 [0] : vector<1000x64xf32> to vector<64xf32>
        %broadcast_in_dim3A_953 = vector.shape_cast %reduce_max3A_952 : vector<64xf32> to vector<1x64xf32>
        %eq3A_954 = vector.broadcast %broadcast_in_dim3A_953 : vector<1x64xf32> to vector<1000x64xf32>
        %eq3A_955 = arith.cmpf oeq, %select_n3A_950, %eq3A_954 : vector<1000x64xf32>
        %gt3A_956 = vector.broadcast %while3A_324 : f32 to vector<1x64xf32>
        %gt3A_957 = arith.cmpf ogt, %broadcast_in_dim3A_953, %gt3A_956 : vector<1x64xf32>
        %and3A_958 = vector.broadcast %gt3A_957 : vector<1x64xi1> to vector<1000x64xi1>
        %and3A_959 = arith.andi %eq3A_955, %and3A_958 : vector<1000x64xi1>
        %jit3A_960 = arith.constant 10000 : i32
        %broadcast_in_dim3A_961 = vector.broadcast %jit3A_960 : i32 to vector<1000x64xi32>
        %select_n3A_962 = arith.select %and3A_959, %add3A_871, %broadcast_in_dim3A_961 : vector<1000x64xi1>, vector<1000x64xi32>
        %reduce_min3A_963 = arith.constant dense<2147483647> : vector<64xi32>
        %reduce_min3A_964 = vector.multi_reduction <minsi>, %select_n3A_962, %reduce_min3A_963 [0] : vector<1000x64xi32> to vector<64xi32>
        %broadcast_in_dim3A_965 = vector.shape_cast %reduce_min3A_964 : vector<64xi32> to vector<1x64xi32>
        %concatenate3A_966 = tpu.concatenate %broadcast_in_dim3A_878, %broadcast_in_dim3A_896, %broadcast_in_dim3A_915, %broadcast_in_dim3A_934, %broadcast_in_dim3A_953, %while3A_861 in 0 : vector<1x64xf32>, vector<1x64xf32>, vector<1x64xf32>, vector<1x64xf32>, vector<1x64xf32>, vector<5x64xf32> -> vector<10x64xf32>
        %concatenate3A_967 = tpu.concatenate %broadcast_in_dim3A_889, %broadcast_in_dim3A_908, %broadcast_in_dim3A_927, %broadcast_in_dim3A_946, %broadcast_in_dim3A_965, %while3A_862 in 0 : vector<1x64xi32>, vector<1x64xi32>, vector<1x64xi32>, vector<1x64xi32>, vector<1x64xi32>, vector<5x64xi32> -> vector<10x64xi32>
        %reduce_max3A_968 = arith.constant dense<0xFF800000> : vector<64xf32>
        %reduce_max3A_969 = vector.multi_reduction <maximumf>, %concatenate3A_966, %reduce_max3A_968 [0] : vector<10x64xf32> to vector<64xf32>
        %broadcast_in_dim3A_970 = vector.shape_cast %reduce_max3A_969 : vector<64xf32> to vector<1x64xf32>
        %eq3A_971 = vector.broadcast %broadcast_in_dim3A_970 : vector<1x64xf32> to vector<10x64xf32>
        %eq3A_972 = arith.cmpf oeq, %concatenate3A_966, %eq3A_971 : vector<10x64xf32>
        %gt3A_973 = vector.broadcast %while3A_324 : f32 to vector<1x64xf32>
        %gt3A_974 = arith.cmpf ogt, %broadcast_in_dim3A_970, %gt3A_973 : vector<1x64xf32>
        %and3A_975 = vector.broadcast %gt3A_974 : vector<1x64xi1> to vector<10x64xi1>
        %and3A_976 = arith.andi %eq3A_972, %and3A_975 : vector<10x64xi1>
        %jit3A_977 = arith.constant 10000 : i32
        %broadcast_in_dim3A_978 = vector.broadcast %jit3A_977 : i32 to vector<10x64xi32>
        %select_n3A_979 = arith.select %and3A_976, %concatenate3A_967, %broadcast_in_dim3A_978 : vector<10x64xi1>, vector<10x64xi32>
        %reduce_min3A_980 = arith.constant dense<2147483647> : vector<64xi32>
        %reduce_min3A_981 = vector.multi_reduction <minsi>, %select_n3A_979, %reduce_min3A_980 [0] : vector<10x64xi32> to vector<64xi32>
        %broadcast_in_dim3A_982 = vector.shape_cast %reduce_min3A_981 : vector<64xi32> to vector<1x64xi32>
        %eq3A_983 = vector.broadcast %broadcast_in_dim3A_982 : vector<1x64xi32> to vector<10x64xi32>
        %eq3A_984 = arith.cmpi eq, %concatenate3A_967, %eq3A_983 : vector<10x64xi32>
        %broadcast_in_dim3A_985 = vector.broadcast %while3A_324 : f32 to vector<10x64xf32>
        %select_n3A_986 = arith.select %eq3A_984, %broadcast_in_dim3A_985, %concatenate3A_966 : vector<10x64xi1>, vector<10x64xf32>
        %reduce_max3A_987 = arith.constant dense<0xFF800000> : vector<64xf32>
        %reduce_max3A_988 = vector.multi_reduction <maximumf>, %select_n3A_986, %reduce_max3A_987 [0] : vector<10x64xf32> to vector<64xf32>
        %broadcast_in_dim3A_989 = vector.shape_cast %reduce_max3A_988 : vector<64xf32> to vector<1x64xf32>
        %eq3A_990 = vector.broadcast %broadcast_in_dim3A_989 : vector<1x64xf32> to vector<10x64xf32>
        %eq3A_991 = arith.cmpf oeq, %select_n3A_986, %eq3A_990 : vector<10x64xf32>
        %gt3A_992 = vector.broadcast %while3A_324 : f32 to vector<1x64xf32>
        %gt3A_993 = arith.cmpf ogt, %broadcast_in_dim3A_989, %gt3A_992 : vector<1x64xf32>
        %and3A_994 = vector.broadcast %gt3A_993 : vector<1x64xi1> to vector<10x64xi1>
        %and3A_995 = arith.andi %eq3A_991, %and3A_994 : vector<10x64xi1>
        %jit3A_996 = arith.constant 10000 : i32
        %broadcast_in_dim3A_997 = vector.broadcast %jit3A_996 : i32 to vector<10x64xi32>
        %select_n3A_998 = arith.select %and3A_995, %concatenate3A_967, %broadcast_in_dim3A_997 : vector<10x64xi1>, vector<10x64xi32>
        %reduce_min3A_999 = arith.constant dense<2147483647> : vector<64xi32>
        %reduce_min3A_1000 = vector.multi_reduction <minsi>, %select_n3A_998, %reduce_min3A_999 [0] : vector<10x64xi32> to vector<64xi32>
        %broadcast_in_dim3A_1001 = vector.shape_cast %reduce_min3A_1000 : vector<64xi32> to vector<1x64xi32>
        %eq3A_1002 = vector.broadcast %broadcast_in_dim3A_1001 : vector<1x64xi32> to vector<10x64xi32>
        %eq3A_1003 = arith.cmpi eq, %concatenate3A_967, %eq3A_1002 : vector<10x64xi32>
        %broadcast_in_dim3A_1004 = vector.broadcast %while3A_324 : f32 to vector<10x64xf32>
        %select_n3A_1005 = arith.select %eq3A_1003, %broadcast_in_dim3A_1004, %select_n3A_986 : vector<10x64xi1>, vector<10x64xf32>
        %reduce_max3A_1006 = arith.constant dense<0xFF800000> : vector<64xf32>
        %reduce_max3A_1007 = vector.multi_reduction <maximumf>, %select_n3A_1005, %reduce_max3A_1006 [0] : vector<10x64xf32> to vector<64xf32>
        %broadcast_in_dim3A_1008 = vector.shape_cast %reduce_max3A_1007 : vector<64xf32> to vector<1x64xf32>
        %eq3A_1009 = vector.broadcast %broadcast_in_dim3A_1008 : vector<1x64xf32> to vector<10x64xf32>
        %eq3A_1010 = arith.cmpf oeq, %select_n3A_1005, %eq3A_1009 : vector<10x64xf32>
        %gt3A_1011 = vector.broadcast %while3A_324 : f32 to vector<1x64xf32>
        %gt3A_1012 = arith.cmpf ogt, %broadcast_in_dim3A_1008, %gt3A_1011 : vector<1x64xf32>
        %and3A_1013 = vector.broadcast %gt3A_1012 : vector<1x64xi1> to vector<10x64xi1>
        %and3A_1014 = arith.andi %eq3A_1010, %and3A_1013 : vector<10x64xi1>
        %jit3A_1015 = arith.constant 10000 : i32
        %broadcast_in_dim3A_1016 = vector.broadcast %jit3A_1015 : i32 to vector<10x64xi32>
        %select_n3A_1017 = arith.select %and3A_1014, %concatenate3A_967, %broadcast_in_dim3A_1016 : vector<10x64xi1>, vector<10x64xi32>
        %reduce_min3A_1018 = arith.constant dense<2147483647> : vector<64xi32>
        %reduce_min3A_1019 = vector.multi_reduction <minsi>, %select_n3A_1017, %reduce_min3A_1018 [0] : vector<10x64xi32> to vector<64xi32>
        %broadcast_in_dim3A_1020 = vector.shape_cast %reduce_min3A_1019 : vector<64xi32> to vector<1x64xi32>
        %eq3A_1021 = vector.broadcast %broadcast_in_dim3A_1020 : vector<1x64xi32> to vector<10x64xi32>
        %eq3A_1022 = arith.cmpi eq, %concatenate3A_967, %eq3A_1021 : vector<10x64xi32>
        %broadcast_in_dim3A_1023 = vector.broadcast %while3A_324 : f32 to vector<10x64xf32>
        %select_n3A_1024 = arith.select %eq3A_1022, %broadcast_in_dim3A_1023, %select_n3A_1005 : vector<10x64xi1>, vector<10x64xf32>
        %reduce_max3A_1025 = arith.constant dense<0xFF800000> : vector<64xf32>
        %reduce_max3A_1026 = vector.multi_reduction <maximumf>, %select_n3A_1024, %reduce_max3A_1025 [0] : vector<10x64xf32> to vector<64xf32>
        %broadcast_in_dim3A_1027 = vector.shape_cast %reduce_max3A_1026 : vector<64xf32> to vector<1x64xf32>
        %eq3A_1028 = vector.broadcast %broadcast_in_dim3A_1027 : vector<1x64xf32> to vector<10x64xf32>
        %eq3A_1029 = arith.cmpf oeq, %select_n3A_1024, %eq3A_1028 : vector<10x64xf32>
        %gt3A_1030 = vector.broadcast %while3A_324 : f32 to vector<1x64xf32>
        %gt3A_1031 = arith.cmpf ogt, %broadcast_in_dim3A_1027, %gt3A_1030 : vector<1x64xf32>
        %and3A_1032 = vector.broadcast %gt3A_1031 : vector<1x64xi1> to vector<10x64xi1>
        %and3A_1033 = arith.andi %eq3A_1029, %and3A_1032 : vector<10x64xi1>
        %jit3A_1034 = arith.constant 10000 : i32
        %broadcast_in_dim3A_1035 = vector.broadcast %jit3A_1034 : i32 to vector<10x64xi32>
        %select_n3A_1036 = arith.select %and3A_1033, %concatenate3A_967, %broadcast_in_dim3A_1035 : vector<10x64xi1>, vector<10x64xi32>
        %reduce_min3A_1037 = arith.constant dense<2147483647> : vector<64xi32>
        %reduce_min3A_1038 = vector.multi_reduction <minsi>, %select_n3A_1036, %reduce_min3A_1037 [0] : vector<10x64xi32> to vector<64xi32>
        %broadcast_in_dim3A_1039 = vector.shape_cast %reduce_min3A_1038 : vector<64xi32> to vector<1x64xi32>
        %eq3A_1040 = vector.broadcast %broadcast_in_dim3A_1039 : vector<1x64xi32> to vector<10x64xi32>
        %eq3A_1041 = arith.cmpi eq, %concatenate3A_967, %eq3A_1040 : vector<10x64xi32>
        %broadcast_in_dim3A_1042 = vector.broadcast %while3A_324 : f32 to vector<10x64xf32>
        %select_n3A_1043 = arith.select %eq3A_1041, %broadcast_in_dim3A_1042, %select_n3A_1024 : vector<10x64xi1>, vector<10x64xf32>
        %reduce_max3A_1044 = arith.constant dense<0xFF800000> : vector<64xf32>
        %reduce_max3A_1045 = vector.multi_reduction <maximumf>, %select_n3A_1043, %reduce_max3A_1044 [0] : vector<10x64xf32> to vector<64xf32>
        %broadcast_in_dim3A_1046 = vector.shape_cast %reduce_max3A_1045 : vector<64xf32> to vector<1x64xf32>
        %eq3A_1047 = vector.broadcast %broadcast_in_dim3A_1046 : vector<1x64xf32> to vector<10x64xf32>
        %eq3A_1048 = arith.cmpf oeq, %select_n3A_1043, %eq3A_1047 : vector<10x64xf32>
        %gt3A_1049 = vector.broadcast %while3A_324 : f32 to vector<1x64xf32>
        %gt3A_1050 = arith.cmpf ogt, %broadcast_in_dim3A_1046, %gt3A_1049 : vector<1x64xf32>
        %and3A_1051 = vector.broadcast %gt3A_1050 : vector<1x64xi1> to vector<10x64xi1>
        %and3A_1052 = arith.andi %eq3A_1048, %and3A_1051 : vector<10x64xi1>
        %jit3A_1053 = arith.constant 10000 : i32
        %broadcast_in_dim3A_1054 = vector.broadcast %jit3A_1053 : i32 to vector<10x64xi32>
        %select_n3A_1055 = arith.select %and3A_1052, %concatenate3A_967, %broadcast_in_dim3A_1054 : vector<10x64xi1>, vector<10x64xi32>
        %reduce_min3A_1056 = arith.constant dense<2147483647> : vector<64xi32>
        %reduce_min3A_1057 = vector.multi_reduction <minsi>, %select_n3A_1055, %reduce_min3A_1056 [0] : vector<10x64xi32> to vector<64xi32>
        %broadcast_in_dim3A_1058 = vector.shape_cast %reduce_min3A_1057 : vector<64xi32> to vector<1x64xi32>
        %concatenate3A_1059 = tpu.concatenate %broadcast_in_dim3A_970, %broadcast_in_dim3A_989, %broadcast_in_dim3A_1008, %broadcast_in_dim3A_1027, %broadcast_in_dim3A_1046 in 0 : vector<1x64xf32>, vector<1x64xf32>, vector<1x64xf32>, vector<1x64xf32>, vector<1x64xf32> -> vector<5x64xf32>
        %concatenate3A_1060 = tpu.concatenate %broadcast_in_dim3A_982, %broadcast_in_dim3A_1001, %broadcast_in_dim3A_1020, %broadcast_in_dim3A_1039, %broadcast_in_dim3A_1058 in 0 : vector<1x64xi32>, vector<1x64xi32>, vector<1x64xi32>, vector<1x64xi32>, vector<1x64xi32> -> vector<5x64xi32>
        scf.yield %concatenate3A_1059, %concatenate3A_1060 : vector<5x64xf32>, vector<5x64xi32>
      }
      %while3A_333 = arith.constant 1 : i32
      %while3A_334:2 = scf.for %while3A_860 = %while3A_330 to %while3A_326 step %while3A_333 iter_args(%while3A_861 = %while3A_332#0, %while3A_862 = %while3A_332#1) -> (vector<5x64xf32>, vector<5x64xi32>)  : i32 {
        %mul3A_863 = arith.constant 1000 : i32
        %mul3A_864 = arith.muli %while3A_860, %mul3A_863 : i32
        %get3A_865 = arith.index_cast %mul3A_864 : i32 to index
        %get3A_866 = arith.constant 0 : index
        %get3A_867 = vector.load %arg13[%get3A_865, %get3A_866] : memref<10000x64xf32, #tpu.memory_space<vmem>>, vector<1000x64xf32>
        %mul3A_868 = arith.constant 1000 : i32
        %mul3A_869 = arith.muli %while3A_860, %mul3A_868 : i32
        %add3A_870 = vector.broadcast %mul3A_869 : i32 to vector<1000x64xi32>
        %add3A_871 = arith.addi %iota3A_41, %add3A_870 : vector<1000x64xi32>
        %ge3A = vector.broadcast %get3A_55 : i32 to vector<1000x64xi32>
        %ge3A_872 = arith.cmpi sge, %add3A_871, %ge3A : vector<1000x64xi32>
        %lt3A = vector.broadcast %get3A_57 : i32 to vector<1000x64xi32>
        %lt3A_873 = arith.cmpi slt, %add3A_871, %lt3A : vector<1000x64xi32>
        %and3A_874 = arith.andi %ge3A_872, %lt3A_873 : vector<1000x64xi1>
        %broadcast_in_dim3A_875 = vector.broadcast %while3A_324 : f32 to vector<1000x64xf32>
        %select_n3A_876 = arith.select %and3A_874, %get3A_867, %broadcast_in_dim3A_875 : vector<1000x64xi1>, vector<1000x64xf32>
        %reduce_max3A = arith.constant dense<0xFF800000> : vector<64xf32>
        %reduce_max3A_877 = vector.multi_reduction <maximumf>, %select_n3A_876, %reduce_max3A [0] : vector<1000x64xf32> to vector<64xf32>
        %broadcast_in_dim3A_878 = vector.shape_cast %reduce_max3A_877 : vector<64xf32> to vector<1x64xf32>
        %eq3A_879 = vector.broadcast %broadcast_in_dim3A_878 : vector<1x64xf32> to vector<1000x64xf32>
        %eq3A_880 = arith.cmpf oeq, %select_n3A_876, %eq3A_879 : vector<1000x64xf32>
        %gt3A_881 = vector.broadcast %while3A_324 : f32 to vector<1x64xf32>
        %gt3A_882 = arith.cmpf ogt, %broadcast_in_dim3A_878, %gt3A_881 : vector<1x64xf32>
        %and3A_883 = vector.broadcast %gt3A_882 : vector<1x64xi1> to vector<1000x64xi1>
        %and3A_884 = arith.andi %eq3A_880, %and3A_883 : vector<1000x64xi1>
        %jit3A_885 = arith.constant 10000 : i32
        %broadcast_in_dim3A_886 = vector.broadcast %jit3A_885 : i32 to vector<1000x64xi32>
        %select_n3A_887 = arith.select %and3A_884, %add3A_871, %broadcast_in_dim3A_886 : vector<1000x64xi1>, vector<1000x64xi32>
        %reduce_min3A = arith.constant dense<2147483647> : vector<64xi32>
        %reduce_min3A_888 = vector.multi_reduction <minsi>, %select_n3A_887, %reduce_min3A [0] : vector<1000x64xi32> to vector<64xi32>
        %broadcast_in_dim3A_889 = vector.shape_cast %reduce_min3A_888 : vector<64xi32> to vector<1x64xi32>
        %eq3A_890 = vector.broadcast %broadcast_in_dim3A_889 : vector<1x64xi32> to vector<1000x64xi32>
        %eq3A_891 = arith.cmpi eq, %add3A_871, %eq3A_890 : vector<1000x64xi32>
        %broadcast_in_dim3A_892 = vector.broadcast %while3A_324 : f32 to vector<1000x64xf32>
        %select_n3A_893 = arith.select %eq3A_891, %broadcast_in_dim3A_892, %select_n3A_876 : vector<1000x64xi1>, vector<1000x64xf32>
        %reduce_max3A_894 = arith.constant dense<0xFF800000> : vector<64xf32>
        %reduce_max3A_895 = vector.multi_reduction <maximumf>, %select_n3A_893, %reduce_max3A_894 [0] : vector<1000x64xf32> to vector<64xf32>
        %broadcast_in_dim3A_896 = vector.shape_cast %reduce_max3A_895 : vector<64xf32> to vector<1x64xf32>
        %eq3A_897 = vector.broadcast %broadcast_in_dim3A_896 : vector<1x64xf32> to vector<1000x64xf32>
        %eq3A_898 = arith.cmpf oeq, %select_n3A_893, %eq3A_897 : vector<1000x64xf32>
        %gt3A_899 = vector.broadcast %while3A_324 : f32 to vector<1x64xf32>
        %gt3A_900 = arith.cmpf ogt, %broadcast_in_dim3A_896, %gt3A_899 : vector<1x64xf32>
        %and3A_901 = vector.broadcast %gt3A_900 : vector<1x64xi1> to vector<1000x64xi1>
        %and3A_902 = arith.andi %eq3A_898, %and3A_901 : vector<1000x64xi1>
        %jit3A_903 = arith.constant 10000 : i32
        %broadcast_in_dim3A_904 = vector.broadcast %jit3A_903 : i32 to vector<1000x64xi32>
        %select_n3A_905 = arith.select %and3A_902, %add3A_871, %broadcast_in_dim3A_904 : vector<1000x64xi1>, vector<1000x64xi32>
        %reduce_min3A_906 = arith.constant dense<2147483647> : vector<64xi32>
        %reduce_min3A_907 = vector.multi_reduction <minsi>, %select_n3A_905, %reduce_min3A_906 [0] : vector<1000x64xi32> to vector<64xi32>
        %broadcast_in_dim3A_908 = vector.shape_cast %reduce_min3A_907 : vector<64xi32> to vector<1x64xi32>
        %eq3A_909 = vector.broadcast %broadcast_in_dim3A_908 : vector<1x64xi32> to vector<1000x64xi32>
        %eq3A_910 = arith.cmpi eq, %add3A_871, %eq3A_909 : vector<1000x64xi32>
        %broadcast_in_dim3A_911 = vector.broadcast %while3A_324 : f32 to vector<1000x64xf32>
        %select_n3A_912 = arith.select %eq3A_910, %broadcast_in_dim3A_911, %select_n3A_893 : vector<1000x64xi1>, vector<1000x64xf32>
        %reduce_max3A_913 = arith.constant dense<0xFF800000> : vector<64xf32>
        %reduce_max3A_914 = vector.multi_reduction <maximumf>, %select_n3A_912, %reduce_max3A_913 [0] : vector<1000x64xf32> to vector<64xf32>
        %broadcast_in_dim3A_915 = vector.shape_cast %reduce_max3A_914 : vector<64xf32> to vector<1x64xf32>
        %eq3A_916 = vector.broadcast %broadcast_in_dim3A_915 : vector<1x64xf32> to vector<1000x64xf32>
        %eq3A_917 = arith.cmpf oeq, %select_n3A_912, %eq3A_916 : vector<1000x64xf32>
        %gt3A_918 = vector.broadcast %while3A_324 : f32 to vector<1x64xf32>
        %gt3A_919 = arith.cmpf ogt, %broadcast_in_dim3A_915, %gt3A_918 : vector<1x64xf32>
        %and3A_920 = vector.broadcast %gt3A_919 : vector<1x64xi1> to vector<1000x64xi1>
        %and3A_921 = arith.andi %eq3A_917, %and3A_920 : vector<1000x64xi1>
        %jit3A_922 = arith.constant 10000 : i32
        %broadcast_in_dim3A_923 = vector.broadcast %jit3A_922 : i32 to vector<1000x64xi32>
        %select_n3A_924 = arith.select %and3A_921, %add3A_871, %broadcast_in_dim3A_923 : vector<1000x64xi1>, vector<1000x64xi32>
        %reduce_min3A_925 = arith.constant dense<2147483647> : vector<64xi32>
        %reduce_min3A_926 = vector.multi_reduction <minsi>, %select_n3A_924, %reduce_min3A_925 [0] : vector<1000x64xi32> to vector<64xi32>
        %broadcast_in_dim3A_927 = vector.shape_cast %reduce_min3A_926 : vector<64xi32> to vector<1x64xi32>
        %eq3A_928 = vector.broadcast %broadcast_in_dim3A_927 : vector<1x64xi32> to vector<1000x64xi32>
        %eq3A_929 = arith.cmpi eq, %add3A_871, %eq3A_928 : vector<1000x64xi32>
        %broadcast_in_dim3A_930 = vector.broadcast %while3A_324 : f32 to vector<1000x64xf32>
        %select_n3A_931 = arith.select %eq3A_929, %broadcast_in_dim3A_930, %select_n3A_912 : vector<1000x64xi1>, vector<1000x64xf32>
        %reduce_max3A_932 = arith.constant dense<0xFF800000> : vector<64xf32>
        %reduce_max3A_933 = vector.multi_reduction <maximumf>, %select_n3A_931, %reduce_max3A_932 [0] : vector<1000x64xf32> to vector<64xf32>
        %broadcast_in_dim3A_934 = vector.shape_cast %reduce_max3A_933 : vector<64xf32> to vector<1x64xf32>
        %eq3A_935 = vector.broadcast %broadcast_in_dim3A_934 : vector<1x64xf32> to vector<1000x64xf32>
        %eq3A_936 = arith.cmpf oeq, %select_n3A_931, %eq3A_935 : vector<1000x64xf32>
        %gt3A_937 = vector.broadcast %while3A_324 : f32 to vector<1x64xf32>
        %gt3A_938 = arith.cmpf ogt, %broadcast_in_dim3A_934, %gt3A_937 : vector<1x64xf32>
        %and3A_939 = vector.broadcast %gt3A_938 : vector<1x64xi1> to vector<1000x64xi1>
        %and3A_940 = arith.andi %eq3A_936, %and3A_939 : vector<1000x64xi1>
        %jit3A_941 = arith.constant 10000 : i32
        %broadcast_in_dim3A_942 = vector.broadcast %jit3A_941 : i32 to vector<1000x64xi32>
        %select_n3A_943 = arith.select %and3A_940, %add3A_871, %broadcast_in_dim3A_942 : vector<1000x64xi1>, vector<1000x64xi32>
        %reduce_min3A_944 = arith.constant dense<2147483647> : vector<64xi32>
        %reduce_min3A_945 = vector.multi_reduction <minsi>, %select_n3A_943, %reduce_min3A_944 [0] : vector<1000x64xi32> to vector<64xi32>
        %broadcast_in_dim3A_946 = vector.shape_cast %reduce_min3A_945 : vector<64xi32> to vector<1x64xi32>
        %eq3A_947 = vector.broadcast %broadcast_in_dim3A_946 : vector<1x64xi32> to vector<1000x64xi32>
        %eq3A_948 = arith.cmpi eq, %add3A_871, %eq3A_947 : vector<1000x64xi32>
        %broadcast_in_dim3A_949 = vector.broadcast %while3A_324 : f32 to vector<1000x64xf32>
        %select_n3A_950 = arith.select %eq3A_948, %broadcast_in_dim3A_949, %select_n3A_931 : vector<1000x64xi1>, vector<1000x64xf32>
        %reduce_max3A_951 = arith.constant dense<0xFF800000> : vector<64xf32>
        %reduce_max3A_952 = vector.multi_reduction <maximumf>, %select_n3A_950, %reduce_max3A_951 [0] : vector<1000x64xf32> to vector<64xf32>
        %broadcast_in_dim3A_953 = vector.shape_cast %reduce_max3A_952 : vector<64xf32> to vector<1x64xf32>
        %eq3A_954 = vector.broadcast %broadcast_in_dim3A_953 : vector<1x64xf32> to vector<1000x64xf32>
        %eq3A_955 = arith.cmpf oeq, %select_n3A_950, %eq3A_954 : vector<1000x64xf32>
        %gt3A_956 = vector.broadcast %while3A_324 : f32 to vector<1x64xf32>
        %gt3A_957 = arith.cmpf ogt, %broadcast_in_dim3A_953, %gt3A_956 : vector<1x64xf32>
        %and3A_958 = vector.broadcast %gt3A_957 : vector<1x64xi1> to vector<1000x64xi1>
        %and3A_959 = arith.andi %eq3A_955, %and3A_958 : vector<1000x64xi1>
        %jit3A_960 = arith.constant 10000 : i32
        %broadcast_in_dim3A_961 = vector.broadcast %jit3A_960 : i32 to vector<1000x64xi32>
        %select_n3A_962 = arith.select %and3A_959, %add3A_871, %broadcast_in_dim3A_961 : vector<1000x64xi1>, vector<1000x64xi32>
        %reduce_min3A_963 = arith.constant dense<2147483647> : vector<64xi32>
        %reduce_min3A_964 = vector.multi_reduction <minsi>, %select_n3A_962, %reduce_min3A_963 [0] : vector<1000x64xi32> to vector<64xi32>
        %broadcast_in_dim3A_965 = vector.shape_cast %reduce_min3A_964 : vector<64xi32> to vector<1x64xi32>
        %concatenate3A_966 = tpu.concatenate %broadcast_in_dim3A_878, %broadcast_in_dim3A_896, %broadcast_in_dim3A_915, %broadcast_in_dim3A_934, %broadcast_in_dim3A_953, %while3A_861 in 0 : vector<1x64xf32>, vector<1x64xf32>, vector<1x64xf32>, vector<1x64xf32>, vector<1x64xf32>, vector<5x64xf32> -> vector<10x64xf32>
        %concatenate3A_967 = tpu.concatenate %broadcast_in_dim3A_889, %broadcast_in_dim3A_908, %broadcast_in_dim3A_927, %broadcast_in_dim3A_946, %broadcast_in_dim3A_965, %while3A_862 in 0 : vector<1x64xi32>, vector<1x64xi32>, vector<1x64xi32>, vector<1x64xi32>, vector<1x64xi32>, vector<5x64xi32> -> vector<10x64xi32>
        %reduce_max3A_968 = arith.constant dense<0xFF800000> : vector<64xf32>
        %reduce_max3A_969 = vector.multi_reduction <maximumf>, %concatenate3A_966, %reduce_max3A_968 [0] : vector<10x64xf32> to vector<64xf32>
        %broadcast_in_dim3A_970 = vector.shape_cast %reduce_max3A_969 : vector<64xf32> to vector<1x64xf32>
        %eq3A_971 = vector.broadcast %broadcast_in_dim3A_970 : vector<1x64xf32> to vector<10x64xf32>
        %eq3A_972 = arith.cmpf oeq, %concatenate3A_966, %eq3A_971 : vector<10x64xf32>
        %gt3A_973 = vector.broadcast %while3A_324 : f32 to vector<1x64xf32>
        %gt3A_974 = arith.cmpf ogt, %broadcast_in_dim3A_970, %gt3A_973 : vector<1x64xf32>
        %and3A_975 = vector.broadcast %gt3A_974 : vector<1x64xi1> to vector<10x64xi1>
        %and3A_976 = arith.andi %eq3A_972, %and3A_975 : vector<10x64xi1>
        %jit3A_977 = arith.constant 10000 : i32
        %broadcast_in_dim3A_978 = vector.broadcast %jit3A_977 : i32 to vector<10x64xi32>
        %select_n3A_979 = arith.select %and3A_976, %concatenate3A_967, %broadcast_in_dim3A_978 : vector<10x64xi1>, vector<10x64xi32>
        %reduce_min3A_980 = arith.constant dense<2147483647> : vector<64xi32>
        %reduce_min3A_981 = vector.multi_reduction <minsi>, %select_n3A_979, %reduce_min3A_980 [0] : vector<10x64xi32> to vector<64xi32>
        %broadcast_in_dim3A_982 = vector.shape_cast %reduce_min3A_981 : vector<64xi32> to vector<1x64xi32>
        %eq3A_983 = vector.broadcast %broadcast_in_dim3A_982 : vector<1x64xi32> to vector<10x64xi32>
        %eq3A_984 = arith.cmpi eq, %concatenate3A_967, %eq3A_983 : vector<10x64xi32>
        %broadcast_in_dim3A_985 = vector.broadcast %while3A_324 : f32 to vector<10x64xf32>
        %select_n3A_986 = arith.select %eq3A_984, %broadcast_in_dim3A_985, %concatenate3A_966 : vector<10x64xi1>, vector<10x64xf32>
        %reduce_max3A_987 = arith.constant dense<0xFF800000> : vector<64xf32>
        %reduce_max3A_988 = vector.multi_reduction <maximumf>, %select_n3A_986, %reduce_max3A_987 [0] : vector<10x64xf32> to vector<64xf32>
        %broadcast_in_dim3A_989 = vector.shape_cast %reduce_max3A_988 : vector<64xf32> to vector<1x64xf32>
        %eq3A_990 = vector.broadcast %broadcast_in_dim3A_989 : vector<1x64xf32> to vector<10x64xf32>
        %eq3A_991 = arith.cmpf oeq, %select_n3A_986, %eq3A_990 : vector<10x64xf32>
        %gt3A_992 = vector.broadcast %while3A_324 : f32 to vector<1x64xf32>
        %gt3A_993 = arith.cmpf ogt, %broadcast_in_dim3A_989, %gt3A_992 : vector<1x64xf32>
        %and3A_994 = vector.broadcast %gt3A_993 : vector<1x64xi1> to vector<10x64xi1>
        %and3A_995 = arith.andi %eq3A_991, %and3A_994 : vector<10x64xi1>
        %jit3A_996 = arith.constant 10000 : i32
        %broadcast_in_dim3A_997 = vector.broadcast %jit3A_996 : i32 to vector<10x64xi32>
        %select_n3A_998 = arith.select %and3A_995, %concatenate3A_967, %broadcast_in_dim3A_997 : vector<10x64xi1>, vector<10x64xi32>
        %reduce_min3A_999 = arith.constant dense<2147483647> : vector<64xi32>
        %reduce_min3A_1000 = vector.multi_reduction <minsi>, %select_n3A_998, %reduce_min3A_999 [0] : vector<10x64xi32> to vector<64xi32>
        %broadcast_in_dim3A_1001 = vector.shape_cast %reduce_min3A_1000 : vector<64xi32> to vector<1x64xi32>
        %eq3A_1002 = vector.broadcast %broadcast_in_dim3A_1001 : vector<1x64xi32> to vector<10x64xi32>
        %eq3A_1003 = arith.cmpi eq, %concatenate3A_967, %eq3A_1002 : vector<10x64xi32>
        %broadcast_in_dim3A_1004 = vector.broadcast %while3A_324 : f32 to vector<10x64xf32>
        %select_n3A_1005 = arith.select %eq3A_1003, %broadcast_in_dim3A_1004, %select_n3A_986 : vector<10x64xi1>, vector<10x64xf32>
        %reduce_max3A_1006 = arith.constant dense<0xFF800000> : vector<64xf32>
        %reduce_max3A_1007 = vector.multi_reduction <maximumf>, %select_n3A_1005, %reduce_max3A_1006 [0] : vector<10x64xf32> to vector<64xf32>
        %broadcast_in_dim3A_1008 = vector.shape_cast %reduce_max3A_1007 : vector<64xf32> to vector<1x64xf32>
        %eq3A_1009 = vector.broadcast %broadcast_in_dim3A_1008 : vector<1x64xf32> to vector<10x64xf32>
        %eq3A_1010 = arith.cmpf oeq, %select_n3A_1005, %eq3A_1009 : vector<10x64xf32>
        %gt3A_1011 = vector.broadcast %while3A_324 : f32 to vector<1x64xf32>
        %gt3A_1012 = arith.cmpf ogt, %broadcast_in_dim3A_1008, %gt3A_1011 : vector<1x64xf32>
        %and3A_1013 = vector.broadcast %gt3A_1012 : vector<1x64xi1> to vector<10x64xi1>
        %and3A_1014 = arith.andi %eq3A_1010, %and3A_1013 : vector<10x64xi1>
        %jit3A_1015 = arith.constant 10000 : i32
        %broadcast_in_dim3A_1016 = vector.broadcast %jit3A_1015 : i32 to vector<10x64xi32>
        %select_n3A_1017 = arith.select %and3A_1014, %concatenate3A_967, %broadcast_in_dim3A_1016 : vector<10x64xi1>, vector<10x64xi32>
        %reduce_min3A_1018 = arith.constant dense<2147483647> : vector<64xi32>
        %reduce_min3A_1019 = vector.multi_reduction <minsi>, %select_n3A_1017, %reduce_min3A_1018 [0] : vector<10x64xi32> to vector<64xi32>
        %broadcast_in_dim3A_1020 = vector.shape_cast %reduce_min3A_1019 : vector<64xi32> to vector<1x64xi32>
        %eq3A_1021 = vector.broadcast %broadcast_in_dim3A_1020 : vector<1x64xi32> to vector<10x64xi32>
        %eq3A_1022 = arith.cmpi eq, %concatenate3A_967, %eq3A_1021 : vector<10x64xi32>
        %broadcast_in_dim3A_1023 = vector.broadcast %while3A_324 : f32 to vector<10x64xf32>
        %select_n3A_1024 = arith.select %eq3A_1022, %broadcast_in_dim3A_1023, %select_n3A_1005 : vector<10x64xi1>, vector<10x64xf32>
        %reduce_max3A_1025 = arith.constant dense<0xFF800000> : vector<64xf32>
        %reduce_max3A_1026 = vector.multi_reduction <maximumf>, %select_n3A_1024, %reduce_max3A_1025 [0] : vector<10x64xf32> to vector<64xf32>
        %broadcast_in_dim3A_1027 = vector.shape_cast %reduce_max3A_1026 : vector<64xf32> to vector<1x64xf32>
        %eq3A_1028 = vector.broadcast %broadcast_in_dim3A_1027 : vector<1x64xf32> to vector<10x64xf32>
        %eq3A_1029 = arith.cmpf oeq, %select_n3A_1024, %eq3A_1028 : vector<10x64xf32>
        %gt3A_1030 = vector.broadcast %while3A_324 : f32 to vector<1x64xf32>
        %gt3A_1031 = arith.cmpf ogt, %broadcast_in_dim3A_1027, %gt3A_1030 : vector<1x64xf32>
        %and3A_1032 = vector.broadcast %gt3A_1031 : vector<1x64xi1> to vector<10x64xi1>
        %and3A_1033 = arith.andi %eq3A_1029, %and3A_1032 : vector<10x64xi1>
        %jit3A_1034 = arith.constant 10000 : i32
        %broadcast_in_dim3A_1035 = vector.broadcast %jit3A_1034 : i32 to vector<10x64xi32>
        %select_n3A_1036 = arith.select %and3A_1033, %concatenate3A_967, %broadcast_in_dim3A_1035 : vector<10x64xi1>, vector<10x64xi32>
        %reduce_min3A_1037 = arith.constant dense<2147483647> : vector<64xi32>
        %reduce_min3A_1038 = vector.multi_reduction <minsi>, %select_n3A_1036, %reduce_min3A_1037 [0] : vector<10x64xi32> to vector<64xi32>
        %broadcast_in_dim3A_1039 = vector.shape_cast %reduce_min3A_1038 : vector<64xi32> to vector<1x64xi32>
        %eq3A_1040 = vector.broadcast %broadcast_in_dim3A_1039 : vector<1x64xi32> to vector<10x64xi32>
        %eq3A_1041 = arith.cmpi eq, %concatenate3A_967, %eq3A_1040 : vector<10x64xi32>
        %broadcast_in_dim3A_1042 = vector.broadcast %while3A_324 : f32 to vector<10x64xf32>
        %select_n3A_1043 = arith.select %eq3A_1041, %broadcast_in_dim3A_1042, %select_n3A_1024 : vector<10x64xi1>, vector<10x64xf32>
        %reduce_max3A_1044 = arith.constant dense<0xFF800000> : vector<64xf32>
        %reduce_max3A_1045 = vector.multi_reduction <maximumf>, %select_n3A_1043, %reduce_max3A_1044 [0] : vector<10x64xf32> to vector<64xf32>
        %broadcast_in_dim3A_1046 = vector.shape_cast %reduce_max3A_1045 : vector<64xf32> to vector<1x64xf32>
        %eq3A_1047 = vector.broadcast %broadcast_in_dim3A_1046 : vector<1x64xf32> to vector<10x64xf32>
        %eq3A_1048 = arith.cmpf oeq, %select_n3A_1043, %eq3A_1047 : vector<10x64xf32>
        %gt3A_1049 = vector.broadcast %while3A_324 : f32 to vector<1x64xf32>
        %gt3A_1050 = arith.cmpf ogt, %broadcast_in_dim3A_1046, %gt3A_1049 : vector<1x64xf32>
        %and3A_1051 = vector.broadcast %gt3A_1050 : vector<1x64xi1> to vector<10x64xi1>
        %and3A_1052 = arith.andi %eq3A_1048, %and3A_1051 : vector<10x64xi1>
        %jit3A_1053 = arith.constant 10000 : i32
        %broadcast_in_dim3A_1054 = vector.broadcast %jit3A_1053 : i32 to vector<10x64xi32>
        %select_n3A_1055 = arith.select %and3A_1052, %concatenate3A_967, %broadcast_in_dim3A_1054 : vector<10x64xi1>, vector<10x64xi32>
        %reduce_min3A_1056 = arith.constant dense<2147483647> : vector<64xi32>
        %reduce_min3A_1057 = vector.multi_reduction <minsi>, %select_n3A_1055, %reduce_min3A_1056 [0] : vector<10x64xi32> to vector<64xi32>
        %broadcast_in_dim3A_1058 = vector.shape_cast %reduce_min3A_1057 : vector<64xi32> to vector<1x64xi32>
        %concatenate3A_1059 = tpu.concatenate %broadcast_in_dim3A_970, %broadcast_in_dim3A_989, %broadcast_in_dim3A_1008, %broadcast_in_dim3A_1027, %broadcast_in_dim3A_1046 in 0 : vector<1x64xf32>, vector<1x64xf32>, vector<1x64xf32>, vector<1x64xf32>, vector<1x64xf32> -> vector<5x64xf32>
        %concatenate3A_1060 = tpu.concatenate %broadcast_in_dim3A_982, %broadcast_in_dim3A_1001, %broadcast_in_dim3A_1020, %broadcast_in_dim3A_1039, %broadcast_in_dim3A_1058 in 0 : vector<1x64xi32>, vector<1x64xi32>, vector<1x64xi32>, vector<1x64xi32>, vector<1x64xi32> -> vector<5x64xi32>
        scf.yield %concatenate3A_1059, %concatenate3A_1060 : vector<5x64xf32>, vector<5x64xi32>
      }
      %jit3A_335 = arith.constant 1000 : i32
      %div3A_336 = arith.divsi %get3A_59, %jit3A_335 : i32
      %sign3A_337 = arith.constant 0 : i32
      %sign3A_338 = arith.cmpi sgt, %get3A_59, %sign3A_337 : i32
      %sign3A_339 = arith.extui %sign3A_338 : i1 to i32
      %sign3A_340 = arith.constant 0 : i32
      %sign3A_341 = arith.cmpi slt, %get3A_59, %sign3A_340 : i32
      %sign3A_342 = arith.extui %sign3A_341 : i1 to i32
      %sign3A_343 = arith.subi %sign3A_339, %sign3A_342 : i32
      %sign3A_344 = arith.constant 0 : i32
      %sign3A_345 = arith.cmpi sgt, %jit3A_335, %sign3A_344 : i32
      %sign3A_346 = arith.extui %sign3A_345 : i1 to i32
      %sign3A_347 = arith.constant 0 : i32
      %sign3A_348 = arith.cmpi slt, %jit3A_335, %sign3A_347 : i32
      %sign3A_349 = arith.extui %sign3A_348 : i1 to i32
      %sign3A_350 = arith.subi %sign3A_346, %sign3A_349 : i32
      %ne3A_351 = arith.cmpi ne, %sign3A_343, %sign3A_350 : i32
      %rem3A_352 = arith.remsi %get3A_59, %jit3A_335 : i32
      %ne3A_353 = arith.constant 0 : i32
      %ne3A_354 = arith.cmpi ne, %rem3A_352, %ne3A_353 : i32
      %and3A_355 = arith.andi %ne3A_351, %ne3A_354 : i1
      %sub3A_356 = arith.constant 1 : i32
      %sub3A_357 = arith.subi %div3A_336, %sub3A_356 : i32
      %select_n3A_358 = arith.select %and3A_355, %sub3A_357, %div3A_336 : i32
      %add3A_359 = arith.constant 1000 : i32
      %add3A_360 = arith.addi %get3A_61, %add3A_359 : i32
      %sub3A_361 = arith.constant 1 : i32
      %sub3A_362 = arith.subi %add3A_360, %sub3A_361 : i32
      %jit3A_363 = arith.constant 1000 : i32
      %div3A_364 = arith.divsi %sub3A_362, %jit3A_363 : i32
      %sign3A_365 = arith.constant 0 : i32
      %sign3A_366 = arith.cmpi sgt, %sub3A_362, %sign3A_365 : i32
      %sign3A_367 = arith.extui %sign3A_366 : i1 to i32
      %sign3A_368 = arith.constant 0 : i32
      %sign3A_369 = arith.cmpi slt, %sub3A_362, %sign3A_368 : i32
      %sign3A_370 = arith.extui %sign3A_369 : i1 to i32
      %sign3A_371 = arith.subi %sign3A_367, %sign3A_370 : i32
      %sign3A_372 = arith.constant 0 : i32
      %sign3A_373 = arith.cmpi sgt, %jit3A_363, %sign3A_372 : i32
      %sign3A_374 = arith.extui %sign3A_373 : i1 to i32
      %sign3A_375 = arith.constant 0 : i32
      %sign3A_376 = arith.cmpi slt, %jit3A_363, %sign3A_375 : i32
      %sign3A_377 = arith.extui %sign3A_376 : i1 to i32
      %sign3A_378 = arith.subi %sign3A_374, %sign3A_377 : i32
      %ne3A_379 = arith.cmpi ne, %sign3A_371, %sign3A_378 : i32
      %rem3A_380 = arith.remsi %sub3A_362, %jit3A_363 : i32
      %ne3A_381 = arith.constant 0 : i32
      %ne3A_382 = arith.cmpi ne, %rem3A_380, %ne3A_381 : i32
      %and3A_383 = arith.andi %ne3A_379, %ne3A_382 : i1
      %sub3A_384 = arith.constant 1 : i32
      %sub3A_385 = arith.subi %div3A_364, %sub3A_384 : i32
      %select_n3A_386 = arith.select %and3A_383, %sub3A_385, %div3A_364 : i32
      %max3A_387 = arith.maxsi %select_n3A_386, %select_n3A_358 : i32
      %broadcast_in_dim3A_388 = arith.constant 0xFF800000 : f32
      %broadcast_in_dim3A_389 = vector.broadcast %broadcast_in_dim3A_388 : f32 to vector<5x64xf32>
      %broadcast_in_dim3A_390 = arith.constant 10000 : i32
      %broadcast_in_dim3A_391 = vector.broadcast %broadcast_in_dim3A_390 : i32 to vector<5x64xi32>
      %while3A_392 = arith.constant 0xFF800000 : f32
      %while3A_393 = arith.subi %max3A_387, %select_n3A_358 : i32
      %while3A_394 = arith.addi %select_n3A_358, %while3A_393 : i32
      %while3A_395 = arith.constant 1 : i32
      %while3A_396 = arith.divsi %while3A_393, %while3A_395 : i32
      %while3A_397 = arith.muli %while3A_396, %while3A_395 : i32
      %while3A_398 = arith.addi %select_n3A_358, %while3A_397 : i32
      %while3A_399 = arith.constant 1 : i32
      %while3A_400:2 = scf.for %while3A_860 = %select_n3A_358 to %while3A_398 step %while3A_399 iter_args(%while3A_861 = %broadcast_in_dim3A_389, %while3A_862 = %broadcast_in_dim3A_391) -> (vector<5x64xf32>, vector<5x64xi32>)  : i32 {
        %mul3A_863 = arith.constant 1000 : i32
        %mul3A_864 = arith.muli %while3A_860, %mul3A_863 : i32
        %get3A_865 = arith.index_cast %mul3A_864 : i32 to index
        %get3A_866 = arith.constant 0 : index
        %get3A_867 = vector.load %arg13[%get3A_865, %get3A_866] : memref<10000x64xf32, #tpu.memory_space<vmem>>, vector<1000x64xf32>
        %mul3A_868 = arith.constant 1000 : i32
        %mul3A_869 = arith.muli %while3A_860, %mul3A_868 : i32
        %add3A_870 = vector.broadcast %mul3A_869 : i32 to vector<1000x64xi32>
        %add3A_871 = arith.addi %iota3A_41, %add3A_870 : vector<1000x64xi32>
        %ge3A = vector.broadcast %get3A_59 : i32 to vector<1000x64xi32>
        %ge3A_872 = arith.cmpi sge, %add3A_871, %ge3A : vector<1000x64xi32>
        %lt3A = vector.broadcast %get3A_61 : i32 to vector<1000x64xi32>
        %lt3A_873 = arith.cmpi slt, %add3A_871, %lt3A : vector<1000x64xi32>
        %and3A_874 = arith.andi %ge3A_872, %lt3A_873 : vector<1000x64xi1>
        %broadcast_in_dim3A_875 = vector.broadcast %while3A_392 : f32 to vector<1000x64xf32>
        %select_n3A_876 = arith.select %and3A_874, %get3A_867, %broadcast_in_dim3A_875 : vector<1000x64xi1>, vector<1000x64xf32>
        %reduce_max3A = arith.constant dense<0xFF800000> : vector<64xf32>
        %reduce_max3A_877 = vector.multi_reduction <maximumf>, %select_n3A_876, %reduce_max3A [0] : vector<1000x64xf32> to vector<64xf32>
        %broadcast_in_dim3A_878 = vector.shape_cast %reduce_max3A_877 : vector<64xf32> to vector<1x64xf32>
        %eq3A_879 = vector.broadcast %broadcast_in_dim3A_878 : vector<1x64xf32> to vector<1000x64xf32>
        %eq3A_880 = arith.cmpf oeq, %select_n3A_876, %eq3A_879 : vector<1000x64xf32>
        %gt3A_881 = vector.broadcast %while3A_392 : f32 to vector<1x64xf32>
        %gt3A_882 = arith.cmpf ogt, %broadcast_in_dim3A_878, %gt3A_881 : vector<1x64xf32>
        %and3A_883 = vector.broadcast %gt3A_882 : vector<1x64xi1> to vector<1000x64xi1>
        %and3A_884 = arith.andi %eq3A_880, %and3A_883 : vector<1000x64xi1>
        %jit3A_885 = arith.constant 10000 : i32
        %broadcast_in_dim3A_886 = vector.broadcast %jit3A_885 : i32 to vector<1000x64xi32>
        %select_n3A_887 = arith.select %and3A_884, %add3A_871, %broadcast_in_dim3A_886 : vector<1000x64xi1>, vector<1000x64xi32>
        %reduce_min3A = arith.constant dense<2147483647> : vector<64xi32>
        %reduce_min3A_888 = vector.multi_reduction <minsi>, %select_n3A_887, %reduce_min3A [0] : vector<1000x64xi32> to vector<64xi32>
        %broadcast_in_dim3A_889 = vector.shape_cast %reduce_min3A_888 : vector<64xi32> to vector<1x64xi32>
        %eq3A_890 = vector.broadcast %broadcast_in_dim3A_889 : vector<1x64xi32> to vector<1000x64xi32>
        %eq3A_891 = arith.cmpi eq, %add3A_871, %eq3A_890 : vector<1000x64xi32>
        %broadcast_in_dim3A_892 = vector.broadcast %while3A_392 : f32 to vector<1000x64xf32>
        %select_n3A_893 = arith.select %eq3A_891, %broadcast_in_dim3A_892, %select_n3A_876 : vector<1000x64xi1>, vector<1000x64xf32>
        %reduce_max3A_894 = arith.constant dense<0xFF800000> : vector<64xf32>
        %reduce_max3A_895 = vector.multi_reduction <maximumf>, %select_n3A_893, %reduce_max3A_894 [0] : vector<1000x64xf32> to vector<64xf32>
        %broadcast_in_dim3A_896 = vector.shape_cast %reduce_max3A_895 : vector<64xf32> to vector<1x64xf32>
        %eq3A_897 = vector.broadcast %broadcast_in_dim3A_896 : vector<1x64xf32> to vector<1000x64xf32>
        %eq3A_898 = arith.cmpf oeq, %select_n3A_893, %eq3A_897 : vector<1000x64xf32>
        %gt3A_899 = vector.broadcast %while3A_392 : f32 to vector<1x64xf32>
        %gt3A_900 = arith.cmpf ogt, %broadcast_in_dim3A_896, %gt3A_899 : vector<1x64xf32>
        %and3A_901 = vector.broadcast %gt3A_900 : vector<1x64xi1> to vector<1000x64xi1>
        %and3A_902 = arith.andi %eq3A_898, %and3A_901 : vector<1000x64xi1>
        %jit3A_903 = arith.constant 10000 : i32
        %broadcast_in_dim3A_904 = vector.broadcast %jit3A_903 : i32 to vector<1000x64xi32>
        %select_n3A_905 = arith.select %and3A_902, %add3A_871, %broadcast_in_dim3A_904 : vector<1000x64xi1>, vector<1000x64xi32>
        %reduce_min3A_906 = arith.constant dense<2147483647> : vector<64xi32>
        %reduce_min3A_907 = vector.multi_reduction <minsi>, %select_n3A_905, %reduce_min3A_906 [0] : vector<1000x64xi32> to vector<64xi32>
        %broadcast_in_dim3A_908 = vector.shape_cast %reduce_min3A_907 : vector<64xi32> to vector<1x64xi32>
        %eq3A_909 = vector.broadcast %broadcast_in_dim3A_908 : vector<1x64xi32> to vector<1000x64xi32>
        %eq3A_910 = arith.cmpi eq, %add3A_871, %eq3A_909 : vector<1000x64xi32>
        %broadcast_in_dim3A_911 = vector.broadcast %while3A_392 : f32 to vector<1000x64xf32>
        %select_n3A_912 = arith.select %eq3A_910, %broadcast_in_dim3A_911, %select_n3A_893 : vector<1000x64xi1>, vector<1000x64xf32>
        %reduce_max3A_913 = arith.constant dense<0xFF800000> : vector<64xf32>
        %reduce_max3A_914 = vector.multi_reduction <maximumf>, %select_n3A_912, %reduce_max3A_913 [0] : vector<1000x64xf32> to vector<64xf32>
        %broadcast_in_dim3A_915 = vector.shape_cast %reduce_max3A_914 : vector<64xf32> to vector<1x64xf32>
        %eq3A_916 = vector.broadcast %broadcast_in_dim3A_915 : vector<1x64xf32> to vector<1000x64xf32>
        %eq3A_917 = arith.cmpf oeq, %select_n3A_912, %eq3A_916 : vector<1000x64xf32>
        %gt3A_918 = vector.broadcast %while3A_392 : f32 to vector<1x64xf32>
        %gt3A_919 = arith.cmpf ogt, %broadcast_in_dim3A_915, %gt3A_918 : vector<1x64xf32>
        %and3A_920 = vector.broadcast %gt3A_919 : vector<1x64xi1> to vector<1000x64xi1>
        %and3A_921 = arith.andi %eq3A_917, %and3A_920 : vector<1000x64xi1>
        %jit3A_922 = arith.constant 10000 : i32
        %broadcast_in_dim3A_923 = vector.broadcast %jit3A_922 : i32 to vector<1000x64xi32>
        %select_n3A_924 = arith.select %and3A_921, %add3A_871, %broadcast_in_dim3A_923 : vector<1000x64xi1>, vector<1000x64xi32>
        %reduce_min3A_925 = arith.constant dense<2147483647> : vector<64xi32>
        %reduce_min3A_926 = vector.multi_reduction <minsi>, %select_n3A_924, %reduce_min3A_925 [0] : vector<1000x64xi32> to vector<64xi32>
        %broadcast_in_dim3A_927 = vector.shape_cast %reduce_min3A_926 : vector<64xi32> to vector<1x64xi32>
        %eq3A_928 = vector.broadcast %broadcast_in_dim3A_927 : vector<1x64xi32> to vector<1000x64xi32>
        %eq3A_929 = arith.cmpi eq, %add3A_871, %eq3A_928 : vector<1000x64xi32>
        %broadcast_in_dim3A_930 = vector.broadcast %while3A_392 : f32 to vector<1000x64xf32>
        %select_n3A_931 = arith.select %eq3A_929, %broadcast_in_dim3A_930, %select_n3A_912 : vector<1000x64xi1>, vector<1000x64xf32>
        %reduce_max3A_932 = arith.constant dense<0xFF800000> : vector<64xf32>
        %reduce_max3A_933 = vector.multi_reduction <maximumf>, %select_n3A_931, %reduce_max3A_932 [0] : vector<1000x64xf32> to vector<64xf32>
        %broadcast_in_dim3A_934 = vector.shape_cast %reduce_max3A_933 : vector<64xf32> to vector<1x64xf32>
        %eq3A_935 = vector.broadcast %broadcast_in_dim3A_934 : vector<1x64xf32> to vector<1000x64xf32>
        %eq3A_936 = arith.cmpf oeq, %select_n3A_931, %eq3A_935 : vector<1000x64xf32>
        %gt3A_937 = vector.broadcast %while3A_392 : f32 to vector<1x64xf32>
        %gt3A_938 = arith.cmpf ogt, %broadcast_in_dim3A_934, %gt3A_937 : vector<1x64xf32>
        %and3A_939 = vector.broadcast %gt3A_938 : vector<1x64xi1> to vector<1000x64xi1>
        %and3A_940 = arith.andi %eq3A_936, %and3A_939 : vector<1000x64xi1>
        %jit3A_941 = arith.constant 10000 : i32
        %broadcast_in_dim3A_942 = vector.broadcast %jit3A_941 : i32 to vector<1000x64xi32>
        %select_n3A_943 = arith.select %and3A_940, %add3A_871, %broadcast_in_dim3A_942 : vector<1000x64xi1>, vector<1000x64xi32>
        %reduce_min3A_944 = arith.constant dense<2147483647> : vector<64xi32>
        %reduce_min3A_945 = vector.multi_reduction <minsi>, %select_n3A_943, %reduce_min3A_944 [0] : vector<1000x64xi32> to vector<64xi32>
        %broadcast_in_dim3A_946 = vector.shape_cast %reduce_min3A_945 : vector<64xi32> to vector<1x64xi32>
        %eq3A_947 = vector.broadcast %broadcast_in_dim3A_946 : vector<1x64xi32> to vector<1000x64xi32>
        %eq3A_948 = arith.cmpi eq, %add3A_871, %eq3A_947 : vector<1000x64xi32>
        %broadcast_in_dim3A_949 = vector.broadcast %while3A_392 : f32 to vector<1000x64xf32>
        %select_n3A_950 = arith.select %eq3A_948, %broadcast_in_dim3A_949, %select_n3A_931 : vector<1000x64xi1>, vector<1000x64xf32>
        %reduce_max3A_951 = arith.constant dense<0xFF800000> : vector<64xf32>
        %reduce_max3A_952 = vector.multi_reduction <maximumf>, %select_n3A_950, %reduce_max3A_951 [0] : vector<1000x64xf32> to vector<64xf32>
        %broadcast_in_dim3A_953 = vector.shape_cast %reduce_max3A_952 : vector<64xf32> to vector<1x64xf32>
        %eq3A_954 = vector.broadcast %broadcast_in_dim3A_953 : vector<1x64xf32> to vector<1000x64xf32>
        %eq3A_955 = arith.cmpf oeq, %select_n3A_950, %eq3A_954 : vector<1000x64xf32>
        %gt3A_956 = vector.broadcast %while3A_392 : f32 to vector<1x64xf32>
        %gt3A_957 = arith.cmpf ogt, %broadcast_in_dim3A_953, %gt3A_956 : vector<1x64xf32>
        %and3A_958 = vector.broadcast %gt3A_957 : vector<1x64xi1> to vector<1000x64xi1>
        %and3A_959 = arith.andi %eq3A_955, %and3A_958 : vector<1000x64xi1>
        %jit3A_960 = arith.constant 10000 : i32
        %broadcast_in_dim3A_961 = vector.broadcast %jit3A_960 : i32 to vector<1000x64xi32>
        %select_n3A_962 = arith.select %and3A_959, %add3A_871, %broadcast_in_dim3A_961 : vector<1000x64xi1>, vector<1000x64xi32>
        %reduce_min3A_963 = arith.constant dense<2147483647> : vector<64xi32>
        %reduce_min3A_964 = vector.multi_reduction <minsi>, %select_n3A_962, %reduce_min3A_963 [0] : vector<1000x64xi32> to vector<64xi32>
        %broadcast_in_dim3A_965 = vector.shape_cast %reduce_min3A_964 : vector<64xi32> to vector<1x64xi32>
        %concatenate3A_966 = tpu.concatenate %broadcast_in_dim3A_878, %broadcast_in_dim3A_896, %broadcast_in_dim3A_915, %broadcast_in_dim3A_934, %broadcast_in_dim3A_953, %while3A_861 in 0 : vector<1x64xf32>, vector<1x64xf32>, vector<1x64xf32>, vector<1x64xf32>, vector<1x64xf32>, vector<5x64xf32> -> vector<10x64xf32>
        %concatenate3A_967 = tpu.concatenate %broadcast_in_dim3A_889, %broadcast_in_dim3A_908, %broadcast_in_dim3A_927, %broadcast_in_dim3A_946, %broadcast_in_dim3A_965, %while3A_862 in 0 : vector<1x64xi32>, vector<1x64xi32>, vector<1x64xi32>, vector<1x64xi32>, vector<1x64xi32>, vector<5x64xi32> -> vector<10x64xi32>
        %reduce_max3A_968 = arith.constant dense<0xFF800000> : vector<64xf32>
        %reduce_max3A_969 = vector.multi_reduction <maximumf>, %concatenate3A_966, %reduce_max3A_968 [0] : vector<10x64xf32> to vector<64xf32>
        %broadcast_in_dim3A_970 = vector.shape_cast %reduce_max3A_969 : vector<64xf32> to vector<1x64xf32>
        %eq3A_971 = vector.broadcast %broadcast_in_dim3A_970 : vector<1x64xf32> to vector<10x64xf32>
        %eq3A_972 = arith.cmpf oeq, %concatenate3A_966, %eq3A_971 : vector<10x64xf32>
        %gt3A_973 = vector.broadcast %while3A_392 : f32 to vector<1x64xf32>
        %gt3A_974 = arith.cmpf ogt, %broadcast_in_dim3A_970, %gt3A_973 : vector<1x64xf32>
        %and3A_975 = vector.broadcast %gt3A_974 : vector<1x64xi1> to vector<10x64xi1>
        %and3A_976 = arith.andi %eq3A_972, %and3A_975 : vector<10x64xi1>
        %jit3A_977 = arith.constant 10000 : i32
        %broadcast_in_dim3A_978 = vector.broadcast %jit3A_977 : i32 to vector<10x64xi32>
        %select_n3A_979 = arith.select %and3A_976, %concatenate3A_967, %broadcast_in_dim3A_978 : vector<10x64xi1>, vector<10x64xi32>
        %reduce_min3A_980 = arith.constant dense<2147483647> : vector<64xi32>
        %reduce_min3A_981 = vector.multi_reduction <minsi>, %select_n3A_979, %reduce_min3A_980 [0] : vector<10x64xi32> to vector<64xi32>
        %broadcast_in_dim3A_982 = vector.shape_cast %reduce_min3A_981 : vector<64xi32> to vector<1x64xi32>
        %eq3A_983 = vector.broadcast %broadcast_in_dim3A_982 : vector<1x64xi32> to vector<10x64xi32>
        %eq3A_984 = arith.cmpi eq, %concatenate3A_967, %eq3A_983 : vector<10x64xi32>
        %broadcast_in_dim3A_985 = vector.broadcast %while3A_392 : f32 to vector<10x64xf32>
        %select_n3A_986 = arith.select %eq3A_984, %broadcast_in_dim3A_985, %concatenate3A_966 : vector<10x64xi1>, vector<10x64xf32>
        %reduce_max3A_987 = arith.constant dense<0xFF800000> : vector<64xf32>
        %reduce_max3A_988 = vector.multi_reduction <maximumf>, %select_n3A_986, %reduce_max3A_987 [0] : vector<10x64xf32> to vector<64xf32>
        %broadcast_in_dim3A_989 = vector.shape_cast %reduce_max3A_988 : vector<64xf32> to vector<1x64xf32>
        %eq3A_990 = vector.broadcast %broadcast_in_dim3A_989 : vector<1x64xf32> to vector<10x64xf32>
        %eq3A_991 = arith.cmpf oeq, %select_n3A_986, %eq3A_990 : vector<10x64xf32>
        %gt3A_992 = vector.broadcast %while3A_392 : f32 to vector<1x64xf32>
        %gt3A_993 = arith.cmpf ogt, %broadcast_in_dim3A_989, %gt3A_992 : vector<1x64xf32>
        %and3A_994 = vector.broadcast %gt3A_993 : vector<1x64xi1> to vector<10x64xi1>
        %and3A_995 = arith.andi %eq3A_991, %and3A_994 : vector<10x64xi1>
        %jit3A_996 = arith.constant 10000 : i32
        %broadcast_in_dim3A_997 = vector.broadcast %jit3A_996 : i32 to vector<10x64xi32>
        %select_n3A_998 = arith.select %and3A_995, %concatenate3A_967, %broadcast_in_dim3A_997 : vector<10x64xi1>, vector<10x64xi32>
        %reduce_min3A_999 = arith.constant dense<2147483647> : vector<64xi32>
        %reduce_min3A_1000 = vector.multi_reduction <minsi>, %select_n3A_998, %reduce_min3A_999 [0] : vector<10x64xi32> to vector<64xi32>
        %broadcast_in_dim3A_1001 = vector.shape_cast %reduce_min3A_1000 : vector<64xi32> to vector<1x64xi32>
        %eq3A_1002 = vector.broadcast %broadcast_in_dim3A_1001 : vector<1x64xi32> to vector<10x64xi32>
        %eq3A_1003 = arith.cmpi eq, %concatenate3A_967, %eq3A_1002 : vector<10x64xi32>
        %broadcast_in_dim3A_1004 = vector.broadcast %while3A_392 : f32 to vector<10x64xf32>
        %select_n3A_1005 = arith.select %eq3A_1003, %broadcast_in_dim3A_1004, %select_n3A_986 : vector<10x64xi1>, vector<10x64xf32>
        %reduce_max3A_1006 = arith.constant dense<0xFF800000> : vector<64xf32>
        %reduce_max3A_1007 = vector.multi_reduction <maximumf>, %select_n3A_1005, %reduce_max3A_1006 [0] : vector<10x64xf32> to vector<64xf32>
        %broadcast_in_dim3A_1008 = vector.shape_cast %reduce_max3A_1007 : vector<64xf32> to vector<1x64xf32>
        %eq3A_1009 = vector.broadcast %broadcast_in_dim3A_1008 : vector<1x64xf32> to vector<10x64xf32>
        %eq3A_1010 = arith.cmpf oeq, %select_n3A_1005, %eq3A_1009 : vector<10x64xf32>
        %gt3A_1011 = vector.broadcast %while3A_392 : f32 to vector<1x64xf32>
        %gt3A_1012 = arith.cmpf ogt, %broadcast_in_dim3A_1008, %gt3A_1011 : vector<1x64xf32>
        %and3A_1013 = vector.broadcast %gt3A_1012 : vector<1x64xi1> to vector<10x64xi1>
        %and3A_1014 = arith.andi %eq3A_1010, %and3A_1013 : vector<10x64xi1>
        %jit3A_1015 = arith.constant 10000 : i32
        %broadcast_in_dim3A_1016 = vector.broadcast %jit3A_1015 : i32 to vector<10x64xi32>
        %select_n3A_1017 = arith.select %and3A_1014, %concatenate3A_967, %broadcast_in_dim3A_1016 : vector<10x64xi1>, vector<10x64xi32>
        %reduce_min3A_1018 = arith.constant dense<2147483647> : vector<64xi32>
        %reduce_min3A_1019 = vector.multi_reduction <minsi>, %select_n3A_1017, %reduce_min3A_1018 [0] : vector<10x64xi32> to vector<64xi32>
        %broadcast_in_dim3A_1020 = vector.shape_cast %reduce_min3A_1019 : vector<64xi32> to vector<1x64xi32>
        %eq3A_1021 = vector.broadcast %broadcast_in_dim3A_1020 : vector<1x64xi32> to vector<10x64xi32>
        %eq3A_1022 = arith.cmpi eq, %concatenate3A_967, %eq3A_1021 : vector<10x64xi32>
        %broadcast_in_dim3A_1023 = vector.broadcast %while3A_392 : f32 to vector<10x64xf32>
        %select_n3A_1024 = arith.select %eq3A_1022, %broadcast_in_dim3A_1023, %select_n3A_1005 : vector<10x64xi1>, vector<10x64xf32>
        %reduce_max3A_1025 = arith.constant dense<0xFF800000> : vector<64xf32>
        %reduce_max3A_1026 = vector.multi_reduction <maximumf>, %select_n3A_1024, %reduce_max3A_1025 [0] : vector<10x64xf32> to vector<64xf32>
        %broadcast_in_dim3A_1027 = vector.shape_cast %reduce_max3A_1026 : vector<64xf32> to vector<1x64xf32>
        %eq3A_1028 = vector.broadcast %broadcast_in_dim3A_1027 : vector<1x64xf32> to vector<10x64xf32>
        %eq3A_1029 = arith.cmpf oeq, %select_n3A_1024, %eq3A_1028 : vector<10x64xf32>
        %gt3A_1030 = vector.broadcast %while3A_392 : f32 to vector<1x64xf32>
        %gt3A_1031 = arith.cmpf ogt, %broadcast_in_dim3A_1027, %gt3A_1030 : vector<1x64xf32>
        %and3A_1032 = vector.broadcast %gt3A_1031 : vector<1x64xi1> to vector<10x64xi1>
        %and3A_1033 = arith.andi %eq3A_1029, %and3A_1032 : vector<10x64xi1>
        %jit3A_1034 = arith.constant 10000 : i32
        %broadcast_in_dim3A_1035 = vector.broadcast %jit3A_1034 : i32 to vector<10x64xi32>
        %select_n3A_1036 = arith.select %and3A_1033, %concatenate3A_967, %broadcast_in_dim3A_1035 : vector<10x64xi1>, vector<10x64xi32>
        %reduce_min3A_1037 = arith.constant dense<2147483647> : vector<64xi32>
        %reduce_min3A_1038 = vector.multi_reduction <minsi>, %select_n3A_1036, %reduce_min3A_1037 [0] : vector<10x64xi32> to vector<64xi32>
        %broadcast_in_dim3A_1039 = vector.shape_cast %reduce_min3A_1038 : vector<64xi32> to vector<1x64xi32>
        %eq3A_1040 = vector.broadcast %broadcast_in_dim3A_1039 : vector<1x64xi32> to vector<10x64xi32>
        %eq3A_1041 = arith.cmpi eq, %concatenate3A_967, %eq3A_1040 : vector<10x64xi32>
        %broadcast_in_dim3A_1042 = vector.broadcast %while3A_392 : f32 to vector<10x64xf32>
        %select_n3A_1043 = arith.select %eq3A_1041, %broadcast_in_dim3A_1042, %select_n3A_1024 : vector<10x64xi1>, vector<10x64xf32>
        %reduce_max3A_1044 = arith.constant dense<0xFF800000> : vector<64xf32>
        %reduce_max3A_1045 = vector.multi_reduction <maximumf>, %select_n3A_1043, %reduce_max3A_1044 [0] : vector<10x64xf32> to vector<64xf32>
        %broadcast_in_dim3A_1046 = vector.shape_cast %reduce_max3A_1045 : vector<64xf32> to vector<1x64xf32>
        %eq3A_1047 = vector.broadcast %broadcast_in_dim3A_1046 : vector<1x64xf32> to vector<10x64xf32>
        %eq3A_1048 = arith.cmpf oeq, %select_n3A_1043, %eq3A_1047 : vector<10x64xf32>
        %gt3A_1049 = vector.broadcast %while3A_392 : f32 to vector<1x64xf32>
        %gt3A_1050 = arith.cmpf ogt, %broadcast_in_dim3A_1046, %gt3A_1049 : vector<1x64xf32>
        %and3A_1051 = vector.broadcast %gt3A_1050 : vector<1x64xi1> to vector<10x64xi1>
        %and3A_1052 = arith.andi %eq3A_1048, %and3A_1051 : vector<10x64xi1>
        %jit3A_1053 = arith.constant 10000 : i32
        %broadcast_in_dim3A_1054 = vector.broadcast %jit3A_1053 : i32 to vector<10x64xi32>
        %select_n3A_1055 = arith.select %and3A_1052, %concatenate3A_967, %broadcast_in_dim3A_1054 : vector<10x64xi1>, vector<10x64xi32>
        %reduce_min3A_1056 = arith.constant dense<2147483647> : vector<64xi32>
        %reduce_min3A_1057 = vector.multi_reduction <minsi>, %select_n3A_1055, %reduce_min3A_1056 [0] : vector<10x64xi32> to vector<64xi32>
        %broadcast_in_dim3A_1058 = vector.shape_cast %reduce_min3A_1057 : vector<64xi32> to vector<1x64xi32>
        %concatenate3A_1059 = tpu.concatenate %broadcast_in_dim3A_970, %broadcast_in_dim3A_989, %broadcast_in_dim3A_1008, %broadcast_in_dim3A_1027, %broadcast_in_dim3A_1046 in 0 : vector<1x64xf32>, vector<1x64xf32>, vector<1x64xf32>, vector<1x64xf32>, vector<1x64xf32> -> vector<5x64xf32>
        %concatenate3A_1060 = tpu.concatenate %broadcast_in_dim3A_982, %broadcast_in_dim3A_1001, %broadcast_in_dim3A_1020, %broadcast_in_dim3A_1039, %broadcast_in_dim3A_1058 in 0 : vector<1x64xi32>, vector<1x64xi32>, vector<1x64xi32>, vector<1x64xi32>, vector<1x64xi32> -> vector<5x64xi32>
        scf.yield %concatenate3A_1059, %concatenate3A_1060 : vector<5x64xf32>, vector<5x64xi32>
      }
      %while3A_401 = arith.constant 1 : i32
      %while3A_402:2 = scf.for %while3A_860 = %while3A_398 to %while3A_394 step %while3A_401 iter_args(%while3A_861 = %while3A_400#0, %while3A_862 = %while3A_400#1) -> (vector<5x64xf32>, vector<5x64xi32>)  : i32 {
        %mul3A_863 = arith.constant 1000 : i32
        %mul3A_864 = arith.muli %while3A_860, %mul3A_863 : i32
        %get3A_865 = arith.index_cast %mul3A_864 : i32 to index
        %get3A_866 = arith.constant 0 : index
        %get3A_867 = vector.load %arg13[%get3A_865, %get3A_866] : memref<10000x64xf32, #tpu.memory_space<vmem>>, vector<1000x64xf32>
        %mul3A_868 = arith.constant 1000 : i32
        %mul3A_869 = arith.muli %while3A_860, %mul3A_868 : i32
        %add3A_870 = vector.broadcast %mul3A_869 : i32 to vector<1000x64xi32>
        %add3A_871 = arith.addi %iota3A_41, %add3A_870 : vector<1000x64xi32>
        %ge3A = vector.broadcast %get3A_59 : i32 to vector<1000x64xi32>
        %ge3A_872 = arith.cmpi sge, %add3A_871, %ge3A : vector<1000x64xi32>
        %lt3A = vector.broadcast %get3A_61 : i32 to vector<1000x64xi32>
        %lt3A_873 = arith.cmpi slt, %add3A_871, %lt3A : vector<1000x64xi32>
        %and3A_874 = arith.andi %ge3A_872, %lt3A_873 : vector<1000x64xi1>
        %broadcast_in_dim3A_875 = vector.broadcast %while3A_392 : f32 to vector<1000x64xf32>
        %select_n3A_876 = arith.select %and3A_874, %get3A_867, %broadcast_in_dim3A_875 : vector<1000x64xi1>, vector<1000x64xf32>
        %reduce_max3A = arith.constant dense<0xFF800000> : vector<64xf32>
        %reduce_max3A_877 = vector.multi_reduction <maximumf>, %select_n3A_876, %reduce_max3A [0] : vector<1000x64xf32> to vector<64xf32>
        %broadcast_in_dim3A_878 = vector.shape_cast %reduce_max3A_877 : vector<64xf32> to vector<1x64xf32>
        %eq3A_879 = vector.broadcast %broadcast_in_dim3A_878 : vector<1x64xf32> to vector<1000x64xf32>
        %eq3A_880 = arith.cmpf oeq, %select_n3A_876, %eq3A_879 : vector<1000x64xf32>
        %gt3A_881 = vector.broadcast %while3A_392 : f32 to vector<1x64xf32>
        %gt3A_882 = arith.cmpf ogt, %broadcast_in_dim3A_878, %gt3A_881 : vector<1x64xf32>
        %and3A_883 = vector.broadcast %gt3A_882 : vector<1x64xi1> to vector<1000x64xi1>
        %and3A_884 = arith.andi %eq3A_880, %and3A_883 : vector<1000x64xi1>
        %jit3A_885 = arith.constant 10000 : i32
        %broadcast_in_dim3A_886 = vector.broadcast %jit3A_885 : i32 to vector<1000x64xi32>
        %select_n3A_887 = arith.select %and3A_884, %add3A_871, %broadcast_in_dim3A_886 : vector<1000x64xi1>, vector<1000x64xi32>
        %reduce_min3A = arith.constant dense<2147483647> : vector<64xi32>
        %reduce_min3A_888 = vector.multi_reduction <minsi>, %select_n3A_887, %reduce_min3A [0] : vector<1000x64xi32> to vector<64xi32>
        %broadcast_in_dim3A_889 = vector.shape_cast %reduce_min3A_888 : vector<64xi32> to vector<1x64xi32>
        %eq3A_890 = vector.broadcast %broadcast_in_dim3A_889 : vector<1x64xi32> to vector<1000x64xi32>
        %eq3A_891 = arith.cmpi eq, %add3A_871, %eq3A_890 : vector<1000x64xi32>
        %broadcast_in_dim3A_892 = vector.broadcast %while3A_392 : f32 to vector<1000x64xf32>
        %select_n3A_893 = arith.select %eq3A_891, %broadcast_in_dim3A_892, %select_n3A_876 : vector<1000x64xi1>, vector<1000x64xf32>
        %reduce_max3A_894 = arith.constant dense<0xFF800000> : vector<64xf32>
        %reduce_max3A_895 = vector.multi_reduction <maximumf>, %select_n3A_893, %reduce_max3A_894 [0] : vector<1000x64xf32> to vector<64xf32>
        %broadcast_in_dim3A_896 = vector.shape_cast %reduce_max3A_895 : vector<64xf32> to vector<1x64xf32>
        %eq3A_897 = vector.broadcast %broadcast_in_dim3A_896 : vector<1x64xf32> to vector<1000x64xf32>
        %eq3A_898 = arith.cmpf oeq, %select_n3A_893, %eq3A_897 : vector<1000x64xf32>
        %gt3A_899 = vector.broadcast %while3A_392 : f32 to vector<1x64xf32>
        %gt3A_900 = arith.cmpf ogt, %broadcast_in_dim3A_896, %gt3A_899 : vector<1x64xf32>
        %and3A_901 = vector.broadcast %gt3A_900 : vector<1x64xi1> to vector<1000x64xi1>
        %and3A_902 = arith.andi %eq3A_898, %and3A_901 : vector<1000x64xi1>
        %jit3A_903 = arith.constant 10000 : i32
        %broadcast_in_dim3A_904 = vector.broadcast %jit3A_903 : i32 to vector<1000x64xi32>
        %select_n3A_905 = arith.select %and3A_902, %add3A_871, %broadcast_in_dim3A_904 : vector<1000x64xi1>, vector<1000x64xi32>
        %reduce_min3A_906 = arith.constant dense<2147483647> : vector<64xi32>
        %reduce_min3A_907 = vector.multi_reduction <minsi>, %select_n3A_905, %reduce_min3A_906 [0] : vector<1000x64xi32> to vector<64xi32>
        %broadcast_in_dim3A_908 = vector.shape_cast %reduce_min3A_907 : vector<64xi32> to vector<1x64xi32>
        %eq3A_909 = vector.broadcast %broadcast_in_dim3A_908 : vector<1x64xi32> to vector<1000x64xi32>
        %eq3A_910 = arith.cmpi eq, %add3A_871, %eq3A_909 : vector<1000x64xi32>
        %broadcast_in_dim3A_911 = vector.broadcast %while3A_392 : f32 to vector<1000x64xf32>
        %select_n3A_912 = arith.select %eq3A_910, %broadcast_in_dim3A_911, %select_n3A_893 : vector<1000x64xi1>, vector<1000x64xf32>
        %reduce_max3A_913 = arith.constant dense<0xFF800000> : vector<64xf32>
        %reduce_max3A_914 = vector.multi_reduction <maximumf>, %select_n3A_912, %reduce_max3A_913 [0] : vector<1000x64xf32> to vector<64xf32>
        %broadcast_in_dim3A_915 = vector.shape_cast %reduce_max3A_914 : vector<64xf32> to vector<1x64xf32>
        %eq3A_916 = vector.broadcast %broadcast_in_dim3A_915 : vector<1x64xf32> to vector<1000x64xf32>
        %eq3A_917 = arith.cmpf oeq, %select_n3A_912, %eq3A_916 : vector<1000x64xf32>
        %gt3A_918 = vector.broadcast %while3A_392 : f32 to vector<1x64xf32>
        %gt3A_919 = arith.cmpf ogt, %broadcast_in_dim3A_915, %gt3A_918 : vector<1x64xf32>
        %and3A_920 = vector.broadcast %gt3A_919 : vector<1x64xi1> to vector<1000x64xi1>
        %and3A_921 = arith.andi %eq3A_917, %and3A_920 : vector<1000x64xi1>
        %jit3A_922 = arith.constant 10000 : i32
        %broadcast_in_dim3A_923 = vector.broadcast %jit3A_922 : i32 to vector<1000x64xi32>
        %select_n3A_924 = arith.select %and3A_921, %add3A_871, %broadcast_in_dim3A_923 : vector<1000x64xi1>, vector<1000x64xi32>
        %reduce_min3A_925 = arith.constant dense<2147483647> : vector<64xi32>
        %reduce_min3A_926 = vector.multi_reduction <minsi>, %select_n3A_924, %reduce_min3A_925 [0] : vector<1000x64xi32> to vector<64xi32>
        %broadcast_in_dim3A_927 = vector.shape_cast %reduce_min3A_926 : vector<64xi32> to vector<1x64xi32>
        %eq3A_928 = vector.broadcast %broadcast_in_dim3A_927 : vector<1x64xi32> to vector<1000x64xi32>
        %eq3A_929 = arith.cmpi eq, %add3A_871, %eq3A_928 : vector<1000x64xi32>
        %broadcast_in_dim3A_930 = vector.broadcast %while3A_392 : f32 to vector<1000x64xf32>
        %select_n3A_931 = arith.select %eq3A_929, %broadcast_in_dim3A_930, %select_n3A_912 : vector<1000x64xi1>, vector<1000x64xf32>
        %reduce_max3A_932 = arith.constant dense<0xFF800000> : vector<64xf32>
        %reduce_max3A_933 = vector.multi_reduction <maximumf>, %select_n3A_931, %reduce_max3A_932 [0] : vector<1000x64xf32> to vector<64xf32>
        %broadcast_in_dim3A_934 = vector.shape_cast %reduce_max3A_933 : vector<64xf32> to vector<1x64xf32>
        %eq3A_935 = vector.broadcast %broadcast_in_dim3A_934 : vector<1x64xf32> to vector<1000x64xf32>
        %eq3A_936 = arith.cmpf oeq, %select_n3A_931, %eq3A_935 : vector<1000x64xf32>
        %gt3A_937 = vector.broadcast %while3A_392 : f32 to vector<1x64xf32>
        %gt3A_938 = arith.cmpf ogt, %broadcast_in_dim3A_934, %gt3A_937 : vector<1x64xf32>
        %and3A_939 = vector.broadcast %gt3A_938 : vector<1x64xi1> to vector<1000x64xi1>
        %and3A_940 = arith.andi %eq3A_936, %and3A_939 : vector<1000x64xi1>
        %jit3A_941 = arith.constant 10000 : i32
        %broadcast_in_dim3A_942 = vector.broadcast %jit3A_941 : i32 to vector<1000x64xi32>
        %select_n3A_943 = arith.select %and3A_940, %add3A_871, %broadcast_in_dim3A_942 : vector<1000x64xi1>, vector<1000x64xi32>
        %reduce_min3A_944 = arith.constant dense<2147483647> : vector<64xi32>
        %reduce_min3A_945 = vector.multi_reduction <minsi>, %select_n3A_943, %reduce_min3A_944 [0] : vector<1000x64xi32> to vector<64xi32>
        %broadcast_in_dim3A_946 = vector.shape_cast %reduce_min3A_945 : vector<64xi32> to vector<1x64xi32>
        %eq3A_947 = vector.broadcast %broadcast_in_dim3A_946 : vector<1x64xi32> to vector<1000x64xi32>
        %eq3A_948 = arith.cmpi eq, %add3A_871, %eq3A_947 : vector<1000x64xi32>
        %broadcast_in_dim3A_949 = vector.broadcast %while3A_392 : f32 to vector<1000x64xf32>
        %select_n3A_950 = arith.select %eq3A_948, %broadcast_in_dim3A_949, %select_n3A_931 : vector<1000x64xi1>, vector<1000x64xf32>
        %reduce_max3A_951 = arith.constant dense<0xFF800000> : vector<64xf32>
        %reduce_max3A_952 = vector.multi_reduction <maximumf>, %select_n3A_950, %reduce_max3A_951 [0] : vector<1000x64xf32> to vector<64xf32>
        %broadcast_in_dim3A_953 = vector.shape_cast %reduce_max3A_952 : vector<64xf32> to vector<1x64xf32>
        %eq3A_954 = vector.broadcast %broadcast_in_dim3A_953 : vector<1x64xf32> to vector<1000x64xf32>
        %eq3A_955 = arith.cmpf oeq, %select_n3A_950, %eq3A_954 : vector<1000x64xf32>
        %gt3A_956 = vector.broadcast %while3A_392 : f32 to vector<1x64xf32>
        %gt3A_957 = arith.cmpf ogt, %broadcast_in_dim3A_953, %gt3A_956 : vector<1x64xf32>
        %and3A_958 = vector.broadcast %gt3A_957 : vector<1x64xi1> to vector<1000x64xi1>
        %and3A_959 = arith.andi %eq3A_955, %and3A_958 : vector<1000x64xi1>
        %jit3A_960 = arith.constant 10000 : i32
        %broadcast_in_dim3A_961 = vector.broadcast %jit3A_960 : i32 to vector<1000x64xi32>
        %select_n3A_962 = arith.select %and3A_959, %add3A_871, %broadcast_in_dim3A_961 : vector<1000x64xi1>, vector<1000x64xi32>
        %reduce_min3A_963 = arith.constant dense<2147483647> : vector<64xi32>
        %reduce_min3A_964 = vector.multi_reduction <minsi>, %select_n3A_962, %reduce_min3A_963 [0] : vector<1000x64xi32> to vector<64xi32>
        %broadcast_in_dim3A_965 = vector.shape_cast %reduce_min3A_964 : vector<64xi32> to vector<1x64xi32>
        %concatenate3A_966 = tpu.concatenate %broadcast_in_dim3A_878, %broadcast_in_dim3A_896, %broadcast_in_dim3A_915, %broadcast_in_dim3A_934, %broadcast_in_dim3A_953, %while3A_861 in 0 : vector<1x64xf32>, vector<1x64xf32>, vector<1x64xf32>, vector<1x64xf32>, vector<1x64xf32>, vector<5x64xf32> -> vector<10x64xf32>
        %concatenate3A_967 = tpu.concatenate %broadcast_in_dim3A_889, %broadcast_in_dim3A_908, %broadcast_in_dim3A_927, %broadcast_in_dim3A_946, %broadcast_in_dim3A_965, %while3A_862 in 0 : vector<1x64xi32>, vector<1x64xi32>, vector<1x64xi32>, vector<1x64xi32>, vector<1x64xi32>, vector<5x64xi32> -> vector<10x64xi32>
        %reduce_max3A_968 = arith.constant dense<0xFF800000> : vector<64xf32>
        %reduce_max3A_969 = vector.multi_reduction <maximumf>, %concatenate3A_966, %reduce_max3A_968 [0] : vector<10x64xf32> to vector<64xf32>
        %broadcast_in_dim3A_970 = vector.shape_cast %reduce_max3A_969 : vector<64xf32> to vector<1x64xf32>
        %eq3A_971 = vector.broadcast %broadcast_in_dim3A_970 : vector<1x64xf32> to vector<10x64xf32>
        %eq3A_972 = arith.cmpf oeq, %concatenate3A_966, %eq3A_971 : vector<10x64xf32>
        %gt3A_973 = vector.broadcast %while3A_392 : f32 to vector<1x64xf32>
        %gt3A_974 = arith.cmpf ogt, %broadcast_in_dim3A_970, %gt3A_973 : vector<1x64xf32>
        %and3A_975 = vector.broadcast %gt3A_974 : vector<1x64xi1> to vector<10x64xi1>
        %and3A_976 = arith.andi %eq3A_972, %and3A_975 : vector<10x64xi1>
        %jit3A_977 = arith.constant 10000 : i32
        %broadcast_in_dim3A_978 = vector.broadcast %jit3A_977 : i32 to vector<10x64xi32>
        %select_n3A_979 = arith.select %and3A_976, %concatenate3A_967, %broadcast_in_dim3A_978 : vector<10x64xi1>, vector<10x64xi32>
        %reduce_min3A_980 = arith.constant dense<2147483647> : vector<64xi32>
        %reduce_min3A_981 = vector.multi_reduction <minsi>, %select_n3A_979, %reduce_min3A_980 [0] : vector<10x64xi32> to vector<64xi32>
        %broadcast_in_dim3A_982 = vector.shape_cast %reduce_min3A_981 : vector<64xi32> to vector<1x64xi32>
        %eq3A_983 = vector.broadcast %broadcast_in_dim3A_982 : vector<1x64xi32> to vector<10x64xi32>
        %eq3A_984 = arith.cmpi eq, %concatenate3A_967, %eq3A_983 : vector<10x64xi32>
        %broadcast_in_dim3A_985 = vector.broadcast %while3A_392 : f32 to vector<10x64xf32>
        %select_n3A_986 = arith.select %eq3A_984, %broadcast_in_dim3A_985, %concatenate3A_966 : vector<10x64xi1>, vector<10x64xf32>
        %reduce_max3A_987 = arith.constant dense<0xFF800000> : vector<64xf32>
        %reduce_max3A_988 = vector.multi_reduction <maximumf>, %select_n3A_986, %reduce_max3A_987 [0] : vector<10x64xf32> to vector<64xf32>
        %broadcast_in_dim3A_989 = vector.shape_cast %reduce_max3A_988 : vector<64xf32> to vector<1x64xf32>
        %eq3A_990 = vector.broadcast %broadcast_in_dim3A_989 : vector<1x64xf32> to vector<10x64xf32>
        %eq3A_991 = arith.cmpf oeq, %select_n3A_986, %eq3A_990 : vector<10x64xf32>
        %gt3A_992 = vector.broadcast %while3A_392 : f32 to vector<1x64xf32>
        %gt3A_993 = arith.cmpf ogt, %broadcast_in_dim3A_989, %gt3A_992 : vector<1x64xf32>
        %and3A_994 = vector.broadcast %gt3A_993 : vector<1x64xi1> to vector<10x64xi1>
        %and3A_995 = arith.andi %eq3A_991, %and3A_994 : vector<10x64xi1>
        %jit3A_996 = arith.constant 10000 : i32
        %broadcast_in_dim3A_997 = vector.broadcast %jit3A_996 : i32 to vector<10x64xi32>
        %select_n3A_998 = arith.select %and3A_995, %concatenate3A_967, %broadcast_in_dim3A_997 : vector<10x64xi1>, vector<10x64xi32>
        %reduce_min3A_999 = arith.constant dense<2147483647> : vector<64xi32>
        %reduce_min3A_1000 = vector.multi_reduction <minsi>, %select_n3A_998, %reduce_min3A_999 [0] : vector<10x64xi32> to vector<64xi32>
        %broadcast_in_dim3A_1001 = vector.shape_cast %reduce_min3A_1000 : vector<64xi32> to vector<1x64xi32>
        %eq3A_1002 = vector.broadcast %broadcast_in_dim3A_1001 : vector<1x64xi32> to vector<10x64xi32>
        %eq3A_1003 = arith.cmpi eq, %concatenate3A_967, %eq3A_1002 : vector<10x64xi32>
        %broadcast_in_dim3A_1004 = vector.broadcast %while3A_392 : f32 to vector<10x64xf32>
        %select_n3A_1005 = arith.select %eq3A_1003, %broadcast_in_dim3A_1004, %select_n3A_986 : vector<10x64xi1>, vector<10x64xf32>
        %reduce_max3A_1006 = arith.constant dense<0xFF800000> : vector<64xf32>
        %reduce_max3A_1007 = vector.multi_reduction <maximumf>, %select_n3A_1005, %reduce_max3A_1006 [0] : vector<10x64xf32> to vector<64xf32>
        %broadcast_in_dim3A_1008 = vector.shape_cast %reduce_max3A_1007 : vector<64xf32> to vector<1x64xf32>
        %eq3A_1009 = vector.broadcast %broadcast_in_dim3A_1008 : vector<1x64xf32> to vector<10x64xf32>
        %eq3A_1010 = arith.cmpf oeq, %select_n3A_1005, %eq3A_1009 : vector<10x64xf32>
        %gt3A_1011 = vector.broadcast %while3A_392 : f32 to vector<1x64xf32>
        %gt3A_1012 = arith.cmpf ogt, %broadcast_in_dim3A_1008, %gt3A_1011 : vector<1x64xf32>
        %and3A_1013 = vector.broadcast %gt3A_1012 : vector<1x64xi1> to vector<10x64xi1>
        %and3A_1014 = arith.andi %eq3A_1010, %and3A_1013 : vector<10x64xi1>
        %jit3A_1015 = arith.constant 10000 : i32
        %broadcast_in_dim3A_1016 = vector.broadcast %jit3A_1015 : i32 to vector<10x64xi32>
        %select_n3A_1017 = arith.select %and3A_1014, %concatenate3A_967, %broadcast_in_dim3A_1016 : vector<10x64xi1>, vector<10x64xi32>
        %reduce_min3A_1018 = arith.constant dense<2147483647> : vector<64xi32>
        %reduce_min3A_1019 = vector.multi_reduction <minsi>, %select_n3A_1017, %reduce_min3A_1018 [0] : vector<10x64xi32> to vector<64xi32>
        %broadcast_in_dim3A_1020 = vector.shape_cast %reduce_min3A_1019 : vector<64xi32> to vector<1x64xi32>
        %eq3A_1021 = vector.broadcast %broadcast_in_dim3A_1020 : vector<1x64xi32> to vector<10x64xi32>
        %eq3A_1022 = arith.cmpi eq, %concatenate3A_967, %eq3A_1021 : vector<10x64xi32>
        %broadcast_in_dim3A_1023 = vector.broadcast %while3A_392 : f32 to vector<10x64xf32>
        %select_n3A_1024 = arith.select %eq3A_1022, %broadcast_in_dim3A_1023, %select_n3A_1005 : vector<10x64xi1>, vector<10x64xf32>
        %reduce_max3A_1025 = arith.constant dense<0xFF800000> : vector<64xf32>
        %reduce_max3A_1026 = vector.multi_reduction <maximumf>, %select_n3A_1024, %reduce_max3A_1025 [0] : vector<10x64xf32> to vector<64xf32>
        %broadcast_in_dim3A_1027 = vector.shape_cast %reduce_max3A_1026 : vector<64xf32> to vector<1x64xf32>
        %eq3A_1028 = vector.broadcast %broadcast_in_dim3A_1027 : vector<1x64xf32> to vector<10x64xf32>
        %eq3A_1029 = arith.cmpf oeq, %select_n3A_1024, %eq3A_1028 : vector<10x64xf32>
        %gt3A_1030 = vector.broadcast %while3A_392 : f32 to vector<1x64xf32>
        %gt3A_1031 = arith.cmpf ogt, %broadcast_in_dim3A_1027, %gt3A_1030 : vector<1x64xf32>
        %and3A_1032 = vector.broadcast %gt3A_1031 : vector<1x64xi1> to vector<10x64xi1>
        %and3A_1033 = arith.andi %eq3A_1029, %and3A_1032 : vector<10x64xi1>
        %jit3A_1034 = arith.constant 10000 : i32
        %broadcast_in_dim3A_1035 = vector.broadcast %jit3A_1034 : i32 to vector<10x64xi32>
        %select_n3A_1036 = arith.select %and3A_1033, %concatenate3A_967, %broadcast_in_dim3A_1035 : vector<10x64xi1>, vector<10x64xi32>
        %reduce_min3A_1037 = arith.constant dense<2147483647> : vector<64xi32>
        %reduce_min3A_1038 = vector.multi_reduction <minsi>, %select_n3A_1036, %reduce_min3A_1037 [0] : vector<10x64xi32> to vector<64xi32>
        %broadcast_in_dim3A_1039 = vector.shape_cast %reduce_min3A_1038 : vector<64xi32> to vector<1x64xi32>
        %eq3A_1040 = vector.broadcast %broadcast_in_dim3A_1039 : vector<1x64xi32> to vector<10x64xi32>
        %eq3A_1041 = arith.cmpi eq, %concatenate3A_967, %eq3A_1040 : vector<10x64xi32>
        %broadcast_in_dim3A_1042 = vector.broadcast %while3A_392 : f32 to vector<10x64xf32>
        %select_n3A_1043 = arith.select %eq3A_1041, %broadcast_in_dim3A_1042, %select_n3A_1024 : vector<10x64xi1>, vector<10x64xf32>
        %reduce_max3A_1044 = arith.constant dense<0xFF800000> : vector<64xf32>
        %reduce_max3A_1045 = vector.multi_reduction <maximumf>, %select_n3A_1043, %reduce_max3A_1044 [0] : vector<10x64xf32> to vector<64xf32>
        %broadcast_in_dim3A_1046 = vector.shape_cast %reduce_max3A_1045 : vector<64xf32> to vector<1x64xf32>
        %eq3A_1047 = vector.broadcast %broadcast_in_dim3A_1046 : vector<1x64xf32> to vector<10x64xf32>
        %eq3A_1048 = arith.cmpf oeq, %select_n3A_1043, %eq3A_1047 : vector<10x64xf32>
        %gt3A_1049 = vector.broadcast %while3A_392 : f32 to vector<1x64xf32>
        %gt3A_1050 = arith.cmpf ogt, %broadcast_in_dim3A_1046, %gt3A_1049 : vector<1x64xf32>
        %and3A_1051 = vector.broadcast %gt3A_1050 : vector<1x64xi1> to vector<10x64xi1>
        %and3A_1052 = arith.andi %eq3A_1048, %and3A_1051 : vector<10x64xi1>
        %jit3A_1053 = arith.constant 10000 : i32
        %broadcast_in_dim3A_1054 = vector.broadcast %jit3A_1053 : i32 to vector<10x64xi32>
        %select_n3A_1055 = arith.select %and3A_1052, %concatenate3A_967, %broadcast_in_dim3A_1054 : vector<10x64xi1>, vector<10x64xi32>
        %reduce_min3A_1056 = arith.constant dense<2147483647> : vector<64xi32>
        %reduce_min3A_1057 = vector.multi_reduction <minsi>, %select_n3A_1055, %reduce_min3A_1056 [0] : vector<10x64xi32> to vector<64xi32>
        %broadcast_in_dim3A_1058 = vector.shape_cast %reduce_min3A_1057 : vector<64xi32> to vector<1x64xi32>
        %concatenate3A_1059 = tpu.concatenate %broadcast_in_dim3A_970, %broadcast_in_dim3A_989, %broadcast_in_dim3A_1008, %broadcast_in_dim3A_1027, %broadcast_in_dim3A_1046 in 0 : vector<1x64xf32>, vector<1x64xf32>, vector<1x64xf32>, vector<1x64xf32>, vector<1x64xf32> -> vector<5x64xf32>
        %concatenate3A_1060 = tpu.concatenate %broadcast_in_dim3A_982, %broadcast_in_dim3A_1001, %broadcast_in_dim3A_1020, %broadcast_in_dim3A_1039, %broadcast_in_dim3A_1058 in 0 : vector<1x64xi32>, vector<1x64xi32>, vector<1x64xi32>, vector<1x64xi32>, vector<1x64xi32> -> vector<5x64xi32>
        scf.yield %concatenate3A_1059, %concatenate3A_1060 : vector<5x64xf32>, vector<5x64xi32>
      }
      %jit3A_403 = arith.constant 1000 : i32
      %div3A_404 = arith.divsi %get3A_63, %jit3A_403 : i32
      %sign3A_405 = arith.constant 0 : i32
      %sign3A_406 = arith.cmpi sgt, %get3A_63, %sign3A_405 : i32
      %sign3A_407 = arith.extui %sign3A_406 : i1 to i32
      %sign3A_408 = arith.constant 0 : i32
      %sign3A_409 = arith.cmpi slt, %get3A_63, %sign3A_408 : i32
      %sign3A_410 = arith.extui %sign3A_409 : i1 to i32
      %sign3A_411 = arith.subi %sign3A_407, %sign3A_410 : i32
      %sign3A_412 = arith.constant 0 : i32
      %sign3A_413 = arith.cmpi sgt, %jit3A_403, %sign3A_412 : i32
      %sign3A_414 = arith.extui %sign3A_413 : i1 to i32
      %sign3A_415 = arith.constant 0 : i32
      %sign3A_416 = arith.cmpi slt, %jit3A_403, %sign3A_415 : i32
      %sign3A_417 = arith.extui %sign3A_416 : i1 to i32
      %sign3A_418 = arith.subi %sign3A_414, %sign3A_417 : i32
      %ne3A_419 = arith.cmpi ne, %sign3A_411, %sign3A_418 : i32
      %rem3A_420 = arith.remsi %get3A_63, %jit3A_403 : i32
      %ne3A_421 = arith.constant 0 : i32
      %ne3A_422 = arith.cmpi ne, %rem3A_420, %ne3A_421 : i32
      %and3A_423 = arith.andi %ne3A_419, %ne3A_422 : i1
      %sub3A_424 = arith.constant 1 : i32
      %sub3A_425 = arith.subi %div3A_404, %sub3A_424 : i32
      %select_n3A_426 = arith.select %and3A_423, %sub3A_425, %div3A_404 : i32
      %add3A_427 = arith.constant 1000 : i32
      %add3A_428 = arith.addi %get3A_65, %add3A_427 : i32
      %sub3A_429 = arith.constant 1 : i32
      %sub3A_430 = arith.subi %add3A_428, %sub3A_429 : i32
      %jit3A_431 = arith.constant 1000 : i32
      %div3A_432 = arith.divsi %sub3A_430, %jit3A_431 : i32
      %sign3A_433 = arith.constant 0 : i32
      %sign3A_434 = arith.cmpi sgt, %sub3A_430, %sign3A_433 : i32
      %sign3A_435 = arith.extui %sign3A_434 : i1 to i32
      %sign3A_436 = arith.constant 0 : i32
      %sign3A_437 = arith.cmpi slt, %sub3A_430, %sign3A_436 : i32
      %sign3A_438 = arith.extui %sign3A_437 : i1 to i32
      %sign3A_439 = arith.subi %sign3A_435, %sign3A_438 : i32
      %sign3A_440 = arith.constant 0 : i32
      %sign3A_441 = arith.cmpi sgt, %jit3A_431, %sign3A_440 : i32
      %sign3A_442 = arith.extui %sign3A_441 : i1 to i32
      %sign3A_443 = arith.constant 0 : i32
      %sign3A_444 = arith.cmpi slt, %jit3A_431, %sign3A_443 : i32
      %sign3A_445 = arith.extui %sign3A_444 : i1 to i32
      %sign3A_446 = arith.subi %sign3A_442, %sign3A_445 : i32
      %ne3A_447 = arith.cmpi ne, %sign3A_439, %sign3A_446 : i32
      %rem3A_448 = arith.remsi %sub3A_430, %jit3A_431 : i32
      %ne3A_449 = arith.constant 0 : i32
      %ne3A_450 = arith.cmpi ne, %rem3A_448, %ne3A_449 : i32
      %and3A_451 = arith.andi %ne3A_447, %ne3A_450 : i1
      %sub3A_452 = arith.constant 1 : i32
      %sub3A_453 = arith.subi %div3A_432, %sub3A_452 : i32
      %select_n3A_454 = arith.select %and3A_451, %sub3A_453, %div3A_432 : i32
      %max3A_455 = arith.maxsi %select_n3A_454, %select_n3A_426 : i32
      %broadcast_in_dim3A_456 = arith.constant 0xFF800000 : f32
      %broadcast_in_dim3A_457 = vector.broadcast %broadcast_in_dim3A_456 : f32 to vector<5x64xf32>
      %broadcast_in_dim3A_458 = arith.constant 10000 : i32
      %broadcast_in_dim3A_459 = vector.broadcast %broadcast_in_dim3A_458 : i32 to vector<5x64xi32>
      %while3A_460 = arith.constant 0xFF800000 : f32
      %while3A_461 = arith.subi %max3A_455, %select_n3A_426 : i32
      %while3A_462 = arith.addi %select_n3A_426, %while3A_461 : i32
      %while3A_463 = arith.constant 1 : i32
      %while3A_464 = arith.divsi %while3A_461, %while3A_463 : i32
      %while3A_465 = arith.muli %while3A_464, %while3A_463 : i32
      %while3A_466 = arith.addi %select_n3A_426, %while3A_465 : i32
      %while3A_467 = arith.constant 1 : i32
      %while3A_468:2 = scf.for %while3A_860 = %select_n3A_426 to %while3A_466 step %while3A_467 iter_args(%while3A_861 = %broadcast_in_dim3A_457, %while3A_862 = %broadcast_in_dim3A_459) -> (vector<5x64xf32>, vector<5x64xi32>)  : i32 {
        %mul3A_863 = arith.constant 1000 : i32
        %mul3A_864 = arith.muli %while3A_860, %mul3A_863 : i32
        %get3A_865 = arith.index_cast %mul3A_864 : i32 to index
        %get3A_866 = arith.constant 0 : index
        %get3A_867 = vector.load %arg13[%get3A_865, %get3A_866] : memref<10000x64xf32, #tpu.memory_space<vmem>>, vector<1000x64xf32>
        %mul3A_868 = arith.constant 1000 : i32
        %mul3A_869 = arith.muli %while3A_860, %mul3A_868 : i32
        %add3A_870 = vector.broadcast %mul3A_869 : i32 to vector<1000x64xi32>
        %add3A_871 = arith.addi %iota3A_41, %add3A_870 : vector<1000x64xi32>
        %ge3A = vector.broadcast %get3A_63 : i32 to vector<1000x64xi32>
        %ge3A_872 = arith.cmpi sge, %add3A_871, %ge3A : vector<1000x64xi32>
        %lt3A = vector.broadcast %get3A_65 : i32 to vector<1000x64xi32>
        %lt3A_873 = arith.cmpi slt, %add3A_871, %lt3A : vector<1000x64xi32>
        %and3A_874 = arith.andi %ge3A_872, %lt3A_873 : vector<1000x64xi1>
        %broadcast_in_dim3A_875 = vector.broadcast %while3A_460 : f32 to vector<1000x64xf32>
        %select_n3A_876 = arith.select %and3A_874, %get3A_867, %broadcast_in_dim3A_875 : vector<1000x64xi1>, vector<1000x64xf32>
        %reduce_max3A = arith.constant dense<0xFF800000> : vector<64xf32>
        %reduce_max3A_877 = vector.multi_reduction <maximumf>, %select_n3A_876, %reduce_max3A [0] : vector<1000x64xf32> to vector<64xf32>
        %broadcast_in_dim3A_878 = vector.shape_cast %reduce_max3A_877 : vector<64xf32> to vector<1x64xf32>
        %eq3A_879 = vector.broadcast %broadcast_in_dim3A_878 : vector<1x64xf32> to vector<1000x64xf32>
        %eq3A_880 = arith.cmpf oeq, %select_n3A_876, %eq3A_879 : vector<1000x64xf32>
        %gt3A_881 = vector.broadcast %while3A_460 : f32 to vector<1x64xf32>
        %gt3A_882 = arith.cmpf ogt, %broadcast_in_dim3A_878, %gt3A_881 : vector<1x64xf32>
        %and3A_883 = vector.broadcast %gt3A_882 : vector<1x64xi1> to vector<1000x64xi1>
        %and3A_884 = arith.andi %eq3A_880, %and3A_883 : vector<1000x64xi1>
        %jit3A_885 = arith.constant 10000 : i32
        %broadcast_in_dim3A_886 = vector.broadcast %jit3A_885 : i32 to vector<1000x64xi32>
        %select_n3A_887 = arith.select %and3A_884, %add3A_871, %broadcast_in_dim3A_886 : vector<1000x64xi1>, vector<1000x64xi32>
        %reduce_min3A = arith.constant dense<2147483647> : vector<64xi32>
        %reduce_min3A_888 = vector.multi_reduction <minsi>, %select_n3A_887, %reduce_min3A [0] : vector<1000x64xi32> to vector<64xi32>
        %broadcast_in_dim3A_889 = vector.shape_cast %reduce_min3A_888 : vector<64xi32> to vector<1x64xi32>
        %eq3A_890 = vector.broadcast %broadcast_in_dim3A_889 : vector<1x64xi32> to vector<1000x64xi32>
        %eq3A_891 = arith.cmpi eq, %add3A_871, %eq3A_890 : vector<1000x64xi32>
        %broadcast_in_dim3A_892 = vector.broadcast %while3A_460 : f32 to vector<1000x64xf32>
        %select_n3A_893 = arith.select %eq3A_891, %broadcast_in_dim3A_892, %select_n3A_876 : vector<1000x64xi1>, vector<1000x64xf32>
        %reduce_max3A_894 = arith.constant dense<0xFF800000> : vector<64xf32>
        %reduce_max3A_895 = vector.multi_reduction <maximumf>, %select_n3A_893, %reduce_max3A_894 [0] : vector<1000x64xf32> to vector<64xf32>
        %broadcast_in_dim3A_896 = vector.shape_cast %reduce_max3A_895 : vector<64xf32> to vector<1x64xf32>
        %eq3A_897 = vector.broadcast %broadcast_in_dim3A_896 : vector<1x64xf32> to vector<1000x64xf32>
        %eq3A_898 = arith.cmpf oeq, %select_n3A_893, %eq3A_897 : vector<1000x64xf32>
        %gt3A_899 = vector.broadcast %while3A_460 : f32 to vector<1x64xf32>
        %gt3A_900 = arith.cmpf ogt, %broadcast_in_dim3A_896, %gt3A_899 : vector<1x64xf32>
        %and3A_901 = vector.broadcast %gt3A_900 : vector<1x64xi1> to vector<1000x64xi1>
        %and3A_902 = arith.andi %eq3A_898, %and3A_901 : vector<1000x64xi1>
        %jit3A_903 = arith.constant 10000 : i32
        %broadcast_in_dim3A_904 = vector.broadcast %jit3A_903 : i32 to vector<1000x64xi32>
        %select_n3A_905 = arith.select %and3A_902, %add3A_871, %broadcast_in_dim3A_904 : vector<1000x64xi1>, vector<1000x64xi32>
        %reduce_min3A_906 = arith.constant dense<2147483647> : vector<64xi32>
        %reduce_min3A_907 = vector.multi_reduction <minsi>, %select_n3A_905, %reduce_min3A_906 [0] : vector<1000x64xi32> to vector<64xi32>
        %broadcast_in_dim3A_908 = vector.shape_cast %reduce_min3A_907 : vector<64xi32> to vector<1x64xi32>
        %eq3A_909 = vector.broadcast %broadcast_in_dim3A_908 : vector<1x64xi32> to vector<1000x64xi32>
        %eq3A_910 = arith.cmpi eq, %add3A_871, %eq3A_909 : vector<1000x64xi32>
        %broadcast_in_dim3A_911 = vector.broadcast %while3A_460 : f32 to vector<1000x64xf32>
        %select_n3A_912 = arith.select %eq3A_910, %broadcast_in_dim3A_911, %select_n3A_893 : vector<1000x64xi1>, vector<1000x64xf32>
        %reduce_max3A_913 = arith.constant dense<0xFF800000> : vector<64xf32>
        %reduce_max3A_914 = vector.multi_reduction <maximumf>, %select_n3A_912, %reduce_max3A_913 [0] : vector<1000x64xf32> to vector<64xf32>
        %broadcast_in_dim3A_915 = vector.shape_cast %reduce_max3A_914 : vector<64xf32> to vector<1x64xf32>
        %eq3A_916 = vector.broadcast %broadcast_in_dim3A_915 : vector<1x64xf32> to vector<1000x64xf32>
        %eq3A_917 = arith.cmpf oeq, %select_n3A_912, %eq3A_916 : vector<1000x64xf32>
        %gt3A_918 = vector.broadcast %while3A_460 : f32 to vector<1x64xf32>
        %gt3A_919 = arith.cmpf ogt, %broadcast_in_dim3A_915, %gt3A_918 : vector<1x64xf32>
        %and3A_920 = vector.broadcast %gt3A_919 : vector<1x64xi1> to vector<1000x64xi1>
        %and3A_921 = arith.andi %eq3A_917, %and3A_920 : vector<1000x64xi1>
        %jit3A_922 = arith.constant 10000 : i32
        %broadcast_in_dim3A_923 = vector.broadcast %jit3A_922 : i32 to vector<1000x64xi32>
        %select_n3A_924 = arith.select %and3A_921, %add3A_871, %broadcast_in_dim3A_923 : vector<1000x64xi1>, vector<1000x64xi32>
        %reduce_min3A_925 = arith.constant dense<2147483647> : vector<64xi32>
        %reduce_min3A_926 = vector.multi_reduction <minsi>, %select_n3A_924, %reduce_min3A_925 [0] : vector<1000x64xi32> to vector<64xi32>
        %broadcast_in_dim3A_927 = vector.shape_cast %reduce_min3A_926 : vector<64xi32> to vector<1x64xi32>
        %eq3A_928 = vector.broadcast %broadcast_in_dim3A_927 : vector<1x64xi32> to vector<1000x64xi32>
        %eq3A_929 = arith.cmpi eq, %add3A_871, %eq3A_928 : vector<1000x64xi32>
        %broadcast_in_dim3A_930 = vector.broadcast %while3A_460 : f32 to vector<1000x64xf32>
        %select_n3A_931 = arith.select %eq3A_929, %broadcast_in_dim3A_930, %select_n3A_912 : vector<1000x64xi1>, vector<1000x64xf32>
        %reduce_max3A_932 = arith.constant dense<0xFF800000> : vector<64xf32>
        %reduce_max3A_933 = vector.multi_reduction <maximumf>, %select_n3A_931, %reduce_max3A_932 [0] : vector<1000x64xf32> to vector<64xf32>
        %broadcast_in_dim3A_934 = vector.shape_cast %reduce_max3A_933 : vector<64xf32> to vector<1x64xf32>
        %eq3A_935 = vector.broadcast %broadcast_in_dim3A_934 : vector<1x64xf32> to vector<1000x64xf32>
        %eq3A_936 = arith.cmpf oeq, %select_n3A_931, %eq3A_935 : vector<1000x64xf32>
        %gt3A_937 = vector.broadcast %while3A_460 : f32 to vector<1x64xf32>
        %gt3A_938 = arith.cmpf ogt, %broadcast_in_dim3A_934, %gt3A_937 : vector<1x64xf32>
        %and3A_939 = vector.broadcast %gt3A_938 : vector<1x64xi1> to vector<1000x64xi1>
        %and3A_940 = arith.andi %eq3A_936, %and3A_939 : vector<1000x64xi1>
        %jit3A_941 = arith.constant 10000 : i32
        %broadcast_in_dim3A_942 = vector.broadcast %jit3A_941 : i32 to vector<1000x64xi32>
        %select_n3A_943 = arith.select %and3A_940, %add3A_871, %broadcast_in_dim3A_942 : vector<1000x64xi1>, vector<1000x64xi32>
        %reduce_min3A_944 = arith.constant dense<2147483647> : vector<64xi32>
        %reduce_min3A_945 = vector.multi_reduction <minsi>, %select_n3A_943, %reduce_min3A_944 [0] : vector<1000x64xi32> to vector<64xi32>
        %broadcast_in_dim3A_946 = vector.shape_cast %reduce_min3A_945 : vector<64xi32> to vector<1x64xi32>
        %eq3A_947 = vector.broadcast %broadcast_in_dim3A_946 : vector<1x64xi32> to vector<1000x64xi32>
        %eq3A_948 = arith.cmpi eq, %add3A_871, %eq3A_947 : vector<1000x64xi32>
        %broadcast_in_dim3A_949 = vector.broadcast %while3A_460 : f32 to vector<1000x64xf32>
        %select_n3A_950 = arith.select %eq3A_948, %broadcast_in_dim3A_949, %select_n3A_931 : vector<1000x64xi1>, vector<1000x64xf32>
        %reduce_max3A_951 = arith.constant dense<0xFF800000> : vector<64xf32>
        %reduce_max3A_952 = vector.multi_reduction <maximumf>, %select_n3A_950, %reduce_max3A_951 [0] : vector<1000x64xf32> to vector<64xf32>
        %broadcast_in_dim3A_953 = vector.shape_cast %reduce_max3A_952 : vector<64xf32> to vector<1x64xf32>
        %eq3A_954 = vector.broadcast %broadcast_in_dim3A_953 : vector<1x64xf32> to vector<1000x64xf32>
        %eq3A_955 = arith.cmpf oeq, %select_n3A_950, %eq3A_954 : vector<1000x64xf32>
        %gt3A_956 = vector.broadcast %while3A_460 : f32 to vector<1x64xf32>
        %gt3A_957 = arith.cmpf ogt, %broadcast_in_dim3A_953, %gt3A_956 : vector<1x64xf32>
        %and3A_958 = vector.broadcast %gt3A_957 : vector<1x64xi1> to vector<1000x64xi1>
        %and3A_959 = arith.andi %eq3A_955, %and3A_958 : vector<1000x64xi1>
        %jit3A_960 = arith.constant 10000 : i32
        %broadcast_in_dim3A_961 = vector.broadcast %jit3A_960 : i32 to vector<1000x64xi32>
        %select_n3A_962 = arith.select %and3A_959, %add3A_871, %broadcast_in_dim3A_961 : vector<1000x64xi1>, vector<1000x64xi32>
        %reduce_min3A_963 = arith.constant dense<2147483647> : vector<64xi32>
        %reduce_min3A_964 = vector.multi_reduction <minsi>, %select_n3A_962, %reduce_min3A_963 [0] : vector<1000x64xi32> to vector<64xi32>
        %broadcast_in_dim3A_965 = vector.shape_cast %reduce_min3A_964 : vector<64xi32> to vector<1x64xi32>
        %concatenate3A_966 = tpu.concatenate %broadcast_in_dim3A_878, %broadcast_in_dim3A_896, %broadcast_in_dim3A_915, %broadcast_in_dim3A_934, %broadcast_in_dim3A_953, %while3A_861 in 0 : vector<1x64xf32>, vector<1x64xf32>, vector<1x64xf32>, vector<1x64xf32>, vector<1x64xf32>, vector<5x64xf32> -> vector<10x64xf32>
        %concatenate3A_967 = tpu.concatenate %broadcast_in_dim3A_889, %broadcast_in_dim3A_908, %broadcast_in_dim3A_927, %broadcast_in_dim3A_946, %broadcast_in_dim3A_965, %while3A_862 in 0 : vector<1x64xi32>, vector<1x64xi32>, vector<1x64xi32>, vector<1x64xi32>, vector<1x64xi32>, vector<5x64xi32> -> vector<10x64xi32>
        %reduce_max3A_968 = arith.constant dense<0xFF800000> : vector<64xf32>
        %reduce_max3A_969 = vector.multi_reduction <maximumf>, %concatenate3A_966, %reduce_max3A_968 [0] : vector<10x64xf32> to vector<64xf32>
        %broadcast_in_dim3A_970 = vector.shape_cast %reduce_max3A_969 : vector<64xf32> to vector<1x64xf32>
        %eq3A_971 = vector.broadcast %broadcast_in_dim3A_970 : vector<1x64xf32> to vector<10x64xf32>
        %eq3A_972 = arith.cmpf oeq, %concatenate3A_966, %eq3A_971 : vector<10x64xf32>
        %gt3A_973 = vector.broadcast %while3A_460 : f32 to vector<1x64xf32>
        %gt3A_974 = arith.cmpf ogt, %broadcast_in_dim3A_970, %gt3A_973 : vector<1x64xf32>
        %and3A_975 = vector.broadcast %gt3A_974 : vector<1x64xi1> to vector<10x64xi1>
        %and3A_976 = arith.andi %eq3A_972, %and3A_975 : vector<10x64xi1>
        %jit3A_977 = arith.constant 10000 : i32
        %broadcast_in_dim3A_978 = vector.broadcast %jit3A_977 : i32 to vector<10x64xi32>
        %select_n3A_979 = arith.select %and3A_976, %concatenate3A_967, %broadcast_in_dim3A_978 : vector<10x64xi1>, vector<10x64xi32>
        %reduce_min3A_980 = arith.constant dense<2147483647> : vector<64xi32>
        %reduce_min3A_981 = vector.multi_reduction <minsi>, %select_n3A_979, %reduce_min3A_980 [0] : vector<10x64xi32> to vector<64xi32>
        %broadcast_in_dim3A_982 = vector.shape_cast %reduce_min3A_981 : vector<64xi32> to vector<1x64xi32>
        %eq3A_983 = vector.broadcast %broadcast_in_dim3A_982 : vector<1x64xi32> to vector<10x64xi32>
        %eq3A_984 = arith.cmpi eq, %concatenate3A_967, %eq3A_983 : vector<10x64xi32>
        %broadcast_in_dim3A_985 = vector.broadcast %while3A_460 : f32 to vector<10x64xf32>
        %select_n3A_986 = arith.select %eq3A_984, %broadcast_in_dim3A_985, %concatenate3A_966 : vector<10x64xi1>, vector<10x64xf32>
        %reduce_max3A_987 = arith.constant dense<0xFF800000> : vector<64xf32>
        %reduce_max3A_988 = vector.multi_reduction <maximumf>, %select_n3A_986, %reduce_max3A_987 [0] : vector<10x64xf32> to vector<64xf32>
        %broadcast_in_dim3A_989 = vector.shape_cast %reduce_max3A_988 : vector<64xf32> to vector<1x64xf32>
        %eq3A_990 = vector.broadcast %broadcast_in_dim3A_989 : vector<1x64xf32> to vector<10x64xf32>
        %eq3A_991 = arith.cmpf oeq, %select_n3A_986, %eq3A_990 : vector<10x64xf32>
        %gt3A_992 = vector.broadcast %while3A_460 : f32 to vector<1x64xf32>
        %gt3A_993 = arith.cmpf ogt, %broadcast_in_dim3A_989, %gt3A_992 : vector<1x64xf32>
        %and3A_994 = vector.broadcast %gt3A_993 : vector<1x64xi1> to vector<10x64xi1>
        %and3A_995 = arith.andi %eq3A_991, %and3A_994 : vector<10x64xi1>
        %jit3A_996 = arith.constant 10000 : i32
        %broadcast_in_dim3A_997 = vector.broadcast %jit3A_996 : i32 to vector<10x64xi32>
        %select_n3A_998 = arith.select %and3A_995, %concatenate3A_967, %broadcast_in_dim3A_997 : vector<10x64xi1>, vector<10x64xi32>
        %reduce_min3A_999 = arith.constant dense<2147483647> : vector<64xi32>
        %reduce_min3A_1000 = vector.multi_reduction <minsi>, %select_n3A_998, %reduce_min3A_999 [0] : vector<10x64xi32> to vector<64xi32>
        %broadcast_in_dim3A_1001 = vector.shape_cast %reduce_min3A_1000 : vector<64xi32> to vector<1x64xi32>
        %eq3A_1002 = vector.broadcast %broadcast_in_dim3A_1001 : vector<1x64xi32> to vector<10x64xi32>
        %eq3A_1003 = arith.cmpi eq, %concatenate3A_967, %eq3A_1002 : vector<10x64xi32>
        %broadcast_in_dim3A_1004 = vector.broadcast %while3A_460 : f32 to vector<10x64xf32>
        %select_n3A_1005 = arith.select %eq3A_1003, %broadcast_in_dim3A_1004, %select_n3A_986 : vector<10x64xi1>, vector<10x64xf32>
        %reduce_max3A_1006 = arith.constant dense<0xFF800000> : vector<64xf32>
        %reduce_max3A_1007 = vector.multi_reduction <maximumf>, %select_n3A_1005, %reduce_max3A_1006 [0] : vector<10x64xf32> to vector<64xf32>
        %broadcast_in_dim3A_1008 = vector.shape_cast %reduce_max3A_1007 : vector<64xf32> to vector<1x64xf32>
        %eq3A_1009 = vector.broadcast %broadcast_in_dim3A_1008 : vector<1x64xf32> to vector<10x64xf32>
        %eq3A_1010 = arith.cmpf oeq, %select_n3A_1005, %eq3A_1009 : vector<10x64xf32>
        %gt3A_1011 = vector.broadcast %while3A_460 : f32 to vector<1x64xf32>
        %gt3A_1012 = arith.cmpf ogt, %broadcast_in_dim3A_1008, %gt3A_1011 : vector<1x64xf32>
        %and3A_1013 = vector.broadcast %gt3A_1012 : vector<1x64xi1> to vector<10x64xi1>
        %and3A_1014 = arith.andi %eq3A_1010, %and3A_1013 : vector<10x64xi1>
        %jit3A_1015 = arith.constant 10000 : i32
        %broadcast_in_dim3A_1016 = vector.broadcast %jit3A_1015 : i32 to vector<10x64xi32>
        %select_n3A_1017 = arith.select %and3A_1014, %concatenate3A_967, %broadcast_in_dim3A_1016 : vector<10x64xi1>, vector<10x64xi32>
        %reduce_min3A_1018 = arith.constant dense<2147483647> : vector<64xi32>
        %reduce_min3A_1019 = vector.multi_reduction <minsi>, %select_n3A_1017, %reduce_min3A_1018 [0] : vector<10x64xi32> to vector<64xi32>
        %broadcast_in_dim3A_1020 = vector.shape_cast %reduce_min3A_1019 : vector<64xi32> to vector<1x64xi32>
        %eq3A_1021 = vector.broadcast %broadcast_in_dim3A_1020 : vector<1x64xi32> to vector<10x64xi32>
        %eq3A_1022 = arith.cmpi eq, %concatenate3A_967, %eq3A_1021 : vector<10x64xi32>
        %broadcast_in_dim3A_1023 = vector.broadcast %while3A_460 : f32 to vector<10x64xf32>
        %select_n3A_1024 = arith.select %eq3A_1022, %broadcast_in_dim3A_1023, %select_n3A_1005 : vector<10x64xi1>, vector<10x64xf32>
        %reduce_max3A_1025 = arith.constant dense<0xFF800000> : vector<64xf32>
        %reduce_max3A_1026 = vector.multi_reduction <maximumf>, %select_n3A_1024, %reduce_max3A_1025 [0] : vector<10x64xf32> to vector<64xf32>
        %broadcast_in_dim3A_1027 = vector.shape_cast %reduce_max3A_1026 : vector<64xf32> to vector<1x64xf32>
        %eq3A_1028 = vector.broadcast %broadcast_in_dim3A_1027 : vector<1x64xf32> to vector<10x64xf32>
        %eq3A_1029 = arith.cmpf oeq, %select_n3A_1024, %eq3A_1028 : vector<10x64xf32>
        %gt3A_1030 = vector.broadcast %while3A_460 : f32 to vector<1x64xf32>
        %gt3A_1031 = arith.cmpf ogt, %broadcast_in_dim3A_1027, %gt3A_1030 : vector<1x64xf32>
        %and3A_1032 = vector.broadcast %gt3A_1031 : vector<1x64xi1> to vector<10x64xi1>
        %and3A_1033 = arith.andi %eq3A_1029, %and3A_1032 : vector<10x64xi1>
        %jit3A_1034 = arith.constant 10000 : i32
        %broadcast_in_dim3A_1035 = vector.broadcast %jit3A_1034 : i32 to vector<10x64xi32>
        %select_n3A_1036 = arith.select %and3A_1033, %concatenate3A_967, %broadcast_in_dim3A_1035 : vector<10x64xi1>, vector<10x64xi32>
        %reduce_min3A_1037 = arith.constant dense<2147483647> : vector<64xi32>
        %reduce_min3A_1038 = vector.multi_reduction <minsi>, %select_n3A_1036, %reduce_min3A_1037 [0] : vector<10x64xi32> to vector<64xi32>
        %broadcast_in_dim3A_1039 = vector.shape_cast %reduce_min3A_1038 : vector<64xi32> to vector<1x64xi32>
        %eq3A_1040 = vector.broadcast %broadcast_in_dim3A_1039 : vector<1x64xi32> to vector<10x64xi32>
        %eq3A_1041 = arith.cmpi eq, %concatenate3A_967, %eq3A_1040 : vector<10x64xi32>
        %broadcast_in_dim3A_1042 = vector.broadcast %while3A_460 : f32 to vector<10x64xf32>
        %select_n3A_1043 = arith.select %eq3A_1041, %broadcast_in_dim3A_1042, %select_n3A_1024 : vector<10x64xi1>, vector<10x64xf32>
        %reduce_max3A_1044 = arith.constant dense<0xFF800000> : vector<64xf32>
        %reduce_max3A_1045 = vector.multi_reduction <maximumf>, %select_n3A_1043, %reduce_max3A_1044 [0] : vector<10x64xf32> to vector<64xf32>
        %broadcast_in_dim3A_1046 = vector.shape_cast %reduce_max3A_1045 : vector<64xf32> to vector<1x64xf32>
        %eq3A_1047 = vector.broadcast %broadcast_in_dim3A_1046 : vector<1x64xf32> to vector<10x64xf32>
        %eq3A_1048 = arith.cmpf oeq, %select_n3A_1043, %eq3A_1047 : vector<10x64xf32>
        %gt3A_1049 = vector.broadcast %while3A_460 : f32 to vector<1x64xf32>
        %gt3A_1050 = arith.cmpf ogt, %broadcast_in_dim3A_1046, %gt3A_1049 : vector<1x64xf32>
        %and3A_1051 = vector.broadcast %gt3A_1050 : vector<1x64xi1> to vector<10x64xi1>
        %and3A_1052 = arith.andi %eq3A_1048, %and3A_1051 : vector<10x64xi1>
        %jit3A_1053 = arith.constant 10000 : i32
        %broadcast_in_dim3A_1054 = vector.broadcast %jit3A_1053 : i32 to vector<10x64xi32>
        %select_n3A_1055 = arith.select %and3A_1052, %concatenate3A_967, %broadcast_in_dim3A_1054 : vector<10x64xi1>, vector<10x64xi32>
        %reduce_min3A_1056 = arith.constant dense<2147483647> : vector<64xi32>
        %reduce_min3A_1057 = vector.multi_reduction <minsi>, %select_n3A_1055, %reduce_min3A_1056 [0] : vector<10x64xi32> to vector<64xi32>
        %broadcast_in_dim3A_1058 = vector.shape_cast %reduce_min3A_1057 : vector<64xi32> to vector<1x64xi32>
        %concatenate3A_1059 = tpu.concatenate %broadcast_in_dim3A_970, %broadcast_in_dim3A_989, %broadcast_in_dim3A_1008, %broadcast_in_dim3A_1027, %broadcast_in_dim3A_1046 in 0 : vector<1x64xf32>, vector<1x64xf32>, vector<1x64xf32>, vector<1x64xf32>, vector<1x64xf32> -> vector<5x64xf32>
        %concatenate3A_1060 = tpu.concatenate %broadcast_in_dim3A_982, %broadcast_in_dim3A_1001, %broadcast_in_dim3A_1020, %broadcast_in_dim3A_1039, %broadcast_in_dim3A_1058 in 0 : vector<1x64xi32>, vector<1x64xi32>, vector<1x64xi32>, vector<1x64xi32>, vector<1x64xi32> -> vector<5x64xi32>
        scf.yield %concatenate3A_1059, %concatenate3A_1060 : vector<5x64xf32>, vector<5x64xi32>
      }
      %while3A_469 = arith.constant 1 : i32
      %while3A_470:2 = scf.for %while3A_860 = %while3A_466 to %while3A_462 step %while3A_469 iter_args(%while3A_861 = %while3A_468#0, %while3A_862 = %while3A_468#1) -> (vector<5x64xf32>, vector<5x64xi32>)  : i32 {
        %mul3A_863 = arith.constant 1000 : i32
        %mul3A_864 = arith.muli %while3A_860, %mul3A_863 : i32
        %get3A_865 = arith.index_cast %mul3A_864 : i32 to index
        %get3A_866 = arith.constant 0 : index
        %get3A_867 = vector.load %arg13[%get3A_865, %get3A_866] : memref<10000x64xf32, #tpu.memory_space<vmem>>, vector<1000x64xf32>
        %mul3A_868 = arith.constant 1000 : i32
        %mul3A_869 = arith.muli %while3A_860, %mul3A_868 : i32
        %add3A_870 = vector.broadcast %mul3A_869 : i32 to vector<1000x64xi32>
        %add3A_871 = arith.addi %iota3A_41, %add3A_870 : vector<1000x64xi32>
        %ge3A = vector.broadcast %get3A_63 : i32 to vector<1000x64xi32>
        %ge3A_872 = arith.cmpi sge, %add3A_871, %ge3A : vector<1000x64xi32>
        %lt3A = vector.broadcast %get3A_65 : i32 to vector<1000x64xi32>
        %lt3A_873 = arith.cmpi slt, %add3A_871, %lt3A : vector<1000x64xi32>
        %and3A_874 = arith.andi %ge3A_872, %lt3A_873 : vector<1000x64xi1>
        %broadcast_in_dim3A_875 = vector.broadcast %while3A_460 : f32 to vector<1000x64xf32>
        %select_n3A_876 = arith.select %and3A_874, %get3A_867, %broadcast_in_dim3A_875 : vector<1000x64xi1>, vector<1000x64xf32>
        %reduce_max3A = arith.constant dense<0xFF800000> : vector<64xf32>
        %reduce_max3A_877 = vector.multi_reduction <maximumf>, %select_n3A_876, %reduce_max3A [0] : vector<1000x64xf32> to vector<64xf32>
        %broadcast_in_dim3A_878 = vector.shape_cast %reduce_max3A_877 : vector<64xf32> to vector<1x64xf32>
        %eq3A_879 = vector.broadcast %broadcast_in_dim3A_878 : vector<1x64xf32> to vector<1000x64xf32>
        %eq3A_880 = arith.cmpf oeq, %select_n3A_876, %eq3A_879 : vector<1000x64xf32>
        %gt3A_881 = vector.broadcast %while3A_460 : f32 to vector<1x64xf32>
        %gt3A_882 = arith.cmpf ogt, %broadcast_in_dim3A_878, %gt3A_881 : vector<1x64xf32>
        %and3A_883 = vector.broadcast %gt3A_882 : vector<1x64xi1> to vector<1000x64xi1>
        %and3A_884 = arith.andi %eq3A_880, %and3A_883 : vector<1000x64xi1>
        %jit3A_885 = arith.constant 10000 : i32
        %broadcast_in_dim3A_886 = vector.broadcast %jit3A_885 : i32 to vector<1000x64xi32>
        %select_n3A_887 = arith.select %and3A_884, %add3A_871, %broadcast_in_dim3A_886 : vector<1000x64xi1>, vector<1000x64xi32>
        %reduce_min3A = arith.constant dense<2147483647> : vector<64xi32>
        %reduce_min3A_888 = vector.multi_reduction <minsi>, %select_n3A_887, %reduce_min3A [0] : vector<1000x64xi32> to vector<64xi32>
        %broadcast_in_dim3A_889 = vector.shape_cast %reduce_min3A_888 : vector<64xi32> to vector<1x64xi32>
        %eq3A_890 = vector.broadcast %broadcast_in_dim3A_889 : vector<1x64xi32> to vector<1000x64xi32>
        %eq3A_891 = arith.cmpi eq, %add3A_871, %eq3A_890 : vector<1000x64xi32>
        %broadcast_in_dim3A_892 = vector.broadcast %while3A_460 : f32 to vector<1000x64xf32>
        %select_n3A_893 = arith.select %eq3A_891, %broadcast_in_dim3A_892, %select_n3A_876 : vector<1000x64xi1>, vector<1000x64xf32>
        %reduce_max3A_894 = arith.constant dense<0xFF800000> : vector<64xf32>
        %reduce_max3A_895 = vector.multi_reduction <maximumf>, %select_n3A_893, %reduce_max3A_894 [0] : vector<1000x64xf32> to vector<64xf32>
        %broadcast_in_dim3A_896 = vector.shape_cast %reduce_max3A_895 : vector<64xf32> to vector<1x64xf32>
        %eq3A_897 = vector.broadcast %broadcast_in_dim3A_896 : vector<1x64xf32> to vector<1000x64xf32>
        %eq3A_898 = arith.cmpf oeq, %select_n3A_893, %eq3A_897 : vector<1000x64xf32>
        %gt3A_899 = vector.broadcast %while3A_460 : f32 to vector<1x64xf32>
        %gt3A_900 = arith.cmpf ogt, %broadcast_in_dim3A_896, %gt3A_899 : vector<1x64xf32>
        %and3A_901 = vector.broadcast %gt3A_900 : vector<1x64xi1> to vector<1000x64xi1>
        %and3A_902 = arith.andi %eq3A_898, %and3A_901 : vector<1000x64xi1>
        %jit3A_903 = arith.constant 10000 : i32
        %broadcast_in_dim3A_904 = vector.broadcast %jit3A_903 : i32 to vector<1000x64xi32>
        %select_n3A_905 = arith.select %and3A_902, %add3A_871, %broadcast_in_dim3A_904 : vector<1000x64xi1>, vector<1000x64xi32>
        %reduce_min3A_906 = arith.constant dense<2147483647> : vector<64xi32>
        %reduce_min3A_907 = vector.multi_reduction <minsi>, %select_n3A_905, %reduce_min3A_906 [0] : vector<1000x64xi32> to vector<64xi32>
        %broadcast_in_dim3A_908 = vector.shape_cast %reduce_min3A_907 : vector<64xi32> to vector<1x64xi32>
        %eq3A_909 = vector.broadcast %broadcast_in_dim3A_908 : vector<1x64xi32> to vector<1000x64xi32>
        %eq3A_910 = arith.cmpi eq, %add3A_871, %eq3A_909 : vector<1000x64xi32>
        %broadcast_in_dim3A_911 = vector.broadcast %while3A_460 : f32 to vector<1000x64xf32>
        %select_n3A_912 = arith.select %eq3A_910, %broadcast_in_dim3A_911, %select_n3A_893 : vector<1000x64xi1>, vector<1000x64xf32>
        %reduce_max3A_913 = arith.constant dense<0xFF800000> : vector<64xf32>
        %reduce_max3A_914 = vector.multi_reduction <maximumf>, %select_n3A_912, %reduce_max3A_913 [0] : vector<1000x64xf32> to vector<64xf32>
        %broadcast_in_dim3A_915 = vector.shape_cast %reduce_max3A_914 : vector<64xf32> to vector<1x64xf32>
        %eq3A_916 = vector.broadcast %broadcast_in_dim3A_915 : vector<1x64xf32> to vector<1000x64xf32>
        %eq3A_917 = arith.cmpf oeq, %select_n3A_912, %eq3A_916 : vector<1000x64xf32>
        %gt3A_918 = vector.broadcast %while3A_460 : f32 to vector<1x64xf32>
        %gt3A_919 = arith.cmpf ogt, %broadcast_in_dim3A_915, %gt3A_918 : vector<1x64xf32>
        %and3A_920 = vector.broadcast %gt3A_919 : vector<1x64xi1> to vector<1000x64xi1>
        %and3A_921 = arith.andi %eq3A_917, %and3A_920 : vector<1000x64xi1>
        %jit3A_922 = arith.constant 10000 : i32
        %broadcast_in_dim3A_923 = vector.broadcast %jit3A_922 : i32 to vector<1000x64xi32>
        %select_n3A_924 = arith.select %and3A_921, %add3A_871, %broadcast_in_dim3A_923 : vector<1000x64xi1>, vector<1000x64xi32>
        %reduce_min3A_925 = arith.constant dense<2147483647> : vector<64xi32>
        %reduce_min3A_926 = vector.multi_reduction <minsi>, %select_n3A_924, %reduce_min3A_925 [0] : vector<1000x64xi32> to vector<64xi32>
        %broadcast_in_dim3A_927 = vector.shape_cast %reduce_min3A_926 : vector<64xi32> to vector<1x64xi32>
        %eq3A_928 = vector.broadcast %broadcast_in_dim3A_927 : vector<1x64xi32> to vector<1000x64xi32>
        %eq3A_929 = arith.cmpi eq, %add3A_871, %eq3A_928 : vector<1000x64xi32>
        %broadcast_in_dim3A_930 = vector.broadcast %while3A_460 : f32 to vector<1000x64xf32>
        %select_n3A_931 = arith.select %eq3A_929, %broadcast_in_dim3A_930, %select_n3A_912 : vector<1000x64xi1>, vector<1000x64xf32>
        %reduce_max3A_932 = arith.constant dense<0xFF800000> : vector<64xf32>
        %reduce_max3A_933 = vector.multi_reduction <maximumf>, %select_n3A_931, %reduce_max3A_932 [0] : vector<1000x64xf32> to vector<64xf32>
        %broadcast_in_dim3A_934 = vector.shape_cast %reduce_max3A_933 : vector<64xf32> to vector<1x64xf32>
        %eq3A_935 = vector.broadcast %broadcast_in_dim3A_934 : vector<1x64xf32> to vector<1000x64xf32>
        %eq3A_936 = arith.cmpf oeq, %select_n3A_931, %eq3A_935 : vector<1000x64xf32>
        %gt3A_937 = vector.broadcast %while3A_460 : f32 to vector<1x64xf32>
        %gt3A_938 = arith.cmpf ogt, %broadcast_in_dim3A_934, %gt3A_937 : vector<1x64xf32>
        %and3A_939 = vector.broadcast %gt3A_938 : vector<1x64xi1> to vector<1000x64xi1>
        %and3A_940 = arith.andi %eq3A_936, %and3A_939 : vector<1000x64xi1>
        %jit3A_941 = arith.constant 10000 : i32
        %broadcast_in_dim3A_942 = vector.broadcast %jit3A_941 : i32 to vector<1000x64xi32>
        %select_n3A_943 = arith.select %and3A_940, %add3A_871, %broadcast_in_dim3A_942 : vector<1000x64xi1>, vector<1000x64xi32>
        %reduce_min3A_944 = arith.constant dense<2147483647> : vector<64xi32>
        %reduce_min3A_945 = vector.multi_reduction <minsi>, %select_n3A_943, %reduce_min3A_944 [0] : vector<1000x64xi32> to vector<64xi32>
        %broadcast_in_dim3A_946 = vector.shape_cast %reduce_min3A_945 : vector<64xi32> to vector<1x64xi32>
        %eq3A_947 = vector.broadcast %broadcast_in_dim3A_946 : vector<1x64xi32> to vector<1000x64xi32>
        %eq3A_948 = arith.cmpi eq, %add3A_871, %eq3A_947 : vector<1000x64xi32>
        %broadcast_in_dim3A_949 = vector.broadcast %while3A_460 : f32 to vector<1000x64xf32>
        %select_n3A_950 = arith.select %eq3A_948, %broadcast_in_dim3A_949, %select_n3A_931 : vector<1000x64xi1>, vector<1000x64xf32>
        %reduce_max3A_951 = arith.constant dense<0xFF800000> : vector<64xf32>
        %reduce_max3A_952 = vector.multi_reduction <maximumf>, %select_n3A_950, %reduce_max3A_951 [0] : vector<1000x64xf32> to vector<64xf32>
        %broadcast_in_dim3A_953 = vector.shape_cast %reduce_max3A_952 : vector<64xf32> to vector<1x64xf32>
        %eq3A_954 = vector.broadcast %broadcast_in_dim3A_953 : vector<1x64xf32> to vector<1000x64xf32>
        %eq3A_955 = arith.cmpf oeq, %select_n3A_950, %eq3A_954 : vector<1000x64xf32>
        %gt3A_956 = vector.broadcast %while3A_460 : f32 to vector<1x64xf32>
        %gt3A_957 = arith.cmpf ogt, %broadcast_in_dim3A_953, %gt3A_956 : vector<1x64xf32>
        %and3A_958 = vector.broadcast %gt3A_957 : vector<1x64xi1> to vector<1000x64xi1>
        %and3A_959 = arith.andi %eq3A_955, %and3A_958 : vector<1000x64xi1>
        %jit3A_960 = arith.constant 10000 : i32
        %broadcast_in_dim3A_961 = vector.broadcast %jit3A_960 : i32 to vector<1000x64xi32>
        %select_n3A_962 = arith.select %and3A_959, %add3A_871, %broadcast_in_dim3A_961 : vector<1000x64xi1>, vector<1000x64xi32>
        %reduce_min3A_963 = arith.constant dense<2147483647> : vector<64xi32>
        %reduce_min3A_964 = vector.multi_reduction <minsi>, %select_n3A_962, %reduce_min3A_963 [0] : vector<1000x64xi32> to vector<64xi32>
        %broadcast_in_dim3A_965 = vector.shape_cast %reduce_min3A_964 : vector<64xi32> to vector<1x64xi32>
        %concatenate3A_966 = tpu.concatenate %broadcast_in_dim3A_878, %broadcast_in_dim3A_896, %broadcast_in_dim3A_915, %broadcast_in_dim3A_934, %broadcast_in_dim3A_953, %while3A_861 in 0 : vector<1x64xf32>, vector<1x64xf32>, vector<1x64xf32>, vector<1x64xf32>, vector<1x64xf32>, vector<5x64xf32> -> vector<10x64xf32>
        %concatenate3A_967 = tpu.concatenate %broadcast_in_dim3A_889, %broadcast_in_dim3A_908, %broadcast_in_dim3A_927, %broadcast_in_dim3A_946, %broadcast_in_dim3A_965, %while3A_862 in 0 : vector<1x64xi32>, vector<1x64xi32>, vector<1x64xi32>, vector<1x64xi32>, vector<1x64xi32>, vector<5x64xi32> -> vector<10x64xi32>
        %reduce_max3A_968 = arith.constant dense<0xFF800000> : vector<64xf32>
        %reduce_max3A_969 = vector.multi_reduction <maximumf>, %concatenate3A_966, %reduce_max3A_968 [0] : vector<10x64xf32> to vector<64xf32>
        %broadcast_in_dim3A_970 = vector.shape_cast %reduce_max3A_969 : vector<64xf32> to vector<1x64xf32>
        %eq3A_971 = vector.broadcast %broadcast_in_dim3A_970 : vector<1x64xf32> to vector<10x64xf32>
        %eq3A_972 = arith.cmpf oeq, %concatenate3A_966, %eq3A_971 : vector<10x64xf32>
        %gt3A_973 = vector.broadcast %while3A_460 : f32 to vector<1x64xf32>
        %gt3A_974 = arith.cmpf ogt, %broadcast_in_dim3A_970, %gt3A_973 : vector<1x64xf32>
        %and3A_975 = vector.broadcast %gt3A_974 : vector<1x64xi1> to vector<10x64xi1>
        %and3A_976 = arith.andi %eq3A_972, %and3A_975 : vector<10x64xi1>
        %jit3A_977 = arith.constant 10000 : i32
        %broadcast_in_dim3A_978 = vector.broadcast %jit3A_977 : i32 to vector<10x64xi32>
        %select_n3A_979 = arith.select %and3A_976, %concatenate3A_967, %broadcast_in_dim3A_978 : vector<10x64xi1>, vector<10x64xi32>
        %reduce_min3A_980 = arith.constant dense<2147483647> : vector<64xi32>
        %reduce_min3A_981 = vector.multi_reduction <minsi>, %select_n3A_979, %reduce_min3A_980 [0] : vector<10x64xi32> to vector<64xi32>
        %broadcast_in_dim3A_982 = vector.shape_cast %reduce_min3A_981 : vector<64xi32> to vector<1x64xi32>
        %eq3A_983 = vector.broadcast %broadcast_in_dim3A_982 : vector<1x64xi32> to vector<10x64xi32>
        %eq3A_984 = arith.cmpi eq, %concatenate3A_967, %eq3A_983 : vector<10x64xi32>
        %broadcast_in_dim3A_985 = vector.broadcast %while3A_460 : f32 to vector<10x64xf32>
        %select_n3A_986 = arith.select %eq3A_984, %broadcast_in_dim3A_985, %concatenate3A_966 : vector<10x64xi1>, vector<10x64xf32>
        %reduce_max3A_987 = arith.constant dense<0xFF800000> : vector<64xf32>
        %reduce_max3A_988 = vector.multi_reduction <maximumf>, %select_n3A_986, %reduce_max3A_987 [0] : vector<10x64xf32> to vector<64xf32>
        %broadcast_in_dim3A_989 = vector.shape_cast %reduce_max3A_988 : vector<64xf32> to vector<1x64xf32>
        %eq3A_990 = vector.broadcast %broadcast_in_dim3A_989 : vector<1x64xf32> to vector<10x64xf32>
        %eq3A_991 = arith.cmpf oeq, %select_n3A_986, %eq3A_990 : vector<10x64xf32>
        %gt3A_992 = vector.broadcast %while3A_460 : f32 to vector<1x64xf32>
        %gt3A_993 = arith.cmpf ogt, %broadcast_in_dim3A_989, %gt3A_992 : vector<1x64xf32>
        %and3A_994 = vector.broadcast %gt3A_993 : vector<1x64xi1> to vector<10x64xi1>
        %and3A_995 = arith.andi %eq3A_991, %and3A_994 : vector<10x64xi1>
        %jit3A_996 = arith.constant 10000 : i32
        %broadcast_in_dim3A_997 = vector.broadcast %jit3A_996 : i32 to vector<10x64xi32>
        %select_n3A_998 = arith.select %and3A_995, %concatenate3A_967, %broadcast_in_dim3A_997 : vector<10x64xi1>, vector<10x64xi32>
        %reduce_min3A_999 = arith.constant dense<2147483647> : vector<64xi32>
        %reduce_min3A_1000 = vector.multi_reduction <minsi>, %select_n3A_998, %reduce_min3A_999 [0] : vector<10x64xi32> to vector<64xi32>
        %broadcast_in_dim3A_1001 = vector.shape_cast %reduce_min3A_1000 : vector<64xi32> to vector<1x64xi32>
        %eq3A_1002 = vector.broadcast %broadcast_in_dim3A_1001 : vector<1x64xi32> to vector<10x64xi32>
        %eq3A_1003 = arith.cmpi eq, %concatenate3A_967, %eq3A_1002 : vector<10x64xi32>
        %broadcast_in_dim3A_1004 = vector.broadcast %while3A_460 : f32 to vector<10x64xf32>
        %select_n3A_1005 = arith.select %eq3A_1003, %broadcast_in_dim3A_1004, %select_n3A_986 : vector<10x64xi1>, vector<10x64xf32>
        %reduce_max3A_1006 = arith.constant dense<0xFF800000> : vector<64xf32>
        %reduce_max3A_1007 = vector.multi_reduction <maximumf>, %select_n3A_1005, %reduce_max3A_1006 [0] : vector<10x64xf32> to vector<64xf32>
        %broadcast_in_dim3A_1008 = vector.shape_cast %reduce_max3A_1007 : vector<64xf32> to vector<1x64xf32>
        %eq3A_1009 = vector.broadcast %broadcast_in_dim3A_1008 : vector<1x64xf32> to vector<10x64xf32>
        %eq3A_1010 = arith.cmpf oeq, %select_n3A_1005, %eq3A_1009 : vector<10x64xf32>
        %gt3A_1011 = vector.broadcast %while3A_460 : f32 to vector<1x64xf32>
        %gt3A_1012 = arith.cmpf ogt, %broadcast_in_dim3A_1008, %gt3A_1011 : vector<1x64xf32>
        %and3A_1013 = vector.broadcast %gt3A_1012 : vector<1x64xi1> to vector<10x64xi1>
        %and3A_1014 = arith.andi %eq3A_1010, %and3A_1013 : vector<10x64xi1>
        %jit3A_1015 = arith.constant 10000 : i32
        %broadcast_in_dim3A_1016 = vector.broadcast %jit3A_1015 : i32 to vector<10x64xi32>
        %select_n3A_1017 = arith.select %and3A_1014, %concatenate3A_967, %broadcast_in_dim3A_1016 : vector<10x64xi1>, vector<10x64xi32>
        %reduce_min3A_1018 = arith.constant dense<2147483647> : vector<64xi32>
        %reduce_min3A_1019 = vector.multi_reduction <minsi>, %select_n3A_1017, %reduce_min3A_1018 [0] : vector<10x64xi32> to vector<64xi32>
        %broadcast_in_dim3A_1020 = vector.shape_cast %reduce_min3A_1019 : vector<64xi32> to vector<1x64xi32>
        %eq3A_1021 = vector.broadcast %broadcast_in_dim3A_1020 : vector<1x64xi32> to vector<10x64xi32>
        %eq3A_1022 = arith.cmpi eq, %concatenate3A_967, %eq3A_1021 : vector<10x64xi32>
        %broadcast_in_dim3A_1023 = vector.broadcast %while3A_460 : f32 to vector<10x64xf32>
        %select_n3A_1024 = arith.select %eq3A_1022, %broadcast_in_dim3A_1023, %select_n3A_1005 : vector<10x64xi1>, vector<10x64xf32>
        %reduce_max3A_1025 = arith.constant dense<0xFF800000> : vector<64xf32>
        %reduce_max3A_1026 = vector.multi_reduction <maximumf>, %select_n3A_1024, %reduce_max3A_1025 [0] : vector<10x64xf32> to vector<64xf32>
        %broadcast_in_dim3A_1027 = vector.shape_cast %reduce_max3A_1026 : vector<64xf32> to vector<1x64xf32>
        %eq3A_1028 = vector.broadcast %broadcast_in_dim3A_1027 : vector<1x64xf32> to vector<10x64xf32>
        %eq3A_1029 = arith.cmpf oeq, %select_n3A_1024, %eq3A_1028 : vector<10x64xf32>
        %gt3A_1030 = vector.broadcast %while3A_460 : f32 to vector<1x64xf32>
        %gt3A_1031 = arith.cmpf ogt, %broadcast_in_dim3A_1027, %gt3A_1030 : vector<1x64xf32>
        %and3A_1032 = vector.broadcast %gt3A_1031 : vector<1x64xi1> to vector<10x64xi1>
        %and3A_1033 = arith.andi %eq3A_1029, %and3A_1032 : vector<10x64xi1>
        %jit3A_1034 = arith.constant 10000 : i32
        %broadcast_in_dim3A_1035 = vector.broadcast %jit3A_1034 : i32 to vector<10x64xi32>
        %select_n3A_1036 = arith.select %and3A_1033, %concatenate3A_967, %broadcast_in_dim3A_1035 : vector<10x64xi1>, vector<10x64xi32>
        %reduce_min3A_1037 = arith.constant dense<2147483647> : vector<64xi32>
        %reduce_min3A_1038 = vector.multi_reduction <minsi>, %select_n3A_1036, %reduce_min3A_1037 [0] : vector<10x64xi32> to vector<64xi32>
        %broadcast_in_dim3A_1039 = vector.shape_cast %reduce_min3A_1038 : vector<64xi32> to vector<1x64xi32>
        %eq3A_1040 = vector.broadcast %broadcast_in_dim3A_1039 : vector<1x64xi32> to vector<10x64xi32>
        %eq3A_1041 = arith.cmpi eq, %concatenate3A_967, %eq3A_1040 : vector<10x64xi32>
        %broadcast_in_dim3A_1042 = vector.broadcast %while3A_460 : f32 to vector<10x64xf32>
        %select_n3A_1043 = arith.select %eq3A_1041, %broadcast_in_dim3A_1042, %select_n3A_1024 : vector<10x64xi1>, vector<10x64xf32>
        %reduce_max3A_1044 = arith.constant dense<0xFF800000> : vector<64xf32>
        %reduce_max3A_1045 = vector.multi_reduction <maximumf>, %select_n3A_1043, %reduce_max3A_1044 [0] : vector<10x64xf32> to vector<64xf32>
        %broadcast_in_dim3A_1046 = vector.shape_cast %reduce_max3A_1045 : vector<64xf32> to vector<1x64xf32>
        %eq3A_1047 = vector.broadcast %broadcast_in_dim3A_1046 : vector<1x64xf32> to vector<10x64xf32>
        %eq3A_1048 = arith.cmpf oeq, %select_n3A_1043, %eq3A_1047 : vector<10x64xf32>
        %gt3A_1049 = vector.broadcast %while3A_460 : f32 to vector<1x64xf32>
        %gt3A_1050 = arith.cmpf ogt, %broadcast_in_dim3A_1046, %gt3A_1049 : vector<1x64xf32>
        %and3A_1051 = vector.broadcast %gt3A_1050 : vector<1x64xi1> to vector<10x64xi1>
        %and3A_1052 = arith.andi %eq3A_1048, %and3A_1051 : vector<10x64xi1>
        %jit3A_1053 = arith.constant 10000 : i32
        %broadcast_in_dim3A_1054 = vector.broadcast %jit3A_1053 : i32 to vector<10x64xi32>
        %select_n3A_1055 = arith.select %and3A_1052, %concatenate3A_967, %broadcast_in_dim3A_1054 : vector<10x64xi1>, vector<10x64xi32>
        %reduce_min3A_1056 = arith.constant dense<2147483647> : vector<64xi32>
        %reduce_min3A_1057 = vector.multi_reduction <minsi>, %select_n3A_1055, %reduce_min3A_1056 [0] : vector<10x64xi32> to vector<64xi32>
        %broadcast_in_dim3A_1058 = vector.shape_cast %reduce_min3A_1057 : vector<64xi32> to vector<1x64xi32>
        %concatenate3A_1059 = tpu.concatenate %broadcast_in_dim3A_970, %broadcast_in_dim3A_989, %broadcast_in_dim3A_1008, %broadcast_in_dim3A_1027, %broadcast_in_dim3A_1046 in 0 : vector<1x64xf32>, vector<1x64xf32>, vector<1x64xf32>, vector<1x64xf32>, vector<1x64xf32> -> vector<5x64xf32>
        %concatenate3A_1060 = tpu.concatenate %broadcast_in_dim3A_982, %broadcast_in_dim3A_1001, %broadcast_in_dim3A_1020, %broadcast_in_dim3A_1039, %broadcast_in_dim3A_1058 in 0 : vector<1x64xi32>, vector<1x64xi32>, vector<1x64xi32>, vector<1x64xi32>, vector<1x64xi32> -> vector<5x64xi32>
        scf.yield %concatenate3A_1059, %concatenate3A_1060 : vector<5x64xf32>, vector<5x64xi32>
      }
      %jit3A_471 = arith.constant 1000 : i32
      %div3A_472 = arith.divsi %get3A_67, %jit3A_471 : i32
      %sign3A_473 = arith.constant 0 : i32
      %sign3A_474 = arith.cmpi sgt, %get3A_67, %sign3A_473 : i32
      %sign3A_475 = arith.extui %sign3A_474 : i1 to i32
      %sign3A_476 = arith.constant 0 : i32
      %sign3A_477 = arith.cmpi slt, %get3A_67, %sign3A_476 : i32
      %sign3A_478 = arith.extui %sign3A_477 : i1 to i32
      %sign3A_479 = arith.subi %sign3A_475, %sign3A_478 : i32
      %sign3A_480 = arith.constant 0 : i32
      %sign3A_481 = arith.cmpi sgt, %jit3A_471, %sign3A_480 : i32
      %sign3A_482 = arith.extui %sign3A_481 : i1 to i32
      %sign3A_483 = arith.constant 0 : i32
      %sign3A_484 = arith.cmpi slt, %jit3A_471, %sign3A_483 : i32
      %sign3A_485 = arith.extui %sign3A_484 : i1 to i32
      %sign3A_486 = arith.subi %sign3A_482, %sign3A_485 : i32
      %ne3A_487 = arith.cmpi ne, %sign3A_479, %sign3A_486 : i32
      %rem3A_488 = arith.remsi %get3A_67, %jit3A_471 : i32
      %ne3A_489 = arith.constant 0 : i32
      %ne3A_490 = arith.cmpi ne, %rem3A_488, %ne3A_489 : i32
      %and3A_491 = arith.andi %ne3A_487, %ne3A_490 : i1
      %sub3A_492 = arith.constant 1 : i32
      %sub3A_493 = arith.subi %div3A_472, %sub3A_492 : i32
      %select_n3A_494 = arith.select %and3A_491, %sub3A_493, %div3A_472 : i32
      %add3A_495 = arith.constant 1000 : i32
      %add3A_496 = arith.addi %get3A_69, %add3A_495 : i32
      %sub3A_497 = arith.constant 1 : i32
      %sub3A_498 = arith.subi %add3A_496, %sub3A_497 : i32
      %jit3A_499 = arith.constant 1000 : i32
      %div3A_500 = arith.divsi %sub3A_498, %jit3A_499 : i32
      %sign3A_501 = arith.constant 0 : i32
      %sign3A_502 = arith.cmpi sgt, %sub3A_498, %sign3A_501 : i32
      %sign3A_503 = arith.extui %sign3A_502 : i1 to i32
      %sign3A_504 = arith.constant 0 : i32
      %sign3A_505 = arith.cmpi slt, %sub3A_498, %sign3A_504 : i32
      %sign3A_506 = arith.extui %sign3A_505 : i1 to i32
      %sign3A_507 = arith.subi %sign3A_503, %sign3A_506 : i32
      %sign3A_508 = arith.constant 0 : i32
      %sign3A_509 = arith.cmpi sgt, %jit3A_499, %sign3A_508 : i32
      %sign3A_510 = arith.extui %sign3A_509 : i1 to i32
      %sign3A_511 = arith.constant 0 : i32
      %sign3A_512 = arith.cmpi slt, %jit3A_499, %sign3A_511 : i32
      %sign3A_513 = arith.extui %sign3A_512 : i1 to i32
      %sign3A_514 = arith.subi %sign3A_510, %sign3A_513 : i32
      %ne3A_515 = arith.cmpi ne, %sign3A_507, %sign3A_514 : i32
      %rem3A_516 = arith.remsi %sub3A_498, %jit3A_499 : i32
      %ne3A_517 = arith.constant 0 : i32
      %ne3A_518 = arith.cmpi ne, %rem3A_516, %ne3A_517 : i32
      %and3A_519 = arith.andi %ne3A_515, %ne3A_518 : i1
      %sub3A_520 = arith.constant 1 : i32
      %sub3A_521 = arith.subi %div3A_500, %sub3A_520 : i32
      %select_n3A_522 = arith.select %and3A_519, %sub3A_521, %div3A_500 : i32
      %max3A_523 = arith.maxsi %select_n3A_522, %select_n3A_494 : i32
      %broadcast_in_dim3A_524 = arith.constant 0xFF800000 : f32
      %broadcast_in_dim3A_525 = vector.broadcast %broadcast_in_dim3A_524 : f32 to vector<5x64xf32>
      %broadcast_in_dim3A_526 = arith.constant 10000 : i32
      %broadcast_in_dim3A_527 = vector.broadcast %broadcast_in_dim3A_526 : i32 to vector<5x64xi32>
      %while3A_528 = arith.constant 0xFF800000 : f32
      %while3A_529 = arith.subi %max3A_523, %select_n3A_494 : i32
      %while3A_530 = arith.addi %select_n3A_494, %while3A_529 : i32
      %while3A_531 = arith.constant 1 : i32
      %while3A_532 = arith.divsi %while3A_529, %while3A_531 : i32
      %while3A_533 = arith.muli %while3A_532, %while3A_531 : i32
      %while3A_534 = arith.addi %select_n3A_494, %while3A_533 : i32
      %while3A_535 = arith.constant 1 : i32
      %while3A_536:2 = scf.for %while3A_860 = %select_n3A_494 to %while3A_534 step %while3A_535 iter_args(%while3A_861 = %broadcast_in_dim3A_525, %while3A_862 = %broadcast_in_dim3A_527) -> (vector<5x64xf32>, vector<5x64xi32>)  : i32 {
        %mul3A_863 = arith.constant 1000 : i32
        %mul3A_864 = arith.muli %while3A_860, %mul3A_863 : i32
        %get3A_865 = arith.index_cast %mul3A_864 : i32 to index
        %get3A_866 = arith.constant 0 : index
        %get3A_867 = vector.load %arg13[%get3A_865, %get3A_866] : memref<10000x64xf32, #tpu.memory_space<vmem>>, vector<1000x64xf32>
        %mul3A_868 = arith.constant 1000 : i32
        %mul3A_869 = arith.muli %while3A_860, %mul3A_868 : i32
        %add3A_870 = vector.broadcast %mul3A_869 : i32 to vector<1000x64xi32>
        %add3A_871 = arith.addi %iota3A_41, %add3A_870 : vector<1000x64xi32>
        %ge3A = vector.broadcast %get3A_67 : i32 to vector<1000x64xi32>
        %ge3A_872 = arith.cmpi sge, %add3A_871, %ge3A : vector<1000x64xi32>
        %lt3A = vector.broadcast %get3A_69 : i32 to vector<1000x64xi32>
        %lt3A_873 = arith.cmpi slt, %add3A_871, %lt3A : vector<1000x64xi32>
        %and3A_874 = arith.andi %ge3A_872, %lt3A_873 : vector<1000x64xi1>
        %broadcast_in_dim3A_875 = vector.broadcast %while3A_528 : f32 to vector<1000x64xf32>
        %select_n3A_876 = arith.select %and3A_874, %get3A_867, %broadcast_in_dim3A_875 : vector<1000x64xi1>, vector<1000x64xf32>
        %reduce_max3A = arith.constant dense<0xFF800000> : vector<64xf32>
        %reduce_max3A_877 = vector.multi_reduction <maximumf>, %select_n3A_876, %reduce_max3A [0] : vector<1000x64xf32> to vector<64xf32>
        %broadcast_in_dim3A_878 = vector.shape_cast %reduce_max3A_877 : vector<64xf32> to vector<1x64xf32>
        %eq3A_879 = vector.broadcast %broadcast_in_dim3A_878 : vector<1x64xf32> to vector<1000x64xf32>
        %eq3A_880 = arith.cmpf oeq, %select_n3A_876, %eq3A_879 : vector<1000x64xf32>
        %gt3A_881 = vector.broadcast %while3A_528 : f32 to vector<1x64xf32>
        %gt3A_882 = arith.cmpf ogt, %broadcast_in_dim3A_878, %gt3A_881 : vector<1x64xf32>
        %and3A_883 = vector.broadcast %gt3A_882 : vector<1x64xi1> to vector<1000x64xi1>
        %and3A_884 = arith.andi %eq3A_880, %and3A_883 : vector<1000x64xi1>
        %jit3A_885 = arith.constant 10000 : i32
        %broadcast_in_dim3A_886 = vector.broadcast %jit3A_885 : i32 to vector<1000x64xi32>
        %select_n3A_887 = arith.select %and3A_884, %add3A_871, %broadcast_in_dim3A_886 : vector<1000x64xi1>, vector<1000x64xi32>
        %reduce_min3A = arith.constant dense<2147483647> : vector<64xi32>
        %reduce_min3A_888 = vector.multi_reduction <minsi>, %select_n3A_887, %reduce_min3A [0] : vector<1000x64xi32> to vector<64xi32>
        %broadcast_in_dim3A_889 = vector.shape_cast %reduce_min3A_888 : vector<64xi32> to vector<1x64xi32>
        %eq3A_890 = vector.broadcast %broadcast_in_dim3A_889 : vector<1x64xi32> to vector<1000x64xi32>
        %eq3A_891 = arith.cmpi eq, %add3A_871, %eq3A_890 : vector<1000x64xi32>
        %broadcast_in_dim3A_892 = vector.broadcast %while3A_528 : f32 to vector<1000x64xf32>
        %select_n3A_893 = arith.select %eq3A_891, %broadcast_in_dim3A_892, %select_n3A_876 : vector<1000x64xi1>, vector<1000x64xf32>
        %reduce_max3A_894 = arith.constant dense<0xFF800000> : vector<64xf32>
        %reduce_max3A_895 = vector.multi_reduction <maximumf>, %select_n3A_893, %reduce_max3A_894 [0] : vector<1000x64xf32> to vector<64xf32>
        %broadcast_in_dim3A_896 = vector.shape_cast %reduce_max3A_895 : vector<64xf32> to vector<1x64xf32>
        %eq3A_897 = vector.broadcast %broadcast_in_dim3A_896 : vector<1x64xf32> to vector<1000x64xf32>
        %eq3A_898 = arith.cmpf oeq, %select_n3A_893, %eq3A_897 : vector<1000x64xf32>
        %gt3A_899 = vector.broadcast %while3A_528 : f32 to vector<1x64xf32>
        %gt3A_900 = arith.cmpf ogt, %broadcast_in_dim3A_896, %gt3A_899 : vector<1x64xf32>
        %and3A_901 = vector.broadcast %gt3A_900 : vector<1x64xi1> to vector<1000x64xi1>
        %and3A_902 = arith.andi %eq3A_898, %and3A_901 : vector<1000x64xi1>
        %jit3A_903 = arith.constant 10000 : i32
        %broadcast_in_dim3A_904 = vector.broadcast %jit3A_903 : i32 to vector<1000x64xi32>
        %select_n3A_905 = arith.select %and3A_902, %add3A_871, %broadcast_in_dim3A_904 : vector<1000x64xi1>, vector<1000x64xi32>
        %reduce_min3A_906 = arith.constant dense<2147483647> : vector<64xi32>
        %reduce_min3A_907 = vector.multi_reduction <minsi>, %select_n3A_905, %reduce_min3A_906 [0] : vector<1000x64xi32> to vector<64xi32>
        %broadcast_in_dim3A_908 = vector.shape_cast %reduce_min3A_907 : vector<64xi32> to vector<1x64xi32>
        %eq3A_909 = vector.broadcast %broadcast_in_dim3A_908 : vector<1x64xi32> to vector<1000x64xi32>
        %eq3A_910 = arith.cmpi eq, %add3A_871, %eq3A_909 : vector<1000x64xi32>
        %broadcast_in_dim3A_911 = vector.broadcast %while3A_528 : f32 to vector<1000x64xf32>
        %select_n3A_912 = arith.select %eq3A_910, %broadcast_in_dim3A_911, %select_n3A_893 : vector<1000x64xi1>, vector<1000x64xf32>
        %reduce_max3A_913 = arith.constant dense<0xFF800000> : vector<64xf32>
        %reduce_max3A_914 = vector.multi_reduction <maximumf>, %select_n3A_912, %reduce_max3A_913 [0] : vector<1000x64xf32> to vector<64xf32>
        %broadcast_in_dim3A_915 = vector.shape_cast %reduce_max3A_914 : vector<64xf32> to vector<1x64xf32>
        %eq3A_916 = vector.broadcast %broadcast_in_dim3A_915 : vector<1x64xf32> to vector<1000x64xf32>
        %eq3A_917 = arith.cmpf oeq, %select_n3A_912, %eq3A_916 : vector<1000x64xf32>
        %gt3A_918 = vector.broadcast %while3A_528 : f32 to vector<1x64xf32>
        %gt3A_919 = arith.cmpf ogt, %broadcast_in_dim3A_915, %gt3A_918 : vector<1x64xf32>
        %and3A_920 = vector.broadcast %gt3A_919 : vector<1x64xi1> to vector<1000x64xi1>
        %and3A_921 = arith.andi %eq3A_917, %and3A_920 : vector<1000x64xi1>
        %jit3A_922 = arith.constant 10000 : i32
        %broadcast_in_dim3A_923 = vector.broadcast %jit3A_922 : i32 to vector<1000x64xi32>
        %select_n3A_924 = arith.select %and3A_921, %add3A_871, %broadcast_in_dim3A_923 : vector<1000x64xi1>, vector<1000x64xi32>
        %reduce_min3A_925 = arith.constant dense<2147483647> : vector<64xi32>
        %reduce_min3A_926 = vector.multi_reduction <minsi>, %select_n3A_924, %reduce_min3A_925 [0] : vector<1000x64xi32> to vector<64xi32>
        %broadcast_in_dim3A_927 = vector.shape_cast %reduce_min3A_926 : vector<64xi32> to vector<1x64xi32>
        %eq3A_928 = vector.broadcast %broadcast_in_dim3A_927 : vector<1x64xi32> to vector<1000x64xi32>
        %eq3A_929 = arith.cmpi eq, %add3A_871, %eq3A_928 : vector<1000x64xi32>
        %broadcast_in_dim3A_930 = vector.broadcast %while3A_528 : f32 to vector<1000x64xf32>
        %select_n3A_931 = arith.select %eq3A_929, %broadcast_in_dim3A_930, %select_n3A_912 : vector<1000x64xi1>, vector<1000x64xf32>
        %reduce_max3A_932 = arith.constant dense<0xFF800000> : vector<64xf32>
        %reduce_max3A_933 = vector.multi_reduction <maximumf>, %select_n3A_931, %reduce_max3A_932 [0] : vector<1000x64xf32> to vector<64xf32>
        %broadcast_in_dim3A_934 = vector.shape_cast %reduce_max3A_933 : vector<64xf32> to vector<1x64xf32>
        %eq3A_935 = vector.broadcast %broadcast_in_dim3A_934 : vector<1x64xf32> to vector<1000x64xf32>
        %eq3A_936 = arith.cmpf oeq, %select_n3A_931, %eq3A_935 : vector<1000x64xf32>
        %gt3A_937 = vector.broadcast %while3A_528 : f32 to vector<1x64xf32>
        %gt3A_938 = arith.cmpf ogt, %broadcast_in_dim3A_934, %gt3A_937 : vector<1x64xf32>
        %and3A_939 = vector.broadcast %gt3A_938 : vector<1x64xi1> to vector<1000x64xi1>
        %and3A_940 = arith.andi %eq3A_936, %and3A_939 : vector<1000x64xi1>
        %jit3A_941 = arith.constant 10000 : i32
        %broadcast_in_dim3A_942 = vector.broadcast %jit3A_941 : i32 to vector<1000x64xi32>
        %select_n3A_943 = arith.select %and3A_940, %add3A_871, %broadcast_in_dim3A_942 : vector<1000x64xi1>, vector<1000x64xi32>
        %reduce_min3A_944 = arith.constant dense<2147483647> : vector<64xi32>
        %reduce_min3A_945 = vector.multi_reduction <minsi>, %select_n3A_943, %reduce_min3A_944 [0] : vector<1000x64xi32> to vector<64xi32>
        %broadcast_in_dim3A_946 = vector.shape_cast %reduce_min3A_945 : vector<64xi32> to vector<1x64xi32>
        %eq3A_947 = vector.broadcast %broadcast_in_dim3A_946 : vector<1x64xi32> to vector<1000x64xi32>
        %eq3A_948 = arith.cmpi eq, %add3A_871, %eq3A_947 : vector<1000x64xi32>
        %broadcast_in_dim3A_949 = vector.broadcast %while3A_528 : f32 to vector<1000x64xf32>
        %select_n3A_950 = arith.select %eq3A_948, %broadcast_in_dim3A_949, %select_n3A_931 : vector<1000x64xi1>, vector<1000x64xf32>
        %reduce_max3A_951 = arith.constant dense<0xFF800000> : vector<64xf32>
        %reduce_max3A_952 = vector.multi_reduction <maximumf>, %select_n3A_950, %reduce_max3A_951 [0] : vector<1000x64xf32> to vector<64xf32>
        %broadcast_in_dim3A_953 = vector.shape_cast %reduce_max3A_952 : vector<64xf32> to vector<1x64xf32>
        %eq3A_954 = vector.broadcast %broadcast_in_dim3A_953 : vector<1x64xf32> to vector<1000x64xf32>
        %eq3A_955 = arith.cmpf oeq, %select_n3A_950, %eq3A_954 : vector<1000x64xf32>
        %gt3A_956 = vector.broadcast %while3A_528 : f32 to vector<1x64xf32>
        %gt3A_957 = arith.cmpf ogt, %broadcast_in_dim3A_953, %gt3A_956 : vector<1x64xf32>
        %and3A_958 = vector.broadcast %gt3A_957 : vector<1x64xi1> to vector<1000x64xi1>
        %and3A_959 = arith.andi %eq3A_955, %and3A_958 : vector<1000x64xi1>
        %jit3A_960 = arith.constant 10000 : i32
        %broadcast_in_dim3A_961 = vector.broadcast %jit3A_960 : i32 to vector<1000x64xi32>
        %select_n3A_962 = arith.select %and3A_959, %add3A_871, %broadcast_in_dim3A_961 : vector<1000x64xi1>, vector<1000x64xi32>
        %reduce_min3A_963 = arith.constant dense<2147483647> : vector<64xi32>
        %reduce_min3A_964 = vector.multi_reduction <minsi>, %select_n3A_962, %reduce_min3A_963 [0] : vector<1000x64xi32> to vector<64xi32>
        %broadcast_in_dim3A_965 = vector.shape_cast %reduce_min3A_964 : vector<64xi32> to vector<1x64xi32>
        %concatenate3A_966 = tpu.concatenate %broadcast_in_dim3A_878, %broadcast_in_dim3A_896, %broadcast_in_dim3A_915, %broadcast_in_dim3A_934, %broadcast_in_dim3A_953, %while3A_861 in 0 : vector<1x64xf32>, vector<1x64xf32>, vector<1x64xf32>, vector<1x64xf32>, vector<1x64xf32>, vector<5x64xf32> -> vector<10x64xf32>
        %concatenate3A_967 = tpu.concatenate %broadcast_in_dim3A_889, %broadcast_in_dim3A_908, %broadcast_in_dim3A_927, %broadcast_in_dim3A_946, %broadcast_in_dim3A_965, %while3A_862 in 0 : vector<1x64xi32>, vector<1x64xi32>, vector<1x64xi32>, vector<1x64xi32>, vector<1x64xi32>, vector<5x64xi32> -> vector<10x64xi32>
        %reduce_max3A_968 = arith.constant dense<0xFF800000> : vector<64xf32>
        %reduce_max3A_969 = vector.multi_reduction <maximumf>, %concatenate3A_966, %reduce_max3A_968 [0] : vector<10x64xf32> to vector<64xf32>
        %broadcast_in_dim3A_970 = vector.shape_cast %reduce_max3A_969 : vector<64xf32> to vector<1x64xf32>
        %eq3A_971 = vector.broadcast %broadcast_in_dim3A_970 : vector<1x64xf32> to vector<10x64xf32>
        %eq3A_972 = arith.cmpf oeq, %concatenate3A_966, %eq3A_971 : vector<10x64xf32>
        %gt3A_973 = vector.broadcast %while3A_528 : f32 to vector<1x64xf32>
        %gt3A_974 = arith.cmpf ogt, %broadcast_in_dim3A_970, %gt3A_973 : vector<1x64xf32>
        %and3A_975 = vector.broadcast %gt3A_974 : vector<1x64xi1> to vector<10x64xi1>
        %and3A_976 = arith.andi %eq3A_972, %and3A_975 : vector<10x64xi1>
        %jit3A_977 = arith.constant 10000 : i32
        %broadcast_in_dim3A_978 = vector.broadcast %jit3A_977 : i32 to vector<10x64xi32>
        %select_n3A_979 = arith.select %and3A_976, %concatenate3A_967, %broadcast_in_dim3A_978 : vector<10x64xi1>, vector<10x64xi32>
        %reduce_min3A_980 = arith.constant dense<2147483647> : vector<64xi32>
        %reduce_min3A_981 = vector.multi_reduction <minsi>, %select_n3A_979, %reduce_min3A_980 [0] : vector<10x64xi32> to vector<64xi32>
        %broadcast_in_dim3A_982 = vector.shape_cast %reduce_min3A_981 : vector<64xi32> to vector<1x64xi32>
        %eq3A_983 = vector.broadcast %broadcast_in_dim3A_982 : vector<1x64xi32> to vector<10x64xi32>
        %eq3A_984 = arith.cmpi eq, %concatenate3A_967, %eq3A_983 : vector<10x64xi32>
        %broadcast_in_dim3A_985 = vector.broadcast %while3A_528 : f32 to vector<10x64xf32>
        %select_n3A_986 = arith.select %eq3A_984, %broadcast_in_dim3A_985, %concatenate3A_966 : vector<10x64xi1>, vector<10x64xf32>
        %reduce_max3A_987 = arith.constant dense<0xFF800000> : vector<64xf32>
        %reduce_max3A_988 = vector.multi_reduction <maximumf>, %select_n3A_986, %reduce_max3A_987 [0] : vector<10x64xf32> to vector<64xf32>
        %broadcast_in_dim3A_989 = vector.shape_cast %reduce_max3A_988 : vector<64xf32> to vector<1x64xf32>
        %eq3A_990 = vector.broadcast %broadcast_in_dim3A_989 : vector<1x64xf32> to vector<10x64xf32>
        %eq3A_991 = arith.cmpf oeq, %select_n3A_986, %eq3A_990 : vector<10x64xf32>
        %gt3A_992 = vector.broadcast %while3A_528 : f32 to vector<1x64xf32>
        %gt3A_993 = arith.cmpf ogt, %broadcast_in_dim3A_989, %gt3A_992 : vector<1x64xf32>
        %and3A_994 = vector.broadcast %gt3A_993 : vector<1x64xi1> to vector<10x64xi1>
        %and3A_995 = arith.andi %eq3A_991, %and3A_994 : vector<10x64xi1>
        %jit3A_996 = arith.constant 10000 : i32
        %broadcast_in_dim3A_997 = vector.broadcast %jit3A_996 : i32 to vector<10x64xi32>
        %select_n3A_998 = arith.select %and3A_995, %concatenate3A_967, %broadcast_in_dim3A_997 : vector<10x64xi1>, vector<10x64xi32>
        %reduce_min3A_999 = arith.constant dense<2147483647> : vector<64xi32>
        %reduce_min3A_1000 = vector.multi_reduction <minsi>, %select_n3A_998, %reduce_min3A_999 [0] : vector<10x64xi32> to vector<64xi32>
        %broadcast_in_dim3A_1001 = vector.shape_cast %reduce_min3A_1000 : vector<64xi32> to vector<1x64xi32>
        %eq3A_1002 = vector.broadcast %broadcast_in_dim3A_1001 : vector<1x64xi32> to vector<10x64xi32>
        %eq3A_1003 = arith.cmpi eq, %concatenate3A_967, %eq3A_1002 : vector<10x64xi32>
        %broadcast_in_dim3A_1004 = vector.broadcast %while3A_528 : f32 to vector<10x64xf32>
        %select_n3A_1005 = arith.select %eq3A_1003, %broadcast_in_dim3A_1004, %select_n3A_986 : vector<10x64xi1>, vector<10x64xf32>
        %reduce_max3A_1006 = arith.constant dense<0xFF800000> : vector<64xf32>
        %reduce_max3A_1007 = vector.multi_reduction <maximumf>, %select_n3A_1005, %reduce_max3A_1006 [0] : vector<10x64xf32> to vector<64xf32>
        %broadcast_in_dim3A_1008 = vector.shape_cast %reduce_max3A_1007 : vector<64xf32> to vector<1x64xf32>
        %eq3A_1009 = vector.broadcast %broadcast_in_dim3A_1008 : vector<1x64xf32> to vector<10x64xf32>
        %eq3A_1010 = arith.cmpf oeq, %select_n3A_1005, %eq3A_1009 : vector<10x64xf32>
        %gt3A_1011 = vector.broadcast %while3A_528 : f32 to vector<1x64xf32>
        %gt3A_1012 = arith.cmpf ogt, %broadcast_in_dim3A_1008, %gt3A_1011 : vector<1x64xf32>
        %and3A_1013 = vector.broadcast %gt3A_1012 : vector<1x64xi1> to vector<10x64xi1>
        %and3A_1014 = arith.andi %eq3A_1010, %and3A_1013 : vector<10x64xi1>
        %jit3A_1015 = arith.constant 10000 : i32
        %broadcast_in_dim3A_1016 = vector.broadcast %jit3A_1015 : i32 to vector<10x64xi32>
        %select_n3A_1017 = arith.select %and3A_1014, %concatenate3A_967, %broadcast_in_dim3A_1016 : vector<10x64xi1>, vector<10x64xi32>
        %reduce_min3A_1018 = arith.constant dense<2147483647> : vector<64xi32>
        %reduce_min3A_1019 = vector.multi_reduction <minsi>, %select_n3A_1017, %reduce_min3A_1018 [0] : vector<10x64xi32> to vector<64xi32>
        %broadcast_in_dim3A_1020 = vector.shape_cast %reduce_min3A_1019 : vector<64xi32> to vector<1x64xi32>
        %eq3A_1021 = vector.broadcast %broadcast_in_dim3A_1020 : vector<1x64xi32> to vector<10x64xi32>
        %eq3A_1022 = arith.cmpi eq, %concatenate3A_967, %eq3A_1021 : vector<10x64xi32>
        %broadcast_in_dim3A_1023 = vector.broadcast %while3A_528 : f32 to vector<10x64xf32>
        %select_n3A_1024 = arith.select %eq3A_1022, %broadcast_in_dim3A_1023, %select_n3A_1005 : vector<10x64xi1>, vector<10x64xf32>
        %reduce_max3A_1025 = arith.constant dense<0xFF800000> : vector<64xf32>
        %reduce_max3A_1026 = vector.multi_reduction <maximumf>, %select_n3A_1024, %reduce_max3A_1025 [0] : vector<10x64xf32> to vector<64xf32>
        %broadcast_in_dim3A_1027 = vector.shape_cast %reduce_max3A_1026 : vector<64xf32> to vector<1x64xf32>
        %eq3A_1028 = vector.broadcast %broadcast_in_dim3A_1027 : vector<1x64xf32> to vector<10x64xf32>
        %eq3A_1029 = arith.cmpf oeq, %select_n3A_1024, %eq3A_1028 : vector<10x64xf32>
        %gt3A_1030 = vector.broadcast %while3A_528 : f32 to vector<1x64xf32>
        %gt3A_1031 = arith.cmpf ogt, %broadcast_in_dim3A_1027, %gt3A_1030 : vector<1x64xf32>
        %and3A_1032 = vector.broadcast %gt3A_1031 : vector<1x64xi1> to vector<10x64xi1>
        %and3A_1033 = arith.andi %eq3A_1029, %and3A_1032 : vector<10x64xi1>
        %jit3A_1034 = arith.constant 10000 : i32
        %broadcast_in_dim3A_1035 = vector.broadcast %jit3A_1034 : i32 to vector<10x64xi32>
        %select_n3A_1036 = arith.select %and3A_1033, %concatenate3A_967, %broadcast_in_dim3A_1035 : vector<10x64xi1>, vector<10x64xi32>
        %reduce_min3A_1037 = arith.constant dense<2147483647> : vector<64xi32>
        %reduce_min3A_1038 = vector.multi_reduction <minsi>, %select_n3A_1036, %reduce_min3A_1037 [0] : vector<10x64xi32> to vector<64xi32>
        %broadcast_in_dim3A_1039 = vector.shape_cast %reduce_min3A_1038 : vector<64xi32> to vector<1x64xi32>
        %eq3A_1040 = vector.broadcast %broadcast_in_dim3A_1039 : vector<1x64xi32> to vector<10x64xi32>
        %eq3A_1041 = arith.cmpi eq, %concatenate3A_967, %eq3A_1040 : vector<10x64xi32>
        %broadcast_in_dim3A_1042 = vector.broadcast %while3A_528 : f32 to vector<10x64xf32>
        %select_n3A_1043 = arith.select %eq3A_1041, %broadcast_in_dim3A_1042, %select_n3A_1024 : vector<10x64xi1>, vector<10x64xf32>
        %reduce_max3A_1044 = arith.constant dense<0xFF800000> : vector<64xf32>
        %reduce_max3A_1045 = vector.multi_reduction <maximumf>, %select_n3A_1043, %reduce_max3A_1044 [0] : vector<10x64xf32> to vector<64xf32>
        %broadcast_in_dim3A_1046 = vector.shape_cast %reduce_max3A_1045 : vector<64xf32> to vector<1x64xf32>
        %eq3A_1047 = vector.broadcast %broadcast_in_dim3A_1046 : vector<1x64xf32> to vector<10x64xf32>
        %eq3A_1048 = arith.cmpf oeq, %select_n3A_1043, %eq3A_1047 : vector<10x64xf32>
        %gt3A_1049 = vector.broadcast %while3A_528 : f32 to vector<1x64xf32>
        %gt3A_1050 = arith.cmpf ogt, %broadcast_in_dim3A_1046, %gt3A_1049 : vector<1x64xf32>
        %and3A_1051 = vector.broadcast %gt3A_1050 : vector<1x64xi1> to vector<10x64xi1>
        %and3A_1052 = arith.andi %eq3A_1048, %and3A_1051 : vector<10x64xi1>
        %jit3A_1053 = arith.constant 10000 : i32
        %broadcast_in_dim3A_1054 = vector.broadcast %jit3A_1053 : i32 to vector<10x64xi32>
        %select_n3A_1055 = arith.select %and3A_1052, %concatenate3A_967, %broadcast_in_dim3A_1054 : vector<10x64xi1>, vector<10x64xi32>
        %reduce_min3A_1056 = arith.constant dense<2147483647> : vector<64xi32>
        %reduce_min3A_1057 = vector.multi_reduction <minsi>, %select_n3A_1055, %reduce_min3A_1056 [0] : vector<10x64xi32> to vector<64xi32>
        %broadcast_in_dim3A_1058 = vector.shape_cast %reduce_min3A_1057 : vector<64xi32> to vector<1x64xi32>
        %concatenate3A_1059 = tpu.concatenate %broadcast_in_dim3A_970, %broadcast_in_dim3A_989, %broadcast_in_dim3A_1008, %broadcast_in_dim3A_1027, %broadcast_in_dim3A_1046 in 0 : vector<1x64xf32>, vector<1x64xf32>, vector<1x64xf32>, vector<1x64xf32>, vector<1x64xf32> -> vector<5x64xf32>
        %concatenate3A_1060 = tpu.concatenate %broadcast_in_dim3A_982, %broadcast_in_dim3A_1001, %broadcast_in_dim3A_1020, %broadcast_in_dim3A_1039, %broadcast_in_dim3A_1058 in 0 : vector<1x64xi32>, vector<1x64xi32>, vector<1x64xi32>, vector<1x64xi32>, vector<1x64xi32> -> vector<5x64xi32>
        scf.yield %concatenate3A_1059, %concatenate3A_1060 : vector<5x64xf32>, vector<5x64xi32>
      }
      %while3A_537 = arith.constant 1 : i32
      %while3A_538:2 = scf.for %while3A_860 = %while3A_534 to %while3A_530 step %while3A_537 iter_args(%while3A_861 = %while3A_536#0, %while3A_862 = %while3A_536#1) -> (vector<5x64xf32>, vector<5x64xi32>)  : i32 {
        %mul3A_863 = arith.constant 1000 : i32
        %mul3A_864 = arith.muli %while3A_860, %mul3A_863 : i32
        %get3A_865 = arith.index_cast %mul3A_864 : i32 to index
        %get3A_866 = arith.constant 0 : index
        %get3A_867 = vector.load %arg13[%get3A_865, %get3A_866] : memref<10000x64xf32, #tpu.memory_space<vmem>>, vector<1000x64xf32>
        %mul3A_868 = arith.constant 1000 : i32
        %mul3A_869 = arith.muli %while3A_860, %mul3A_868 : i32
        %add3A_870 = vector.broadcast %mul3A_869 : i32 to vector<1000x64xi32>
        %add3A_871 = arith.addi %iota3A_41, %add3A_870 : vector<1000x64xi32>
        %ge3A = vector.broadcast %get3A_67 : i32 to vector<1000x64xi32>
        %ge3A_872 = arith.cmpi sge, %add3A_871, %ge3A : vector<1000x64xi32>
        %lt3A = vector.broadcast %get3A_69 : i32 to vector<1000x64xi32>
        %lt3A_873 = arith.cmpi slt, %add3A_871, %lt3A : vector<1000x64xi32>
        %and3A_874 = arith.andi %ge3A_872, %lt3A_873 : vector<1000x64xi1>
        %broadcast_in_dim3A_875 = vector.broadcast %while3A_528 : f32 to vector<1000x64xf32>
        %select_n3A_876 = arith.select %and3A_874, %get3A_867, %broadcast_in_dim3A_875 : vector<1000x64xi1>, vector<1000x64xf32>
        %reduce_max3A = arith.constant dense<0xFF800000> : vector<64xf32>
        %reduce_max3A_877 = vector.multi_reduction <maximumf>, %select_n3A_876, %reduce_max3A [0] : vector<1000x64xf32> to vector<64xf32>
        %broadcast_in_dim3A_878 = vector.shape_cast %reduce_max3A_877 : vector<64xf32> to vector<1x64xf32>
        %eq3A_879 = vector.broadcast %broadcast_in_dim3A_878 : vector<1x64xf32> to vector<1000x64xf32>
        %eq3A_880 = arith.cmpf oeq, %select_n3A_876, %eq3A_879 : vector<1000x64xf32>
        %gt3A_881 = vector.broadcast %while3A_528 : f32 to vector<1x64xf32>
        %gt3A_882 = arith.cmpf ogt, %broadcast_in_dim3A_878, %gt3A_881 : vector<1x64xf32>
        %and3A_883 = vector.broadcast %gt3A_882 : vector<1x64xi1> to vector<1000x64xi1>
        %and3A_884 = arith.andi %eq3A_880, %and3A_883 : vector<1000x64xi1>
        %jit3A_885 = arith.constant 10000 : i32
        %broadcast_in_dim3A_886 = vector.broadcast %jit3A_885 : i32 to vector<1000x64xi32>
        %select_n3A_887 = arith.select %and3A_884, %add3A_871, %broadcast_in_dim3A_886 : vector<1000x64xi1>, vector<1000x64xi32>
        %reduce_min3A = arith.constant dense<2147483647> : vector<64xi32>
        %reduce_min3A_888 = vector.multi_reduction <minsi>, %select_n3A_887, %reduce_min3A [0] : vector<1000x64xi32> to vector<64xi32>
        %broadcast_in_dim3A_889 = vector.shape_cast %reduce_min3A_888 : vector<64xi32> to vector<1x64xi32>
        %eq3A_890 = vector.broadcast %broadcast_in_dim3A_889 : vector<1x64xi32> to vector<1000x64xi32>
        %eq3A_891 = arith.cmpi eq, %add3A_871, %eq3A_890 : vector<1000x64xi32>
        %broadcast_in_dim3A_892 = vector.broadcast %while3A_528 : f32 to vector<1000x64xf32>
        %select_n3A_893 = arith.select %eq3A_891, %broadcast_in_dim3A_892, %select_n3A_876 : vector<1000x64xi1>, vector<1000x64xf32>
        %reduce_max3A_894 = arith.constant dense<0xFF800000> : vector<64xf32>
        %reduce_max3A_895 = vector.multi_reduction <maximumf>, %select_n3A_893, %reduce_max3A_894 [0] : vector<1000x64xf32> to vector<64xf32>
        %broadcast_in_dim3A_896 = vector.shape_cast %reduce_max3A_895 : vector<64xf32> to vector<1x64xf32>
        %eq3A_897 = vector.broadcast %broadcast_in_dim3A_896 : vector<1x64xf32> to vector<1000x64xf32>
        %eq3A_898 = arith.cmpf oeq, %select_n3A_893, %eq3A_897 : vector<1000x64xf32>
        %gt3A_899 = vector.broadcast %while3A_528 : f32 to vector<1x64xf32>
        %gt3A_900 = arith.cmpf ogt, %broadcast_in_dim3A_896, %gt3A_899 : vector<1x64xf32>
        %and3A_901 = vector.broadcast %gt3A_900 : vector<1x64xi1> to vector<1000x64xi1>
        %and3A_902 = arith.andi %eq3A_898, %and3A_901 : vector<1000x64xi1>
        %jit3A_903 = arith.constant 10000 : i32
        %broadcast_in_dim3A_904 = vector.broadcast %jit3A_903 : i32 to vector<1000x64xi32>
        %select_n3A_905 = arith.select %and3A_902, %add3A_871, %broadcast_in_dim3A_904 : vector<1000x64xi1>, vector<1000x64xi32>
        %reduce_min3A_906 = arith.constant dense<2147483647> : vector<64xi32>
        %reduce_min3A_907 = vector.multi_reduction <minsi>, %select_n3A_905, %reduce_min3A_906 [0] : vector<1000x64xi32> to vector<64xi32>
        %broadcast_in_dim3A_908 = vector.shape_cast %reduce_min3A_907 : vector<64xi32> to vector<1x64xi32>
        %eq3A_909 = vector.broadcast %broadcast_in_dim3A_908 : vector<1x64xi32> to vector<1000x64xi32>
        %eq3A_910 = arith.cmpi eq, %add3A_871, %eq3A_909 : vector<1000x64xi32>
        %broadcast_in_dim3A_911 = vector.broadcast %while3A_528 : f32 to vector<1000x64xf32>
        %select_n3A_912 = arith.select %eq3A_910, %broadcast_in_dim3A_911, %select_n3A_893 : vector<1000x64xi1>, vector<1000x64xf32>
        %reduce_max3A_913 = arith.constant dense<0xFF800000> : vector<64xf32>
        %reduce_max3A_914 = vector.multi_reduction <maximumf>, %select_n3A_912, %reduce_max3A_913 [0] : vector<1000x64xf32> to vector<64xf32>
        %broadcast_in_dim3A_915 = vector.shape_cast %reduce_max3A_914 : vector<64xf32> to vector<1x64xf32>
        %eq3A_916 = vector.broadcast %broadcast_in_dim3A_915 : vector<1x64xf32> to vector<1000x64xf32>
        %eq3A_917 = arith.cmpf oeq, %select_n3A_912, %eq3A_916 : vector<1000x64xf32>
        %gt3A_918 = vector.broadcast %while3A_528 : f32 to vector<1x64xf32>
        %gt3A_919 = arith.cmpf ogt, %broadcast_in_dim3A_915, %gt3A_918 : vector<1x64xf32>
        %and3A_920 = vector.broadcast %gt3A_919 : vector<1x64xi1> to vector<1000x64xi1>
        %and3A_921 = arith.andi %eq3A_917, %and3A_920 : vector<1000x64xi1>
        %jit3A_922 = arith.constant 10000 : i32
        %broadcast_in_dim3A_923 = vector.broadcast %jit3A_922 : i32 to vector<1000x64xi32>
        %select_n3A_924 = arith.select %and3A_921, %add3A_871, %broadcast_in_dim3A_923 : vector<1000x64xi1>, vector<1000x64xi32>
        %reduce_min3A_925 = arith.constant dense<2147483647> : vector<64xi32>
        %reduce_min3A_926 = vector.multi_reduction <minsi>, %select_n3A_924, %reduce_min3A_925 [0] : vector<1000x64xi32> to vector<64xi32>
        %broadcast_in_dim3A_927 = vector.shape_cast %reduce_min3A_926 : vector<64xi32> to vector<1x64xi32>
        %eq3A_928 = vector.broadcast %broadcast_in_dim3A_927 : vector<1x64xi32> to vector<1000x64xi32>
        %eq3A_929 = arith.cmpi eq, %add3A_871, %eq3A_928 : vector<1000x64xi32>
        %broadcast_in_dim3A_930 = vector.broadcast %while3A_528 : f32 to vector<1000x64xf32>
        %select_n3A_931 = arith.select %eq3A_929, %broadcast_in_dim3A_930, %select_n3A_912 : vector<1000x64xi1>, vector<1000x64xf32>
        %reduce_max3A_932 = arith.constant dense<0xFF800000> : vector<64xf32>
        %reduce_max3A_933 = vector.multi_reduction <maximumf>, %select_n3A_931, %reduce_max3A_932 [0] : vector<1000x64xf32> to vector<64xf32>
        %broadcast_in_dim3A_934 = vector.shape_cast %reduce_max3A_933 : vector<64xf32> to vector<1x64xf32>
        %eq3A_935 = vector.broadcast %broadcast_in_dim3A_934 : vector<1x64xf32> to vector<1000x64xf32>
        %eq3A_936 = arith.cmpf oeq, %select_n3A_931, %eq3A_935 : vector<1000x64xf32>
        %gt3A_937 = vector.broadcast %while3A_528 : f32 to vector<1x64xf32>
        %gt3A_938 = arith.cmpf ogt, %broadcast_in_dim3A_934, %gt3A_937 : vector<1x64xf32>
        %and3A_939 = vector.broadcast %gt3A_938 : vector<1x64xi1> to vector<1000x64xi1>
        %and3A_940 = arith.andi %eq3A_936, %and3A_939 : vector<1000x64xi1>
        %jit3A_941 = arith.constant 10000 : i32
        %broadcast_in_dim3A_942 = vector.broadcast %jit3A_941 : i32 to vector<1000x64xi32>
        %select_n3A_943 = arith.select %and3A_940, %add3A_871, %broadcast_in_dim3A_942 : vector<1000x64xi1>, vector<1000x64xi32>
        %reduce_min3A_944 = arith.constant dense<2147483647> : vector<64xi32>
        %reduce_min3A_945 = vector.multi_reduction <minsi>, %select_n3A_943, %reduce_min3A_944 [0] : vector<1000x64xi32> to vector<64xi32>
        %broadcast_in_dim3A_946 = vector.shape_cast %reduce_min3A_945 : vector<64xi32> to vector<1x64xi32>
        %eq3A_947 = vector.broadcast %broadcast_in_dim3A_946 : vector<1x64xi32> to vector<1000x64xi32>
        %eq3A_948 = arith.cmpi eq, %add3A_871, %eq3A_947 : vector<1000x64xi32>
        %broadcast_in_dim3A_949 = vector.broadcast %while3A_528 : f32 to vector<1000x64xf32>
        %select_n3A_950 = arith.select %eq3A_948, %broadcast_in_dim3A_949, %select_n3A_931 : vector<1000x64xi1>, vector<1000x64xf32>
        %reduce_max3A_951 = arith.constant dense<0xFF800000> : vector<64xf32>
        %reduce_max3A_952 = vector.multi_reduction <maximumf>, %select_n3A_950, %reduce_max3A_951 [0] : vector<1000x64xf32> to vector<64xf32>
        %broadcast_in_dim3A_953 = vector.shape_cast %reduce_max3A_952 : vector<64xf32> to vector<1x64xf32>
        %eq3A_954 = vector.broadcast %broadcast_in_dim3A_953 : vector<1x64xf32> to vector<1000x64xf32>
        %eq3A_955 = arith.cmpf oeq, %select_n3A_950, %eq3A_954 : vector<1000x64xf32>
        %gt3A_956 = vector.broadcast %while3A_528 : f32 to vector<1x64xf32>
        %gt3A_957 = arith.cmpf ogt, %broadcast_in_dim3A_953, %gt3A_956 : vector<1x64xf32>
        %and3A_958 = vector.broadcast %gt3A_957 : vector<1x64xi1> to vector<1000x64xi1>
        %and3A_959 = arith.andi %eq3A_955, %and3A_958 : vector<1000x64xi1>
        %jit3A_960 = arith.constant 10000 : i32
        %broadcast_in_dim3A_961 = vector.broadcast %jit3A_960 : i32 to vector<1000x64xi32>
        %select_n3A_962 = arith.select %and3A_959, %add3A_871, %broadcast_in_dim3A_961 : vector<1000x64xi1>, vector<1000x64xi32>
        %reduce_min3A_963 = arith.constant dense<2147483647> : vector<64xi32>
        %reduce_min3A_964 = vector.multi_reduction <minsi>, %select_n3A_962, %reduce_min3A_963 [0] : vector<1000x64xi32> to vector<64xi32>
        %broadcast_in_dim3A_965 = vector.shape_cast %reduce_min3A_964 : vector<64xi32> to vector<1x64xi32>
        %concatenate3A_966 = tpu.concatenate %broadcast_in_dim3A_878, %broadcast_in_dim3A_896, %broadcast_in_dim3A_915, %broadcast_in_dim3A_934, %broadcast_in_dim3A_953, %while3A_861 in 0 : vector<1x64xf32>, vector<1x64xf32>, vector<1x64xf32>, vector<1x64xf32>, vector<1x64xf32>, vector<5x64xf32> -> vector<10x64xf32>
        %concatenate3A_967 = tpu.concatenate %broadcast_in_dim3A_889, %broadcast_in_dim3A_908, %broadcast_in_dim3A_927, %broadcast_in_dim3A_946, %broadcast_in_dim3A_965, %while3A_862 in 0 : vector<1x64xi32>, vector<1x64xi32>, vector<1x64xi32>, vector<1x64xi32>, vector<1x64xi32>, vector<5x64xi32> -> vector<10x64xi32>
        %reduce_max3A_968 = arith.constant dense<0xFF800000> : vector<64xf32>
        %reduce_max3A_969 = vector.multi_reduction <maximumf>, %concatenate3A_966, %reduce_max3A_968 [0] : vector<10x64xf32> to vector<64xf32>
        %broadcast_in_dim3A_970 = vector.shape_cast %reduce_max3A_969 : vector<64xf32> to vector<1x64xf32>
        %eq3A_971 = vector.broadcast %broadcast_in_dim3A_970 : vector<1x64xf32> to vector<10x64xf32>
        %eq3A_972 = arith.cmpf oeq, %concatenate3A_966, %eq3A_971 : vector<10x64xf32>
        %gt3A_973 = vector.broadcast %while3A_528 : f32 to vector<1x64xf32>
        %gt3A_974 = arith.cmpf ogt, %broadcast_in_dim3A_970, %gt3A_973 : vector<1x64xf32>
        %and3A_975 = vector.broadcast %gt3A_974 : vector<1x64xi1> to vector<10x64xi1>
        %and3A_976 = arith.andi %eq3A_972, %and3A_975 : vector<10x64xi1>
        %jit3A_977 = arith.constant 10000 : i32
        %broadcast_in_dim3A_978 = vector.broadcast %jit3A_977 : i32 to vector<10x64xi32>
        %select_n3A_979 = arith.select %and3A_976, %concatenate3A_967, %broadcast_in_dim3A_978 : vector<10x64xi1>, vector<10x64xi32>
        %reduce_min3A_980 = arith.constant dense<2147483647> : vector<64xi32>
        %reduce_min3A_981 = vector.multi_reduction <minsi>, %select_n3A_979, %reduce_min3A_980 [0] : vector<10x64xi32> to vector<64xi32>
        %broadcast_in_dim3A_982 = vector.shape_cast %reduce_min3A_981 : vector<64xi32> to vector<1x64xi32>
        %eq3A_983 = vector.broadcast %broadcast_in_dim3A_982 : vector<1x64xi32> to vector<10x64xi32>
        %eq3A_984 = arith.cmpi eq, %concatenate3A_967, %eq3A_983 : vector<10x64xi32>
        %broadcast_in_dim3A_985 = vector.broadcast %while3A_528 : f32 to vector<10x64xf32>
        %select_n3A_986 = arith.select %eq3A_984, %broadcast_in_dim3A_985, %concatenate3A_966 : vector<10x64xi1>, vector<10x64xf32>
        %reduce_max3A_987 = arith.constant dense<0xFF800000> : vector<64xf32>
        %reduce_max3A_988 = vector.multi_reduction <maximumf>, %select_n3A_986, %reduce_max3A_987 [0] : vector<10x64xf32> to vector<64xf32>
        %broadcast_in_dim3A_989 = vector.shape_cast %reduce_max3A_988 : vector<64xf32> to vector<1x64xf32>
        %eq3A_990 = vector.broadcast %broadcast_in_dim3A_989 : vector<1x64xf32> to vector<10x64xf32>
        %eq3A_991 = arith.cmpf oeq, %select_n3A_986, %eq3A_990 : vector<10x64xf32>
        %gt3A_992 = vector.broadcast %while3A_528 : f32 to vector<1x64xf32>
        %gt3A_993 = arith.cmpf ogt, %broadcast_in_dim3A_989, %gt3A_992 : vector<1x64xf32>
        %and3A_994 = vector.broadcast %gt3A_993 : vector<1x64xi1> to vector<10x64xi1>
        %and3A_995 = arith.andi %eq3A_991, %and3A_994 : vector<10x64xi1>
        %jit3A_996 = arith.constant 10000 : i32
        %broadcast_in_dim3A_997 = vector.broadcast %jit3A_996 : i32 to vector<10x64xi32>
        %select_n3A_998 = arith.select %and3A_995, %concatenate3A_967, %broadcast_in_dim3A_997 : vector<10x64xi1>, vector<10x64xi32>
        %reduce_min3A_999 = arith.constant dense<2147483647> : vector<64xi32>
        %reduce_min3A_1000 = vector.multi_reduction <minsi>, %select_n3A_998, %reduce_min3A_999 [0] : vector<10x64xi32> to vector<64xi32>
        %broadcast_in_dim3A_1001 = vector.shape_cast %reduce_min3A_1000 : vector<64xi32> to vector<1x64xi32>
        %eq3A_1002 = vector.broadcast %broadcast_in_dim3A_1001 : vector<1x64xi32> to vector<10x64xi32>
        %eq3A_1003 = arith.cmpi eq, %concatenate3A_967, %eq3A_1002 : vector<10x64xi32>
        %broadcast_in_dim3A_1004 = vector.broadcast %while3A_528 : f32 to vector<10x64xf32>
        %select_n3A_1005 = arith.select %eq3A_1003, %broadcast_in_dim3A_1004, %select_n3A_986 : vector<10x64xi1>, vector<10x64xf32>
        %reduce_max3A_1006 = arith.constant dense<0xFF800000> : vector<64xf32>
        %reduce_max3A_1007 = vector.multi_reduction <maximumf>, %select_n3A_1005, %reduce_max3A_1006 [0] : vector<10x64xf32> to vector<64xf32>
        %broadcast_in_dim3A_1008 = vector.shape_cast %reduce_max3A_1007 : vector<64xf32> to vector<1x64xf32>
        %eq3A_1009 = vector.broadcast %broadcast_in_dim3A_1008 : vector<1x64xf32> to vector<10x64xf32>
        %eq3A_1010 = arith.cmpf oeq, %select_n3A_1005, %eq3A_1009 : vector<10x64xf32>
        %gt3A_1011 = vector.broadcast %while3A_528 : f32 to vector<1x64xf32>
        %gt3A_1012 = arith.cmpf ogt, %broadcast_in_dim3A_1008, %gt3A_1011 : vector<1x64xf32>
        %and3A_1013 = vector.broadcast %gt3A_1012 : vector<1x64xi1> to vector<10x64xi1>
        %and3A_1014 = arith.andi %eq3A_1010, %and3A_1013 : vector<10x64xi1>
        %jit3A_1015 = arith.constant 10000 : i32
        %broadcast_in_dim3A_1016 = vector.broadcast %jit3A_1015 : i32 to vector<10x64xi32>
        %select_n3A_1017 = arith.select %and3A_1014, %concatenate3A_967, %broadcast_in_dim3A_1016 : vector<10x64xi1>, vector<10x64xi32>
        %reduce_min3A_1018 = arith.constant dense<2147483647> : vector<64xi32>
        %reduce_min3A_1019 = vector.multi_reduction <minsi>, %select_n3A_1017, %reduce_min3A_1018 [0] : vector<10x64xi32> to vector<64xi32>
        %broadcast_in_dim3A_1020 = vector.shape_cast %reduce_min3A_1019 : vector<64xi32> to vector<1x64xi32>
        %eq3A_1021 = vector.broadcast %broadcast_in_dim3A_1020 : vector<1x64xi32> to vector<10x64xi32>
        %eq3A_1022 = arith.cmpi eq, %concatenate3A_967, %eq3A_1021 : vector<10x64xi32>
        %broadcast_in_dim3A_1023 = vector.broadcast %while3A_528 : f32 to vector<10x64xf32>
        %select_n3A_1024 = arith.select %eq3A_1022, %broadcast_in_dim3A_1023, %select_n3A_1005 : vector<10x64xi1>, vector<10x64xf32>
        %reduce_max3A_1025 = arith.constant dense<0xFF800000> : vector<64xf32>
        %reduce_max3A_1026 = vector.multi_reduction <maximumf>, %select_n3A_1024, %reduce_max3A_1025 [0] : vector<10x64xf32> to vector<64xf32>
        %broadcast_in_dim3A_1027 = vector.shape_cast %reduce_max3A_1026 : vector<64xf32> to vector<1x64xf32>
        %eq3A_1028 = vector.broadcast %broadcast_in_dim3A_1027 : vector<1x64xf32> to vector<10x64xf32>
        %eq3A_1029 = arith.cmpf oeq, %select_n3A_1024, %eq3A_1028 : vector<10x64xf32>
        %gt3A_1030 = vector.broadcast %while3A_528 : f32 to vector<1x64xf32>
        %gt3A_1031 = arith.cmpf ogt, %broadcast_in_dim3A_1027, %gt3A_1030 : vector<1x64xf32>
        %and3A_1032 = vector.broadcast %gt3A_1031 : vector<1x64xi1> to vector<10x64xi1>
        %and3A_1033 = arith.andi %eq3A_1029, %and3A_1032 : vector<10x64xi1>
        %jit3A_1034 = arith.constant 10000 : i32
        %broadcast_in_dim3A_1035 = vector.broadcast %jit3A_1034 : i32 to vector<10x64xi32>
        %select_n3A_1036 = arith.select %and3A_1033, %concatenate3A_967, %broadcast_in_dim3A_1035 : vector<10x64xi1>, vector<10x64xi32>
        %reduce_min3A_1037 = arith.constant dense<2147483647> : vector<64xi32>
        %reduce_min3A_1038 = vector.multi_reduction <minsi>, %select_n3A_1036, %reduce_min3A_1037 [0] : vector<10x64xi32> to vector<64xi32>
        %broadcast_in_dim3A_1039 = vector.shape_cast %reduce_min3A_1038 : vector<64xi32> to vector<1x64xi32>
        %eq3A_1040 = vector.broadcast %broadcast_in_dim3A_1039 : vector<1x64xi32> to vector<10x64xi32>
        %eq3A_1041 = arith.cmpi eq, %concatenate3A_967, %eq3A_1040 : vector<10x64xi32>
        %broadcast_in_dim3A_1042 = vector.broadcast %while3A_528 : f32 to vector<10x64xf32>
        %select_n3A_1043 = arith.select %eq3A_1041, %broadcast_in_dim3A_1042, %select_n3A_1024 : vector<10x64xi1>, vector<10x64xf32>
        %reduce_max3A_1044 = arith.constant dense<0xFF800000> : vector<64xf32>
        %reduce_max3A_1045 = vector.multi_reduction <maximumf>, %select_n3A_1043, %reduce_max3A_1044 [0] : vector<10x64xf32> to vector<64xf32>
        %broadcast_in_dim3A_1046 = vector.shape_cast %reduce_max3A_1045 : vector<64xf32> to vector<1x64xf32>
        %eq3A_1047 = vector.broadcast %broadcast_in_dim3A_1046 : vector<1x64xf32> to vector<10x64xf32>
        %eq3A_1048 = arith.cmpf oeq, %select_n3A_1043, %eq3A_1047 : vector<10x64xf32>
        %gt3A_1049 = vector.broadcast %while3A_528 : f32 to vector<1x64xf32>
        %gt3A_1050 = arith.cmpf ogt, %broadcast_in_dim3A_1046, %gt3A_1049 : vector<1x64xf32>
        %and3A_1051 = vector.broadcast %gt3A_1050 : vector<1x64xi1> to vector<10x64xi1>
        %and3A_1052 = arith.andi %eq3A_1048, %and3A_1051 : vector<10x64xi1>
        %jit3A_1053 = arith.constant 10000 : i32
        %broadcast_in_dim3A_1054 = vector.broadcast %jit3A_1053 : i32 to vector<10x64xi32>
        %select_n3A_1055 = arith.select %and3A_1052, %concatenate3A_967, %broadcast_in_dim3A_1054 : vector<10x64xi1>, vector<10x64xi32>
        %reduce_min3A_1056 = arith.constant dense<2147483647> : vector<64xi32>
        %reduce_min3A_1057 = vector.multi_reduction <minsi>, %select_n3A_1055, %reduce_min3A_1056 [0] : vector<10x64xi32> to vector<64xi32>
        %broadcast_in_dim3A_1058 = vector.shape_cast %reduce_min3A_1057 : vector<64xi32> to vector<1x64xi32>
        %concatenate3A_1059 = tpu.concatenate %broadcast_in_dim3A_970, %broadcast_in_dim3A_989, %broadcast_in_dim3A_1008, %broadcast_in_dim3A_1027, %broadcast_in_dim3A_1046 in 0 : vector<1x64xf32>, vector<1x64xf32>, vector<1x64xf32>, vector<1x64xf32>, vector<1x64xf32> -> vector<5x64xf32>
        %concatenate3A_1060 = tpu.concatenate %broadcast_in_dim3A_982, %broadcast_in_dim3A_1001, %broadcast_in_dim3A_1020, %broadcast_in_dim3A_1039, %broadcast_in_dim3A_1058 in 0 : vector<1x64xi32>, vector<1x64xi32>, vector<1x64xi32>, vector<1x64xi32>, vector<1x64xi32> -> vector<5x64xi32>
        scf.yield %concatenate3A_1059, %concatenate3A_1060 : vector<5x64xf32>, vector<5x64xi32>
      }
      %jit3A_539 = arith.constant 1000 : i32
      %div3A_540 = arith.divsi %get3A_71, %jit3A_539 : i32
      %sign3A_541 = arith.constant 0 : i32
      %sign3A_542 = arith.cmpi sgt, %get3A_71, %sign3A_541 : i32
      %sign3A_543 = arith.extui %sign3A_542 : i1 to i32
      %sign3A_544 = arith.constant 0 : i32
      %sign3A_545 = arith.cmpi slt, %get3A_71, %sign3A_544 : i32
      %sign3A_546 = arith.extui %sign3A_545 : i1 to i32
      %sign3A_547 = arith.subi %sign3A_543, %sign3A_546 : i32
      %sign3A_548 = arith.constant 0 : i32
      %sign3A_549 = arith.cmpi sgt, %jit3A_539, %sign3A_548 : i32
      %sign3A_550 = arith.extui %sign3A_549 : i1 to i32
      %sign3A_551 = arith.constant 0 : i32
      %sign3A_552 = arith.cmpi slt, %jit3A_539, %sign3A_551 : i32
      %sign3A_553 = arith.extui %sign3A_552 : i1 to i32
      %sign3A_554 = arith.subi %sign3A_550, %sign3A_553 : i32
      %ne3A_555 = arith.cmpi ne, %sign3A_547, %sign3A_554 : i32
      %rem3A_556 = arith.remsi %get3A_71, %jit3A_539 : i32
      %ne3A_557 = arith.constant 0 : i32
      %ne3A_558 = arith.cmpi ne, %rem3A_556, %ne3A_557 : i32
      %and3A_559 = arith.andi %ne3A_555, %ne3A_558 : i1
      %sub3A_560 = arith.constant 1 : i32
      %sub3A_561 = arith.subi %div3A_540, %sub3A_560 : i32
      %select_n3A_562 = arith.select %and3A_559, %sub3A_561, %div3A_540 : i32
      %add3A_563 = arith.constant 1000 : i32
      %add3A_564 = arith.addi %get3A_73, %add3A_563 : i32
      %sub3A_565 = arith.constant 1 : i32
      %sub3A_566 = arith.subi %add3A_564, %sub3A_565 : i32
      %jit3A_567 = arith.constant 1000 : i32
      %div3A_568 = arith.divsi %sub3A_566, %jit3A_567 : i32
      %sign3A_569 = arith.constant 0 : i32
      %sign3A_570 = arith.cmpi sgt, %sub3A_566, %sign3A_569 : i32
      %sign3A_571 = arith.extui %sign3A_570 : i1 to i32
      %sign3A_572 = arith.constant 0 : i32
      %sign3A_573 = arith.cmpi slt, %sub3A_566, %sign3A_572 : i32
      %sign3A_574 = arith.extui %sign3A_573 : i1 to i32
      %sign3A_575 = arith.subi %sign3A_571, %sign3A_574 : i32
      %sign3A_576 = arith.constant 0 : i32
      %sign3A_577 = arith.cmpi sgt, %jit3A_567, %sign3A_576 : i32
      %sign3A_578 = arith.extui %sign3A_577 : i1 to i32
      %sign3A_579 = arith.constant 0 : i32
      %sign3A_580 = arith.cmpi slt, %jit3A_567, %sign3A_579 : i32
      %sign3A_581 = arith.extui %sign3A_580 : i1 to i32
      %sign3A_582 = arith.subi %sign3A_578, %sign3A_581 : i32
      %ne3A_583 = arith.cmpi ne, %sign3A_575, %sign3A_582 : i32
      %rem3A_584 = arith.remsi %sub3A_566, %jit3A_567 : i32
      %ne3A_585 = arith.constant 0 : i32
      %ne3A_586 = arith.cmpi ne, %rem3A_584, %ne3A_585 : i32
      %and3A_587 = arith.andi %ne3A_583, %ne3A_586 : i1
      %sub3A_588 = arith.constant 1 : i32
      %sub3A_589 = arith.subi %div3A_568, %sub3A_588 : i32
      %select_n3A_590 = arith.select %and3A_587, %sub3A_589, %div3A_568 : i32
      %max3A_591 = arith.maxsi %select_n3A_590, %select_n3A_562 : i32
      %broadcast_in_dim3A_592 = arith.constant 0xFF800000 : f32
      %broadcast_in_dim3A_593 = vector.broadcast %broadcast_in_dim3A_592 : f32 to vector<5x64xf32>
      %broadcast_in_dim3A_594 = arith.constant 10000 : i32
      %broadcast_in_dim3A_595 = vector.broadcast %broadcast_in_dim3A_594 : i32 to vector<5x64xi32>
      %while3A_596 = arith.constant 0xFF800000 : f32
      %while3A_597 = arith.subi %max3A_591, %select_n3A_562 : i32
      %while3A_598 = arith.addi %select_n3A_562, %while3A_597 : i32
      %while3A_599 = arith.constant 1 : i32
      %while3A_600 = arith.divsi %while3A_597, %while3A_599 : i32
      %while3A_601 = arith.muli %while3A_600, %while3A_599 : i32
      %while3A_602 = arith.addi %select_n3A_562, %while3A_601 : i32
      %while3A_603 = arith.constant 1 : i32
      %while3A_604:2 = scf.for %while3A_860 = %select_n3A_562 to %while3A_602 step %while3A_603 iter_args(%while3A_861 = %broadcast_in_dim3A_593, %while3A_862 = %broadcast_in_dim3A_595) -> (vector<5x64xf32>, vector<5x64xi32>)  : i32 {
        %mul3A_863 = arith.constant 1000 : i32
        %mul3A_864 = arith.muli %while3A_860, %mul3A_863 : i32
        %get3A_865 = arith.index_cast %mul3A_864 : i32 to index
        %get3A_866 = arith.constant 0 : index
        %get3A_867 = vector.load %arg13[%get3A_865, %get3A_866] : memref<10000x64xf32, #tpu.memory_space<vmem>>, vector<1000x64xf32>
        %mul3A_868 = arith.constant 1000 : i32
        %mul3A_869 = arith.muli %while3A_860, %mul3A_868 : i32
        %add3A_870 = vector.broadcast %mul3A_869 : i32 to vector<1000x64xi32>
        %add3A_871 = arith.addi %iota3A_41, %add3A_870 : vector<1000x64xi32>
        %ge3A = vector.broadcast %get3A_71 : i32 to vector<1000x64xi32>
        %ge3A_872 = arith.cmpi sge, %add3A_871, %ge3A : vector<1000x64xi32>
        %lt3A = vector.broadcast %get3A_73 : i32 to vector<1000x64xi32>
        %lt3A_873 = arith.cmpi slt, %add3A_871, %lt3A : vector<1000x64xi32>
        %and3A_874 = arith.andi %ge3A_872, %lt3A_873 : vector<1000x64xi1>
        %broadcast_in_dim3A_875 = vector.broadcast %while3A_596 : f32 to vector<1000x64xf32>
        %select_n3A_876 = arith.select %and3A_874, %get3A_867, %broadcast_in_dim3A_875 : vector<1000x64xi1>, vector<1000x64xf32>
        %reduce_max3A = arith.constant dense<0xFF800000> : vector<64xf32>
        %reduce_max3A_877 = vector.multi_reduction <maximumf>, %select_n3A_876, %reduce_max3A [0] : vector<1000x64xf32> to vector<64xf32>
        %broadcast_in_dim3A_878 = vector.shape_cast %reduce_max3A_877 : vector<64xf32> to vector<1x64xf32>
        %eq3A_879 = vector.broadcast %broadcast_in_dim3A_878 : vector<1x64xf32> to vector<1000x64xf32>
        %eq3A_880 = arith.cmpf oeq, %select_n3A_876, %eq3A_879 : vector<1000x64xf32>
        %gt3A_881 = vector.broadcast %while3A_596 : f32 to vector<1x64xf32>
        %gt3A_882 = arith.cmpf ogt, %broadcast_in_dim3A_878, %gt3A_881 : vector<1x64xf32>
        %and3A_883 = vector.broadcast %gt3A_882 : vector<1x64xi1> to vector<1000x64xi1>
        %and3A_884 = arith.andi %eq3A_880, %and3A_883 : vector<1000x64xi1>
        %jit3A_885 = arith.constant 10000 : i32
        %broadcast_in_dim3A_886 = vector.broadcast %jit3A_885 : i32 to vector<1000x64xi32>
        %select_n3A_887 = arith.select %and3A_884, %add3A_871, %broadcast_in_dim3A_886 : vector<1000x64xi1>, vector<1000x64xi32>
        %reduce_min3A = arith.constant dense<2147483647> : vector<64xi32>
        %reduce_min3A_888 = vector.multi_reduction <minsi>, %select_n3A_887, %reduce_min3A [0] : vector<1000x64xi32> to vector<64xi32>
        %broadcast_in_dim3A_889 = vector.shape_cast %reduce_min3A_888 : vector<64xi32> to vector<1x64xi32>
        %eq3A_890 = vector.broadcast %broadcast_in_dim3A_889 : vector<1x64xi32> to vector<1000x64xi32>
        %eq3A_891 = arith.cmpi eq, %add3A_871, %eq3A_890 : vector<1000x64xi32>
        %broadcast_in_dim3A_892 = vector.broadcast %while3A_596 : f32 to vector<1000x64xf32>
        %select_n3A_893 = arith.select %eq3A_891, %broadcast_in_dim3A_892, %select_n3A_876 : vector<1000x64xi1>, vector<1000x64xf32>
        %reduce_max3A_894 = arith.constant dense<0xFF800000> : vector<64xf32>
        %reduce_max3A_895 = vector.multi_reduction <maximumf>, %select_n3A_893, %reduce_max3A_894 [0] : vector<1000x64xf32> to vector<64xf32>
        %broadcast_in_dim3A_896 = vector.shape_cast %reduce_max3A_895 : vector<64xf32> to vector<1x64xf32>
        %eq3A_897 = vector.broadcast %broadcast_in_dim3A_896 : vector<1x64xf32> to vector<1000x64xf32>
        %eq3A_898 = arith.cmpf oeq, %select_n3A_893, %eq3A_897 : vector<1000x64xf32>
        %gt3A_899 = vector.broadcast %while3A_596 : f32 to vector<1x64xf32>
        %gt3A_900 = arith.cmpf ogt, %broadcast_in_dim3A_896, %gt3A_899 : vector<1x64xf32>
        %and3A_901 = vector.broadcast %gt3A_900 : vector<1x64xi1> to vector<1000x64xi1>
        %and3A_902 = arith.andi %eq3A_898, %and3A_901 : vector<1000x64xi1>
        %jit3A_903 = arith.constant 10000 : i32
        %broadcast_in_dim3A_904 = vector.broadcast %jit3A_903 : i32 to vector<1000x64xi32>
        %select_n3A_905 = arith.select %and3A_902, %add3A_871, %broadcast_in_dim3A_904 : vector<1000x64xi1>, vector<1000x64xi32>
        %reduce_min3A_906 = arith.constant dense<2147483647> : vector<64xi32>
        %reduce_min3A_907 = vector.multi_reduction <minsi>, %select_n3A_905, %reduce_min3A_906 [0] : vector<1000x64xi32> to vector<64xi32>
        %broadcast_in_dim3A_908 = vector.shape_cast %reduce_min3A_907 : vector<64xi32> to vector<1x64xi32>
        %eq3A_909 = vector.broadcast %broadcast_in_dim3A_908 : vector<1x64xi32> to vector<1000x64xi32>
        %eq3A_910 = arith.cmpi eq, %add3A_871, %eq3A_909 : vector<1000x64xi32>
        %broadcast_in_dim3A_911 = vector.broadcast %while3A_596 : f32 to vector<1000x64xf32>
        %select_n3A_912 = arith.select %eq3A_910, %broadcast_in_dim3A_911, %select_n3A_893 : vector<1000x64xi1>, vector<1000x64xf32>
        %reduce_max3A_913 = arith.constant dense<0xFF800000> : vector<64xf32>
        %reduce_max3A_914 = vector.multi_reduction <maximumf>, %select_n3A_912, %reduce_max3A_913 [0] : vector<1000x64xf32> to vector<64xf32>
        %broadcast_in_dim3A_915 = vector.shape_cast %reduce_max3A_914 : vector<64xf32> to vector<1x64xf32>
        %eq3A_916 = vector.broadcast %broadcast_in_dim3A_915 : vector<1x64xf32> to vector<1000x64xf32>
        %eq3A_917 = arith.cmpf oeq, %select_n3A_912, %eq3A_916 : vector<1000x64xf32>
        %gt3A_918 = vector.broadcast %while3A_596 : f32 to vector<1x64xf32>
        %gt3A_919 = arith.cmpf ogt, %broadcast_in_dim3A_915, %gt3A_918 : vector<1x64xf32>
        %and3A_920 = vector.broadcast %gt3A_919 : vector<1x64xi1> to vector<1000x64xi1>
        %and3A_921 = arith.andi %eq3A_917, %and3A_920 : vector<1000x64xi1>
        %jit3A_922 = arith.constant 10000 : i32
        %broadcast_in_dim3A_923 = vector.broadcast %jit3A_922 : i32 to vector<1000x64xi32>
        %select_n3A_924 = arith.select %and3A_921, %add3A_871, %broadcast_in_dim3A_923 : vector<1000x64xi1>, vector<1000x64xi32>
        %reduce_min3A_925 = arith.constant dense<2147483647> : vector<64xi32>
        %reduce_min3A_926 = vector.multi_reduction <minsi>, %select_n3A_924, %reduce_min3A_925 [0] : vector<1000x64xi32> to vector<64xi32>
        %broadcast_in_dim3A_927 = vector.shape_cast %reduce_min3A_926 : vector<64xi32> to vector<1x64xi32>
        %eq3A_928 = vector.broadcast %broadcast_in_dim3A_927 : vector<1x64xi32> to vector<1000x64xi32>
        %eq3A_929 = arith.cmpi eq, %add3A_871, %eq3A_928 : vector<1000x64xi32>
        %broadcast_in_dim3A_930 = vector.broadcast %while3A_596 : f32 to vector<1000x64xf32>
        %select_n3A_931 = arith.select %eq3A_929, %broadcast_in_dim3A_930, %select_n3A_912 : vector<1000x64xi1>, vector<1000x64xf32>
        %reduce_max3A_932 = arith.constant dense<0xFF800000> : vector<64xf32>
        %reduce_max3A_933 = vector.multi_reduction <maximumf>, %select_n3A_931, %reduce_max3A_932 [0] : vector<1000x64xf32> to vector<64xf32>
        %broadcast_in_dim3A_934 = vector.shape_cast %reduce_max3A_933 : vector<64xf32> to vector<1x64xf32>
        %eq3A_935 = vector.broadcast %broadcast_in_dim3A_934 : vector<1x64xf32> to vector<1000x64xf32>
        %eq3A_936 = arith.cmpf oeq, %select_n3A_931, %eq3A_935 : vector<1000x64xf32>
        %gt3A_937 = vector.broadcast %while3A_596 : f32 to vector<1x64xf32>
        %gt3A_938 = arith.cmpf ogt, %broadcast_in_dim3A_934, %gt3A_937 : vector<1x64xf32>
        %and3A_939 = vector.broadcast %gt3A_938 : vector<1x64xi1> to vector<1000x64xi1>
        %and3A_940 = arith.andi %eq3A_936, %and3A_939 : vector<1000x64xi1>
        %jit3A_941 = arith.constant 10000 : i32
        %broadcast_in_dim3A_942 = vector.broadcast %jit3A_941 : i32 to vector<1000x64xi32>
        %select_n3A_943 = arith.select %and3A_940, %add3A_871, %broadcast_in_dim3A_942 : vector<1000x64xi1>, vector<1000x64xi32>
        %reduce_min3A_944 = arith.constant dense<2147483647> : vector<64xi32>
        %reduce_min3A_945 = vector.multi_reduction <minsi>, %select_n3A_943, %reduce_min3A_944 [0] : vector<1000x64xi32> to vector<64xi32>
        %broadcast_in_dim3A_946 = vector.shape_cast %reduce_min3A_945 : vector<64xi32> to vector<1x64xi32>
        %eq3A_947 = vector.broadcast %broadcast_in_dim3A_946 : vector<1x64xi32> to vector<1000x64xi32>
        %eq3A_948 = arith.cmpi eq, %add3A_871, %eq3A_947 : vector<1000x64xi32>
        %broadcast_in_dim3A_949 = vector.broadcast %while3A_596 : f32 to vector<1000x64xf32>
        %select_n3A_950 = arith.select %eq3A_948, %broadcast_in_dim3A_949, %select_n3A_931 : vector<1000x64xi1>, vector<1000x64xf32>
        %reduce_max3A_951 = arith.constant dense<0xFF800000> : vector<64xf32>
        %reduce_max3A_952 = vector.multi_reduction <maximumf>, %select_n3A_950, %reduce_max3A_951 [0] : vector<1000x64xf32> to vector<64xf32>
        %broadcast_in_dim3A_953 = vector.shape_cast %reduce_max3A_952 : vector<64xf32> to vector<1x64xf32>
        %eq3A_954 = vector.broadcast %broadcast_in_dim3A_953 : vector<1x64xf32> to vector<1000x64xf32>
        %eq3A_955 = arith.cmpf oeq, %select_n3A_950, %eq3A_954 : vector<1000x64xf32>
        %gt3A_956 = vector.broadcast %while3A_596 : f32 to vector<1x64xf32>
        %gt3A_957 = arith.cmpf ogt, %broadcast_in_dim3A_953, %gt3A_956 : vector<1x64xf32>
        %and3A_958 = vector.broadcast %gt3A_957 : vector<1x64xi1> to vector<1000x64xi1>
        %and3A_959 = arith.andi %eq3A_955, %and3A_958 : vector<1000x64xi1>
        %jit3A_960 = arith.constant 10000 : i32
        %broadcast_in_dim3A_961 = vector.broadcast %jit3A_960 : i32 to vector<1000x64xi32>
        %select_n3A_962 = arith.select %and3A_959, %add3A_871, %broadcast_in_dim3A_961 : vector<1000x64xi1>, vector<1000x64xi32>
        %reduce_min3A_963 = arith.constant dense<2147483647> : vector<64xi32>
        %reduce_min3A_964 = vector.multi_reduction <minsi>, %select_n3A_962, %reduce_min3A_963 [0] : vector<1000x64xi32> to vector<64xi32>
        %broadcast_in_dim3A_965 = vector.shape_cast %reduce_min3A_964 : vector<64xi32> to vector<1x64xi32>
        %concatenate3A_966 = tpu.concatenate %broadcast_in_dim3A_878, %broadcast_in_dim3A_896, %broadcast_in_dim3A_915, %broadcast_in_dim3A_934, %broadcast_in_dim3A_953, %while3A_861 in 0 : vector<1x64xf32>, vector<1x64xf32>, vector<1x64xf32>, vector<1x64xf32>, vector<1x64xf32>, vector<5x64xf32> -> vector<10x64xf32>
        %concatenate3A_967 = tpu.concatenate %broadcast_in_dim3A_889, %broadcast_in_dim3A_908, %broadcast_in_dim3A_927, %broadcast_in_dim3A_946, %broadcast_in_dim3A_965, %while3A_862 in 0 : vector<1x64xi32>, vector<1x64xi32>, vector<1x64xi32>, vector<1x64xi32>, vector<1x64xi32>, vector<5x64xi32> -> vector<10x64xi32>
        %reduce_max3A_968 = arith.constant dense<0xFF800000> : vector<64xf32>
        %reduce_max3A_969 = vector.multi_reduction <maximumf>, %concatenate3A_966, %reduce_max3A_968 [0] : vector<10x64xf32> to vector<64xf32>
        %broadcast_in_dim3A_970 = vector.shape_cast %reduce_max3A_969 : vector<64xf32> to vector<1x64xf32>
        %eq3A_971 = vector.broadcast %broadcast_in_dim3A_970 : vector<1x64xf32> to vector<10x64xf32>
        %eq3A_972 = arith.cmpf oeq, %concatenate3A_966, %eq3A_971 : vector<10x64xf32>
        %gt3A_973 = vector.broadcast %while3A_596 : f32 to vector<1x64xf32>
        %gt3A_974 = arith.cmpf ogt, %broadcast_in_dim3A_970, %gt3A_973 : vector<1x64xf32>
        %and3A_975 = vector.broadcast %gt3A_974 : vector<1x64xi1> to vector<10x64xi1>
        %and3A_976 = arith.andi %eq3A_972, %and3A_975 : vector<10x64xi1>
        %jit3A_977 = arith.constant 10000 : i32
        %broadcast_in_dim3A_978 = vector.broadcast %jit3A_977 : i32 to vector<10x64xi32>
        %select_n3A_979 = arith.select %and3A_976, %concatenate3A_967, %broadcast_in_dim3A_978 : vector<10x64xi1>, vector<10x64xi32>
        %reduce_min3A_980 = arith.constant dense<2147483647> : vector<64xi32>
        %reduce_min3A_981 = vector.multi_reduction <minsi>, %select_n3A_979, %reduce_min3A_980 [0] : vector<10x64xi32> to vector<64xi32>
        %broadcast_in_dim3A_982 = vector.shape_cast %reduce_min3A_981 : vector<64xi32> to vector<1x64xi32>
        %eq3A_983 = vector.broadcast %broadcast_in_dim3A_982 : vector<1x64xi32> to vector<10x64xi32>
        %eq3A_984 = arith.cmpi eq, %concatenate3A_967, %eq3A_983 : vector<10x64xi32>
        %broadcast_in_dim3A_985 = vector.broadcast %while3A_596 : f32 to vector<10x64xf32>
        %select_n3A_986 = arith.select %eq3A_984, %broadcast_in_dim3A_985, %concatenate3A_966 : vector<10x64xi1>, vector<10x64xf32>
        %reduce_max3A_987 = arith.constant dense<0xFF800000> : vector<64xf32>
        %reduce_max3A_988 = vector.multi_reduction <maximumf>, %select_n3A_986, %reduce_max3A_987 [0] : vector<10x64xf32> to vector<64xf32>
        %broadcast_in_dim3A_989 = vector.shape_cast %reduce_max3A_988 : vector<64xf32> to vector<1x64xf32>
        %eq3A_990 = vector.broadcast %broadcast_in_dim3A_989 : vector<1x64xf32> to vector<10x64xf32>
        %eq3A_991 = arith.cmpf oeq, %select_n3A_986, %eq3A_990 : vector<10x64xf32>
        %gt3A_992 = vector.broadcast %while3A_596 : f32 to vector<1x64xf32>
        %gt3A_993 = arith.cmpf ogt, %broadcast_in_dim3A_989, %gt3A_992 : vector<1x64xf32>
        %and3A_994 = vector.broadcast %gt3A_993 : vector<1x64xi1> to vector<10x64xi1>
        %and3A_995 = arith.andi %eq3A_991, %and3A_994 : vector<10x64xi1>
        %jit3A_996 = arith.constant 10000 : i32
        %broadcast_in_dim3A_997 = vector.broadcast %jit3A_996 : i32 to vector<10x64xi32>
        %select_n3A_998 = arith.select %and3A_995, %concatenate3A_967, %broadcast_in_dim3A_997 : vector<10x64xi1>, vector<10x64xi32>
        %reduce_min3A_999 = arith.constant dense<2147483647> : vector<64xi32>
        %reduce_min3A_1000 = vector.multi_reduction <minsi>, %select_n3A_998, %reduce_min3A_999 [0] : vector<10x64xi32> to vector<64xi32>
        %broadcast_in_dim3A_1001 = vector.shape_cast %reduce_min3A_1000 : vector<64xi32> to vector<1x64xi32>
        %eq3A_1002 = vector.broadcast %broadcast_in_dim3A_1001 : vector<1x64xi32> to vector<10x64xi32>
        %eq3A_1003 = arith.cmpi eq, %concatenate3A_967, %eq3A_1002 : vector<10x64xi32>
        %broadcast_in_dim3A_1004 = vector.broadcast %while3A_596 : f32 to vector<10x64xf32>
        %select_n3A_1005 = arith.select %eq3A_1003, %broadcast_in_dim3A_1004, %select_n3A_986 : vector<10x64xi1>, vector<10x64xf32>
        %reduce_max3A_1006 = arith.constant dense<0xFF800000> : vector<64xf32>
        %reduce_max3A_1007 = vector.multi_reduction <maximumf>, %select_n3A_1005, %reduce_max3A_1006 [0] : vector<10x64xf32> to vector<64xf32>
        %broadcast_in_dim3A_1008 = vector.shape_cast %reduce_max3A_1007 : vector<64xf32> to vector<1x64xf32>
        %eq3A_1009 = vector.broadcast %broadcast_in_dim3A_1008 : vector<1x64xf32> to vector<10x64xf32>
        %eq3A_1010 = arith.cmpf oeq, %select_n3A_1005, %eq3A_1009 : vector<10x64xf32>
        %gt3A_1011 = vector.broadcast %while3A_596 : f32 to vector<1x64xf32>
        %gt3A_1012 = arith.cmpf ogt, %broadcast_in_dim3A_1008, %gt3A_1011 : vector<1x64xf32>
        %and3A_1013 = vector.broadcast %gt3A_1012 : vector<1x64xi1> to vector<10x64xi1>
        %and3A_1014 = arith.andi %eq3A_1010, %and3A_1013 : vector<10x64xi1>
        %jit3A_1015 = arith.constant 10000 : i32
        %broadcast_in_dim3A_1016 = vector.broadcast %jit3A_1015 : i32 to vector<10x64xi32>
        %select_n3A_1017 = arith.select %and3A_1014, %concatenate3A_967, %broadcast_in_dim3A_1016 : vector<10x64xi1>, vector<10x64xi32>
        %reduce_min3A_1018 = arith.constant dense<2147483647> : vector<64xi32>
        %reduce_min3A_1019 = vector.multi_reduction <minsi>, %select_n3A_1017, %reduce_min3A_1018 [0] : vector<10x64xi32> to vector<64xi32>
        %broadcast_in_dim3A_1020 = vector.shape_cast %reduce_min3A_1019 : vector<64xi32> to vector<1x64xi32>
        %eq3A_1021 = vector.broadcast %broadcast_in_dim3A_1020 : vector<1x64xi32> to vector<10x64xi32>
        %eq3A_1022 = arith.cmpi eq, %concatenate3A_967, %eq3A_1021 : vector<10x64xi32>
        %broadcast_in_dim3A_1023 = vector.broadcast %while3A_596 : f32 to vector<10x64xf32>
        %select_n3A_1024 = arith.select %eq3A_1022, %broadcast_in_dim3A_1023, %select_n3A_1005 : vector<10x64xi1>, vector<10x64xf32>
        %reduce_max3A_1025 = arith.constant dense<0xFF800000> : vector<64xf32>
        %reduce_max3A_1026 = vector.multi_reduction <maximumf>, %select_n3A_1024, %reduce_max3A_1025 [0] : vector<10x64xf32> to vector<64xf32>
        %broadcast_in_dim3A_1027 = vector.shape_cast %reduce_max3A_1026 : vector<64xf32> to vector<1x64xf32>
        %eq3A_1028 = vector.broadcast %broadcast_in_dim3A_1027 : vector<1x64xf32> to vector<10x64xf32>
        %eq3A_1029 = arith.cmpf oeq, %select_n3A_1024, %eq3A_1028 : vector<10x64xf32>
        %gt3A_1030 = vector.broadcast %while3A_596 : f32 to vector<1x64xf32>
        %gt3A_1031 = arith.cmpf ogt, %broadcast_in_dim3A_1027, %gt3A_1030 : vector<1x64xf32>
        %and3A_1032 = vector.broadcast %gt3A_1031 : vector<1x64xi1> to vector<10x64xi1>
        %and3A_1033 = arith.andi %eq3A_1029, %and3A_1032 : vector<10x64xi1>
        %jit3A_1034 = arith.constant 10000 : i32
        %broadcast_in_dim3A_1035 = vector.broadcast %jit3A_1034 : i32 to vector<10x64xi32>
        %select_n3A_1036 = arith.select %and3A_1033, %concatenate3A_967, %broadcast_in_dim3A_1035 : vector<10x64xi1>, vector<10x64xi32>
        %reduce_min3A_1037 = arith.constant dense<2147483647> : vector<64xi32>
        %reduce_min3A_1038 = vector.multi_reduction <minsi>, %select_n3A_1036, %reduce_min3A_1037 [0] : vector<10x64xi32> to vector<64xi32>
        %broadcast_in_dim3A_1039 = vector.shape_cast %reduce_min3A_1038 : vector<64xi32> to vector<1x64xi32>
        %eq3A_1040 = vector.broadcast %broadcast_in_dim3A_1039 : vector<1x64xi32> to vector<10x64xi32>
        %eq3A_1041 = arith.cmpi eq, %concatenate3A_967, %eq3A_1040 : vector<10x64xi32>
        %broadcast_in_dim3A_1042 = vector.broadcast %while3A_596 : f32 to vector<10x64xf32>
        %select_n3A_1043 = arith.select %eq3A_1041, %broadcast_in_dim3A_1042, %select_n3A_1024 : vector<10x64xi1>, vector<10x64xf32>
        %reduce_max3A_1044 = arith.constant dense<0xFF800000> : vector<64xf32>
        %reduce_max3A_1045 = vector.multi_reduction <maximumf>, %select_n3A_1043, %reduce_max3A_1044 [0] : vector<10x64xf32> to vector<64xf32>
        %broadcast_in_dim3A_1046 = vector.shape_cast %reduce_max3A_1045 : vector<64xf32> to vector<1x64xf32>
        %eq3A_1047 = vector.broadcast %broadcast_in_dim3A_1046 : vector<1x64xf32> to vector<10x64xf32>
        %eq3A_1048 = arith.cmpf oeq, %select_n3A_1043, %eq3A_1047 : vector<10x64xf32>
        %gt3A_1049 = vector.broadcast %while3A_596 : f32 to vector<1x64xf32>
        %gt3A_1050 = arith.cmpf ogt, %broadcast_in_dim3A_1046, %gt3A_1049 : vector<1x64xf32>
        %and3A_1051 = vector.broadcast %gt3A_1050 : vector<1x64xi1> to vector<10x64xi1>
        %and3A_1052 = arith.andi %eq3A_1048, %and3A_1051 : vector<10x64xi1>
        %jit3A_1053 = arith.constant 10000 : i32
        %broadcast_in_dim3A_1054 = vector.broadcast %jit3A_1053 : i32 to vector<10x64xi32>
        %select_n3A_1055 = arith.select %and3A_1052, %concatenate3A_967, %broadcast_in_dim3A_1054 : vector<10x64xi1>, vector<10x64xi32>
        %reduce_min3A_1056 = arith.constant dense<2147483647> : vector<64xi32>
        %reduce_min3A_1057 = vector.multi_reduction <minsi>, %select_n3A_1055, %reduce_min3A_1056 [0] : vector<10x64xi32> to vector<64xi32>
        %broadcast_in_dim3A_1058 = vector.shape_cast %reduce_min3A_1057 : vector<64xi32> to vector<1x64xi32>
        %concatenate3A_1059 = tpu.concatenate %broadcast_in_dim3A_970, %broadcast_in_dim3A_989, %broadcast_in_dim3A_1008, %broadcast_in_dim3A_1027, %broadcast_in_dim3A_1046 in 0 : vector<1x64xf32>, vector<1x64xf32>, vector<1x64xf32>, vector<1x64xf32>, vector<1x64xf32> -> vector<5x64xf32>
        %concatenate3A_1060 = tpu.concatenate %broadcast_in_dim3A_982, %broadcast_in_dim3A_1001, %broadcast_in_dim3A_1020, %broadcast_in_dim3A_1039, %broadcast_in_dim3A_1058 in 0 : vector<1x64xi32>, vector<1x64xi32>, vector<1x64xi32>, vector<1x64xi32>, vector<1x64xi32> -> vector<5x64xi32>
        scf.yield %concatenate3A_1059, %concatenate3A_1060 : vector<5x64xf32>, vector<5x64xi32>
      }
      %while3A_605 = arith.constant 1 : i32
      %while3A_606:2 = scf.for %while3A_860 = %while3A_602 to %while3A_598 step %while3A_605 iter_args(%while3A_861 = %while3A_604#0, %while3A_862 = %while3A_604#1) -> (vector<5x64xf32>, vector<5x64xi32>)  : i32 {
        %mul3A_863 = arith.constant 1000 : i32
        %mul3A_864 = arith.muli %while3A_860, %mul3A_863 : i32
        %get3A_865 = arith.index_cast %mul3A_864 : i32 to index
        %get3A_866 = arith.constant 0 : index
        %get3A_867 = vector.load %arg13[%get3A_865, %get3A_866] : memref<10000x64xf32, #tpu.memory_space<vmem>>, vector<1000x64xf32>
        %mul3A_868 = arith.constant 1000 : i32
        %mul3A_869 = arith.muli %while3A_860, %mul3A_868 : i32
        %add3A_870 = vector.broadcast %mul3A_869 : i32 to vector<1000x64xi32>
        %add3A_871 = arith.addi %iota3A_41, %add3A_870 : vector<1000x64xi32>
        %ge3A = vector.broadcast %get3A_71 : i32 to vector<1000x64xi32>
        %ge3A_872 = arith.cmpi sge, %add3A_871, %ge3A : vector<1000x64xi32>
        %lt3A = vector.broadcast %get3A_73 : i32 to vector<1000x64xi32>
        %lt3A_873 = arith.cmpi slt, %add3A_871, %lt3A : vector<1000x64xi32>
        %and3A_874 = arith.andi %ge3A_872, %lt3A_873 : vector<1000x64xi1>
        %broadcast_in_dim3A_875 = vector.broadcast %while3A_596 : f32 to vector<1000x64xf32>
        %select_n3A_876 = arith.select %and3A_874, %get3A_867, %broadcast_in_dim3A_875 : vector<1000x64xi1>, vector<1000x64xf32>
        %reduce_max3A = arith.constant dense<0xFF800000> : vector<64xf32>
        %reduce_max3A_877 = vector.multi_reduction <maximumf>, %select_n3A_876, %reduce_max3A [0] : vector<1000x64xf32> to vector<64xf32>
        %broadcast_in_dim3A_878 = vector.shape_cast %reduce_max3A_877 : vector<64xf32> to vector<1x64xf32>
        %eq3A_879 = vector.broadcast %broadcast_in_dim3A_878 : vector<1x64xf32> to vector<1000x64xf32>
        %eq3A_880 = arith.cmpf oeq, %select_n3A_876, %eq3A_879 : vector<1000x64xf32>
        %gt3A_881 = vector.broadcast %while3A_596 : f32 to vector<1x64xf32>
        %gt3A_882 = arith.cmpf ogt, %broadcast_in_dim3A_878, %gt3A_881 : vector<1x64xf32>
        %and3A_883 = vector.broadcast %gt3A_882 : vector<1x64xi1> to vector<1000x64xi1>
        %and3A_884 = arith.andi %eq3A_880, %and3A_883 : vector<1000x64xi1>
        %jit3A_885 = arith.constant 10000 : i32
        %broadcast_in_dim3A_886 = vector.broadcast %jit3A_885 : i32 to vector<1000x64xi32>
        %select_n3A_887 = arith.select %and3A_884, %add3A_871, %broadcast_in_dim3A_886 : vector<1000x64xi1>, vector<1000x64xi32>
        %reduce_min3A = arith.constant dense<2147483647> : vector<64xi32>
        %reduce_min3A_888 = vector.multi_reduction <minsi>, %select_n3A_887, %reduce_min3A [0] : vector<1000x64xi32> to vector<64xi32>
        %broadcast_in_dim3A_889 = vector.shape_cast %reduce_min3A_888 : vector<64xi32> to vector<1x64xi32>
        %eq3A_890 = vector.broadcast %broadcast_in_dim3A_889 : vector<1x64xi32> to vector<1000x64xi32>
        %eq3A_891 = arith.cmpi eq, %add3A_871, %eq3A_890 : vector<1000x64xi32>
        %broadcast_in_dim3A_892 = vector.broadcast %while3A_596 : f32 to vector<1000x64xf32>
        %select_n3A_893 = arith.select %eq3A_891, %broadcast_in_dim3A_892, %select_n3A_876 : vector<1000x64xi1>, vector<1000x64xf32>
        %reduce_max3A_894 = arith.constant dense<0xFF800000> : vector<64xf32>
        %reduce_max3A_895 = vector.multi_reduction <maximumf>, %select_n3A_893, %reduce_max3A_894 [0] : vector<1000x64xf32> to vector<64xf32>
        %broadcast_in_dim3A_896 = vector.shape_cast %reduce_max3A_895 : vector<64xf32> to vector<1x64xf32>
        %eq3A_897 = vector.broadcast %broadcast_in_dim3A_896 : vector<1x64xf32> to vector<1000x64xf32>
        %eq3A_898 = arith.cmpf oeq, %select_n3A_893, %eq3A_897 : vector<1000x64xf32>
        %gt3A_899 = vector.broadcast %while3A_596 : f32 to vector<1x64xf32>
        %gt3A_900 = arith.cmpf ogt, %broadcast_in_dim3A_896, %gt3A_899 : vector<1x64xf32>
        %and3A_901 = vector.broadcast %gt3A_900 : vector<1x64xi1> to vector<1000x64xi1>
        %and3A_902 = arith.andi %eq3A_898, %and3A_901 : vector<1000x64xi1>
        %jit3A_903 = arith.constant 10000 : i32
        %broadcast_in_dim3A_904 = vector.broadcast %jit3A_903 : i32 to vector<1000x64xi32>
        %select_n3A_905 = arith.select %and3A_902, %add3A_871, %broadcast_in_dim3A_904 : vector<1000x64xi1>, vector<1000x64xi32>
        %reduce_min3A_906 = arith.constant dense<2147483647> : vector<64xi32>
        %reduce_min3A_907 = vector.multi_reduction <minsi>, %select_n3A_905, %reduce_min3A_906 [0] : vector<1000x64xi32> to vector<64xi32>
        %broadcast_in_dim3A_908 = vector.shape_cast %reduce_min3A_907 : vector<64xi32> to vector<1x64xi32>
        %eq3A_909 = vector.broadcast %broadcast_in_dim3A_908 : vector<1x64xi32> to vector<1000x64xi32>
        %eq3A_910 = arith.cmpi eq, %add3A_871, %eq3A_909 : vector<1000x64xi32>
        %broadcast_in_dim3A_911 = vector.broadcast %while3A_596 : f32 to vector<1000x64xf32>
        %select_n3A_912 = arith.select %eq3A_910, %broadcast_in_dim3A_911, %select_n3A_893 : vector<1000x64xi1>, vector<1000x64xf32>
        %reduce_max3A_913 = arith.constant dense<0xFF800000> : vector<64xf32>
        %reduce_max3A_914 = vector.multi_reduction <maximumf>, %select_n3A_912, %reduce_max3A_913 [0] : vector<1000x64xf32> to vector<64xf32>
        %broadcast_in_dim3A_915 = vector.shape_cast %reduce_max3A_914 : vector<64xf32> to vector<1x64xf32>
        %eq3A_916 = vector.broadcast %broadcast_in_dim3A_915 : vector<1x64xf32> to vector<1000x64xf32>
        %eq3A_917 = arith.cmpf oeq, %select_n3A_912, %eq3A_916 : vector<1000x64xf32>
        %gt3A_918 = vector.broadcast %while3A_596 : f32 to vector<1x64xf32>
        %gt3A_919 = arith.cmpf ogt, %broadcast_in_dim3A_915, %gt3A_918 : vector<1x64xf32>
        %and3A_920 = vector.broadcast %gt3A_919 : vector<1x64xi1> to vector<1000x64xi1>
        %and3A_921 = arith.andi %eq3A_917, %and3A_920 : vector<1000x64xi1>
        %jit3A_922 = arith.constant 10000 : i32
        %broadcast_in_dim3A_923 = vector.broadcast %jit3A_922 : i32 to vector<1000x64xi32>
        %select_n3A_924 = arith.select %and3A_921, %add3A_871, %broadcast_in_dim3A_923 : vector<1000x64xi1>, vector<1000x64xi32>
        %reduce_min3A_925 = arith.constant dense<2147483647> : vector<64xi32>
        %reduce_min3A_926 = vector.multi_reduction <minsi>, %select_n3A_924, %reduce_min3A_925 [0] : vector<1000x64xi32> to vector<64xi32>
        %broadcast_in_dim3A_927 = vector.shape_cast %reduce_min3A_926 : vector<64xi32> to vector<1x64xi32>
        %eq3A_928 = vector.broadcast %broadcast_in_dim3A_927 : vector<1x64xi32> to vector<1000x64xi32>
        %eq3A_929 = arith.cmpi eq, %add3A_871, %eq3A_928 : vector<1000x64xi32>
        %broadcast_in_dim3A_930 = vector.broadcast %while3A_596 : f32 to vector<1000x64xf32>
        %select_n3A_931 = arith.select %eq3A_929, %broadcast_in_dim3A_930, %select_n3A_912 : vector<1000x64xi1>, vector<1000x64xf32>
        %reduce_max3A_932 = arith.constant dense<0xFF800000> : vector<64xf32>
        %reduce_max3A_933 = vector.multi_reduction <maximumf>, %select_n3A_931, %reduce_max3A_932 [0] : vector<1000x64xf32> to vector<64xf32>
        %broadcast_in_dim3A_934 = vector.shape_cast %reduce_max3A_933 : vector<64xf32> to vector<1x64xf32>
        %eq3A_935 = vector.broadcast %broadcast_in_dim3A_934 : vector<1x64xf32> to vector<1000x64xf32>
        %eq3A_936 = arith.cmpf oeq, %select_n3A_931, %eq3A_935 : vector<1000x64xf32>
        %gt3A_937 = vector.broadcast %while3A_596 : f32 to vector<1x64xf32>
        %gt3A_938 = arith.cmpf ogt, %broadcast_in_dim3A_934, %gt3A_937 : vector<1x64xf32>
        %and3A_939 = vector.broadcast %gt3A_938 : vector<1x64xi1> to vector<1000x64xi1>
        %and3A_940 = arith.andi %eq3A_936, %and3A_939 : vector<1000x64xi1>
        %jit3A_941 = arith.constant 10000 : i32
        %broadcast_in_dim3A_942 = vector.broadcast %jit3A_941 : i32 to vector<1000x64xi32>
        %select_n3A_943 = arith.select %and3A_940, %add3A_871, %broadcast_in_dim3A_942 : vector<1000x64xi1>, vector<1000x64xi32>
        %reduce_min3A_944 = arith.constant dense<2147483647> : vector<64xi32>
        %reduce_min3A_945 = vector.multi_reduction <minsi>, %select_n3A_943, %reduce_min3A_944 [0] : vector<1000x64xi32> to vector<64xi32>
        %broadcast_in_dim3A_946 = vector.shape_cast %reduce_min3A_945 : vector<64xi32> to vector<1x64xi32>
        %eq3A_947 = vector.broadcast %broadcast_in_dim3A_946 : vector<1x64xi32> to vector<1000x64xi32>
        %eq3A_948 = arith.cmpi eq, %add3A_871, %eq3A_947 : vector<1000x64xi32>
        %broadcast_in_dim3A_949 = vector.broadcast %while3A_596 : f32 to vector<1000x64xf32>
        %select_n3A_950 = arith.select %eq3A_948, %broadcast_in_dim3A_949, %select_n3A_931 : vector<1000x64xi1>, vector<1000x64xf32>
        %reduce_max3A_951 = arith.constant dense<0xFF800000> : vector<64xf32>
        %reduce_max3A_952 = vector.multi_reduction <maximumf>, %select_n3A_950, %reduce_max3A_951 [0] : vector<1000x64xf32> to vector<64xf32>
        %broadcast_in_dim3A_953 = vector.shape_cast %reduce_max3A_952 : vector<64xf32> to vector<1x64xf32>
        %eq3A_954 = vector.broadcast %broadcast_in_dim3A_953 : vector<1x64xf32> to vector<1000x64xf32>
        %eq3A_955 = arith.cmpf oeq, %select_n3A_950, %eq3A_954 : vector<1000x64xf32>
        %gt3A_956 = vector.broadcast %while3A_596 : f32 to vector<1x64xf32>
        %gt3A_957 = arith.cmpf ogt, %broadcast_in_dim3A_953, %gt3A_956 : vector<1x64xf32>
        %and3A_958 = vector.broadcast %gt3A_957 : vector<1x64xi1> to vector<1000x64xi1>
        %and3A_959 = arith.andi %eq3A_955, %and3A_958 : vector<1000x64xi1>
        %jit3A_960 = arith.constant 10000 : i32
        %broadcast_in_dim3A_961 = vector.broadcast %jit3A_960 : i32 to vector<1000x64xi32>
        %select_n3A_962 = arith.select %and3A_959, %add3A_871, %broadcast_in_dim3A_961 : vector<1000x64xi1>, vector<1000x64xi32>
        %reduce_min3A_963 = arith.constant dense<2147483647> : vector<64xi32>
        %reduce_min3A_964 = vector.multi_reduction <minsi>, %select_n3A_962, %reduce_min3A_963 [0] : vector<1000x64xi32> to vector<64xi32>
        %broadcast_in_dim3A_965 = vector.shape_cast %reduce_min3A_964 : vector<64xi32> to vector<1x64xi32>
        %concatenate3A_966 = tpu.concatenate %broadcast_in_dim3A_878, %broadcast_in_dim3A_896, %broadcast_in_dim3A_915, %broadcast_in_dim3A_934, %broadcast_in_dim3A_953, %while3A_861 in 0 : vector<1x64xf32>, vector<1x64xf32>, vector<1x64xf32>, vector<1x64xf32>, vector<1x64xf32>, vector<5x64xf32> -> vector<10x64xf32>
        %concatenate3A_967 = tpu.concatenate %broadcast_in_dim3A_889, %broadcast_in_dim3A_908, %broadcast_in_dim3A_927, %broadcast_in_dim3A_946, %broadcast_in_dim3A_965, %while3A_862 in 0 : vector<1x64xi32>, vector<1x64xi32>, vector<1x64xi32>, vector<1x64xi32>, vector<1x64xi32>, vector<5x64xi32> -> vector<10x64xi32>
        %reduce_max3A_968 = arith.constant dense<0xFF800000> : vector<64xf32>
        %reduce_max3A_969 = vector.multi_reduction <maximumf>, %concatenate3A_966, %reduce_max3A_968 [0] : vector<10x64xf32> to vector<64xf32>
        %broadcast_in_dim3A_970 = vector.shape_cast %reduce_max3A_969 : vector<64xf32> to vector<1x64xf32>
        %eq3A_971 = vector.broadcast %broadcast_in_dim3A_970 : vector<1x64xf32> to vector<10x64xf32>
        %eq3A_972 = arith.cmpf oeq, %concatenate3A_966, %eq3A_971 : vector<10x64xf32>
        %gt3A_973 = vector.broadcast %while3A_596 : f32 to vector<1x64xf32>
        %gt3A_974 = arith.cmpf ogt, %broadcast_in_dim3A_970, %gt3A_973 : vector<1x64xf32>
        %and3A_975 = vector.broadcast %gt3A_974 : vector<1x64xi1> to vector<10x64xi1>
        %and3A_976 = arith.andi %eq3A_972, %and3A_975 : vector<10x64xi1>
        %jit3A_977 = arith.constant 10000 : i32
        %broadcast_in_dim3A_978 = vector.broadcast %jit3A_977 : i32 to vector<10x64xi32>
        %select_n3A_979 = arith.select %and3A_976, %concatenate3A_967, %broadcast_in_dim3A_978 : vector<10x64xi1>, vector<10x64xi32>
        %reduce_min3A_980 = arith.constant dense<2147483647> : vector<64xi32>
        %reduce_min3A_981 = vector.multi_reduction <minsi>, %select_n3A_979, %reduce_min3A_980 [0] : vector<10x64xi32> to vector<64xi32>
        %broadcast_in_dim3A_982 = vector.shape_cast %reduce_min3A_981 : vector<64xi32> to vector<1x64xi32>
        %eq3A_983 = vector.broadcast %broadcast_in_dim3A_982 : vector<1x64xi32> to vector<10x64xi32>
        %eq3A_984 = arith.cmpi eq, %concatenate3A_967, %eq3A_983 : vector<10x64xi32>
        %broadcast_in_dim3A_985 = vector.broadcast %while3A_596 : f32 to vector<10x64xf32>
        %select_n3A_986 = arith.select %eq3A_984, %broadcast_in_dim3A_985, %concatenate3A_966 : vector<10x64xi1>, vector<10x64xf32>
        %reduce_max3A_987 = arith.constant dense<0xFF800000> : vector<64xf32>
        %reduce_max3A_988 = vector.multi_reduction <maximumf>, %select_n3A_986, %reduce_max3A_987 [0] : vector<10x64xf32> to vector<64xf32>
        %broadcast_in_dim3A_989 = vector.shape_cast %reduce_max3A_988 : vector<64xf32> to vector<1x64xf32>
        %eq3A_990 = vector.broadcast %broadcast_in_dim3A_989 : vector<1x64xf32> to vector<10x64xf32>
        %eq3A_991 = arith.cmpf oeq, %select_n3A_986, %eq3A_990 : vector<10x64xf32>
        %gt3A_992 = vector.broadcast %while3A_596 : f32 to vector<1x64xf32>
        %gt3A_993 = arith.cmpf ogt, %broadcast_in_dim3A_989, %gt3A_992 : vector<1x64xf32>
        %and3A_994 = vector.broadcast %gt3A_993 : vector<1x64xi1> to vector<10x64xi1>
        %and3A_995 = arith.andi %eq3A_991, %and3A_994 : vector<10x64xi1>
        %jit3A_996 = arith.constant 10000 : i32
        %broadcast_in_dim3A_997 = vector.broadcast %jit3A_996 : i32 to vector<10x64xi32>
        %select_n3A_998 = arith.select %and3A_995, %concatenate3A_967, %broadcast_in_dim3A_997 : vector<10x64xi1>, vector<10x64xi32>
        %reduce_min3A_999 = arith.constant dense<2147483647> : vector<64xi32>
        %reduce_min3A_1000 = vector.multi_reduction <minsi>, %select_n3A_998, %reduce_min3A_999 [0] : vector<10x64xi32> to vector<64xi32>
        %broadcast_in_dim3A_1001 = vector.shape_cast %reduce_min3A_1000 : vector<64xi32> to vector<1x64xi32>
        %eq3A_1002 = vector.broadcast %broadcast_in_dim3A_1001 : vector<1x64xi32> to vector<10x64xi32>
        %eq3A_1003 = arith.cmpi eq, %concatenate3A_967, %eq3A_1002 : vector<10x64xi32>
        %broadcast_in_dim3A_1004 = vector.broadcast %while3A_596 : f32 to vector<10x64xf32>
        %select_n3A_1005 = arith.select %eq3A_1003, %broadcast_in_dim3A_1004, %select_n3A_986 : vector<10x64xi1>, vector<10x64xf32>
        %reduce_max3A_1006 = arith.constant dense<0xFF800000> : vector<64xf32>
        %reduce_max3A_1007 = vector.multi_reduction <maximumf>, %select_n3A_1005, %reduce_max3A_1006 [0] : vector<10x64xf32> to vector<64xf32>
        %broadcast_in_dim3A_1008 = vector.shape_cast %reduce_max3A_1007 : vector<64xf32> to vector<1x64xf32>
        %eq3A_1009 = vector.broadcast %broadcast_in_dim3A_1008 : vector<1x64xf32> to vector<10x64xf32>
        %eq3A_1010 = arith.cmpf oeq, %select_n3A_1005, %eq3A_1009 : vector<10x64xf32>
        %gt3A_1011 = vector.broadcast %while3A_596 : f32 to vector<1x64xf32>
        %gt3A_1012 = arith.cmpf ogt, %broadcast_in_dim3A_1008, %gt3A_1011 : vector<1x64xf32>
        %and3A_1013 = vector.broadcast %gt3A_1012 : vector<1x64xi1> to vector<10x64xi1>
        %and3A_1014 = arith.andi %eq3A_1010, %and3A_1013 : vector<10x64xi1>
        %jit3A_1015 = arith.constant 10000 : i32
        %broadcast_in_dim3A_1016 = vector.broadcast %jit3A_1015 : i32 to vector<10x64xi32>
        %select_n3A_1017 = arith.select %and3A_1014, %concatenate3A_967, %broadcast_in_dim3A_1016 : vector<10x64xi1>, vector<10x64xi32>
        %reduce_min3A_1018 = arith.constant dense<2147483647> : vector<64xi32>
        %reduce_min3A_1019 = vector.multi_reduction <minsi>, %select_n3A_1017, %reduce_min3A_1018 [0] : vector<10x64xi32> to vector<64xi32>
        %broadcast_in_dim3A_1020 = vector.shape_cast %reduce_min3A_1019 : vector<64xi32> to vector<1x64xi32>
        %eq3A_1021 = vector.broadcast %broadcast_in_dim3A_1020 : vector<1x64xi32> to vector<10x64xi32>
        %eq3A_1022 = arith.cmpi eq, %concatenate3A_967, %eq3A_1021 : vector<10x64xi32>
        %broadcast_in_dim3A_1023 = vector.broadcast %while3A_596 : f32 to vector<10x64xf32>
        %select_n3A_1024 = arith.select %eq3A_1022, %broadcast_in_dim3A_1023, %select_n3A_1005 : vector<10x64xi1>, vector<10x64xf32>
        %reduce_max3A_1025 = arith.constant dense<0xFF800000> : vector<64xf32>
        %reduce_max3A_1026 = vector.multi_reduction <maximumf>, %select_n3A_1024, %reduce_max3A_1025 [0] : vector<10x64xf32> to vector<64xf32>
        %broadcast_in_dim3A_1027 = vector.shape_cast %reduce_max3A_1026 : vector<64xf32> to vector<1x64xf32>
        %eq3A_1028 = vector.broadcast %broadcast_in_dim3A_1027 : vector<1x64xf32> to vector<10x64xf32>
        %eq3A_1029 = arith.cmpf oeq, %select_n3A_1024, %eq3A_1028 : vector<10x64xf32>
        %gt3A_1030 = vector.broadcast %while3A_596 : f32 to vector<1x64xf32>
        %gt3A_1031 = arith.cmpf ogt, %broadcast_in_dim3A_1027, %gt3A_1030 : vector<1x64xf32>
        %and3A_1032 = vector.broadcast %gt3A_1031 : vector<1x64xi1> to vector<10x64xi1>
        %and3A_1033 = arith.andi %eq3A_1029, %and3A_1032 : vector<10x64xi1>
        %jit3A_1034 = arith.constant 10000 : i32
        %broadcast_in_dim3A_1035 = vector.broadcast %jit3A_1034 : i32 to vector<10x64xi32>
        %select_n3A_1036 = arith.select %and3A_1033, %concatenate3A_967, %broadcast_in_dim3A_1035 : vector<10x64xi1>, vector<10x64xi32>
        %reduce_min3A_1037 = arith.constant dense<2147483647> : vector<64xi32>
        %reduce_min3A_1038 = vector.multi_reduction <minsi>, %select_n3A_1036, %reduce_min3A_1037 [0] : vector<10x64xi32> to vector<64xi32>
        %broadcast_in_dim3A_1039 = vector.shape_cast %reduce_min3A_1038 : vector<64xi32> to vector<1x64xi32>
        %eq3A_1040 = vector.broadcast %broadcast_in_dim3A_1039 : vector<1x64xi32> to vector<10x64xi32>
        %eq3A_1041 = arith.cmpi eq, %concatenate3A_967, %eq3A_1040 : vector<10x64xi32>
        %broadcast_in_dim3A_1042 = vector.broadcast %while3A_596 : f32 to vector<10x64xf32>
        %select_n3A_1043 = arith.select %eq3A_1041, %broadcast_in_dim3A_1042, %select_n3A_1024 : vector<10x64xi1>, vector<10x64xf32>
        %reduce_max3A_1044 = arith.constant dense<0xFF800000> : vector<64xf32>
        %reduce_max3A_1045 = vector.multi_reduction <maximumf>, %select_n3A_1043, %reduce_max3A_1044 [0] : vector<10x64xf32> to vector<64xf32>
        %broadcast_in_dim3A_1046 = vector.shape_cast %reduce_max3A_1045 : vector<64xf32> to vector<1x64xf32>
        %eq3A_1047 = vector.broadcast %broadcast_in_dim3A_1046 : vector<1x64xf32> to vector<10x64xf32>
        %eq3A_1048 = arith.cmpf oeq, %select_n3A_1043, %eq3A_1047 : vector<10x64xf32>
        %gt3A_1049 = vector.broadcast %while3A_596 : f32 to vector<1x64xf32>
        %gt3A_1050 = arith.cmpf ogt, %broadcast_in_dim3A_1046, %gt3A_1049 : vector<1x64xf32>
        %and3A_1051 = vector.broadcast %gt3A_1050 : vector<1x64xi1> to vector<10x64xi1>
        %and3A_1052 = arith.andi %eq3A_1048, %and3A_1051 : vector<10x64xi1>
        %jit3A_1053 = arith.constant 10000 : i32
        %broadcast_in_dim3A_1054 = vector.broadcast %jit3A_1053 : i32 to vector<10x64xi32>
        %select_n3A_1055 = arith.select %and3A_1052, %concatenate3A_967, %broadcast_in_dim3A_1054 : vector<10x64xi1>, vector<10x64xi32>
        %reduce_min3A_1056 = arith.constant dense<2147483647> : vector<64xi32>
        %reduce_min3A_1057 = vector.multi_reduction <minsi>, %select_n3A_1055, %reduce_min3A_1056 [0] : vector<10x64xi32> to vector<64xi32>
        %broadcast_in_dim3A_1058 = vector.shape_cast %reduce_min3A_1057 : vector<64xi32> to vector<1x64xi32>
        %concatenate3A_1059 = tpu.concatenate %broadcast_in_dim3A_970, %broadcast_in_dim3A_989, %broadcast_in_dim3A_1008, %broadcast_in_dim3A_1027, %broadcast_in_dim3A_1046 in 0 : vector<1x64xf32>, vector<1x64xf32>, vector<1x64xf32>, vector<1x64xf32>, vector<1x64xf32> -> vector<5x64xf32>
        %concatenate3A_1060 = tpu.concatenate %broadcast_in_dim3A_982, %broadcast_in_dim3A_1001, %broadcast_in_dim3A_1020, %broadcast_in_dim3A_1039, %broadcast_in_dim3A_1058 in 0 : vector<1x64xi32>, vector<1x64xi32>, vector<1x64xi32>, vector<1x64xi32>, vector<1x64xi32> -> vector<5x64xi32>
        scf.yield %concatenate3A_1059, %concatenate3A_1060 : vector<5x64xf32>, vector<5x64xi32>
      }
      %slice3A = vector.extract_strided_slice %while3A_130#0 {offsets = [0, 0], sizes = [1, 64], strides = [1, 1]} : vector<5x64xf32> to vector<1x64xf32>
      %slice3A_607 = vector.extract_strided_slice %while3A_198#0 {offsets = [0, 0], sizes = [1, 64], strides = [1, 1]} : vector<5x64xf32> to vector<1x64xf32>
      %slice3A_608 = vector.extract_strided_slice %while3A_266#0 {offsets = [0, 0], sizes = [1, 64], strides = [1, 1]} : vector<5x64xf32> to vector<1x64xf32>
      %slice3A_609 = vector.extract_strided_slice %while3A_334#0 {offsets = [0, 0], sizes = [1, 64], strides = [1, 1]} : vector<5x64xf32> to vector<1x64xf32>
      %slice3A_610 = vector.extract_strided_slice %while3A_402#0 {offsets = [0, 0], sizes = [1, 64], strides = [1, 1]} : vector<5x64xf32> to vector<1x64xf32>
      %slice3A_611 = vector.extract_strided_slice %while3A_470#0 {offsets = [0, 0], sizes = [1, 64], strides = [1, 1]} : vector<5x64xf32> to vector<1x64xf32>
      %slice3A_612 = vector.extract_strided_slice %while3A_538#0 {offsets = [0, 0], sizes = [1, 64], strides = [1, 1]} : vector<5x64xf32> to vector<1x64xf32>
      %slice3A_613 = vector.extract_strided_slice %while3A_606#0 {offsets = [0, 0], sizes = [1, 64], strides = [1, 1]} : vector<5x64xf32> to vector<1x64xf32>
      %concatenate3A = tpu.concatenate %slice3A, %slice3A_607, %slice3A_608, %slice3A_609, %slice3A_610, %slice3A_611, %slice3A_612, %slice3A_613 in 0 : vector<1x64xf32>, vector<1x64xf32>, vector<1x64xf32>, vector<1x64xf32>, vector<1x64xf32>, vector<1x64xf32>, vector<1x64xf32>, vector<1x64xf32> -> vector<8x64xf32>
      %slice3A_614 = vector.extract_strided_slice %while3A_130#0 {offsets = [1, 0], sizes = [1, 64], strides = [1, 1]} : vector<5x64xf32> to vector<1x64xf32>
      %slice3A_615 = vector.extract_strided_slice %while3A_198#0 {offsets = [1, 0], sizes = [1, 64], strides = [1, 1]} : vector<5x64xf32> to vector<1x64xf32>
      %slice3A_616 = vector.extract_strided_slice %while3A_266#0 {offsets = [1, 0], sizes = [1, 64], strides = [1, 1]} : vector<5x64xf32> to vector<1x64xf32>
      %slice3A_617 = vector.extract_strided_slice %while3A_334#0 {offsets = [1, 0], sizes = [1, 64], strides = [1, 1]} : vector<5x64xf32> to vector<1x64xf32>
      %slice3A_618 = vector.extract_strided_slice %while3A_402#0 {offsets = [1, 0], sizes = [1, 64], strides = [1, 1]} : vector<5x64xf32> to vector<1x64xf32>
      %slice3A_619 = vector.extract_strided_slice %while3A_470#0 {offsets = [1, 0], sizes = [1, 64], strides = [1, 1]} : vector<5x64xf32> to vector<1x64xf32>
      %slice3A_620 = vector.extract_strided_slice %while3A_538#0 {offsets = [1, 0], sizes = [1, 64], strides = [1, 1]} : vector<5x64xf32> to vector<1x64xf32>
      %slice3A_621 = vector.extract_strided_slice %while3A_606#0 {offsets = [1, 0], sizes = [1, 64], strides = [1, 1]} : vector<5x64xf32> to vector<1x64xf32>
      %concatenate3A_622 = tpu.concatenate %slice3A_614, %slice3A_615, %slice3A_616, %slice3A_617, %slice3A_618, %slice3A_619, %slice3A_620, %slice3A_621 in 0 : vector<1x64xf32>, vector<1x64xf32>, vector<1x64xf32>, vector<1x64xf32>, vector<1x64xf32>, vector<1x64xf32>, vector<1x64xf32>, vector<1x64xf32> -> vector<8x64xf32>
      %slice3A_623 = vector.extract_strided_slice %while3A_130#0 {offsets = [2, 0], sizes = [1, 64], strides = [1, 1]} : vector<5x64xf32> to vector<1x64xf32>
      %slice3A_624 = vector.extract_strided_slice %while3A_198#0 {offsets = [2, 0], sizes = [1, 64], strides = [1, 1]} : vector<5x64xf32> to vector<1x64xf32>
      %slice3A_625 = vector.extract_strided_slice %while3A_266#0 {offsets = [2, 0], sizes = [1, 64], strides = [1, 1]} : vector<5x64xf32> to vector<1x64xf32>
      %slice3A_626 = vector.extract_strided_slice %while3A_334#0 {offsets = [2, 0], sizes = [1, 64], strides = [1, 1]} : vector<5x64xf32> to vector<1x64xf32>
      %slice3A_627 = vector.extract_strided_slice %while3A_402#0 {offsets = [2, 0], sizes = [1, 64], strides = [1, 1]} : vector<5x64xf32> to vector<1x64xf32>
      %slice3A_628 = vector.extract_strided_slice %while3A_470#0 {offsets = [2, 0], sizes = [1, 64], strides = [1, 1]} : vector<5x64xf32> to vector<1x64xf32>
      %slice3A_629 = vector.extract_strided_slice %while3A_538#0 {offsets = [2, 0], sizes = [1, 64], strides = [1, 1]} : vector<5x64xf32> to vector<1x64xf32>
      %slice3A_630 = vector.extract_strided_slice %while3A_606#0 {offsets = [2, 0], sizes = [1, 64], strides = [1, 1]} : vector<5x64xf32> to vector<1x64xf32>
      %concatenate3A_631 = tpu.concatenate %slice3A_623, %slice3A_624, %slice3A_625, %slice3A_626, %slice3A_627, %slice3A_628, %slice3A_629, %slice3A_630 in 0 : vector<1x64xf32>, vector<1x64xf32>, vector<1x64xf32>, vector<1x64xf32>, vector<1x64xf32>, vector<1x64xf32>, vector<1x64xf32>, vector<1x64xf32> -> vector<8x64xf32>
      %slice3A_632 = vector.extract_strided_slice %while3A_130#0 {offsets = [3, 0], sizes = [1, 64], strides = [1, 1]} : vector<5x64xf32> to vector<1x64xf32>
      %slice3A_633 = vector.extract_strided_slice %while3A_198#0 {offsets = [3, 0], sizes = [1, 64], strides = [1, 1]} : vector<5x64xf32> to vector<1x64xf32>
      %slice3A_634 = vector.extract_strided_slice %while3A_266#0 {offsets = [3, 0], sizes = [1, 64], strides = [1, 1]} : vector<5x64xf32> to vector<1x64xf32>
      %slice3A_635 = vector.extract_strided_slice %while3A_334#0 {offsets = [3, 0], sizes = [1, 64], strides = [1, 1]} : vector<5x64xf32> to vector<1x64xf32>
      %slice3A_636 = vector.extract_strided_slice %while3A_402#0 {offsets = [3, 0], sizes = [1, 64], strides = [1, 1]} : vector<5x64xf32> to vector<1x64xf32>
      %slice3A_637 = vector.extract_strided_slice %while3A_470#0 {offsets = [3, 0], sizes = [1, 64], strides = [1, 1]} : vector<5x64xf32> to vector<1x64xf32>
      %slice3A_638 = vector.extract_strided_slice %while3A_538#0 {offsets = [3, 0], sizes = [1, 64], strides = [1, 1]} : vector<5x64xf32> to vector<1x64xf32>
      %slice3A_639 = vector.extract_strided_slice %while3A_606#0 {offsets = [3, 0], sizes = [1, 64], strides = [1, 1]} : vector<5x64xf32> to vector<1x64xf32>
      %concatenate3A_640 = tpu.concatenate %slice3A_632, %slice3A_633, %slice3A_634, %slice3A_635, %slice3A_636, %slice3A_637, %slice3A_638, %slice3A_639 in 0 : vector<1x64xf32>, vector<1x64xf32>, vector<1x64xf32>, vector<1x64xf32>, vector<1x64xf32>, vector<1x64xf32>, vector<1x64xf32>, vector<1x64xf32> -> vector<8x64xf32>
      %slice3A_641 = vector.extract_strided_slice %while3A_130#0 {offsets = [4, 0], sizes = [1, 64], strides = [1, 1]} : vector<5x64xf32> to vector<1x64xf32>
      %slice3A_642 = vector.extract_strided_slice %while3A_198#0 {offsets = [4, 0], sizes = [1, 64], strides = [1, 1]} : vector<5x64xf32> to vector<1x64xf32>
      %slice3A_643 = vector.extract_strided_slice %while3A_266#0 {offsets = [4, 0], sizes = [1, 64], strides = [1, 1]} : vector<5x64xf32> to vector<1x64xf32>
      %slice3A_644 = vector.extract_strided_slice %while3A_334#0 {offsets = [4, 0], sizes = [1, 64], strides = [1, 1]} : vector<5x64xf32> to vector<1x64xf32>
      %slice3A_645 = vector.extract_strided_slice %while3A_402#0 {offsets = [4, 0], sizes = [1, 64], strides = [1, 1]} : vector<5x64xf32> to vector<1x64xf32>
      %slice3A_646 = vector.extract_strided_slice %while3A_470#0 {offsets = [4, 0], sizes = [1, 64], strides = [1, 1]} : vector<5x64xf32> to vector<1x64xf32>
      %slice3A_647 = vector.extract_strided_slice %while3A_538#0 {offsets = [4, 0], sizes = [1, 64], strides = [1, 1]} : vector<5x64xf32> to vector<1x64xf32>
      %slice3A_648 = vector.extract_strided_slice %while3A_606#0 {offsets = [4, 0], sizes = [1, 64], strides = [1, 1]} : vector<5x64xf32> to vector<1x64xf32>
      %concatenate3A_649 = tpu.concatenate %slice3A_641, %slice3A_642, %slice3A_643, %slice3A_644, %slice3A_645, %slice3A_646, %slice3A_647, %slice3A_648 in 0 : vector<1x64xf32>, vector<1x64xf32>, vector<1x64xf32>, vector<1x64xf32>, vector<1x64xf32>, vector<1x64xf32>, vector<1x64xf32>, vector<1x64xf32> -> vector<8x64xf32>
      %slice3A_650 = vector.extract_strided_slice %while3A_130#1 {offsets = [0, 0], sizes = [1, 64], strides = [1, 1]} : vector<5x64xi32> to vector<1x64xi32>
      %slice3A_651 = vector.extract_strided_slice %while3A_198#1 {offsets = [0, 0], sizes = [1, 64], strides = [1, 1]} : vector<5x64xi32> to vector<1x64xi32>
      %slice3A_652 = vector.extract_strided_slice %while3A_266#1 {offsets = [0, 0], sizes = [1, 64], strides = [1, 1]} : vector<5x64xi32> to vector<1x64xi32>
      %slice3A_653 = vector.extract_strided_slice %while3A_334#1 {offsets = [0, 0], sizes = [1, 64], strides = [1, 1]} : vector<5x64xi32> to vector<1x64xi32>
      %slice3A_654 = vector.extract_strided_slice %while3A_402#1 {offsets = [0, 0], sizes = [1, 64], strides = [1, 1]} : vector<5x64xi32> to vector<1x64xi32>
      %slice3A_655 = vector.extract_strided_slice %while3A_470#1 {offsets = [0, 0], sizes = [1, 64], strides = [1, 1]} : vector<5x64xi32> to vector<1x64xi32>
      %slice3A_656 = vector.extract_strided_slice %while3A_538#1 {offsets = [0, 0], sizes = [1, 64], strides = [1, 1]} : vector<5x64xi32> to vector<1x64xi32>
      %slice3A_657 = vector.extract_strided_slice %while3A_606#1 {offsets = [0, 0], sizes = [1, 64], strides = [1, 1]} : vector<5x64xi32> to vector<1x64xi32>
      %concatenate3A_658 = tpu.concatenate %slice3A_650, %slice3A_651, %slice3A_652, %slice3A_653, %slice3A_654, %slice3A_655, %slice3A_656, %slice3A_657 in 0 : vector<1x64xi32>, vector<1x64xi32>, vector<1x64xi32>, vector<1x64xi32>, vector<1x64xi32>, vector<1x64xi32>, vector<1x64xi32>, vector<1x64xi32> -> vector<8x64xi32>
      %slice3A_659 = vector.extract_strided_slice %while3A_130#1 {offsets = [1, 0], sizes = [1, 64], strides = [1, 1]} : vector<5x64xi32> to vector<1x64xi32>
      %slice3A_660 = vector.extract_strided_slice %while3A_198#1 {offsets = [1, 0], sizes = [1, 64], strides = [1, 1]} : vector<5x64xi32> to vector<1x64xi32>
      %slice3A_661 = vector.extract_strided_slice %while3A_266#1 {offsets = [1, 0], sizes = [1, 64], strides = [1, 1]} : vector<5x64xi32> to vector<1x64xi32>
      %slice3A_662 = vector.extract_strided_slice %while3A_334#1 {offsets = [1, 0], sizes = [1, 64], strides = [1, 1]} : vector<5x64xi32> to vector<1x64xi32>
      %slice3A_663 = vector.extract_strided_slice %while3A_402#1 {offsets = [1, 0], sizes = [1, 64], strides = [1, 1]} : vector<5x64xi32> to vector<1x64xi32>
      %slice3A_664 = vector.extract_strided_slice %while3A_470#1 {offsets = [1, 0], sizes = [1, 64], strides = [1, 1]} : vector<5x64xi32> to vector<1x64xi32>
      %slice3A_665 = vector.extract_strided_slice %while3A_538#1 {offsets = [1, 0], sizes = [1, 64], strides = [1, 1]} : vector<5x64xi32> to vector<1x64xi32>
      %slice3A_666 = vector.extract_strided_slice %while3A_606#1 {offsets = [1, 0], sizes = [1, 64], strides = [1, 1]} : vector<5x64xi32> to vector<1x64xi32>
      %concatenate3A_667 = tpu.concatenate %slice3A_659, %slice3A_660, %slice3A_661, %slice3A_662, %slice3A_663, %slice3A_664, %slice3A_665, %slice3A_666 in 0 : vector<1x64xi32>, vector<1x64xi32>, vector<1x64xi32>, vector<1x64xi32>, vector<1x64xi32>, vector<1x64xi32>, vector<1x64xi32>, vector<1x64xi32> -> vector<8x64xi32>
      %slice3A_668 = vector.extract_strided_slice %while3A_130#1 {offsets = [2, 0], sizes = [1, 64], strides = [1, 1]} : vector<5x64xi32> to vector<1x64xi32>
      %slice3A_669 = vector.extract_strided_slice %while3A_198#1 {offsets = [2, 0], sizes = [1, 64], strides = [1, 1]} : vector<5x64xi32> to vector<1x64xi32>
      %slice3A_670 = vector.extract_strided_slice %while3A_266#1 {offsets = [2, 0], sizes = [1, 64], strides = [1, 1]} : vector<5x64xi32> to vector<1x64xi32>
      %slice3A_671 = vector.extract_strided_slice %while3A_334#1 {offsets = [2, 0], sizes = [1, 64], strides = [1, 1]} : vector<5x64xi32> to vector<1x64xi32>
      %slice3A_672 = vector.extract_strided_slice %while3A_402#1 {offsets = [2, 0], sizes = [1, 64], strides = [1, 1]} : vector<5x64xi32> to vector<1x64xi32>
      %slice3A_673 = vector.extract_strided_slice %while3A_470#1 {offsets = [2, 0], sizes = [1, 64], strides = [1, 1]} : vector<5x64xi32> to vector<1x64xi32>
      %slice3A_674 = vector.extract_strided_slice %while3A_538#1 {offsets = [2, 0], sizes = [1, 64], strides = [1, 1]} : vector<5x64xi32> to vector<1x64xi32>
      %slice3A_675 = vector.extract_strided_slice %while3A_606#1 {offsets = [2, 0], sizes = [1, 64], strides = [1, 1]} : vector<5x64xi32> to vector<1x64xi32>
      %concatenate3A_676 = tpu.concatenate %slice3A_668, %slice3A_669, %slice3A_670, %slice3A_671, %slice3A_672, %slice3A_673, %slice3A_674, %slice3A_675 in 0 : vector<1x64xi32>, vector<1x64xi32>, vector<1x64xi32>, vector<1x64xi32>, vector<1x64xi32>, vector<1x64xi32>, vector<1x64xi32>, vector<1x64xi32> -> vector<8x64xi32>
      %slice3A_677 = vector.extract_strided_slice %while3A_130#1 {offsets = [3, 0], sizes = [1, 64], strides = [1, 1]} : vector<5x64xi32> to vector<1x64xi32>
      %slice3A_678 = vector.extract_strided_slice %while3A_198#1 {offsets = [3, 0], sizes = [1, 64], strides = [1, 1]} : vector<5x64xi32> to vector<1x64xi32>
      %slice3A_679 = vector.extract_strided_slice %while3A_266#1 {offsets = [3, 0], sizes = [1, 64], strides = [1, 1]} : vector<5x64xi32> to vector<1x64xi32>
      %slice3A_680 = vector.extract_strided_slice %while3A_334#1 {offsets = [3, 0], sizes = [1, 64], strides = [1, 1]} : vector<5x64xi32> to vector<1x64xi32>
      %slice3A_681 = vector.extract_strided_slice %while3A_402#1 {offsets = [3, 0], sizes = [1, 64], strides = [1, 1]} : vector<5x64xi32> to vector<1x64xi32>
      %slice3A_682 = vector.extract_strided_slice %while3A_470#1 {offsets = [3, 0], sizes = [1, 64], strides = [1, 1]} : vector<5x64xi32> to vector<1x64xi32>
      %slice3A_683 = vector.extract_strided_slice %while3A_538#1 {offsets = [3, 0], sizes = [1, 64], strides = [1, 1]} : vector<5x64xi32> to vector<1x64xi32>
      %slice3A_684 = vector.extract_strided_slice %while3A_606#1 {offsets = [3, 0], sizes = [1, 64], strides = [1, 1]} : vector<5x64xi32> to vector<1x64xi32>
      %concatenate3A_685 = tpu.concatenate %slice3A_677, %slice3A_678, %slice3A_679, %slice3A_680, %slice3A_681, %slice3A_682, %slice3A_683, %slice3A_684 in 0 : vector<1x64xi32>, vector<1x64xi32>, vector<1x64xi32>, vector<1x64xi32>, vector<1x64xi32>, vector<1x64xi32>, vector<1x64xi32>, vector<1x64xi32> -> vector<8x64xi32>
      %slice3A_686 = vector.extract_strided_slice %while3A_130#1 {offsets = [4, 0], sizes = [1, 64], strides = [1, 1]} : vector<5x64xi32> to vector<1x64xi32>
      %slice3A_687 = vector.extract_strided_slice %while3A_198#1 {offsets = [4, 0], sizes = [1, 64], strides = [1, 1]} : vector<5x64xi32> to vector<1x64xi32>
      %slice3A_688 = vector.extract_strided_slice %while3A_266#1 {offsets = [4, 0], sizes = [1, 64], strides = [1, 1]} : vector<5x64xi32> to vector<1x64xi32>
      %slice3A_689 = vector.extract_strided_slice %while3A_334#1 {offsets = [4, 0], sizes = [1, 64], strides = [1, 1]} : vector<5x64xi32> to vector<1x64xi32>
      %slice3A_690 = vector.extract_strided_slice %while3A_402#1 {offsets = [4, 0], sizes = [1, 64], strides = [1, 1]} : vector<5x64xi32> to vector<1x64xi32>
      %slice3A_691 = vector.extract_strided_slice %while3A_470#1 {offsets = [4, 0], sizes = [1, 64], strides = [1, 1]} : vector<5x64xi32> to vector<1x64xi32>
      %slice3A_692 = vector.extract_strided_slice %while3A_538#1 {offsets = [4, 0], sizes = [1, 64], strides = [1, 1]} : vector<5x64xi32> to vector<1x64xi32>
      %slice3A_693 = vector.extract_strided_slice %while3A_606#1 {offsets = [4, 0], sizes = [1, 64], strides = [1, 1]} : vector<5x64xi32> to vector<1x64xi32>
      %concatenate3A_694 = tpu.concatenate %slice3A_686, %slice3A_687, %slice3A_688, %slice3A_689, %slice3A_690, %slice3A_691, %slice3A_692, %slice3A_693 in 0 : vector<1x64xi32>, vector<1x64xi32>, vector<1x64xi32>, vector<1x64xi32>, vector<1x64xi32>, vector<1x64xi32>, vector<1x64xi32>, vector<1x64xi32> -> vector<8x64xi32>
      %max3A_695 = arith.constant 0.000000e+00 : f32
      %max3A_696 = vector.broadcast %max3A_695 : f32 to vector<8x64xf32>
      %max3A_697 = arith.maximumf %concatenate3A, %max3A_696 : vector<8x64xf32>
      %neg3A = arith.constant 0.000000e+00 : f32
      %neg3A_698 = vector.broadcast %neg3A : f32 to vector<8x64xf32>
      %neg3A_699 = arith.subf %neg3A_698, %max3A_697 : vector<8x64xf32>
      %exp3A = math.exp %neg3A_699 : vector<8x64xf32>
      %broadcast_in_dim3A_700 = arith.constant 1.000000e+00 : f32
      %broadcast_in_dim3A_701 = vector.broadcast %broadcast_in_dim3A_700 : f32 to vector<1x64xf32>
      %sub3A_702 = arith.subi %get3A_45, %get3A_43 : i32
      %convert_element_type3A_703 = arith.sitofp %sub3A_702 : i32 to f32
      %mul3A_704 = vector.broadcast %convert_element_type3A_703 : f32 to vector<1x64xf32>
      %mul3A_705 = arith.mulf %broadcast_in_dim3A_701, %mul3A_704 : vector<1x64xf32>
      %broadcast_in_dim3A_706 = arith.constant 1.000000e+00 : f32
      %broadcast_in_dim3A_707 = vector.broadcast %broadcast_in_dim3A_706 : f32 to vector<1x64xf32>
      %sub3A_708 = arith.subi %get3A_49, %get3A_47 : i32
      %convert_element_type3A_709 = arith.sitofp %sub3A_708 : i32 to f32
      %mul3A_710 = vector.broadcast %convert_element_type3A_709 : f32 to vector<1x64xf32>
      %mul3A_711 = arith.mulf %broadcast_in_dim3A_707, %mul3A_710 : vector<1x64xf32>
      %broadcast_in_dim3A_712 = arith.constant 1.000000e+00 : f32
      %broadcast_in_dim3A_713 = vector.broadcast %broadcast_in_dim3A_712 : f32 to vector<1x64xf32>
      %sub3A_714 = arith.subi %get3A_53, %get3A_51 : i32
      %convert_element_type3A_715 = arith.sitofp %sub3A_714 : i32 to f32
      %mul3A_716 = vector.broadcast %convert_element_type3A_715 : f32 to vector<1x64xf32>
      %mul3A_717 = arith.mulf %broadcast_in_dim3A_713, %mul3A_716 : vector<1x64xf32>
      %broadcast_in_dim3A_718 = arith.constant 1.000000e+00 : f32
      %broadcast_in_dim3A_719 = vector.broadcast %broadcast_in_dim3A_718 : f32 to vector<1x64xf32>
      %sub3A_720 = arith.subi %get3A_57, %get3A_55 : i32
      %convert_element_type3A_721 = arith.sitofp %sub3A_720 : i32 to f32
      %mul3A_722 = vector.broadcast %convert_element_type3A_721 : f32 to vector<1x64xf32>
      %mul3A_723 = arith.mulf %broadcast_in_dim3A_719, %mul3A_722 : vector<1x64xf32>
      %broadcast_in_dim3A_724 = arith.constant 1.000000e+00 : f32
      %broadcast_in_dim3A_725 = vector.broadcast %broadcast_in_dim3A_724 : f32 to vector<1x64xf32>
      %sub3A_726 = arith.subi %get3A_61, %get3A_59 : i32
      %convert_element_type3A_727 = arith.sitofp %sub3A_726 : i32 to f32
      %mul3A_728 = vector.broadcast %convert_element_type3A_727 : f32 to vector<1x64xf32>
      %mul3A_729 = arith.mulf %broadcast_in_dim3A_725, %mul3A_728 : vector<1x64xf32>
      %broadcast_in_dim3A_730 = arith.constant 1.000000e+00 : f32
      %broadcast_in_dim3A_731 = vector.broadcast %broadcast_in_dim3A_730 : f32 to vector<1x64xf32>
      %sub3A_732 = arith.subi %get3A_65, %get3A_63 : i32
      %convert_element_type3A_733 = arith.sitofp %sub3A_732 : i32 to f32
      %mul3A_734 = vector.broadcast %convert_element_type3A_733 : f32 to vector<1x64xf32>
      %mul3A_735 = arith.mulf %broadcast_in_dim3A_731, %mul3A_734 : vector<1x64xf32>
      %broadcast_in_dim3A_736 = arith.constant 1.000000e+00 : f32
      %broadcast_in_dim3A_737 = vector.broadcast %broadcast_in_dim3A_736 : f32 to vector<1x64xf32>
      %sub3A_738 = arith.subi %get3A_69, %get3A_67 : i32
      %convert_element_type3A_739 = arith.sitofp %sub3A_738 : i32 to f32
      %mul3A_740 = vector.broadcast %convert_element_type3A_739 : f32 to vector<1x64xf32>
      %mul3A_741 = arith.mulf %broadcast_in_dim3A_737, %mul3A_740 : vector<1x64xf32>
      %broadcast_in_dim3A_742 = arith.constant 1.000000e+00 : f32
      %broadcast_in_dim3A_743 = vector.broadcast %broadcast_in_dim3A_742 : f32 to vector<1x64xf32>
      %sub3A_744 = arith.subi %get3A_73, %get3A_71 : i32
      %convert_element_type3A_745 = arith.sitofp %sub3A_744 : i32 to f32
      %mul3A_746 = vector.broadcast %convert_element_type3A_745 : f32 to vector<1x64xf32>
      %mul3A_747 = arith.mulf %broadcast_in_dim3A_743, %mul3A_746 : vector<1x64xf32>
      %concatenate3A_748 = tpu.concatenate %mul3A_705, %mul3A_711, %mul3A_717, %mul3A_723, %mul3A_729, %mul3A_735, %mul3A_741, %mul3A_747 in 0 : vector<1x64xf32>, vector<1x64xf32>, vector<1x64xf32>, vector<1x64xf32>, vector<1x64xf32>, vector<1x64xf32>, vector<1x64xf32>, vector<1x64xf32> -> vector<8x64xf32>
      %mul3A_749 = arith.mulf %concatenate3A_748, %exp3A : vector<8x64xf32>
      %broadcast_in_dim3A_750 = arith.constant 0.000000e+00 : f32
      %broadcast_in_dim3A_751 = vector.broadcast %broadcast_in_dim3A_750 : f32 to vector<8x64xf32>
      %gt3A = arith.constant 0xFF800000 : f32
      %gt3A_752 = vector.broadcast %gt3A : f32 to vector<8x64xf32>
      %gt3A_753 = arith.cmpf ogt, %concatenate3A, %gt3A_752 : vector<8x64xf32>
      %sub3A_754 = arith.subf %concatenate3A, %max3A_697 : vector<8x64xf32>
      %exp3A_755 = math.exp %sub3A_754 : vector<8x64xf32>
      %jit3A_756 = arith.constant 0.000000e+00 : f32
      %broadcast_in_dim3A_757 = vector.broadcast %jit3A_756 : f32 to vector<8x64xf32>
      %select_n3A_758 = arith.select %gt3A_753, %exp3A_755, %broadcast_in_dim3A_757 : vector<8x64xi1>, vector<8x64xf32>
      %sub3A_759 = arith.subf %select_n3A_758, %exp3A : vector<8x64xf32>
      %jit3A_760 = arith.constant 0.000000e+00 : f32
      %broadcast_in_dim3A_761 = vector.broadcast %jit3A_760 : f32 to vector<8x64xf32>
      %select_n3A_762 = arith.select %gt3A_753, %sub3A_759, %broadcast_in_dim3A_761 : vector<8x64xi1>, vector<8x64xf32>
      %add3A_763 = arith.addf %mul3A_749, %select_n3A_762 : vector<8x64xf32>
      %add3A_764 = arith.addf %broadcast_in_dim3A_751, %select_n3A_762 : vector<8x64xf32>
      %swap3A_765 = arith.constant 0 : index
      %swap3A_766 = arith.constant 0 : index
      %swap3A_767 = vector.load %arg11[%swap3A_765, %swap3A_766] : memref<40x64xf32, #tpu.memory_space<vmem>>, vector<8x64xf32>
      tpu.vector_store %arg11[%swap3A_765, %swap3A_766], %select_n3A_762 {strides = array<i32>} : memref<40x64xf32, #tpu.memory_space<vmem>>, vector<8x64xf32>,
      %swap3A_768 = arith.constant 0 : index
      %swap3A_769 = arith.constant 0 : index
      %swap3A_770 = vector.load %arg12[%swap3A_768, %swap3A_769] : memref<40x64xi32, #tpu.memory_space<vmem>>, vector<8x64xi32>
      tpu.vector_store %arg12[%swap3A_768, %swap3A_769], %concatenate3A_658 {strides = array<i32>} : memref<40x64xi32, #tpu.memory_space<vmem>>, vector<8x64xi32>,
      %gt3A_771 = arith.constant 0xFF800000 : f32
      %gt3A_772 = vector.broadcast %gt3A_771 : f32 to vector<8x64xf32>
      %gt3A_773 = arith.cmpf ogt, %concatenate3A_622, %gt3A_772 : vector<8x64xf32>
      %sub3A_774 = arith.subf %concatenate3A_622, %max3A_697 : vector<8x64xf32>
      %exp3A_775 = math.exp %sub3A_774 : vector<8x64xf32>
      %jit3A_776 = arith.constant 0.000000e+00 : f32
      %broadcast_in_dim3A_777 = vector.broadcast %jit3A_776 : f32 to vector<8x64xf32>
      %select_n3A_778 = arith.select %gt3A_773, %exp3A_775, %broadcast_in_dim3A_777 : vector<8x64xi1>, vector<8x64xf32>
      %sub3A_779 = arith.subf %select_n3A_778, %exp3A : vector<8x64xf32>
      %jit3A_780 = arith.constant 0.000000e+00 : f32
      %broadcast_in_dim3A_781 = vector.broadcast %jit3A_780 : f32 to vector<8x64xf32>
      %select_n3A_782 = arith.select %gt3A_773, %sub3A_779, %broadcast_in_dim3A_781 : vector<8x64xi1>, vector<8x64xf32>
      %add3A_783 = arith.addf %add3A_763, %select_n3A_782 : vector<8x64xf32>
      %add3A_784 = arith.addf %add3A_764, %select_n3A_782 : vector<8x64xf32>
      %swap3A_785 = arith.constant 8 : index
      %swap3A_786 = arith.constant 0 : index
      %swap3A_787 = vector.load %arg11[%swap3A_785, %swap3A_786] : memref<40x64xf32, #tpu.memory_space<vmem>>, vector<8x64xf32>
      tpu.vector_store %arg11[%swap3A_785, %swap3A_786], %select_n3A_782 {strides = array<i32>} : memref<40x64xf32, #tpu.memory_space<vmem>>, vector<8x64xf32>,
      %swap3A_788 = arith.constant 8 : index
      %swap3A_789 = arith.constant 0 : index
      %swap3A_790 = vector.load %arg12[%swap3A_788, %swap3A_789] : memref<40x64xi32, #tpu.memory_space<vmem>>, vector<8x64xi32>
      tpu.vector_store %arg12[%swap3A_788, %swap3A_789], %concatenate3A_667 {strides = array<i32>} : memref<40x64xi32, #tpu.memory_space<vmem>>, vector<8x64xi32>,
      %gt3A_791 = arith.constant 0xFF800000 : f32
      %gt3A_792 = vector.broadcast %gt3A_791 : f32 to vector<8x64xf32>
      %gt3A_793 = arith.cmpf ogt, %concatenate3A_631, %gt3A_792 : vector<8x64xf32>
      %sub3A_794 = arith.subf %concatenate3A_631, %max3A_697 : vector<8x64xf32>
      %exp3A_795 = math.exp %sub3A_794 : vector<8x64xf32>
      %jit3A_796 = arith.constant 0.000000e+00 : f32
      %broadcast_in_dim3A_797 = vector.broadcast %jit3A_796 : f32 to vector<8x64xf32>
      %select_n3A_798 = arith.select %gt3A_793, %exp3A_795, %broadcast_in_dim3A_797 : vector<8x64xi1>, vector<8x64xf32>
      %sub3A_799 = arith.subf %select_n3A_798, %exp3A : vector<8x64xf32>
      %jit3A_800 = arith.constant 0.000000e+00 : f32
      %broadcast_in_dim3A_801 = vector.broadcast %jit3A_800 : f32 to vector<8x64xf32>
      %select_n3A_802 = arith.select %gt3A_793, %sub3A_799, %broadcast_in_dim3A_801 : vector<8x64xi1>, vector<8x64xf32>
      %add3A_803 = arith.addf %add3A_783, %select_n3A_802 : vector<8x64xf32>
      %add3A_804 = arith.addf %add3A_784, %select_n3A_802 : vector<8x64xf32>
      %swap3A_805 = arith.constant 16 : index
      %swap3A_806 = arith.constant 0 : index
      %swap3A_807 = vector.load %arg11[%swap3A_805, %swap3A_806] : memref<40x64xf32, #tpu.memory_space<vmem>>, vector<8x64xf32>
      tpu.vector_store %arg11[%swap3A_805, %swap3A_806], %select_n3A_802 {strides = array<i32>} : memref<40x64xf32, #tpu.memory_space<vmem>>, vector<8x64xf32>,
      %swap3A_808 = arith.constant 16 : index
      %swap3A_809 = arith.constant 0 : index
      %swap3A_810 = vector.load %arg12[%swap3A_808, %swap3A_809] : memref<40x64xi32, #tpu.memory_space<vmem>>, vector<8x64xi32>
      tpu.vector_store %arg12[%swap3A_808, %swap3A_809], %concatenate3A_676 {strides = array<i32>} : memref<40x64xi32, #tpu.memory_space<vmem>>, vector<8x64xi32>,
      %gt3A_811 = arith.constant 0xFF800000 : f32
      %gt3A_812 = vector.broadcast %gt3A_811 : f32 to vector<8x64xf32>
      %gt3A_813 = arith.cmpf ogt, %concatenate3A_640, %gt3A_812 : vector<8x64xf32>
      %sub3A_814 = arith.subf %concatenate3A_640, %max3A_697 : vector<8x64xf32>
      %exp3A_815 = math.exp %sub3A_814 : vector<8x64xf32>
      %jit3A_816 = arith.constant 0.000000e+00 : f32
      %broadcast_in_dim3A_817 = vector.broadcast %jit3A_816 : f32 to vector<8x64xf32>
      %select_n3A_818 = arith.select %gt3A_813, %exp3A_815, %broadcast_in_dim3A_817 : vector<8x64xi1>, vector<8x64xf32>
      %sub3A_819 = arith.subf %select_n3A_818, %exp3A : vector<8x64xf32>
      %jit3A_820 = arith.constant 0.000000e+00 : f32
      %broadcast_in_dim3A_821 = vector.broadcast %jit3A_820 : f32 to vector<8x64xf32>
      %select_n3A_822 = arith.select %gt3A_813, %sub3A_819, %broadcast_in_dim3A_821 : vector<8x64xi1>, vector<8x64xf32>
      %add3A_823 = arith.addf %add3A_803, %select_n3A_822 : vector<8x64xf32>
      %add3A_824 = arith.addf %add3A_804, %select_n3A_822 : vector<8x64xf32>
      %swap3A_825 = arith.constant 24 : index
      %swap3A_826 = arith.constant 0 : index
      %swap3A_827 = vector.load %arg11[%swap3A_825, %swap3A_826] : memref<40x64xf32, #tpu.memory_space<vmem>>, vector<8x64xf32>
      tpu.vector_store %arg11[%swap3A_825, %swap3A_826], %select_n3A_822 {strides = array<i32>} : memref<40x64xf32, #tpu.memory_space<vmem>>, vector<8x64xf32>,
      %swap3A_828 = arith.constant 24 : index
      %swap3A_829 = arith.constant 0 : index
      %swap3A_830 = vector.load %arg12[%swap3A_828, %swap3A_829] : memref<40x64xi32, #tpu.memory_space<vmem>>, vector<8x64xi32>
      tpu.vector_store %arg12[%swap3A_828, %swap3A_829], %concatenate3A_685 {strides = array<i32>} : memref<40x64xi32, #tpu.memory_space<vmem>>, vector<8x64xi32>,
      %gt3A_831 = arith.constant 0xFF800000 : f32
      %gt3A_832 = vector.broadcast %gt3A_831 : f32 to vector<8x64xf32>
      %gt3A_833 = arith.cmpf ogt, %concatenate3A_649, %gt3A_832 : vector<8x64xf32>
      %sub3A_834 = arith.subf %concatenate3A_649, %max3A_697 : vector<8x64xf32>
      %exp3A_835 = math.exp %sub3A_834 : vector<8x64xf32>
      %jit3A_836 = arith.constant 0.000000e+00 : f32
      %broadcast_in_dim3A_837 = vector.broadcast %jit3A_836 : f32 to vector<8x64xf32>
      %select_n3A_838 = arith.select %gt3A_833, %exp3A_835, %broadcast_in_dim3A_837 : vector<8x64xi1>, vector<8x64xf32>
      %sub3A_839 = arith.subf %select_n3A_838, %exp3A : vector<8x64xf32>
      %jit3A_840 = arith.constant 0.000000e+00 : f32
      %broadcast_in_dim3A_841 = vector.broadcast %jit3A_840 : f32 to vector<8x64xf32>
      %select_n3A_842 = arith.select %gt3A_833, %sub3A_839, %broadcast_in_dim3A_841 : vector<8x64xi1>, vector<8x64xf32>
      %add3A_843 = arith.addf %add3A_823, %select_n3A_842 : vector<8x64xf32>
      %add3A_844 = arith.addf %add3A_824, %select_n3A_842 : vector<8x64xf32>
      %swap3A_845 = arith.constant 32 : index
      %swap3A_846 = arith.constant 0 : index
      %swap3A_847 = vector.load %arg11[%swap3A_845, %swap3A_846] : memref<40x64xf32, #tpu.memory_space<vmem>>, vector<8x64xf32>
      tpu.vector_store %arg11[%swap3A_845, %swap3A_846], %select_n3A_842 {strides = array<i32>} : memref<40x64xf32, #tpu.memory_space<vmem>>, vector<8x64xf32>,
      %swap3A_848 = arith.constant 32 : index
      %swap3A_849 = arith.constant 0 : index
      %swap3A_850 = vector.load %arg12[%swap3A_848, %swap3A_849] : memref<40x64xi32, #tpu.memory_space<vmem>>, vector<8x64xi32>
      tpu.vector_store %arg12[%swap3A_848, %swap3A_849], %concatenate3A_694 {strides = array<i32>} : memref<40x64xi32, #tpu.memory_space<vmem>>, vector<8x64xi32>,
      %swap3A_851 = arith.constant 0 : index
      %swap3A_852 = arith.constant 0 : index
      %swap3A_853 = vector.load %arg8[%swap3A_851, %swap3A_852] : memref<8x64xf32, #tpu.memory_space<vmem>>, vector<8x64xf32>
      tpu.vector_store %arg8[%swap3A_851, %swap3A_852], %add3A_843 {strides = array<i32>} : memref<8x64xf32, #tpu.memory_space<vmem>>, vector<8x64xf32>,
      %swap3A_854 = arith.constant 0 : index
      %swap3A_855 = arith.constant 0 : index
      %swap3A_856 = vector.load %arg9[%swap3A_854, %swap3A_855] : memref<8x64xf32, #tpu.memory_space<vmem>>, vector<8x64xf32>
      tpu.vector_store %arg9[%swap3A_854, %swap3A_855], %exp3A {strides = array<i32>} : memref<8x64xf32, #tpu.memory_space<vmem>>, vector<8x64xf32>,
      %swap3A_857 = arith.constant 0 : index
      %swap3A_858 = arith.constant 0 : index
      %swap3A_859 = vector.load %arg10[%swap3A_857, %swap3A_858] : memref<8x64xf32, #tpu.memory_space<vmem>>, vector<8x64xf32>
      tpu.vector_store %arg10[%swap3A_857, %swap3A_858], %add3A_844 {strides = array<i32>} : memref<8x64xf32, #tpu.memory_space<vmem>>, vector<8x64xf32>,
    } else {
    }
    return
  }
  func.func @transform_0(%arg0: i32) -> (i32, i32) {
    %c0_i32 = arith.constant 0 : i32
    %c0_i32_0 = arith.constant 0 : i32
    return %arg0, %c0_i32 : i32, i32
  }
  func.func @transform_1(%arg0: i32) -> (i32, i32) {
    %c0_i32 = arith.constant 0 : i32
    %c0_i32_0 = arith.constant 0 : i32
    %c0_i32_1 = arith.constant 0 : i32
    return %c0_i32, %c0_i32_0 : i32, i32
  }
  func.func @transform_2(%arg0: i32) -> (i32, i32) {
    %c0_i32 = arith.constant 0 : i32
    %c0_i32_0 = arith.constant 0 : i32
    %c0_i32_1 = arith.constant 0 : i32
    return %c0_i32, %c0_i32_0 : i32, i32
  }
  func.func @transform_3(%arg0: i32) -> (i32, i32) {
    %c0_i32 = arith.constant 0 : i32
    %c0_i32_0 = arith.constant 0 : i32
    %c0_i32_1 = arith.constant 0 : i32
    return %c0_i32, %c0_i32_0 : i32, i32
  }
  func.func @transform_4(%arg0: i32) -> (i32, i32) {
    %c0_i32 = arith.constant 0 : i32
    %c0_i32_0 = arith.constant 0 : i32
    return %arg0, %c0_i32 : i32, i32
  }
  func.func @transform_5(%arg0: i32) -> i32 {
    %c0_i32 = arith.constant 0 : i32
    %c0_i32_0 = arith.constant 0 : i32
    return %c0_i32 : i32
  }
  func.func @transform_6(%arg0: i32) -> (i32, i32) {
    %c0_i32 = arith.constant 0 : i32
    %c0_i32_0 = arith.constant 0 : i32
    %c0_i32_1 = arith.constant 0 : i32
    return %c0_i32, %c0_i32_0 : i32, i32
  }
  func.func @transform_7(%arg0: i32) -> (i32, i32) {
    %c0_i32 = arith.constant 0 : i32
    %c0_i32_0 = arith.constant 0 : i32
    %c0_i32_1 = arith.constant 0 : i32
    return %c0_i32, %c0_i32_0 : i32, i32
  }
  func.func @transform_8(%arg0: i32) -> (i32, i32) {
    %c0_i32 = arith.constant 0 : i32
    %c0_i32_0 = arith.constant 0 : i32
    %c0_i32_1 = arith.constant 0 : i32
    return %c0_i32, %c0_i32_0 : i32, i32
  }
  func.func @transform_9(%arg0: i32) -> (i32, i32) {
    %c0_i32 = arith.constant 0 : i32
    %c0_i32_0 = arith.constant 0 : i32
    %c0_i32_1 = arith.constant 0 : i32
    return %c0_i32, %c0_i32_0 : i32, i32
  }
  func.func @transform_10(%arg0: i32) -> (i32, i32) {
    %c0_i32 = arith.constant 0 : i32
    %c0_i32_0 = arith.constant 0 : i32
    %c0_i32_1 = arith.constant 0 : i32
    return %c0_i32, %c0_i32_0 : i32, i32
  }
  func.func @transform_11(%arg0: i32) -> (i32, i32) {
    %c0_i32 = arith.constant 0 : i32
    %c0_i32_0 = arith.constant 0 : i32
    %c0_i32_1 = arith.constant 0 : i32
    return %c0_i32, %c0_i32_0 : i32, i32
  }
}

module attributes {stable_mosaic.version = 14 : i64} {
  func.func @_head_kernel(%arg0: memref<8x512xf32, #tpu.memory_space<vmem>>, %arg1: memref<512x256xf32, #tpu.memory_space<vmem>>, %arg2: memref<8x64xf32, #tpu.memory_space<vmem>>, %arg3: memref<8x64xf32, #tpu.memory_space<vmem>>, %arg4: memref<8x64xf32, #tpu.memory_space<vmem>>, %arg5: memref<256x512xf32, #tpu.memory_space<vmem>>, %arg6: memref<1x512xf32, #tpu.memory_space<vmem>>, %arg7: memref<512x512xf32, #tpu.memory_space<vmem>>, %arg8: memref<1x512xf32, #tpu.memory_space<vmem>>, %arg9: memref<512x512xf32, #tpu.memory_space<vmem>>, %arg10: memref<1x512xf32, #tpu.memory_space<vmem>>, %arg11: memref<512x512xf32, #tpu.memory_space<vmem>>, %arg12: memref<1x512xf32, #tpu.memory_space<vmem>>, %arg13: memref<512x128xf32, #tpu.memory_space<vmem>>, %arg14: memref<1x128xf32, #tpu.memory_space<vmem>>, %arg15: memref<8x128xf32, #tpu.memory_space<vmem>>) attributes {dimension_semantics = [], scalar_prefetch = 0 : i64, scratch_operands = 0 : i64, tpu.core_type = #tpu.core_type<tc>} {
    %get3A = arith.constant 0 : index
    %get3A_0 = arith.constant 0 : index
    %get3A_1 = vector.load %arg0[%get3A, %get3A_0] : memref<8x512xf32, #tpu.memory_space<vmem>>, vector<8x512xf32>
    %get3A_2 = arith.constant 0 : index
    %get3A_3 = arith.constant 0 : index
    %get3A_4 = vector.load %arg2[%get3A_2, %get3A_3] : memref<8x64xf32, #tpu.memory_space<vmem>>, vector<8x64xf32>
    %get3A_5 = arith.constant 0 : index
    %get3A_6 = arith.constant 0 : index
    %get3A_7 = vector.load %arg3[%get3A_5, %get3A_6] : memref<8x64xf32, #tpu.memory_space<vmem>>, vector<8x64xf32>
    %get3A_8 = arith.constant 0 : index
    %get3A_9 = arith.constant 0 : index
    %get3A_10 = vector.load %arg4[%get3A_8, %get3A_9] : memref<8x64xf32, #tpu.memory_space<vmem>>, vector<8x64xf32>
    %get3A_11 = arith.constant 0 : index
    %get3A_12 = arith.constant 0 : index
    %get3A_13 = vector.load %arg1[%get3A_11, %get3A_12] : memref<512x256xf32, #tpu.memory_space<vmem>>, vector<512x256xf32>
    %get3A_14 = arith.constant 0 : index
    %get3A_15 = arith.constant 0 : index
    %get3A_16 = vector.load %arg5[%get3A_14, %get3A_15] : memref<256x512xf32, #tpu.memory_space<vmem>>, vector<256x512xf32>
    %dot_general3A = arith.constant dense<0.000000e+00> : vector<512x512xf32>
    %dot_general3A_17 = tpu.matmul %get3A_13, %get3A_16, %dot_general3A {dimension_numbers = #tpu.dot_dimension_numbers<[1], [0], [0], [1], [0, 0, 1, 1], [], []>, transpose_lhs_hint = false} : vector<512x256xf32>, vector<256x512xf32>, vector<512x512xf32> -> vector<512x512xf32>
    %reshape3A = vector.shape_cast %dot_general3A_17 : vector<512x512xf32> to vector<8x64x512xf32>
    %broadcast_in_dim3A = vector.shape_cast %get3A_10 : vector<8x64xf32> to vector<8x64x1xf32>
    %get3A_18 = arith.constant 0 : index
    %get3A_19 = arith.constant 0 : index
    %get3A_20 = vector.load %arg6[%get3A_18, %get3A_19] : memref<1x512xf32, #tpu.memory_space<vmem>>, vector<1x512xf32>
    %broadcast_in_dim3A_21 = vector.shape_cast %get3A_20 : vector<1x512xf32> to vector<1x1x512xf32>
    %mul3A = vector.broadcast %broadcast_in_dim3A : vector<8x64x1xf32> to vector<8x64x512xf32>
    %mul3A_22 = vector.broadcast %broadcast_in_dim3A_21 : vector<1x1x512xf32> to vector<8x64x512xf32>
    %mul3A_23 = arith.mulf %mul3A, %mul3A_22 : vector<8x64x512xf32>
    %add3A = arith.addf %reshape3A, %mul3A_23 : vector<8x64x512xf32>
    %broadcast_in_dim3A_24 = vector.shape_cast %get3A_4 : vector<8x64xf32> to vector<8x64x1xf32>
    %broadcast_in_dim3A_25 = vector.shape_cast %get3A_1 : vector<8x512xf32> to vector<8x1x512xf32>
    %mul3A_26 = vector.broadcast %broadcast_in_dim3A_24 : vector<8x64x1xf32> to vector<8x64x512xf32>
    %mul3A_27 = vector.broadcast %broadcast_in_dim3A_25 : vector<8x1x512xf32> to vector<8x64x512xf32>
    %mul3A_28 = arith.mulf %mul3A_26, %mul3A_27 : vector<8x64x512xf32>
    %add3A_29 = arith.addf %mul3A_28, %add3A : vector<8x64x512xf32>
    %div3A = arith.constant 1.000000e+00 : f32
    %div3A_30 = vector.broadcast %div3A : f32 to vector<8x64xf32>
    %div3A_31 = arith.divf %div3A_30, %get3A_7 : vector<8x64xf32>
    %broadcast_in_dim3A_32 = vector.shape_cast %div3A_31 : vector<8x64xf32> to vector<8x64x1xf32>
    %mul3A_33 = vector.broadcast %broadcast_in_dim3A_32 : vector<8x64x1xf32> to vector<8x64x512xf32>
    %mul3A_34 = arith.mulf %add3A_29, %mul3A_33 : vector<8x64x512xf32>
    %reshape3A_35 = vector.shape_cast %mul3A_34 : vector<8x64x512xf32> to vector<512x512xf32>
    %get3A_36 = arith.constant 0 : index
    %get3A_37 = arith.constant 0 : index
    %get3A_38 = vector.load %arg7[%get3A_36, %get3A_37] : memref<512x512xf32, #tpu.memory_space<vmem>>, vector<512x512xf32>
    %dot_general3A_39 = arith.constant dense<0.000000e+00> : vector<512x512xf32>
    %dot_general3A_40 = tpu.matmul %reshape3A_35, %get3A_38, %dot_general3A_39 {dimension_numbers = #tpu.dot_dimension_numbers<[1], [0], [0], [1], [0, 0, 1, 1], [], []>, transpose_lhs_hint = false} : vector<512x512xf32>, vector<512x512xf32>, vector<512x512xf32> -> vector<512x512xf32>
    %get3A_41 = arith.constant 0 : index
    %get3A_42 = arith.constant 0 : index
    %get3A_43 = vector.load %arg8[%get3A_41, %get3A_42] : memref<1x512xf32, #tpu.memory_space<vmem>>, vector<1x512xf32>
    %add3A_44 = vector.broadcast %get3A_43 : vector<1x512xf32> to vector<512x512xf32>
    %add3A_45 = arith.addf %dot_general3A_40, %add3A_44 : vector<512x512xf32>
    %max3A = arith.constant 0.000000e+00 : f32
    %max3A_46 = vector.broadcast %max3A : f32 to vector<512x512xf32>
    %max3A_47 = arith.maximumf %add3A_45, %max3A_46 : vector<512x512xf32>
    %get3A_48 = arith.constant 0 : index
    %get3A_49 = arith.constant 0 : index
    %get3A_50 = vector.load %arg9[%get3A_48, %get3A_49] : memref<512x512xf32, #tpu.memory_space<vmem>>, vector<512x512xf32>
    %dot_general3A_51 = arith.constant dense<0.000000e+00> : vector<512x512xf32>
    %dot_general3A_52 = tpu.matmul %max3A_47, %get3A_50, %dot_general3A_51 {dimension_numbers = #tpu.dot_dimension_numbers<[1], [0], [0], [1], [0, 0, 1, 1], [], []>, transpose_lhs_hint = false} : vector<512x512xf32>, vector<512x512xf32>, vector<512x512xf32> -> vector<512x512xf32>
    %get3A_53 = arith.constant 0 : index
    %get3A_54 = arith.constant 0 : index
    %get3A_55 = vector.load %arg10[%get3A_53, %get3A_54] : memref<1x512xf32, #tpu.memory_space<vmem>>, vector<1x512xf32>
    %add3A_56 = vector.broadcast %get3A_55 : vector<1x512xf32> to vector<512x512xf32>
    %add3A_57 = arith.addf %dot_general3A_52, %add3A_56 : vector<512x512xf32>
    %iota3A = tpu.iota {dimensions = array<i32: 0>} : vector<8x512xi32>
    %iota3A_58 = tpu.iota {dimensions = array<i32: 1>} : vector<8x512xi32>
    %jit3A = arith.constant 64 : i32
    %div3A_59 = vector.broadcast %jit3A : i32 to vector<8x512xi32>
    %div3A_60 = arith.divsi %iota3A_58, %div3A_59 : vector<8x512xi32>
    %sign3A = arith.constant 0 : i32
    %sign3A_61 = vector.broadcast %sign3A : i32 to vector<8x512xi32>
    %sign3A_62 = arith.cmpi sgt, %iota3A_58, %sign3A_61 : vector<8x512xi32>
    %sign3A_63 = arith.extui %sign3A_62 : vector<8x512xi1> to vector<8x512xi32>
    %sign3A_64 = arith.constant 0 : i32
    %sign3A_65 = vector.broadcast %sign3A_64 : i32 to vector<8x512xi32>
    %sign3A_66 = arith.cmpi slt, %iota3A_58, %sign3A_65 : vector<8x512xi32>
    %sign3A_67 = arith.extui %sign3A_66 : vector<8x512xi1> to vector<8x512xi32>
    %sign3A_68 = arith.subi %sign3A_63, %sign3A_67 : vector<8x512xi32>
    %sign3A_69 = arith.constant 0 : i32
    %sign3A_70 = arith.cmpi sgt, %jit3A, %sign3A_69 : i32
    %sign3A_71 = arith.extui %sign3A_70 : i1 to i32
    %sign3A_72 = arith.constant 0 : i32
    %sign3A_73 = arith.cmpi slt, %jit3A, %sign3A_72 : i32
    %sign3A_74 = arith.extui %sign3A_73 : i1 to i32
    %sign3A_75 = arith.subi %sign3A_71, %sign3A_74 : i32
    %ne3A = vector.broadcast %sign3A_75 : i32 to vector<8x512xi32>
    %ne3A_76 = arith.cmpi ne, %sign3A_68, %ne3A : vector<8x512xi32>
    %rem3A = vector.broadcast %jit3A : i32 to vector<8x512xi32>
    %rem3A_77 = arith.remsi %iota3A_58, %rem3A : vector<8x512xi32>
    %ne3A_78 = arith.constant 0 : i32
    %ne3A_79 = vector.broadcast %ne3A_78 : i32 to vector<8x512xi32>
    %ne3A_80 = arith.cmpi ne, %rem3A_77, %ne3A_79 : vector<8x512xi32>
    %and3A = arith.andi %ne3A_76, %ne3A_80 : vector<8x512xi1>
    %sub3A = arith.constant 1 : i32
    %sub3A_81 = vector.broadcast %sub3A : i32 to vector<8x512xi32>
    %sub3A_82 = arith.subi %div3A_60, %sub3A_81 : vector<8x512xi32>
    %select_n3A = arith.select %and3A, %sub3A_82, %div3A_60 : vector<8x512xi1>, vector<8x512xi32>
    %eq3A = arith.cmpi eq, %select_n3A, %iota3A : vector<8x512xi32>
    %jit3A_83 = arith.constant 1.562500e-02 : f32
    %jit3A_84 = arith.constant 0.000000e+00 : f32
    %broadcast_in_dim3A_85 = vector.broadcast %jit3A_83 : f32 to vector<8x512xf32>
    %broadcast_in_dim3A_86 = vector.broadcast %jit3A_84 : f32 to vector<8x512xf32>
    %select_n3A_87 = arith.select %eq3A, %broadcast_in_dim3A_85, %broadcast_in_dim3A_86 : vector<8x512xi1>, vector<8x512xf32>
    %dot_general3A_88 = arith.constant dense<0.000000e+00> : vector<8x512xf32>
    %dot_general3A_89 = tpu.matmul %select_n3A_87, %add3A_57, %dot_general3A_88 {dimension_numbers = #tpu.dot_dimension_numbers<[1], [0], [0], [1], [0, 0, 1, 1], [], []>, transpose_lhs_hint = false} : vector<8x512xf32>, vector<512x512xf32>, vector<8x512xf32> -> vector<8x512xf32>
    %get3A_90 = arith.constant 0 : index
    %get3A_91 = arith.constant 0 : index
    %get3A_92 = vector.load %arg11[%get3A_90, %get3A_91] : memref<512x512xf32, #tpu.memory_space<vmem>>, vector<512x512xf32>
    %dot_general3A_93 = arith.constant dense<0.000000e+00> : vector<8x512xf32>
    %dot_general3A_94 = tpu.matmul %dot_general3A_89, %get3A_92, %dot_general3A_93 {dimension_numbers = #tpu.dot_dimension_numbers<[1], [0], [0], [1], [0, 0, 1, 1], [], []>, transpose_lhs_hint = false} : vector<8x512xf32>, vector<512x512xf32>, vector<8x512xf32> -> vector<8x512xf32>
    %get3A_95 = arith.constant 0 : index
    %get3A_96 = arith.constant 0 : index
    %get3A_97 = vector.load %arg12[%get3A_95, %get3A_96] : memref<1x512xf32, #tpu.memory_space<vmem>>, vector<1x512xf32>
    %add3A_98 = vector.broadcast %get3A_97 : vector<1x512xf32> to vector<8x512xf32>
    %add3A_99 = arith.addf %dot_general3A_94, %add3A_98 : vector<8x512xf32>
    %max3A_100 = arith.constant 0.000000e+00 : f32
    %max3A_101 = vector.broadcast %max3A_100 : f32 to vector<8x512xf32>
    %max3A_102 = arith.maximumf %add3A_99, %max3A_101 : vector<8x512xf32>
    %get3A_103 = arith.constant 0 : index
    %get3A_104 = arith.constant 0 : index
    %get3A_105 = vector.load %arg13[%get3A_103, %get3A_104] : memref<512x128xf32, #tpu.memory_space<vmem>>, vector<512x128xf32>
    %dot_general3A_106 = arith.constant dense<0.000000e+00> : vector<8x128xf32>
    %dot_general3A_107 = tpu.matmul %max3A_102, %get3A_105, %dot_general3A_106 {dimension_numbers = #tpu.dot_dimension_numbers<[1], [0], [0], [1], [0, 0, 1, 1], [], []>, transpose_lhs_hint = false} : vector<8x512xf32>, vector<512x128xf32>, vector<8x128xf32> -> vector<8x128xf32>
    %get3A_108 = arith.constant 0 : index
    %get3A_109 = arith.constant 0 : index
    %get3A_110 = vector.load %arg14[%get3A_108, %get3A_109] : memref<1x128xf32, #tpu.memory_space<vmem>>, vector<1x128xf32>
    %add3A_111 = vector.broadcast %get3A_110 : vector<1x128xf32> to vector<8x128xf32>
    %add3A_112 = arith.addf %dot_general3A_107, %add3A_111 : vector<8x128xf32>
    %swap3A = arith.constant 0 : index
    %swap3A_113 = arith.constant 0 : index
    %swap3A_114 = vector.load %arg15[%swap3A, %swap3A_113] : memref<8x128xf32, #tpu.memory_space<vmem>>, vector<8x128xf32>
    tpu.vector_store %arg15[%swap3A, %swap3A_113], %add3A_112 {strides = array<i32>} : memref<8x128xf32, #tpu.memory_space<vmem>>, vector<8x128xf32>,
    return
  }
}

</mosaic_0001>

<sc_bundles>
// kernel: kernel.5.cloned.1.call-start
scs
__scs_entry_jumppad:
0x0: {  	(pc) =	sbr.rel $0x88, $3  }
0x1: {  	(tag) =	ssettag $0x0;
	lr =	simm.s32 $0x1  }
0x2: {  	[smem:$0x3F94] =	sst lr;
	_ =	strace $0xD0000000  }
0x3: {  	_ = 	snop  }
0x4: {  	_ = 	snop  }
0x5: {  	_ = 	snop  }
0x6: {  	_ = 	snop  }
0x7: {  	_ = 	snop  }
__scs_overlays_trampoline_lowered:
0x8: {  	[smem:$0x3FA3] =	sst s0  }
0x9: {  	[smem:$0x3FA4] =	sst s1  }
0xa: {  	[smem:$0x3FA5] =	sst s2  }
0xb: {  	[smem:$0x3FA6] =	sst s3  }
0xc: {  	[smem:$0x3FA7] =	sst s4  }
0xd: {  	[smem:$0x3FA8] =	sst s5  }
0xe: {  	[smem:$0x3FA9] =	sst s6  }
0xf: {  	[smem:$0x3FAA] =	sst s7  }
0x10: {  	[smem:$0x3FAB] =	sst s8  }
0x11: {  	[smem:$0x3FAC] =	sst s9;
	s0 =	simm.s32 @!p0 $0x0  }
0x12: {  	s1 =	sld [smem:$0x3F92];
	s0 =	simm.s32 @p0 $0x1  }
0x13: {  	[smem:$0x3FAD] =	sst s0;
	s0 =	simm.s32 @!p1 $0x0  }
0x14: {  	s2 =	sld [smem:$0x3F91];
	s0 =	simm.s32 @p1 $0x1  }
0x15: {  	[smem:$0x3FAE] =	sst s0;
	s0 =	simm.s32 @!p2 $0x0  }
0x16: {  	s3 =	sld [smem:$0x3FDB];
	s0 =	simm.s32 @p2 $0x1  }
0x17: {  	s4 =	simm.s32 $0x1BF5;
	[smem:$0x3FB0] =	sst s0  }
0x18: {  	s0 =	sld [smem:$0x3F93];
	_ =	swait.ge [sflag:s4], $0x0  }
0x19: {  	s7 =	sld [smem:$0x3F94]  }
0x1a: {  	s8 =	sadd.s32 $0xFFFFE003, lr  }
0x1b: {  	s9 =	sadd.s32 $0xFFFFFEF7, lr;
	s5 =	simm.s32 $0xFFFFFFFF;
	p2 =	slt.u32 s8, $0xFFFFF086  }
0x1c: {  	p1 =	slt.u32 s9, $0xF7A;
	s5 =	simm.s32 @!p2 $0x0  }
0x1d: {  	s5 =	simm.s32 @p1 $0x1;
	p0 =	seq.s32 s7, s2  }
0x1e: {  	s7 =	smul.u32 @!p0 $0xF7A, s2;
	p2 =	seq.s32 @!p0 s5, $0x0  }
0x1f: {  	s9 =	smul.u32 $0xF7A, s1;
	s8 =	simm.s32 @!p0 $0x1BF5;
	p2 =	por !p2, p0  }
0x20: {  	[sflag:s8] =	ssyncset.s32 @!p0 $0xFFFFF086;
	s6 =	sadd.s32 @!p0 s3, s7;
	s7 =	simm.s32 @!p0 $0x108  }
0x21: {  	s3 =	sadd.s32 s3, s9;
	s6 =	sadd.s32 @!p0 $0x88, s6;
	s7 =	simm.s32 @p2 $0x1082  }
0x22: {  	[simem:s7], [sflag:s8] =	dma.local @!p0 [hbm:s6], $0xF7A  }
0x23: {  	s9 =	sor.u32 $0xD0000000, s2;
	s6 =	simm.s32 $0x108;
	_ =	swait.ge @!p0 [sflag:s8], $0x0  }
0x24: {  	s3 =	sadd.s32 $0x88, s3;
	s6 =	simm.s32 @!p1 $0x1082;
	[sflag:s4] =	ssyncset.s32 $0xFFFFF086  }
0x25: {  	[simem:s6], [sflag:s4] =	dma.local [hbm:s3], $0xF7A  }
0x26: {  	[smem:$0x3F94] =	sst s1;
	(tag) =	ssettag s2;
	_ =	strace s9  }
0x27: {  	s1 =	sld [smem:$0x3FA4]  }
0x28: {  	s2 =	sld [smem:$0x3FA5]  }
0x29: {  	s4 =	sld [smem:$0x3FA7]  }
0x2a: {  	p0 =	seq.s32 s5, $0x0;
	s5 =	sld [smem:$0x3FA8]  }
0x2b: {  	s6 =	sld [smem:$0x3FA9]  }
0x2c: {  	s7 =	sld [smem:$0x3FAA]  }
0x2d: {  	s3 =	simm.s32 $0x108;
	s8 =	sld [smem:$0x3FAB]  }
0x2e: {  	s3 =	simm.s32 @!p0 $0x1082;
	s9 =	sld [smem:$0x3FAC]  }
0x2f: {  	lr =	sadd.s32 s0, s3;
	s0 =	sld [smem:$0x3FA3]  }
0x30: {  	s3 =	sld [smem:$0x3FA6]  }
0x31: {  	[smem:$0x3FAF] =	sst s10  }
0x32: {  	s10 =	sld [smem:$0x3FAD];
	_ =	sdelay $0x3  }
0x33: {  	p0 =	seq.s32 s10, $0x1;
	s10 =	sld [smem:$0x3FAF];
	_ =	sdelay $0x3  }
0x34: {  	[smem:$0x3FAF] =	sst s10  }
0x35: {  	s10 =	sld [smem:$0x3FAE];
	_ =	sdelay $0x3  }
0x36: {  	p1 =	seq.s32 s10, $0x1;
	s10 =	sld [smem:$0x3FAF];
	_ =	sdelay $0x3  }
0x37: {  	[smem:$0x3FAF] =	sst s10  }
0x38: {  	s10 =	sld [smem:$0x3FB0]  }
0x39: {  	_ = 	snop;
	(pc) =	sbr.ind lr, $3  }
0x3a: {  	_ = 	snop  }
0x3b: {  	_ = 	snop  }
0x3c: {  	p2 =	seq.s32 s10, $0x1;
	s10 =	sld [smem:$0x3FAF]  }
0x3d: {  	_ =	shalt  }
0x3e: {  	_ =	shalt  }
0x3f: {  	_ =	shalt  }
0x40: {  	_ =	shalt  }
0x41: {  	_ =	shalt  }
0x42: {  	_ =	shalt  }
0x43: {  	_ =	shalt  }
0x44: {  	_ =	shalt  }
0x45: {  	_ =	shalt  }
0x46: {  	_ =	shalt  }
0x47: {  	_ =	shalt  }
0x48: {  	_ =	shalt  }
0x49: {  	_ =	shalt  }
0x4a: {  	_ =	shalt  }
0x4b: {  	_ =	shalt  }
0x4c: {  	_ =	shalt  }
0x4d: {  	_ =	shalt  }
0x4e: {  	_ =	shalt  }
0x4f: {  	_ =	shalt  }
0x50: {  	_ =	shalt  }
0x51: {  	_ =	shalt  }
0x52: {  	_ =	shalt  }
0x53: {  	_ =	shalt  }
0x54: {  	_ =	shalt  }
0x55: {  	_ =	shalt  }
0x56: {  	_ =	shalt  }
0x57: {  	_ =	shalt  }
0x58: {  	_ =	shalt  }
0x59: {  	_ =	shalt  }
0x5a: {  	_ =	shalt  }
0x5b: {  	_ =	shalt  }
0x5c: {  	_ =	shalt  }
0x5d: {  	_ =	shalt  }
0x5e: {  	_ =	shalt  }
0x5f: {  	_ =	shalt  }
0x60: {  	_ =	shalt  }
0x61: {  	_ =	shalt  }
0x62: {  	_ =	shalt  }
0x63: {  	_ =	shalt  }
0x64: {  	_ =	shalt  }
0x65: {  	_ =	shalt  }
0x66: {  	_ =	shalt  }
0x67: {  	_ =	shalt  }
0x68: {  	_ =	shalt  }
0x69: {  	_ =	shalt  }
0x6a: {  	_ =	shalt  }
0x6b: {  	_ =	shalt  }
0x6c: {  	_ =	shalt  }
0x6d: {  	_ =	shalt  }
0x6e: {  	_ =	shalt  }
0x6f: {  	_ =	shalt  }
0x70: {  	_ =	shalt  }
0x71: {  	_ =	shalt  }
0x72: {  	_ =	shalt  }
0x73: {  	_ =	shalt  }
0x74: {  	_ =	shalt  }
0x75: {  	_ =	shalt  }
0x76: {  	_ =	shalt  }
0x77: {  	_ =	shalt  }
0x78: {  	_ =	shalt  }
0x79: {  	_ =	shalt  }
0x7a: {  	_ =	shalt  }
0x7b: {  	_ =	shalt  }
0x7c: {  	_ =	shalt  }
0x7d: {  	_ =	shalt  }
0x7e: {  	_ =	shalt  }
0x7f: {  	_ =	shalt  }
0x80: {  	_ =	shalt  }
0x81: {  	_ =	shalt  }
0x82: {  	_ =	shalt  }
0x83: {  	_ =	shalt  }
0x84: {  	_ =	shalt  }
0x85: {  	_ =	shalt  }
0x86: {  	_ =	shalt  }
0x87: {  	_ =	shalt  }
.Lfunc_end0:
.L_simem_size_0:
called_computation_lowered:
.L_overlay_start_0:
0x88: {  	s2 =	sld [smem:$0x3FD9]  }
0x89: {  	s3 =	sld [smem:$0x3FFE];
	_ =	sdelay $0x1  }
0x8a: {  	s1 =	srdreg.scid  }
0x8b: {  	s0 =	sand.u32 $0x1, s1  }
0x8c: {  	s17 =	sshll.u32 s0, $0xA;
	s2 =	sadd.s32 s3, s2  }
0x8d: {  	s2 =	sadd.s32 s2, s17  }
0x8e: {  	[smem:$0x3FBB] =	sst s2  }
0x8f: {  	_ = 	snop  }
0x90: {  	s2 =	sld [smem:$0x3FC9];
	(tm) =	ssettm $0x1  }
0x91: {  	s18 =	sld [smem:$0x3FFB];
	_ =	sdelay $0x3  }
0x92: {  	_ =	strace s18  }
0x93: {  	s3 =	sld [smem:$0x3FFC];
	_ =	sdelay $0x3  }
0x94: {  	_ =	strace s3  }
0x95: {  	s3 =	sld [smem:$0x3FFD];
	_ =	sdelay $0x3  }
0x96: {  	_ =	strace s3  }
0x97: {  	_ =	strace $0x8FFFFFFF  }
0x98: {  	s19 =	sld [smem:$0x3FDB];
	_ =	sdelay $0x1  }
0x99: {  	s4 =	simm.s32 $_scs_section_size  }
0x9a: {  	s5 =	simm.s32 $_size__tile_overlayer_lowered;
	s6 =	simm.s32 $_tile_overlayer_lowered  }
0x9b: {  	s22 =	simm.s32 $0x1BFF;
	s21 =	sshll.u32 s6, $0x1;
	s3 =	sadd.s32 s4, s19  }
0x9c: {  	s7 =	simm.s32 $0x0;
	s20 =	sshll.u32 s5, $0x1;
	s5 =	sadd.s32 s21, s3  }
0x9d: {  	[timem:s7], [sflag:s22] =	dma.local [hbm:s5], s20  }
0x9e: {  	_ =	swait.ge [sflag:s22], s20  }
0x9f: {  	s4 =	ssub.s32 $0x0, s20;
	[sflag:s22] =	ssyncset.done $0x0  }
0xa0: {  	[sflag:s22] =	ssyncadd.s32 s4;
	_ =	sdelay $0x1  }
0xa1: {  	s23 =	simm.s32 $0x1B8B  }
0xa2: {  	_ =	swait.ge [sflag:s23], $0x1  }
0xa3: {  	[sflag:s23] =	ssyncset.done $0x0  }
0xa4: {  	s25 =	simm.s32 $0x1B8E;
	s24 =	sld [smem:$0x3FFE];
	[sflag:s23] =	ssyncadd.s32 $0xFFFFFFFF  }
0xa5: {  	s26 =	simm.s32 $execute0_lowered;
	[smem:$0x3FD2] =	sst s25  }
0xa6: {  	s5 =	sshll.u32 s26, $0x1;
	_ =	strace $0x80000046;
	[dreg:$0x1] =	wrdreg $0xFFFFFFFF  }
0xa7: {  	s28 =	simm.s32 $_size_execute0_lowered;
	s3 =	sadd.s32 s3, s5;
	[dreg:$0x0] =	wrdreg $0x0  }
0xa8: {  	s5 =	sshll.u32 s28, $0x1;
	[dreg:$0x2] =	wrdreg s3  }
0xa9: {  	[dreg:$0x3] =	wrdreg s5  }
0xaa: {  	[dreg:$0x4] =	wrdreg $0xC0  }
0xab: {  	_ =	task [dreg:s7], $0x5FFFF  }
0xac: {  	[dreg:$0x1] =	wrdreg $0xFFFFFFFF  }
0xad: {  	[dreg:$0x0] =	wrdreg $0x60  }
0xae: {  	[dreg:$0x2] =	wrdreg s24  }
0xaf: {  	[dreg:$0x3] =	wrdreg s2  }
0xb0: {  	[dreg:$0x4] =	wrdreg $0x9  }
0xb1: {  	_ =	task.clear_ibuf [dreg:s7], $0x5FFFF;
	_ =	strace $0x90000046  }
0xb2: {  	s29 =	simm.s32 $0x9;
	_ =	strace $0x80000048  }
0xb3: {  	_ =	swait.ge [sflag:s29], $0x1  }
0xb4: {  	[sflag:s29] =	ssyncadd.s32 $0xFFFFFFFF  }
0xb5: {  	_ =	strace $0x90000048  }
0xb6: {  	_ =	sfence  }
0xb7: {  	s30 =	sld [smem:$0x0];
	_ =	sdelay $0x2  }
0xb8: {  	s31 =	sshll.u32 s1, $0xD;
	s1 =	sshrl.u32 s1, $0x2  }
0xb9: {  	s3 =	sand.u32 $0x4000, s31;
	s1 =	sadd.s32 s1, s30  }
0xba: {  	s0 =	sor.u32 s3, s0;
	s1 =	sshll.u32 s1, $0x11  }
0xbb: {  	s0 =	sor.u32 s1, s0  }
0xbc: {  	s0 =	sadd.s32 $0x8F2B, s0  }
0xbd: {  	[sflag:s0] =	ssyncadd.remote.s32 $0x1  }
0xbe: {  	_ =	sfence.sel $0xFFFF  }
0xbf: {  	[dreg:$0x0] =	wrdreg $0xFFFFFFFF;
	(pc) =	sbr.abs _section_cstart, $3  }
0xc0: {  	[dreg:$0x1] =	wrdreg $0xFFFFFFFF  }
0xc1: {  	_ =	task.clear_ibuf [dreg:s7], $0x2FFFF;
	_ =	strace $0x9FFFFFFF  }
0xc2: {  	(tm) =	ssettm $0x7FFFFFFF  }
0xc3: {  	_ =	shalt  }
tec
execute0_lowered:
.L_overlay_start_1:
0x0: {  	(tag) =	ssettag $0x1  }
0x1: {  	s1 =	srdreg.scid;
	s4 =	rddreg [dreg:$0x0]  }
0x2: {  	s0 =	stileid.u32;
	s2 =	rddreg [dreg:$0x1];
	s10 =	simm.s32 $0x580  }
0x3: {  	s11 =	simm.s32 $0xD80;
	s12 =	simm.s32 $0x1580;
	s13 =	simm.s32 $0x1D80  }
0x4: {  	s14 =	simm.s32 $0x2580;
	s15 =	simm.s32 $0x2D80;
	s16 =	simm.s32 $0x3580  }
0x5: {  	s17 =	simm.s32 $0x3D80;
	s18 =	simm.s32 $0x4580;
	s19 =	simm.s32 $0x4D80  }
0x6: {  	s20 =	simm.s32 $0x1;
	s1 =	sand.u32 $0x1, s1;
	s3 =	sshll.u32 s0, $0x1  }
0x7: {  	s21 =	simm.s32 $0x5580;
	s22 =	simm.s32 $0x0;
	s5 =	sor.u32 s1, s3  }
0x8: {  	s3 =	simm.s32 $0x0;
	s1 =	ssub.s32 $0x2, s1;
	s6 =	smul.u32 $0xA, s5  }
0x9: {  	[smem:$0x7FF] =	sst s3;
	s7 =	smul.u32 $0xA0, s5;
	s5 =	sshll.u32 s5, $0x9  }
0xa: {  	s8 =	sshrl.u32 s1, $0x1;
	_ =	strace $0x80000047;
	s9 =	sadd.s32 s5, s4  }
0xb: {  	v2 =	vlaneseq.u32;
	s1 =	ssub.s32 s1, s8;
	s6 =	sadd.s32 s6, s4;
	s7 =	sadd.s32 s7, s4  }
0xc: {  	vm0 =	vmmov $0xffff;
	v1 =	vshrl.u32 v2, $0x3;
	s8 =	simm.s32 $0x2;
	s4 =	sadd.s32 $0x2400, s6;
	s5 =	sadd.s32 $0x2600, s7  }
0xd: {  	v0 =	vand.u32 $0x7, v2;
	v2 =	vor.u32 $0x8, v2;
	v1 =	vmul.u32 $0x8, v1;
	s6 =	sadd.s32 $0x3A00, s9;
	s7 =	smax.u32 s1, $0x1;
	s9 =	simm.s32 $0x80  }
.LBB2_1:
0xe: {  	[tilespmem:s3], [sflag:$0x2] =	stream.linear.gather [hbm4b:s4+s3], $0x50, $0x38;
	[tilespmem:$0x6580] =	vst v63  }
0xf: {  	_ =	swait.ge [sflag:s8], $0x50  }
0x10: {  	[sflag:s8] =	ssyncset.done $0x0  }
0x11: {  	[sflag:s8] =	ssyncadd.s32 $0xFFFFFFB0  }
0x12: {  	[tilespmem:s9], [sflag:$0x2] =	stream.linear.gather [hbm4b:s5+s3], $0x500, $0x38;
	[tilespmem:$0x6580] =	vst v63  }
0x13: {  	_ =	swait.ge [sflag:s8], $0x500  }
0x14: {  	[sflag:s8] =	ssyncset.done $0x0  }
0x15: {  	[sflag:s8] =	ssyncadd.s32 $0xFFFFFB00  }
0x16: {  	v3 =	vld [tilespmem:$0x0];
	_ =	sdelay $0x4  }
0x17: {  	v4 =	vshll.u32 v3, $0x1  }
0x18: {  	v3 =	vand.u32 $0x7, v3;
	v4 =	vand.u32 $0xFFFFFFF0, v4  }
0x19: {  	v3 =	vor.u32 v3, v4  }
0x1a: {  	v4 =	vperm.xlane v3, v0;
	_ =	sdelay $0x1  }
0x1b: {  	v3 =	vperm.xlane v3, v2;
	v4 =	vadd.s32 v1, v4;
	_ =	sdelay $0x1  }
0x1c: {  	v3 =	vadd.s32 v1, v3;
	_ =	sdelay $0x2  }
0x1d: {  	[tilespmem:s10], [sflag:$0x1] =	stream.indirect_vreg.gather [hbm4b:s2+s3], $0x80, v4, vm0, $0xb8;
	[tilespmem:$0x6580] =	vst v63  }
0x1e: {  	_ = 	snop  }
0x1f: {  	[tilespmem:s11], [sflag:$0x1] =	stream.indirect_vreg.gather [hbm4b:s2+s3], $0x80, v3, vm0, $0xb8;
	[tilespmem:$0x6580] =	vst v63  }
0x20: {  	v3 =	vld [tilespmem:$0x10];
	_ =	sdelay $0x4  }
0x21: {  	v60 =	vshll.u32 v3, $0x1  }
0x22: {  	v3 =	vand.u32 $0x7, v3;
	v4 =	vand.u32 $0xFFFFFFF0, v60  }
0x23: {  	v3 =	vor.u32 v3, v4  }
0x24: {  	v4 =	vperm.xlane v3, v0;
	_ =	sdelay $0x1  }
0x25: {  	v3 =	vperm.xlane v3, v2;
	v4 =	vadd.s32 v1, v4;
	_ =	sdelay $0x1  }
0x26: {  	v3 =	vadd.s32 v1, v3;
	_ =	sdelay $0x2  }
0x27: {  	[tilespmem:s12], [sflag:$0x1] =	stream.indirect_vreg.gather [hbm4b:s2+s3], $0x80, v4, vm0, $0xb8;
	[tilespmem:$0x6580] =	vst v63  }
0x28: {  	_ = 	snop  }
0x29: {  	[tilespmem:s13], [sflag:$0x1] =	stream.indirect_vreg.gather [hbm4b:s2+s3], $0x80, v3, vm0, $0xb8;
	[tilespmem:$0x6580] =	vst v63  }
0x2a: {  	v3 =	vld [tilespmem:$0x20];
	_ =	sdelay $0x4  }
0x2b: {  	v61 =	vshll.u32 v3, $0x1  }
0x2c: {  	v3 =	vand.u32 $0x7, v3;
	v4 =	vand.u32 $0xFFFFFFF0, v61  }
0x2d: {  	v3 =	vor.u32 v3, v4  }
0x2e: {  	v4 =	vperm.xlane v3, v0;
	_ =	sdelay $0x1  }
0x2f: {  	v3 =	vperm.xlane v3, v2;
	v4 =	vadd.s32 v1, v4;
	_ =	sdelay $0x1  }
0x30: {  	v3 =	vadd.s32 v1, v3;
	_ =	sdelay $0x2  }
0x31: {  	[tilespmem:s14], [sflag:$0x1] =	stream.indirect_vreg.gather [hbm4b:s2+s3], $0x80, v4, vm0, $0xb8;
	[tilespmem:$0x6580] =	vst v63  }
0x32: {  	_ = 	snop  }
0x33: {  	[tilespmem:s15], [sflag:$0x1] =	stream.indirect_vreg.gather [hbm4b:s2+s3], $0x80, v3, vm0, $0xb8;
	[tilespmem:$0x6580] =	vst v63  }
0x34: {  	v3 =	vld [tilespmem:$0x30];
	_ =	sdelay $0x4  }
0x35: {  	v62 =	vshll.u32 v3, $0x1  }
0x36: {  	v3 =	vand.u32 $0x7, v3;
	v4 =	vand.u32 $0xFFFFFFF0, v62  }
0x37: {  	v3 =	vor.u32 v3, v4  }
0x38: {  	v4 =	vperm.xlane v3, v0;
	_ =	sdelay $0x1  }
0x39: {  	v3 =	vperm.xlane v3, v2;
	v4 =	vadd.s32 v1, v4;
	_ =	sdelay $0x1  }
0x3a: {  	v3 =	vadd.s32 v1, v3;
	_ =	sdelay $0x2  }
0x3b: {  	[tilespmem:s16], [sflag:$0x1] =	stream.indirect_vreg.gather [hbm4b:s2+s3], $0x80, v4, vm0, $0xb8;
	[tilespmem:$0x6580] =	vst v63  }
0x3c: {  	_ = 	snop  }
0x3d: {  	[tilespmem:s17], [sflag:$0x1] =	stream.indirect_vreg.gather [hbm4b:s2+s3], $0x80, v3, vm0, $0xb8;
	[tilespmem:$0x6580] =	vst v63  }
0x3e: {  	v3 =	vld [tilespmem:$0x40];
	_ =	sdelay $0x4  }
0x3f: {  	v63 =	vshll.u32 v3, $0x1  }
0x40: {  	v3 =	vand.u32 $0x7, v3;
	v4 =	vand.u32 $0xFFFFFFF0, v63  }
0x41: {  	v3 =	vor.u32 v3, v4  }
0x42: {  	v4 =	vperm.xlane v3, v0;
	_ =	sdelay $0x1  }
0x43: {  	v3 =	vperm.xlane v3, v2;
	v4 =	vadd.s32 v1, v4;
	_ =	sdelay $0x1  }
0x44: {  	v3 =	vadd.s32 v1, v3;
	_ =	sdelay $0x2  }
0x45: {  	[tilespmem:s18], [sflag:$0x1] =	stream.indirect_vreg.gather [hbm4b:s2+s3], $0x80, v4, vm0, $0xb8;
	[tilespmem:$0x6580] =	vst v63  }
0x46: {  	_ = 	snop  }
0x47: {  	[tilespmem:s19], [sflag:$0x1] =	stream.indirect_vreg.gather [hbm4b:s2+s3], $0x80, v3, vm0, $0xb8;
	[tilespmem:$0x6580] =	vst v63  }
0x48: {  	_ =	swait.ge [sflag:s20], $0x5000  }
0x49: {  	s23 =	simm.s32 $0x5600;
	s24 =	simm.s32 $0xA0;
	[sflag:s20] =	ssyncset.done $0x0  }
0x4a: {  	s25 =	simm.s32 $0x0;
	s26 =	simm.s32 $0x0;
	[sflag:s20] =	ssyncadd.s32 $0xFFFFB000  }
.LBB2_2:
0x4b: {  	s1 =	sand.u32 $0x7800, s25;
	s28 =	sand.u32 $0x380, s26  }
0x4c: {  	v3 =	vld [tilespmem:s24+$0xFFFFFFE0];
	s30 =	sadd.s32 $0x100, s25;
	s29 =	sadd.s32 $0x80, s26;
	s28 =	sor.u32 s28, s1  }
0x4d: {  	s1 =	sand.u32 $0xF800, s30;
	s29 =	sand.u32 $0x380, s29;
	v4 =	vld [tilespmem:s28+$0x580]  }
0x4e: {  	v5 =	vld [tilespmem:s24+$0xFFFFFFF0];
	s31 =	sadd.s32 $0x200, s25;
	s30 =	sadd.s32 $0x100, s26;
	s29 =	sor.u32 s29, s1  }
0x4f: {  	s1 =	sand.u32 $0xF800, s31;
	s30 =	sand.u32 $0x380, s30;
	v6 =	vld [tilespmem:s29+$0x580]  }
0x50: {  	v7 =	vld [tilespmem:s24+$0x0];
	s0 =	sadd.s32 $0x300, s25;
	s31 =	sadd.s32 $0x180, s26;
	s30 =	sor.u32 s30, s1  }
0x51: {  	s1 =	sand.u32 $0xF800, s0;
	s31 =	sand.u32 $0x380, s31;
	v8 =	vld [tilespmem:s30+$0x580]  }
0x52: {  	v51 =	vld [tilespmem:s24+$0x10];
	s0 =	sadd.s32 $0x200, s26;
	s31 =	sor.u32 s31, s1;
	s1 =	sadd.s32 $0x400, s25;
	v3 =	vmul.f32 v4, v3  }
0x53: {  	s0 =	sand.u32 $0x380, s0;
	v9 =	vld [tilespmem:s31+$0x580];
	s1 =	sand.u32 $0xF800, s1  }
0x54: {  	v52 =	vld [tilespmem:s24+$0x20];
	s1 =	sor.u32 s0, s1;
	v5 =	vmul.f32 v6, v5;
	v3 =	vadd.f32 $0.0e+00, v3  }
0x55: {  	v10 =	vld [tilespmem:s1+$0x580]  }
0x56: {  	v53 =	vmul.f32 v8, v7;
	v3 =	vadd.f32 v5, v3;
	_ =	sdelay $0x1  }
0x57: {  	v4 =	vmul.f32 v9, v51;
	v3 =	vadd.f32 v53, v3;
	_ =	sdelay $0x1  }
0x58: {  	v54 =	vmul.f32 v10, v52;
	v3 =	vadd.f32 v4, v3;
	_ =	sdelay $0x1  }
0x59: {  	v3 =	vadd.f32 v54, v3;
	_ =	sdelay $0x1  }
0x5a: {  	[tilespmem:s23+$0xFFFFFF80] =	vst v3  }
0x5b: {  	v3 =	vld [tilespmem:s24+$0xFFFFFFE0]  }
0x5c: {  	v55 =	vld [tilespmem:s28+$0x590]  }
0x5d: {  	v56 =	vld [tilespmem:s24+$0xFFFFFFF0]  }
0x5e: {  	v57 =	vld [tilespmem:s29+$0x590]  }
0x5f: {  	v58 =	vld [tilespmem:s24+$0x0]  }
0x60: {  	v59 =	vld [tilespmem:s30+$0x590]  }
0x61: {  	v60 =	vld [tilespmem:s24+$0x10];
	v3 =	vmul.f32 v55, v3  }
0x62: {  	v61 =	vld [tilespmem:s31+$0x590]  }
0x63: {  	v62 =	vld [tilespmem:s24+$0x20];
	v5 =	vmul.f32 v57, v56;
	v3 =	vadd.f32 $0.0e+00, v3  }
0x64: {  	v63 =	vld [tilespmem:s1+$0x590]  }
0x65: {  	v12 =	vmul.f32 v59, v58;
	v3 =	vadd.f32 v5, v3;
	_ =	sdelay $0x1  }
0x66: {  	v4 =	vmul.f32 v61, v60;
	v3 =	vadd.f32 v12, v3;
	_ =	sdelay $0x1  }
0x67: {  	v13 =	vmul.f32 v63, v62;
	v3 =	vadd.f32 v4, v3;
	_ =	sdelay $0x1  }
0x68: {  	v3 =	vadd.f32 v13, v3;
	_ =	sdelay $0x1  }
0x69: {  	[tilespmem:s23+$0xFFFFFF90] =	vst v3  }
0x6a: {  	v3 =	vld [tilespmem:s24+$0xFFFFFFE0]  }
0x6b: {  	v14 =	vld [tilespmem:s28+$0x5A0]  }
0x6c: {  	v15 =	vld [tilespmem:s24+$0xFFFFFFF0]  }
0x6d: {  	v16 =	vld [tilespmem:s29+$0x5A0]  }
0x6e: {  	v17 =	vld [tilespmem:s24+$0x0]  }
0x6f: {  	v18 =	vld [tilespmem:s30+$0x5A0]  }
0x70: {  	v19 =	vld [tilespmem:s24+$0x10];
	v3 =	vmul.f32 v14, v3  }
0x71: {  	v20 =	vld [tilespmem:s31+$0x5A0]  }
0x72: {  	v21 =	vld [tilespmem:s24+$0x20];
	v5 =	vmul.f32 v16, v15;
	v3 =	vadd.f32 $0.0e+00, v3  }
0x73: {  	v22 =	vld [tilespmem:s1+$0x5A0]  }
0x74: {  	v23 =	vmul.f32 v18, v17;
	v3 =	vadd.f32 v5, v3;
	_ =	sdelay $0x1  }
0x75: {  	v4 =	vmul.f32 v20, v19;
	v3 =	vadd.f32 v23, v3;
	_ =	sdelay $0x1  }
0x76: {  	v24 =	vmul.f32 v22, v21;
	v3 =	vadd.f32 v4, v3;
	_ =	sdelay $0x1  }
0x77: {  	v3 =	vadd.f32 v24, v3;
	_ =	sdelay $0x1  }
0x78: {  	[tilespmem:s23+$0xFFFFFFA0] =	vst v3  }
0x79: {  	v3 =	vld [tilespmem:s24+$0xFFFFFFE0]  }
0x7a: {  	v25 =	vld [tilespmem:s28+$0x5B0]  }
0x7b: {  	v26 =	vld [tilespmem:s24+$0xFFFFFFF0]  }
0x7c: {  	v27 =	vld [tilespmem:s29+$0x5B0]  }
0x7d: {  	v28 =	vld [tilespmem:s24+$0x0]  }
0x7e: {  	v29 =	vld [tilespmem:s30+$0x5B0]  }
0x7f: {  	v30 =	vld [tilespmem:s24+$0x10];
	v3 =	vmul.f32 v25, v3  }
0x80: {  	v31 =	vld [tilespmem:s31+$0x5B0]  }
0x81: {  	v32 =	vld [tilespmem:s24+$0x20];
	v5 =	vmul.f32 v27, v26;
	v3 =	vadd.f32 $0.0e+00, v3  }
0x82: {  	v33 =	vld [tilespmem:s1+$0x5B0]  }
0x83: {  	v34 =	vmul.f32 v29, v28;
	v3 =	vadd.f32 v5, v3;
	_ =	sdelay $0x1  }
0x84: {  	v4 =	vmul.f32 v31, v30;
	v3 =	vadd.f32 v34, v3;
	_ =	sdelay $0x1  }
0x85: {  	v35 =	vmul.f32 v33, v32;
	v3 =	vadd.f32 v4, v3;
	_ =	sdelay $0x1  }
0x86: {  	v3 =	vadd.f32 v35, v3;
	_ =	sdelay $0x1  }
0x87: {  	[tilespmem:s23+$0xFFFFFFB0] =	vst v3  }
0x88: {  	v3 =	vld [tilespmem:s24+$0xFFFFFFE0]  }
0x89: {  	v36 =	vld [tilespmem:s28+$0x5C0]  }
0x8a: {  	v37 =	vld [tilespmem:s24+$0xFFFFFFF0]  }
0x8b: {  	v38 =	vld [tilespmem:s29+$0x5C0]  }
0x8c: {  	v39 =	vld [tilespmem:s24+$0x0]  }
0x8d: {  	v40 =	vld [tilespmem:s30+$0x5C0]  }
0x8e: {  	v41 =	vld [tilespmem:s24+$0x10];
	v3 =	vmul.f32 v36, v3  }
0x8f: {  	v42 =	vld [tilespmem:s31+$0x5C0]  }
0x90: {  	v43 =	vld [tilespmem:s24+$0x20];
	v5 =	vmul.f32 v38, v37;
	v3 =	vadd.f32 $0.0e+00, v3  }
0x91: {  	v44 =	vld [tilespmem:s1+$0x5C0]  }
0x92: {  	v45 =	vmul.f32 v40, v39;
	v3 =	vadd.f32 v5, v3;
	_ =	sdelay $0x1  }
0x93: {  	v4 =	vmul.f32 v42, v41;
	v3 =	vadd.f32 v45, v3;
	_ =	sdelay $0x1  }
0x94: {  	v46 =	vmul.f32 v44, v43;
	v3 =	vadd.f32 v4, v3;
	_ =	sdelay $0x1  }
0x95: {  	v3 =	vadd.f32 v46, v3;
	_ =	sdelay $0x1  }
0x96: {  	[tilespmem:s23+$0xFFFFFFC0] =	vst v3  }
0x97: {  	v3 =	vld [tilespmem:s24+$0xFFFFFFE0]  }
0x98: {  	v47 =	vld [tilespmem:s28+$0x5D0]  }
0x99: {  	v48 =	vld [tilespmem:s24+$0xFFFFFFF0]  }
0x9a: {  	v49 =	vld [tilespmem:s29+$0x5D0]  }
0x9b: {  	v50 =	vld [tilespmem:s24+$0x0]  }
0x9c: {  	v51 =	vld [tilespmem:s30+$0x5D0]  }
0x9d: {  	v52 =	vld [tilespmem:s24+$0x10];
	v3 =	vmul.f32 v47, v3  }
0x9e: {  	v53 =	vld [tilespmem:s31+$0x5D0]  }
0x9f: {  	v54 =	vld [tilespmem:s24+$0x20];
	v5 =	vmul.f32 v49, v48;
	v3 =	vadd.f32 $0.0e+00, v3  }
0xa0: {  	v55 =	vld [tilespmem:s1+$0x5D0]  }
0xa1: {  	v56 =	vmul.f32 v51, v50;
	v3 =	vadd.f32 v5, v3;
	_ =	sdelay $0x1  }
0xa2: {  	v4 =	vmul.f32 v53, v52;
	v3 =	vadd.f32 v56, v3;
	_ =	sdelay $0x1  }
0xa3: {  	v57 =	vmul.f32 v55, v54;
	v3 =	vadd.f32 v4, v3;
	_ =	sdelay $0x1  }
0xa4: {  	v3 =	vadd.f32 v57, v3;
	_ =	sdelay $0x1  }
0xa5: {  	[tilespmem:s23+$0xFFFFFFD0] =	vst v3  }
0xa6: {  	v3 =	vld [tilespmem:s24+$0xFFFFFFE0]  }
0xa7: {  	v58 =	vld [tilespmem:s28+$0x5E0]  }
0xa8: {  	v59 =	vld [tilespmem:s24+$0xFFFFFFF0]  }
0xa9: {  	v60 =	vld [tilespmem:s29+$0x5E0]  }
0xaa: {  	v61 =	vld [tilespmem:s24+$0x0]  }
0xab: {  	v62 =	vld [tilespmem:s30+$0x5E0]  }
0xac: {  	v63 =	vld [tilespmem:s24+$0x10];
	v3 =	vmul.f32 v58, v3  }
0xad: {  	v12 =	vld [tilespmem:s31+$0x5E0]  }
0xae: {  	v13 =	vld [tilespmem:s24+$0x20];
	v5 =	vmul.f32 v60, v59;
	v3 =	vadd.f32 $0.0e+00, v3  }
0xaf: {  	v14 =	vld [tilespmem:s1+$0x5E0]  }
0xb0: {  	v15 =	vmul.f32 v62, v61;
	v3 =	vadd.f32 v5, v3;
	_ =	sdelay $0x1  }
0xb1: {  	v4 =	vmul.f32 v12, v63;
	v3 =	vadd.f32 v15, v3;
	_ =	sdelay $0x1  }
0xb2: {  	v16 =	vmul.f32 v14, v13;
	v3 =	vadd.f32 v4, v3;
	_ =	sdelay $0x1  }
0xb3: {  	v3 =	vadd.f32 v16, v3;
	_ =	sdelay $0x1  }
0xb4: {  	[tilespmem:s23+$0xFFFFFFE0] =	vst v3  }
0xb5: {  	v3 =	vld [tilespmem:s24+$0xFFFFFFE0]  }
0xb6: {  	v17 =	vld [tilespmem:s28+$0x5F0]  }
0xb7: {  	v18 =	vld [tilespmem:s24+$0xFFFFFFF0]  }
0xb8: {  	v19 =	vld [tilespmem:s29+$0x5F0]  }
0xb9: {  	v20 =	vld [tilespmem:s24+$0x0]  }
0xba: {  	v21 =	vld [tilespmem:s30+$0x5F0]  }
0xbb: {  	v22 =	vld [tilespmem:s24+$0x10];
	v3 =	vmul.f32 v17, v3  }
0xbc: {  	v23 =	vld [tilespmem:s31+$0x5F0]  }
0xbd: {  	v24 =	vld [tilespmem:s24+$0x20];
	v5 =	vmul.f32 v19, v18;
	v3 =	vadd.f32 $0.0e+00, v3  }
0xbe: {  	v25 =	vld [tilespmem:s1+$0x5F0]  }
0xbf: {  	v26 =	vmul.f32 v21, v20;
	v3 =	vadd.f32 v5, v3;
	_ =	sdelay $0x1  }
0xc0: {  	v4 =	vmul.f32 v23, v22;
	v3 =	vadd.f32 v26, v3;
	_ =	sdelay $0x1  }
0xc1: {  	v27 =	vmul.f32 v25, v24;
	v3 =	vadd.f32 v4, v3;
	_ =	sdelay $0x1  }
0xc2: {  	v3 =	vadd.f32 v27, v3;
	_ =	sdelay $0x1  }
0xc3: {  	[tilespmem:s23+$0xFFFFFFF0] =	vst v3  }
0xc4: {  	v3 =	vld [tilespmem:s24+$0xFFFFFFE0]  }
0xc5: {  	v28 =	vld [tilespmem:s28+$0x980]  }
0xc6: {  	v29 =	vld [tilespmem:s24+$0xFFFFFFF0]  }
0xc7: {  	v30 =	vld [tilespmem:s29+$0x980]  }
0xc8: {  	v31 =	vld [tilespmem:s24+$0x0]  }
0xc9: {  	v32 =	vld [tilespmem:s30+$0x980]  }
0xca: {  	v33 =	vld [tilespmem:s24+$0x10];
	v3 =	vmul.f32 v28, v3  }
0xcb: {  	v34 =	vld [tilespmem:s31+$0x980]  }
0xcc: {  	v35 =	vld [tilespmem:s24+$0x20];
	v5 =	vmul.f32 v30, v29;
	v3 =	vadd.f32 $0.0e+00, v3  }
0xcd: {  	v36 =	vld [tilespmem:s1+$0x980]  }
0xce: {  	v37 =	vmul.f32 v32, v31;
	v3 =	vadd.f32 v5, v3;
	_ =	sdelay $0x1  }
0xcf: {  	v4 =	vmul.f32 v34, v33;
	v3 =	vadd.f32 v37, v3;
	_ =	sdelay $0x1  }
0xd0: {  	v38 =	vmul.f32 v36, v35;
	v3 =	vadd.f32 v4, v3;
	_ =	sdelay $0x1  }
0xd1: {  	v3 =	vadd.f32 v38, v3;
	_ =	sdelay $0x1  }
0xd2: {  	[tilespmem:s23+$0x0] =	vst v3  }
0xd3: {  	v3 =	vld [tilespmem:s24+$0xFFFFFFE0]  }
0xd4: {  	v39 =	vld [tilespmem:s28+$0x990]  }
0xd5: {  	v40 =	vld [tilespmem:s24+$0xFFFFFFF0]  }
0xd6: {  	v41 =	vld [tilespmem:s29+$0x990]  }
0xd7: {  	v42 =	vld [tilespmem:s24+$0x0]  }
0xd8: {  	v43 =	vld [tilespmem:s30+$0x990]  }
0xd9: {  	v44 =	vld [tilespmem:s24+$0x10];
	v3 =	vmul.f32 v39, v3  }
0xda: {  	v45 =	vld [tilespmem:s31+$0x990]  }
0xdb: {  	v46 =	vld [tilespmem:s24+$0x20];
	v5 =	vmul.f32 v41, v40;
	v3 =	vadd.f32 $0.0e+00, v3  }
0xdc: {  	v47 =	vld [tilespmem:s1+$0x990]  }
0xdd: {  	v48 =	vmul.f32 v43, v42;
	v3 =	vadd.f32 v5, v3;
	_ =	sdelay $0x1  }
0xde: {  	v4 =	vmul.f32 v45, v44;
	v3 =	vadd.f32 v48, v3;
	_ =	sdelay $0x1  }
0xdf: {  	v49 =	vmul.f32 v47, v46;
	v3 =	vadd.f32 v4, v3;
	_ =	sdelay $0x1  }
0xe0: {  	v3 =	vadd.f32 v49, v3;
	_ =	sdelay $0x1  }
0xe1: {  	[tilespmem:s23+$0x10] =	vst v3  }
0xe2: {  	v3 =	vld [tilespmem:s24+$0xFFFFFFE0]  }
0xe3: {  	v50 =	vld [tilespmem:s28+$0x9A0]  }
0xe4: {  	v51 =	vld [tilespmem:s24+$0xFFFFFFF0]  }
0xe5: {  	v52 =	vld [tilespmem:s29+$0x9A0]  }
0xe6: {  	v53 =	vld [tilespmem:s24+$0x0]  }
0xe7: {  	v54 =	vld [tilespmem:s30+$0x9A0]  }
0xe8: {  	v55 =	vld [tilespmem:s24+$0x10];
	v3 =	vmul.f32 v50, v3  }
0xe9: {  	v56 =	vld [tilespmem:s31+$0x9A0]  }
0xea: {  	v57 =	vld [tilespmem:s24+$0x20];
	v5 =	vmul.f32 v52, v51;
	v3 =	vadd.f32 $0.0e+00, v3  }
0xeb: {  	v58 =	vld [tilespmem:s1+$0x9A0]  }
0xec: {  	v59 =	vmul.f32 v54, v53;
	v3 =	vadd.f32 v5, v3;
	_ =	sdelay $0x1  }
0xed: {  	v4 =	vmul.f32 v56, v55;
	v3 =	vadd.f32 v59, v3;
	_ =	sdelay $0x1  }
0xee: {  	v60 =	vmul.f32 v58, v57;
	v3 =	vadd.f32 v4, v3;
	_ =	sdelay $0x1  }
0xef: {  	v3 =	vadd.f32 v60, v3;
	_ =	sdelay $0x1  }
0xf0: {  	[tilespmem:s23+$0x20] =	vst v3  }
0xf1: {  	v3 =	vld [tilespmem:s24+$0xFFFFFFE0]  }
0xf2: {  	v61 =	vld [tilespmem:s28+$0x9B0]  }
0xf3: {  	v62 =	vld [tilespmem:s24+$0xFFFFFFF0]  }
0xf4: {  	v63 =	vld [tilespmem:s29+$0x9B0]  }
0xf5: {  	v12 =	vld [tilespmem:s24+$0x0]  }
0xf6: {  	v13 =	vld [tilespmem:s30+$0x9B0]  }
0xf7: {  	v14 =	vld [tilespmem:s24+$0x10];
	v3 =	vmul.f32 v61, v3  }
0xf8: {  	v15 =	vld [tilespmem:s31+$0x9B0]  }
0xf9: {  	v16 =	vld [tilespmem:s24+$0x20];
	v5 =	vmul.f32 v63, v62;
	v3 =	vadd.f32 $0.0e+00, v3  }
0xfa: {  	v17 =	vld [tilespmem:s1+$0x9B0]  }
0xfb: {  	v18 =	vmul.f32 v13, v12;
	v3 =	vadd.f32 v5, v3;
	_ =	sdelay $0x1  }
0xfc: {  	v4 =	vmul.f32 v15, v14;
	v3 =	vadd.f32 v18, v3;
	_ =	sdelay $0x1  }
0xfd: {  	v19 =	vmul.f32 v17, v16;
	v3 =	vadd.f32 v4, v3;
	_ =	sdelay $0x1  }
0xfe: {  	v3 =	vadd.f32 v19, v3;
	_ =	sdelay $0x1  }
0xff: {  	[tilespmem:s23+$0x30] =	vst v3  }
0x100: {  	v3 =	vld [tilespmem:s24+$0xFFFFFFE0]  }
0x101: {  	v20 =	vld [tilespmem:s28+$0x9C0]  }
0x102: {  	v21 =	vld [tilespmem:s24+$0xFFFFFFF0]  }
0x103: {  	v22 =	vld [tilespmem:s29+$0x9C0]  }
0x104: {  	v23 =	vld [tilespmem:s24+$0x0]  }
0x105: {  	v24 =	vld [tilespmem:s30+$0x9C0]  }
0x106: {  	v25 =	vld [tilespmem:s24+$0x10];
	v3 =	vmul.f32 v20, v3  }
0x107: {  	v26 =	vld [tilespmem:s31+$0x9C0]  }
0x108: {  	v27 =	vld [tilespmem:s24+$0x20];
	v5 =	vmul.f32 v22, v21;
	v3 =	vadd.f32 $0.0e+00, v3  }
0x109: {  	v28 =	vld [tilespmem:s1+$0x9C0]  }
0x10a: {  	v29 =	vmul.f32 v24, v23;
	v3 =	vadd.f32 v5, v3;
	_ =	sdelay $0x1  }
0x10b: {  	v4 =	vmul.f32 v26, v25;
	v3 =	vadd.f32 v29, v3;
	_ =	sdelay $0x1  }
0x10c: {  	v30 =	vmul.f32 v28, v27;
	v3 =	vadd.f32 v4, v3;
	_ =	sdelay $0x1  }
0x10d: {  	v3 =	vadd.f32 v30, v3;
	_ =	sdelay $0x1  }
0x10e: {  	[tilespmem:s23+$0x40] =	vst v3  }
0x10f: {  	v3 =	vld [tilespmem:s24+$0xFFFFFFE0]  }
0x110: {  	v31 =	vld [tilespmem:s28+$0x9D0]  }
0x111: {  	v32 =	vld [tilespmem:s24+$0xFFFFFFF0]  }
0x112: {  	v33 =	vld [tilespmem:s29+$0x9D0]  }
0x113: {  	v34 =	vld [tilespmem:s24+$0x0]  }
0x114: {  	v35 =	vld [tilespmem:s30+$0x9D0]  }
0x115: {  	v36 =	vld [tilespmem:s24+$0x10];
	v3 =	vmul.f32 v31, v3  }
0x116: {  	v37 =	vld [tilespmem:s31+$0x9D0]  }
0x117: {  	v38 =	vld [tilespmem:s24+$0x20];
	v5 =	vmul.f32 v33, v32;
	v3 =	vadd.f32 $0.0e+00, v3  }
0x118: {  	v39 =	vld [tilespmem:s1+$0x9D0]  }
0x119: {  	v40 =	vmul.f32 v35, v34;
	v3 =	vadd.f32 v5, v3;
	_ =	sdelay $0x1  }
0x11a: {  	v4 =	vmul.f32 v37, v36;
	v3 =	vadd.f32 v40, v3;
	_ =	sdelay $0x1  }
0x11b: {  	v41 =	vmul.f32 v39, v38;
	v3 =	vadd.f32 v4, v3;
	_ =	sdelay $0x1  }
0x11c: {  	v3 =	vadd.f32 v41, v3;
	_ =	sdelay $0x1  }
0x11d: {  	[tilespmem:s23+$0x50] =	vst v3  }
0x11e: {  	v3 =	vld [tilespmem:s24+$0xFFFFFFE0]  }
0x11f: {  	v42 =	vld [tilespmem:s28+$0x9E0]  }
0x120: {  	v43 =	vld [tilespmem:s24+$0xFFFFFFF0]  }
0x121: {  	v44 =	vld [tilespmem:s29+$0x9E0]  }
0x122: {  	v45 =	vld [tilespmem:s24+$0x0]  }
0x123: {  	v46 =	vld [tilespmem:s30+$0x9E0]  }
0x124: {  	v47 =	vld [tilespmem:s24+$0x10];
	v3 =	vmul.f32 v42, v3  }
0x125: {  	v48 =	vld [tilespmem:s31+$0x9E0]  }
0x126: {  	v49 =	vld [tilespmem:s24+$0x20];
	v5 =	vmul.f32 v44, v43;
	v3 =	vadd.f32 $0.0e+00, v3  }
0x127: {  	v50 =	vld [tilespmem:s1+$0x9E0]  }
0x128: {  	v51 =	vmul.f32 v46, v45;
	v3 =	vadd.f32 v5, v3;
	_ =	sdelay $0x1  }
0x129: {  	v4 =	vmul.f32 v48, v47;
	v3 =	vadd.f32 v51, v3;
	_ =	sdelay $0x1  }
0x12a: {  	v52 =	vmul.f32 v50, v49;
	v3 =	vadd.f32 v4, v3;
	_ =	sdelay $0x1  }
0x12b: {  	v3 =	vadd.f32 v52, v3;
	_ =	sdelay $0x1  }
0x12c: {  	[tilespmem:s23+$0x60] =	vst v3  }
0x12d: {  	v3 =	vld [tilespmem:s24+$0xFFFFFFE0]  }
0x12e: {  	v53 =	vld [tilespmem:s28+$0x9F0]  }
0x12f: {  	v54 =	vld [tilespmem:s24+$0xFFFFFFF0]  }
0x130: {  	v55 =	vld [tilespmem:s29+$0x9F0]  }
0x131: {  	v56 =	vld [tilespmem:s24+$0x0]  }
0x132: {  	v57 =	vld [tilespmem:s30+$0x9F0]  }
0x133: {  	v58 =	vld [tilespmem:s24+$0x10];
	v3 =	vmul.f32 v53, v3  }
0x134: {  	v59 =	vld [tilespmem:s31+$0x9F0]  }
0x135: {  	v60 =	vld [tilespmem:s24+$0x20];
	v5 =	vmul.f32 v55, v54;
	v3 =	vadd.f32 $0.0e+00, v3  }
0x136: {  	v61 =	vld [tilespmem:s1+$0x9F0]  }
0x137: {  	v62 =	vmul.f32 v57, v56;
	v3 =	vadd.f32 v5, v3;
	_ =	sdelay $0x1  }
0x138: {  	v4 =	vmul.f32 v59, v58;
	v3 =	vadd.f32 v62, v3  }
0x139: {  	p0 =	sne.s32 s26, $0x2580  }
.Ltmp0:
0x13a: {  	v63 =	vmul.f32 v61, v60;
	v3 =	vadd.f32 v4, v3;
	(pc) =	sbr.rel @p0 .LBB2_2-.Ltmp0, $4  }
0x13b: {  	_ = 	snop  }
0x13c: {  	v3 =	vadd.f32 v63, v3  }
0x13d: {  	s26 =	sadd.s32 $0x280, s26  }
0x13e: {  	s25 =	sadd.s32 $0x500, s25;
	s24 =	sadd.s32 $0x50, s24;
	[tilespmem:s23+$0x70] =	vst v3;
	s23 =	sadd.s32 $0x100, s23  }
0x13f: {  	s22 =	sadd.s32 $0x1, s22  }
0x140: {  	p0 =	sne.s32 s22, s7  }
.Ltmp1:
0x141: {  	_ = 	snop;
	(pc) =	sbr.rel @p0 .LBB2_1-.Ltmp1, $4  }
0x142: {  	[hbm4b:s6+s3] =	stream.linear.scatter [tilespmem:s21], [sflag:$0x2], $0x1000, $0x38;
	[tilespmem:$0x6580] =	vst v63  }
0x143: {  	_ =	swait.ge [sflag:s8], $0x1000  }
0x144: {  	[sflag:s8] =	ssyncset.done $0x0  }
0x145: {  	[sflag:s8] =	ssyncadd.s32 $0xFFFFF000  }
0x146: {  	_ =	sfence.sel $0x180000  }
0x147: {  	[bflag:$0x0] =	sbarrier.arrive $0xFFFF  }
0x148: {  	_ =	strace $0x90000047  }
0x149: {  	s0 =	stileid.u32;
	[bflag:$0x2] =	sbarrier.arrive $0xFFFF  }
0x14a: {  	p0 =	sne.s32 s0, $0x0;
	s0 =	rddreg [dreg:$0x2]  }
0x14b: {  	s0 =	sadd.s32 @!p0 $0x100000, s0  }
0x14c: {  	[sflag:s0] =	ssyncadd.tile.s32 @!p0 $0x1;
	_ =	shalt  }
.Lfunc_end2:
_tile_overlayer_lowered:
.L_overlay_start_2:
0x14d: {  	(tag) =	ssettag $0x2  }
0x14e: {  	s0 =	rddreg [dreg:$0x0];
	s2 =	stileid.u32  }
0x14f: {  	s1 =	rddreg [dreg:$0x1];
	p0 =	sne.s32 s2, $0x0  }
0x150: {  	s3 =	rddreg [dreg:$0x2];
	[bflag:$0x3] =	sbarrier.arrive $0xFFFF;
	s2 =	simm.s32 @!p0 $0x1C02  }
0x151: {  	[timem:s3], [sflag:s2] =	dma.local @!p0 [hbm:s0], s1  }
0x152: {  	s0 =	simm.s32 @!p0 $0x2  }
0x153: {  	_ =	swait.ge @!p0 [sflag:s0], s1  }
0x154: {  	s1 =	ssub.s32 @!p0 $0x0, s1;
	[sflag:s0] =	ssyncset.done @!p0 $0x0  }
0x155: {  	[sflag:s0] =	ssyncadd.s32 @!p0 s1  }
0x156: {  	[bflag:$0x3] =	sbarrier.arrive $0xFFFF  }
0x157: {  	_ =	shalt  }

</sc_bundles>
